<compile_context>
chip_gen: v7x
topology: tpu7x:2x2x1
jax: 0.10.2.dev20260603
libtpu: 0.0.44.dev20260713+nightly
codegen_flags: <defaults>
</compile_context>

<pallas_src>
import functools

import jax
import jax.numpy as jnp
from jax import lax
from jax.experimental import pallas as pl
from jax.experimental.pallas import tpu as pltpu
from jax.experimental.pallas import tpu_sc as plsc

NUM_FINE = 100000
NUM_COARSE = 10000
E = 400000
D_FEAT = 128
BATCH = 2

N_TILES = 32
N_COLS = BATCH * D_FEAT
COLS_PER_TILE = N_COLS // N_TILES

ECHUNK = 4000
N_CHUNKS = E // ECHUNK
GROUPS = ECHUNK // 16

_F32 = jnp.float32
_I32 = jnp.int32


def _zero_fill(ref, n):
    def body(i, _):
        ref[pl.ds(i * 16, 16)] = jnp.zeros((16,), _F32)
        return 0
    lax.fori_loop(0, n // 16, body, 0)


UNROLL = 10


def _project(src_hbm, dst_hbm, w_hbm, in_col, out_col, esrc, edst, ew, sems):
    def chunk_body(c, _):
        base = c * ECHUNK
        cp0 = pltpu.async_copy(src_hbm.at[pl.ds(base, ECHUNK)], esrc, sems[0])
        cp1 = pltpu.async_copy(dst_hbm.at[pl.ds(base, ECHUNK)], edst, sems[1])
        cp2 = pltpu.async_copy(w_hbm.at[pl.ds(base, ECHUNK)], ew, sems[2])
        cp0.wait()
        cp1.wait()
        cp2.wait()

        def group_body(g, _):
            for u in range(UNROLL):
                o = (g * UNROLL + u) * 16
                si = esrc[pl.ds(o, 16)]
                di = edst[pl.ds(o, 16)]
                wv = ew[pl.ds(o, 16)]
                vals = plsc.load_gather(in_col, [si]) * wv
                plsc.addupdate_scatter(out_col, [di], vals)
            return 0

        lax.fori_loop(0, GROUPS // UNROLL, group_body, 0)
        return 0

    lax.fori_loop(0, N_CHUNKS, chunk_body, 0)


def _sc_kernel(xt_hbm, dsrc_hbm, ddst_hbm, dw_hbm,
               usrc_hbm, udst_hbm, uw_hbm,
               out_hbm, big, coarse, esrc, edst, ew, sem0, sem1, sem2):
    sems = (sem0, sem1, sem2)
    wid = lax.axis_index("s") * 2 + lax.axis_index("c")
    for t in range(COLS_PER_TILE):
        col = wid * COLS_PER_TILE + t

        pltpu.sync_copy(xt_hbm.at[col], big)
        _zero_fill(coarse, NUM_COARSE)
        _project(dsrc_hbm, ddst_hbm, dw_hbm, big, coarse, esrc, edst, ew, sems)

        _zero_fill(big, NUM_FINE)
        _project(usrc_hbm, udst_hbm, uw_hbm, coarse, big, esrc, edst, ew, sems)

        pltpu.sync_copy(big, out_hbm.at[col])


@jax.jit
def _run(xt, dsrc, ddst, dw, usrc, udst, uw):
    mesh = plsc.VectorSubcoreMesh(core_axis_name="c", subcore_axis_name="s")
    k = functools.partial(
        pl.kernel,
        mesh=mesh,
        out_type=jax.ShapeDtypeStruct((N_COLS, NUM_FINE), _F32),
        scratch_types=[
            pltpu.VMEM((NUM_FINE,), _F32),
            pltpu.VMEM((NUM_COARSE,), _F32),
            pltpu.VMEM((ECHUNK,), _I32),
            pltpu.VMEM((ECHUNK,), _I32),
            pltpu.VMEM((ECHUNK,), _F32),
            pltpu.SemaphoreType.DMA,
            pltpu.SemaphoreType.DMA,
            pltpu.SemaphoreType.DMA,
        ],
        compiler_params=pltpu.CompilerParams(
            use_tc_tiling_on_sc=False, needs_layout_passes=False
        ),
    )(_sc_kernel)
    return k(xt, dsrc, ddst, dw, usrc, udst, uw)


def kernel(x, down_src, down_dst, down_w, up_src, up_dst, up_w):
    b = x.shape[0]
    e = x.shape[2]
    xl = x[:, -1, ...].reshape(b * e, NUM_FINE, D_FEAT)
    xt = jnp.transpose(xl, (0, 2, 1)).reshape(N_COLS, NUM_FINE)

    out_t = _run(
        xt,
        down_src.astype(_I32), down_dst.astype(_I32), down_w,
        up_src.astype(_I32), up_dst.astype(_I32), up_w,
    )

    out = jnp.transpose(out_t.reshape(b * e, D_FEAT, NUM_FINE), (0, 2, 1))
    return out.reshape(b, e, NUM_FINE, D_FEAT)

# --- scband reference (transcript-rebuilt; emitter-appended) ---
"""Pipeline reference for scband-truncated-connection-13245679141373 (READ-ONLY COPY).

The authoritative reference and input builder live on the scoring server;
editing this copy changes nothing except your own understanding.
"""

import jax, jax.numpy as jnp
import numpy as np

NUM_FINE = 100000
NUM_COARSE = 10000
E = 400000
D_FEAT = 128


def setup_inputs(seed: int = 0) -> dict:
    key = jax.random.key(seed)
    ks = jax.random.split(key, 7)
    x = jax.random.normal(ks[0], (2, 2, 1, NUM_FINE, D_FEAT), dtype=jnp.float32)
    down_src = jax.random.randint(ks[1], (E,), 0, NUM_FINE, dtype=jnp.int64)
    down_dst = jax.random.randint(ks[2], (E,), 0, NUM_COARSE, dtype=jnp.int64)
    down_w = jax.random.uniform(ks[3], (E,), dtype=jnp.float32)
    up_src = jax.random.randint(ks[4], (E,), 0, NUM_COARSE, dtype=jnp.int64)
    up_dst = jax.random.randint(ks[5], (E,), 0, NUM_FINE, dtype=jnp.int64)
    up_w = jax.random.uniform(ks[6], (E,), dtype=jnp.float32)
    return {
        "x": x,
        "down_src": down_src,
        "down_dst": down_dst,
        "down_w": down_w,
        "up_src": up_src,
        "up_dst": up_dst,
        "up_w": up_w,
    }


def _sparse_project(x, src, dst, w, num_out):
    # x: [BE, grid_in, F]. Applies sparse matrix A[num_out, grid_in] with
    # A[dst[e], src[e]] = w[e] to each batch slice (SparseProjector spmm).
    msgs = x[:, src, :] * w[None, :, None]  # gather + scale: [BE, E, F]
    out = jax.vmap(lambda m: jax.ops.segment_sum(m, dst, num_segments=num_out))(msgs)
    return out


def reference(x, down_src, down_dst, down_w, up_src, up_dst, up_w):
    batch_size = x.shape[0]
    # take last time step
    x = x[:, -1, ...]  # [batch, ensemble, grid, features]
    b, e, g, f = x.shape
    # rearrange 'batch ensemble grid features -> (batch ensemble) grid features'
    x = x.reshape(b * e, g, f)
    # no grid_shard_shapes / model_comm_group -> resharding is a no-op
    x = _sparse_project(x, down_src, down_dst, down_w, NUM_COARSE)
    x = _sparse_project(x, up_src, up_dst, up_w, NUM_FINE)
    # rearrange '(batch ensemble) grid features -> batch ensemble grid features'
    x = x.reshape(batch_size, e, NUM_FINE, f)
    return x

if __name__ == "__main__":
    import jax
    _d = setup_inputs()
    print(jax.jit(kernel)(*tuple(_d.values())))

</pallas_src>

<mosaic_0001>
#map = affine_map<(d0, d1) -> (0, 0)>
#map1 = affine_map<(d0, d1) -> (0)>
module attributes {stable_mosaic.version = 14 : i64} {
  func.func @_sc_kernel(%arg0: i32, %arg1: i32, %arg2: memref<256x100000xf32, #tpu.memory_space<hbm>>, %arg3: memref<400000xi32, #tpu.memory_space<hbm>>, %arg4: memref<400000xi32, #tpu.memory_space<hbm>>, %arg5: memref<400000xf32, #tpu.memory_space<hbm>>, %arg6: memref<400000xi32, #tpu.memory_space<hbm>>, %arg7: memref<400000xi32, #tpu.memory_space<hbm>>, %arg8: memref<400000xf32, #tpu.memory_space<hbm>>, %arg9: memref<256x100000xf32, #tpu.memory_space<hbm>>, %arg10: memref<100000xf32, #tpu.memory_space<vmem>>, %arg11: memref<10000xf32, #tpu.memory_space<vmem>>, %arg12: memref<4000xi32, #tpu.memory_space<vmem>>, %arg13: memref<4000xi32, #tpu.memory_space<vmem>>, %arg14: memref<4000xf32, #tpu.memory_space<vmem>>, %arg15: memref<!tpu.dma_semaphore, #tpu.memory_space<semaphore_mem>>, %arg16: memref<!tpu.dma_semaphore, #tpu.memory_space<semaphore_mem>>, %arg17: memref<!tpu.dma_semaphore, #tpu.memory_space<semaphore_mem>>) attributes {dimension_semantics = [#tpu.dimension_semantics<core_parallel>, #tpu.dimension_semantics<subcore_parallel>], iteration_bounds = array<i64: 2, 16>, scalar_prefetch = 0 : i64, scratch_operands = 8 : i64, tpu.core_type = #tpu.core_type<sc_vector_subcore>, window_params = [{transform_indices = #map}, {transform_indices = #map1}, {transform_indices = #map1}, {transform_indices = #map1}, {transform_indices = #map1}, {transform_indices = #map1}, {transform_indices = #map1}, {transform_indices = #map}]} {
    %mul3A = arith.constant 2 : i32
    %mul3A_0 = arith.muli %arg1, %mul3A : i32
    %add3A = arith.addi %mul3A_0, %arg0 : i32
    %mul3A_1 = arith.constant 8 : i32
    %mul3A_2 = arith.muli %add3A, %mul3A_1 : i32
    %add3A_3 = arith.constant 0 : i32
    %add3A_4 = arith.addi %mul3A_2, %add3A_3 : i32
    "tpu.region"() ({
      %run_scoped3A = tpu.sem_alloc : memref<!tpu.dma_semaphore, #tpu.memory_space<semaphore_mem>>
      %dma_start3A = arith.constant 0 : i32
      %dma_start3A_256 = tpu.memref_slice %arg2[%add3A_4, %dma_start3A] : memref<256x100000xf32, #tpu.memory_space<hbm>> -> memref<1x100000xf32, #tpu.memory_space<hbm>>
      %dma_start3A_257 = tpu.memref_squeeze %dma_start3A_256 : memref<1x100000xf32, #tpu.memory_space<hbm>> -> memref<100000xf32, #tpu.memory_space<hbm>>
      %dma_start3A_258 = arith.constant 0 : i32
      %dma_start3A_259 = tpu.memref_slice %arg2[%add3A_4, %dma_start3A_258] : memref<256x100000xf32, #tpu.memory_space<hbm>> -> memref<1x100000xf32, #tpu.memory_space<hbm>>
      %dma_start3A_260 = tpu.memref_squeeze %dma_start3A_259 : memref<1x100000xf32, #tpu.memory_space<hbm>> -> memref<100000xf32, #tpu.memory_space<hbm>>
      tpu.enqueue_dma source(%dma_start3A_260 : memref<100000xf32, #tpu.memory_space<hbm>>) target(%arg10 : memref<100000xf32, #tpu.memory_space<vmem>>) target_semaphore(%run_scoped3A : memref<!tpu.dma_semaphore, #tpu.memory_space<semaphore_mem>>)
      %dma_wait3A = arith.constant 0 : i32
      %dma_wait3A_261 = tpu.memref_slice %arg2[%add3A_4, %dma_wait3A] : memref<256x100000xf32, #tpu.memory_space<hbm>> -> memref<1x100000xf32, #tpu.memory_space<hbm>>
      %dma_wait3A_262 = tpu.memref_squeeze %dma_wait3A_261 : memref<1x100000xf32, #tpu.memory_space<hbm>> -> memref<100000xf32, #tpu.memory_space<hbm>>
      %dma_wait3A_263 = arith.constant 0 : i32
      %dma_wait3A_264 = tpu.memref_slice %arg2[%add3A_4, %dma_wait3A_263] : memref<256x100000xf32, #tpu.memory_space<hbm>> -> memref<1x100000xf32, #tpu.memory_space<hbm>>
      %dma_wait3A_265 = tpu.memref_squeeze %dma_wait3A_264 : memref<1x100000xf32, #tpu.memory_space<hbm>> -> memref<100000xf32, #tpu.memory_space<hbm>>
      tpu.wait_dma2 semaphore(%run_scoped3A : memref<!tpu.dma_semaphore, #tpu.memory_space<semaphore_mem>>) src(%dma_wait3A_265 : memref<100000xf32, #tpu.memory_space<hbm>>) dst(%arg10 : memref<100000xf32, #tpu.memory_space<vmem>>)
      tpu.yield
    }) : () -> ()
    %scan3A = arith.constant 0 : i32
    %scan3A_5 = arith.constant 0 : i32
    %scan3A_6 = arith.constant 625 : i32
    %scan3A_7 = arith.addi %scan3A_5, %scan3A_6 : i32
    %scan3A_8 = arith.constant 1 : i32
    %scan3A_9 = scf.for %scan3A_256 = %scan3A_5 to %scan3A_7 step %scan3A_8 iter_args(%scan3A_257 = %scan3A) -> (i32)  : i32 {
      %broadcast_in_dim3A = arith.constant 0.000000e+00 : f32
      %broadcast_in_dim3A_258 = vector.broadcast %broadcast_in_dim3A : f32 to vector<16xf32>
      %mul3A_259 = arith.constant 16 : i32
      %mul3A_260 = arith.muli %scan3A_256, %mul3A_259 : i32
      %swap3A = arith.index_cast %mul3A_260 : i32 to index
      %swap3A_261 = tpu.vector_load %arg11[%swap3A] {strides = array<i32>} : memref<10000xf32, #tpu.memory_space<vmem>>, vector<16xf32>,
      tpu.vector_store %arg11[%swap3A], %broadcast_in_dim3A_258 {strides = array<i32>} : memref<10000xf32, #tpu.memory_space<vmem>>, vector<16xf32>,
      %scan3A_262 = arith.constant 0 : i32
      scf.yield %scan3A_262 : i32
    }
    %scan3A_10 = arith.constant 625 : i32
    %scan3A_11 = arith.constant 0 : i32
    %scan3A_12 = arith.constant 0 : i32
    %scan3A_13 = arith.constant 100 : i32
    %scan3A_14 = arith.addi %scan3A_12, %scan3A_13 : i32
    %scan3A_15 = arith.constant 1 : i32
    %scan3A_16 = scf.for %scan3A_256 = %scan3A_12 to %scan3A_14 step %scan3A_15 iter_args(%scan3A_257 = %scan3A_11) -> (i32)  : i32 {
      %mul3A_258 = arith.constant 4000 : i32
      %mul3A_259 = arith.muli %scan3A_256, %mul3A_258 : i32
      %dma_start3A = tpu.memref_slice %arg3[%mul3A_259] : memref<400000xi32, #tpu.memory_space<hbm>> -> memref<4000xi32, #tpu.memory_space<hbm>>
      %dma_start3A_260 = tpu.memref_slice %arg3[%mul3A_259] : memref<400000xi32, #tpu.memory_space<hbm>> -> memref<4000xi32, #tpu.memory_space<hbm>>
      tpu.enqueue_dma source(%dma_start3A_260 : memref<4000xi32, #tpu.memory_space<hbm>>) target(%arg12 : memref<4000xi32, #tpu.memory_space<vmem>>) target_semaphore(%arg15 : memref<!tpu.dma_semaphore, #tpu.memory_space<semaphore_mem>>)
      %dma_start3A_261 = tpu.memref_slice %arg4[%mul3A_259] : memref<400000xi32, #tpu.memory_space<hbm>> -> memref<4000xi32, #tpu.memory_space<hbm>>
      %dma_start3A_262 = tpu.memref_slice %arg4[%mul3A_259] : memref<400000xi32, #tpu.memory_space<hbm>> -> memref<4000xi32, #tpu.memory_space<hbm>>
      tpu.enqueue_dma source(%dma_start3A_262 : memref<4000xi32, #tpu.memory_space<hbm>>) target(%arg13 : memref<4000xi32, #tpu.memory_space<vmem>>) target_semaphore(%arg16 : memref<!tpu.dma_semaphore, #tpu.memory_space<semaphore_mem>>)
      %dma_start3A_263 = tpu.memref_slice %arg5[%mul3A_259] : memref<400000xf32, #tpu.memory_space<hbm>> -> memref<4000xf32, #tpu.memory_space<hbm>>
      %dma_start3A_264 = tpu.memref_slice %arg5[%mul3A_259] : memref<400000xf32, #tpu.memory_space<hbm>> -> memref<4000xf32, #tpu.memory_space<hbm>>
      tpu.enqueue_dma source(%dma_start3A_264 : memref<4000xf32, #tpu.memory_space<hbm>>) target(%arg14 : memref<4000xf32, #tpu.memory_space<vmem>>) target_semaphore(%arg17 : memref<!tpu.dma_semaphore, #tpu.memory_space<semaphore_mem>>)
      %dma_wait3A = tpu.memref_slice %arg3[%mul3A_259] : memref<400000xi32, #tpu.memory_space<hbm>> -> memref<4000xi32, #tpu.memory_space<hbm>>
      %dma_wait3A_265 = tpu.memref_slice %arg3[%mul3A_259] : memref<400000xi32, #tpu.memory_space<hbm>> -> memref<4000xi32, #tpu.memory_space<hbm>>
      tpu.wait_dma2 semaphore(%arg15 : memref<!tpu.dma_semaphore, #tpu.memory_space<semaphore_mem>>) src(%dma_wait3A_265 : memref<4000xi32, #tpu.memory_space<hbm>>) dst(%arg12 : memref<4000xi32, #tpu.memory_space<vmem>>)
      %dma_wait3A_266 = tpu.memref_slice %arg4[%mul3A_259] : memref<400000xi32, #tpu.memory_space<hbm>> -> memref<4000xi32, #tpu.memory_space<hbm>>
      %dma_wait3A_267 = tpu.memref_slice %arg4[%mul3A_259] : memref<400000xi32, #tpu.memory_space<hbm>> -> memref<4000xi32, #tpu.memory_space<hbm>>
      tpu.wait_dma2 semaphore(%arg16 : memref<!tpu.dma_semaphore, #tpu.memory_space<semaphore_mem>>) src(%dma_wait3A_267 : memref<4000xi32, #tpu.memory_space<hbm>>) dst(%arg13 : memref<4000xi32, #tpu.memory_space<vmem>>)
      %dma_wait3A_268 = tpu.memref_slice %arg5[%mul3A_259] : memref<400000xf32, #tpu.memory_space<hbm>> -> memref<4000xf32, #tpu.memory_space<hbm>>
      %dma_wait3A_269 = tpu.memref_slice %arg5[%mul3A_259] : memref<400000xf32, #tpu.memory_space<hbm>> -> memref<4000xf32, #tpu.memory_space<hbm>>
      tpu.wait_dma2 semaphore(%arg17 : memref<!tpu.dma_semaphore, #tpu.memory_space<semaphore_mem>>) src(%dma_wait3A_269 : memref<4000xf32, #tpu.memory_space<hbm>>) dst(%arg14 : memref<4000xf32, #tpu.memory_space<vmem>>)
      %scan3A_270 = arith.constant 0 : i32
      %scan3A_271 = arith.constant 0 : i32
      %scan3A_272 = arith.constant 25 : i32
      %scan3A_273 = arith.addi %scan3A_271, %scan3A_272 : i32
      %scan3A_274 = arith.constant 1 : i32
      %scan3A_275 = scf.for %scan3A_278 = %scan3A_271 to %scan3A_273 step %scan3A_274 iter_args(%scan3A_279 = %scan3A_270) -> (i32)  : i32 {
        %mul3A_280 = arith.constant 10 : i32
        %mul3A_281 = arith.muli %scan3A_278, %mul3A_280 : i32
        %add3A_282 = arith.constant 0 : i32
        %add3A_283 = arith.addi %mul3A_281, %add3A_282 : i32
        %mul3A_284 = arith.constant 16 : i32
        %mul3A_285 = arith.muli %add3A_283, %mul3A_284 : i32
        %get3A = arith.index_cast %mul3A_285 : i32 to index
        %get3A_286 = tpu.vector_load %arg12[%get3A] {strides = array<i32>} : memref<4000xi32, #tpu.memory_space<vmem>>, vector<16xi32>,
        %get3A_287 = arith.index_cast %mul3A_285 : i32 to index
        %get3A_288 = tpu.vector_load %arg13[%get3A_287] {strides = array<i32>} : memref<4000xi32, #tpu.memory_space<vmem>>, vector<16xi32>,
        %get3A_289 = arith.index_cast %mul3A_285 : i32 to index
        %get3A_290 = tpu.vector_load %arg14[%get3A_289] {strides = array<i32>} : memref<4000xf32, #tpu.memory_space<vmem>>, vector<16xf32>,
        %gather3A = tpu.vector_load_idx %arg10[%get3A_286] : memref<100000xf32, #tpu.memory_space<vmem>>[vector<16xi32>], vector<16xf32>,
        %mul3A_291 = arith.mulf %gather3A, %get3A_290 : vector<16xf32>
        tpu.vector_store_idx %arg11[%get3A_288], %mul3A_291 {add = true} : memref<10000xf32, #tpu.memory_space<vmem>>[vector<16xi32>], vector<16xf32>,
        %mul3A_292 = arith.constant 10 : i32
        %mul3A_293 = arith.muli %scan3A_278, %mul3A_292 : i32
        %add3A_294 = arith.constant 1 : i32
        %add3A_295 = arith.addi %mul3A_293, %add3A_294 : i32
        %mul3A_296 = arith.constant 16 : i32
        %mul3A_297 = arith.muli %add3A_295, %mul3A_296 : i32
        %get3A_298 = arith.index_cast %mul3A_297 : i32 to index
        %get3A_299 = tpu.vector_load %arg12[%get3A_298] {strides = array<i32>} : memref<4000xi32, #tpu.memory_space<vmem>>, vector<16xi32>,
        %get3A_300 = arith.index_cast %mul3A_297 : i32 to index
        %get3A_301 = tpu.vector_load %arg13[%get3A_300] {strides = array<i32>} : memref<4000xi32, #tpu.memory_space<vmem>>, vector<16xi32>,
        %get3A_302 = arith.index_cast %mul3A_297 : i32 to index
        %get3A_303 = tpu.vector_load %arg14[%get3A_302] {strides = array<i32>} : memref<4000xf32, #tpu.memory_space<vmem>>, vector<16xf32>,
        %gather3A_304 = tpu.vector_load_idx %arg10[%get3A_299] : memref<100000xf32, #tpu.memory_space<vmem>>[vector<16xi32>], vector<16xf32>,
        %mul3A_305 = arith.mulf %gather3A_304, %get3A_303 : vector<16xf32>
        tpu.vector_store_idx %arg11[%get3A_301], %mul3A_305 {add = true} : memref<10000xf32, #tpu.memory_space<vmem>>[vector<16xi32>], vector<16xf32>,
        %mul3A_306 = arith.constant 10 : i32
        %mul3A_307 = arith.muli %scan3A_278, %mul3A_306 : i32
        %add3A_308 = arith.constant 2 : i32
        %add3A_309 = arith.addi %mul3A_307, %add3A_308 : i32
        %mul3A_310 = arith.constant 16 : i32
        %mul3A_311 = arith.muli %add3A_309, %mul3A_310 : i32
        %get3A_312 = arith.index_cast %mul3A_311 : i32 to index
        %get3A_313 = tpu.vector_load %arg12[%get3A_312] {strides = array<i32>} : memref<4000xi32, #tpu.memory_space<vmem>>, vector<16xi32>,
        %get3A_314 = arith.index_cast %mul3A_311 : i32 to index
        %get3A_315 = tpu.vector_load %arg13[%get3A_314] {strides = array<i32>} : memref<4000xi32, #tpu.memory_space<vmem>>, vector<16xi32>,
        %get3A_316 = arith.index_cast %mul3A_311 : i32 to index
        %get3A_317 = tpu.vector_load %arg14[%get3A_316] {strides = array<i32>} : memref<4000xf32, #tpu.memory_space<vmem>>, vector<16xf32>,
        %gather3A_318 = tpu.vector_load_idx %arg10[%get3A_313] : memref<100000xf32, #tpu.memory_space<vmem>>[vector<16xi32>], vector<16xf32>,
        %mul3A_319 = arith.mulf %gather3A_318, %get3A_317 : vector<16xf32>
        tpu.vector_store_idx %arg11[%get3A_315], %mul3A_319 {add = true} : memref<10000xf32, #tpu.memory_space<vmem>>[vector<16xi32>], vector<16xf32>,
        %mul3A_320 = arith.constant 10 : i32
        %mul3A_321 = arith.muli %scan3A_278, %mul3A_320 : i32
        %add3A_322 = arith.constant 3 : i32
        %add3A_323 = arith.addi %mul3A_321, %add3A_322 : i32
        %mul3A_324 = arith.constant 16 : i32
        %mul3A_325 = arith.muli %add3A_323, %mul3A_324 : i32
        %get3A_326 = arith.index_cast %mul3A_325 : i32 to index
        %get3A_327 = tpu.vector_load %arg12[%get3A_326] {strides = array<i32>} : memref<4000xi32, #tpu.memory_space<vmem>>, vector<16xi32>,
        %get3A_328 = arith.index_cast %mul3A_325 : i32 to index
        %get3A_329 = tpu.vector_load %arg13[%get3A_328] {strides = array<i32>} : memref<4000xi32, #tpu.memory_space<vmem>>, vector<16xi32>,
        %get3A_330 = arith.index_cast %mul3A_325 : i32 to index
        %get3A_331 = tpu.vector_load %arg14[%get3A_330] {strides = array<i32>} : memref<4000xf32, #tpu.memory_space<vmem>>, vector<16xf32>,
        %gather3A_332 = tpu.vector_load_idx %arg10[%get3A_327] : memref<100000xf32, #tpu.memory_space<vmem>>[vector<16xi32>], vector<16xf32>,
        %mul3A_333 = arith.mulf %gather3A_332, %get3A_331 : vector<16xf32>
        tpu.vector_store_idx %arg11[%get3A_329], %mul3A_333 {add = true} : memref<10000xf32, #tpu.memory_space<vmem>>[vector<16xi32>], vector<16xf32>,
        %mul3A_334 = arith.constant 10 : i32
        %mul3A_335 = arith.muli %scan3A_278, %mul3A_334 : i32
        %add3A_336 = arith.constant 4 : i32
        %add3A_337 = arith.addi %mul3A_335, %add3A_336 : i32
        %mul3A_338 = arith.constant 16 : i32
        %mul3A_339 = arith.muli %add3A_337, %mul3A_338 : i32
        %get3A_340 = arith.index_cast %mul3A_339 : i32 to index
        %get3A_341 = tpu.vector_load %arg12[%get3A_340] {strides = array<i32>} : memref<4000xi32, #tpu.memory_space<vmem>>, vector<16xi32>,
        %get3A_342 = arith.index_cast %mul3A_339 : i32 to index
        %get3A_343 = tpu.vector_load %arg13[%get3A_342] {strides = array<i32>} : memref<4000xi32, #tpu.memory_space<vmem>>, vector<16xi32>,
        %get3A_344 = arith.index_cast %mul3A_339 : i32 to index
        %get3A_345 = tpu.vector_load %arg14[%get3A_344] {strides = array<i32>} : memref<4000xf32, #tpu.memory_space<vmem>>, vector<16xf32>,
        %gather3A_346 = tpu.vector_load_idx %arg10[%get3A_341] : memref<100000xf32, #tpu.memory_space<vmem>>[vector<16xi32>], vector<16xf32>,
        %mul3A_347 = arith.mulf %gather3A_346, %get3A_345 : vector<16xf32>
        tpu.vector_store_idx %arg11[%get3A_343], %mul3A_347 {add = true} : memref<10000xf32, #tpu.memory_space<vmem>>[vector<16xi32>], vector<16xf32>,
        %mul3A_348 = arith.constant 10 : i32
        %mul3A_349 = arith.muli %scan3A_278, %mul3A_348 : i32
        %add3A_350 = arith.constant 5 : i32
        %add3A_351 = arith.addi %mul3A_349, %add3A_350 : i32
        %mul3A_352 = arith.constant 16 : i32
        %mul3A_353 = arith.muli %add3A_351, %mul3A_352 : i32
        %get3A_354 = arith.index_cast %mul3A_353 : i32 to index
        %get3A_355 = tpu.vector_load %arg12[%get3A_354] {strides = array<i32>} : memref<4000xi32, #tpu.memory_space<vmem>>, vector<16xi32>,
        %get3A_356 = arith.index_cast %mul3A_353 : i32 to index
        %get3A_357 = tpu.vector_load %arg13[%get3A_356] {strides = array<i32>} : memref<4000xi32, #tpu.memory_space<vmem>>, vector<16xi32>,
        %get3A_358 = arith.index_cast %mul3A_353 : i32 to index
        %get3A_359 = tpu.vector_load %arg14[%get3A_358] {strides = array<i32>} : memref<4000xf32, #tpu.memory_space<vmem>>, vector<16xf32>,
        %gather3A_360 = tpu.vector_load_idx %arg10[%get3A_355] : memref<100000xf32, #tpu.memory_space<vmem>>[vector<16xi32>], vector<16xf32>,
        %mul3A_361 = arith.mulf %gather3A_360, %get3A_359 : vector<16xf32>
        tpu.vector_store_idx %arg11[%get3A_357], %mul3A_361 {add = true} : memref<10000xf32, #tpu.memory_space<vmem>>[vector<16xi32>], vector<16xf32>,
        %mul3A_362 = arith.constant 10 : i32
        %mul3A_363 = arith.muli %scan3A_278, %mul3A_362 : i32
        %add3A_364 = arith.constant 6 : i32
        %add3A_365 = arith.addi %mul3A_363, %add3A_364 : i32
        %mul3A_366 = arith.constant 16 : i32
        %mul3A_367 = arith.muli %add3A_365, %mul3A_366 : i32
        %get3A_368 = arith.index_cast %mul3A_367 : i32 to index
        %get3A_369 = tpu.vector_load %arg12[%get3A_368] {strides = array<i32>} : memref<4000xi32, #tpu.memory_space<vmem>>, vector<16xi32>,
        %get3A_370 = arith.index_cast %mul3A_367 : i32 to index
        %get3A_371 = tpu.vector_load %arg13[%get3A_370] {strides = array<i32>} : memref<4000xi32, #tpu.memory_space<vmem>>, vector<16xi32>,
        %get3A_372 = arith.index_cast %mul3A_367 : i32 to index
        %get3A_373 = tpu.vector_load %arg14[%get3A_372] {strides = array<i32>} : memref<4000xf32, #tpu.memory_space<vmem>>, vector<16xf32>,
        %gather3A_374 = tpu.vector_load_idx %arg10[%get3A_369] : memref<100000xf32, #tpu.memory_space<vmem>>[vector<16xi32>], vector<16xf32>,
        %mul3A_375 = arith.mulf %gather3A_374, %get3A_373 : vector<16xf32>
        tpu.vector_store_idx %arg11[%get3A_371], %mul3A_375 {add = true} : memref<10000xf32, #tpu.memory_space<vmem>>[vector<16xi32>], vector<16xf32>,
        %mul3A_376 = arith.constant 10 : i32
        %mul3A_377 = arith.muli %scan3A_278, %mul3A_376 : i32
        %add3A_378 = arith.constant 7 : i32
        %add3A_379 = arith.addi %mul3A_377, %add3A_378 : i32
        %mul3A_380 = arith.constant 16 : i32
        %mul3A_381 = arith.muli %add3A_379, %mul3A_380 : i32
        %get3A_382 = arith.index_cast %mul3A_381 : i32 to index
        %get3A_383 = tpu.vector_load %arg12[%get3A_382] {strides = array<i32>} : memref<4000xi32, #tpu.memory_space<vmem>>, vector<16xi32>,
        %get3A_384 = arith.index_cast %mul3A_381 : i32 to index
        %get3A_385 = tpu.vector_load %arg13[%get3A_384] {strides = array<i32>} : memref<4000xi32, #tpu.memory_space<vmem>>, vector<16xi32>,
        %get3A_386 = arith.index_cast %mul3A_381 : i32 to index
        %get3A_387 = tpu.vector_load %arg14[%get3A_386] {strides = array<i32>} : memref<4000xf32, #tpu.memory_space<vmem>>, vector<16xf32>,
        %gather3A_388 = tpu.vector_load_idx %arg10[%get3A_383] : memref<100000xf32, #tpu.memory_space<vmem>>[vector<16xi32>], vector<16xf32>,
        %mul3A_389 = arith.mulf %gather3A_388, %get3A_387 : vector<16xf32>
        tpu.vector_store_idx %arg11[%get3A_385], %mul3A_389 {add = true} : memref<10000xf32, #tpu.memory_space<vmem>>[vector<16xi32>], vector<16xf32>,
        %mul3A_390 = arith.constant 10 : i32
        %mul3A_391 = arith.muli %scan3A_278, %mul3A_390 : i32
        %add3A_392 = arith.constant 8 : i32
        %add3A_393 = arith.addi %mul3A_391, %add3A_392 : i32
        %mul3A_394 = arith.constant 16 : i32
        %mul3A_395 = arith.muli %add3A_393, %mul3A_394 : i32
        %get3A_396 = arith.index_cast %mul3A_395 : i32 to index
        %get3A_397 = tpu.vector_load %arg12[%get3A_396] {strides = array<i32>} : memref<4000xi32, #tpu.memory_space<vmem>>, vector<16xi32>,
        %get3A_398 = arith.index_cast %mul3A_395 : i32 to index
        %get3A_399 = tpu.vector_load %arg13[%get3A_398] {strides = array<i32>} : memref<4000xi32, #tpu.memory_space<vmem>>, vector<16xi32>,
        %get3A_400 = arith.index_cast %mul3A_395 : i32 to index
        %get3A_401 = tpu.vector_load %arg14[%get3A_400] {strides = array<i32>} : memref<4000xf32, #tpu.memory_space<vmem>>, vector<16xf32>,
        %gather3A_402 = tpu.vector_load_idx %arg10[%get3A_397] : memref<100000xf32, #tpu.memory_space<vmem>>[vector<16xi32>], vector<16xf32>,
        %mul3A_403 = arith.mulf %gather3A_402, %get3A_401 : vector<16xf32>
        tpu.vector_store_idx %arg11[%get3A_399], %mul3A_403 {add = true} : memref<10000xf32, #tpu.memory_space<vmem>>[vector<16xi32>], vector<16xf32>,
        %mul3A_404 = arith.constant 10 : i32
        %mul3A_405 = arith.muli %scan3A_278, %mul3A_404 : i32
        %add3A_406 = arith.constant 9 : i32
        %add3A_407 = arith.addi %mul3A_405, %add3A_406 : i32
        %mul3A_408 = arith.constant 16 : i32
        %mul3A_409 = arith.muli %add3A_407, %mul3A_408 : i32
        %get3A_410 = arith.index_cast %mul3A_409 : i32 to index
        %get3A_411 = tpu.vector_load %arg12[%get3A_410] {strides = array<i32>} : memref<4000xi32, #tpu.memory_space<vmem>>, vector<16xi32>,
        %get3A_412 = arith.index_cast %mul3A_409 : i32 to index
        %get3A_413 = tpu.vector_load %arg13[%get3A_412] {strides = array<i32>} : memref<4000xi32, #tpu.memory_space<vmem>>, vector<16xi32>,
        %get3A_414 = arith.index_cast %mul3A_409 : i32 to index
        %get3A_415 = tpu.vector_load %arg14[%get3A_414] {strides = array<i32>} : memref<4000xf32, #tpu.memory_space<vmem>>, vector<16xf32>,
        %gather3A_416 = tpu.vector_load_idx %arg10[%get3A_411] : memref<100000xf32, #tpu.memory_space<vmem>>[vector<16xi32>], vector<16xf32>,
        %mul3A_417 = arith.mulf %gather3A_416, %get3A_415 : vector<16xf32>
        tpu.vector_store_idx %arg11[%get3A_413], %mul3A_417 {add = true} : memref<10000xf32, #tpu.memory_space<vmem>>[vector<16xi32>], vector<16xf32>,
        %scan3A_418 = arith.constant 0 : i32
        scf.yield %scan3A_418 : i32
      }
      %scan3A_276 = arith.constant 25 : i32
      %scan3A_277 = arith.constant 0 : i32
      scf.yield %scan3A_277 : i32
    }
    %scan3A_17 = arith.constant 100 : i32
    %scan3A_18 = arith.constant 0 : i32
    %scan3A_19 = arith.constant 0 : i32
    %scan3A_20 = arith.constant 6250 : i32
    %scan3A_21 = arith.addi %scan3A_19, %scan3A_20 : i32
    %scan3A_22 = arith.constant 1 : i32
    %scan3A_23 = scf.for %scan3A_256 = %scan3A_19 to %scan3A_21 step %scan3A_22 iter_args(%scan3A_257 = %scan3A_18) -> (i32)  : i32 {
      %broadcast_in_dim3A = arith.constant 0.000000e+00 : f32
      %broadcast_in_dim3A_258 = vector.broadcast %broadcast_in_dim3A : f32 to vector<16xf32>
      %mul3A_259 = arith.constant 16 : i32
      %mul3A_260 = arith.muli %scan3A_256, %mul3A_259 : i32
      %swap3A = arith.index_cast %mul3A_260 : i32 to index
      %swap3A_261 = tpu.vector_load %arg10[%swap3A] {strides = array<i32>} : memref<100000xf32, #tpu.memory_space<vmem>>, vector<16xf32>,
      tpu.vector_store %arg10[%swap3A], %broadcast_in_dim3A_258 {strides = array<i32>} : memref<100000xf32, #tpu.memory_space<vmem>>, vector<16xf32>,
      %scan3A_262 = arith.constant 0 : i32
      scf.yield %scan3A_262 : i32
    }
    %scan3A_24 = arith.constant 6250 : i32
    %scan3A_25 = arith.constant 0 : i32
    %scan3A_26 = arith.constant 0 : i32
    %scan3A_27 = arith.constant 100 : i32
    %scan3A_28 = arith.addi %scan3A_26, %scan3A_27 : i32
    %scan3A_29 = arith.constant 1 : i32
    %scan3A_30 = scf.for %scan3A_256 = %scan3A_26 to %scan3A_28 step %scan3A_29 iter_args(%scan3A_257 = %scan3A_25) -> (i32)  : i32 {
      %mul3A_258 = arith.constant 4000 : i32
      %mul3A_259 = arith.muli %scan3A_256, %mul3A_258 : i32
      %dma_start3A = tpu.memref_slice %arg6[%mul3A_259] : memref<400000xi32, #tpu.memory_space<hbm>> -> memref<4000xi32, #tpu.memory_space<hbm>>
      %dma_start3A_260 = tpu.memref_slice %arg6[%mul3A_259] : memref<400000xi32, #tpu.memory_space<hbm>> -> memref<4000xi32, #tpu.memory_space<hbm>>
      tpu.enqueue_dma source(%dma_start3A_260 : memref<4000xi32, #tpu.memory_space<hbm>>) target(%arg12 : memref<4000xi32, #tpu.memory_space<vmem>>) target_semaphore(%arg15 : memref<!tpu.dma_semaphore, #tpu.memory_space<semaphore_mem>>)
      %dma_start3A_261 = tpu.memref_slice %arg7[%mul3A_259] : memref<400000xi32, #tpu.memory_space<hbm>> -> memref<4000xi32, #tpu.memory_space<hbm>>
      %dma_start3A_262 = tpu.memref_slice %arg7[%mul3A_259] : memref<400000xi32, #tpu.memory_space<hbm>> -> memref<4000xi32, #tpu.memory_space<hbm>>
      tpu.enqueue_dma source(%dma_start3A_262 : memref<4000xi32, #tpu.memory_space<hbm>>) target(%arg13 : memref<4000xi32, #tpu.memory_space<vmem>>) target_semaphore(%arg16 : memref<!tpu.dma_semaphore, #tpu.memory_space<semaphore_mem>>)
      %dma_start3A_263 = tpu.memref_slice %arg8[%mul3A_259] : memref<400000xf32, #tpu.memory_space<hbm>> -> memref<4000xf32, #tpu.memory_space<hbm>>
      %dma_start3A_264 = tpu.memref_slice %arg8[%mul3A_259] : memref<400000xf32, #tpu.memory_space<hbm>> -> memref<4000xf32, #tpu.memory_space<hbm>>
      tpu.enqueue_dma source(%dma_start3A_264 : memref<4000xf32, #tpu.memory_space<hbm>>) target(%arg14 : memref<4000xf32, #tpu.memory_space<vmem>>) target_semaphore(%arg17 : memref<!tpu.dma_semaphore, #tpu.memory_space<semaphore_mem>>)
      %dma_wait3A = tpu.memref_slice %arg6[%mul3A_259] : memref<400000xi32, #tpu.memory_space<hbm>> -> memref<4000xi32, #tpu.memory_space<hbm>>
      %dma_wait3A_265 = tpu.memref_slice %arg6[%mul3A_259] : memref<400000xi32, #tpu.memory_space<hbm>> -> memref<4000xi32, #tpu.memory_space<hbm>>
      tpu.wait_dma2 semaphore(%arg15 : memref<!tpu.dma_semaphore, #tpu.memory_space<semaphore_mem>>) src(%dma_wait3A_265 : memref<4000xi32, #tpu.memory_space<hbm>>) dst(%arg12 : memref<4000xi32, #tpu.memory_space<vmem>>)
      %dma_wait3A_266 = tpu.memref_slice %arg7[%mul3A_259] : memref<400000xi32, #tpu.memory_space<hbm>> -> memref<4000xi32, #tpu.memory_space<hbm>>
      %dma_wait3A_267 = tpu.memref_slice %arg7[%mul3A_259] : memref<400000xi32, #tpu.memory_space<hbm>> -> memref<4000xi32, #tpu.memory_space<hbm>>
      tpu.wait_dma2 semaphore(%arg16 : memref<!tpu.dma_semaphore, #tpu.memory_space<semaphore_mem>>) src(%dma_wait3A_267 : memref<4000xi32, #tpu.memory_space<hbm>>) dst(%arg13 : memref<4000xi32, #tpu.memory_space<vmem>>)
      %dma_wait3A_268 = tpu.memref_slice %arg8[%mul3A_259] : memref<400000xf32, #tpu.memory_space<hbm>> -> memref<4000xf32, #tpu.memory_space<hbm>>
      %dma_wait3A_269 = tpu.memref_slice %arg8[%mul3A_259] : memref<400000xf32, #tpu.memory_space<hbm>> -> memref<4000xf32, #tpu.memory_space<hbm>>
      tpu.wait_dma2 semaphore(%arg17 : memref<!tpu.dma_semaphore, #tpu.memory_space<semaphore_mem>>) src(%dma_wait3A_269 : memref<4000xf32, #tpu.memory_space<hbm>>) dst(%arg14 : memref<4000xf32, #tpu.memory_space<vmem>>)
      %scan3A_270 = arith.constant 0 : i32
      %scan3A_271 = arith.constant 0 : i32
      %scan3A_272 = arith.constant 25 : i32
      %scan3A_273 = arith.addi %scan3A_271, %scan3A_272 : i32
      %scan3A_274 = arith.constant 1 : i32
      %scan3A_275 = scf.for %scan3A_278 = %scan3A_271 to %scan3A_273 step %scan3A_274 iter_args(%scan3A_279 = %scan3A_270) -> (i32)  : i32 {
        %mul3A_280 = arith.constant 10 : i32
        %mul3A_281 = arith.muli %scan3A_278, %mul3A_280 : i32
        %add3A_282 = arith.constant 0 : i32
        %add3A_283 = arith.addi %mul3A_281, %add3A_282 : i32
        %mul3A_284 = arith.constant 16 : i32
        %mul3A_285 = arith.muli %add3A_283, %mul3A_284 : i32
        %get3A = arith.index_cast %mul3A_285 : i32 to index
        %get3A_286 = tpu.vector_load %arg12[%get3A] {strides = array<i32>} : memref<4000xi32, #tpu.memory_space<vmem>>, vector<16xi32>,
        %get3A_287 = arith.index_cast %mul3A_285 : i32 to index
        %get3A_288 = tpu.vector_load %arg13[%get3A_287] {strides = array<i32>} : memref<4000xi32, #tpu.memory_space<vmem>>, vector<16xi32>,
        %get3A_289 = arith.index_cast %mul3A_285 : i32 to index
        %get3A_290 = tpu.vector_load %arg14[%get3A_289] {strides = array<i32>} : memref<4000xf32, #tpu.memory_space<vmem>>, vector<16xf32>,
        %gather3A = tpu.vector_load_idx %arg11[%get3A_286] : memref<10000xf32, #tpu.memory_space<vmem>>[vector<16xi32>], vector<16xf32>,
        %mul3A_291 = arith.mulf %gather3A, %get3A_290 : vector<16xf32>
        tpu.vector_store_idx %arg10[%get3A_288], %mul3A_291 {add = true} : memref<100000xf32, #tpu.memory_space<vmem>>[vector<16xi32>], vector<16xf32>,
        %mul3A_292 = arith.constant 10 : i32
        %mul3A_293 = arith.muli %scan3A_278, %mul3A_292 : i32
        %add3A_294 = arith.constant 1 : i32
        %add3A_295 = arith.addi %mul3A_293, %add3A_294 : i32
        %mul3A_296 = arith.constant 16 : i32
        %mul3A_297 = arith.muli %add3A_295, %mul3A_296 : i32
        %get3A_298 = arith.index_cast %mul3A_297 : i32 to index
        %get3A_299 = tpu.vector_load %arg12[%get3A_298] {strides = array<i32>} : memref<4000xi32, #tpu.memory_space<vmem>>, vector<16xi32>,
        %get3A_300 = arith.index_cast %mul3A_297 : i32 to index
        %get3A_301 = tpu.vector_load %arg13[%get3A_300] {strides = array<i32>} : memref<4000xi32, #tpu.memory_space<vmem>>, vector<16xi32>,
        %get3A_302 = arith.index_cast %mul3A_297 : i32 to index
        %get3A_303 = tpu.vector_load %arg14[%get3A_302] {strides = array<i32>} : memref<4000xf32, #tpu.memory_space<vmem>>, vector<16xf32>,
        %gather3A_304 = tpu.vector_load_idx %arg11[%get3A_299] : memref<10000xf32, #tpu.memory_space<vmem>>[vector<16xi32>], vector<16xf32>,
        %mul3A_305 = arith.mulf %gather3A_304, %get3A_303 : vector<16xf32>
        tpu.vector_store_idx %arg10[%get3A_301], %mul3A_305 {add = true} : memref<100000xf32, #tpu.memory_space<vmem>>[vector<16xi32>], vector<16xf32>,
        %mul3A_306 = arith.constant 10 : i32
        %mul3A_307 = arith.muli %scan3A_278, %mul3A_306 : i32
        %add3A_308 = arith.constant 2 : i32
        %add3A_309 = arith.addi %mul3A_307, %add3A_308 : i32
        %mul3A_310 = arith.constant 16 : i32
        %mul3A_311 = arith.muli %add3A_309, %mul3A_310 : i32
        %get3A_312 = arith.index_cast %mul3A_311 : i32 to index
        %get3A_313 = tpu.vector_load %arg12[%get3A_312] {strides = array<i32>} : memref<4000xi32, #tpu.memory_space<vmem>>, vector<16xi32>,
        %get3A_314 = arith.index_cast %mul3A_311 : i32 to index
        %get3A_315 = tpu.vector_load %arg13[%get3A_314] {strides = array<i32>} : memref<4000xi32, #tpu.memory_space<vmem>>, vector<16xi32>,
        %get3A_316 = arith.index_cast %mul3A_311 : i32 to index
        %get3A_317 = tpu.vector_load %arg14[%get3A_316] {strides = array<i32>} : memref<4000xf32, #tpu.memory_space<vmem>>, vector<16xf32>,
        %gather3A_318 = tpu.vector_load_idx %arg11[%get3A_313] : memref<10000xf32, #tpu.memory_space<vmem>>[vector<16xi32>], vector<16xf32>,
        %mul3A_319 = arith.mulf %gather3A_318, %get3A_317 : vector<16xf32>
        tpu.vector_store_idx %arg10[%get3A_315], %mul3A_319 {add = true} : memref<100000xf32, #tpu.memory_space<vmem>>[vector<16xi32>], vector<16xf32>,
        %mul3A_320 = arith.constant 10 : i32
        %mul3A_321 = arith.muli %scan3A_278, %mul3A_320 : i32
        %add3A_322 = arith.constant 3 : i32
        %add3A_323 = arith.addi %mul3A_321, %add3A_322 : i32
        %mul3A_324 = arith.constant 16 : i32
        %mul3A_325 = arith.muli %add3A_323, %mul3A_324 : i32
        %get3A_326 = arith.index_cast %mul3A_325 : i32 to index
        %get3A_327 = tpu.vector_load %arg12[%get3A_326] {strides = array<i32>} : memref<4000xi32, #tpu.memory_space<vmem>>, vector<16xi32>,
        %get3A_328 = arith.index_cast %mul3A_325 : i32 to index
        %get3A_329 = tpu.vector_load %arg13[%get3A_328] {strides = array<i32>} : memref<4000xi32, #tpu.memory_space<vmem>>, vector<16xi32>,
        %get3A_330 = arith.index_cast %mul3A_325 : i32 to index
        %get3A_331 = tpu.vector_load %arg14[%get3A_330] {strides = array<i32>} : memref<4000xf32, #tpu.memory_space<vmem>>, vector<16xf32>,
        %gather3A_332 = tpu.vector_load_idx %arg11[%get3A_327] : memref<10000xf32, #tpu.memory_space<vmem>>[vector<16xi32>], vector<16xf32>,
        %mul3A_333 = arith.mulf %gather3A_332, %get3A_331 : vector<16xf32>
        tpu.vector_store_idx %arg10[%get3A_329], %mul3A_333 {add = true} : memref<100000xf32, #tpu.memory_space<vmem>>[vector<16xi32>], vector<16xf32>,
        %mul3A_334 = arith.constant 10 : i32
        %mul3A_335 = arith.muli %scan3A_278, %mul3A_334 : i32
        %add3A_336 = arith.constant 4 : i32
        %add3A_337 = arith.addi %mul3A_335, %add3A_336 : i32
        %mul3A_338 = arith.constant 16 : i32
        %mul3A_339 = arith.muli %add3A_337, %mul3A_338 : i32
        %get3A_340 = arith.index_cast %mul3A_339 : i32 to index
        %get3A_341 = tpu.vector_load %arg12[%get3A_340] {strides = array<i32>} : memref<4000xi32, #tpu.memory_space<vmem>>, vector<16xi32>,
        %get3A_342 = arith.index_cast %mul3A_339 : i32 to index
        %get3A_343 = tpu.vector_load %arg13[%get3A_342] {strides = array<i32>} : memref<4000xi32, #tpu.memory_space<vmem>>, vector<16xi32>,
        %get3A_344 = arith.index_cast %mul3A_339 : i32 to index
        %get3A_345 = tpu.vector_load %arg14[%get3A_344] {strides = array<i32>} : memref<4000xf32, #tpu.memory_space<vmem>>, vector<16xf32>,
        %gather3A_346 = tpu.vector_load_idx %arg11[%get3A_341] : memref<10000xf32, #tpu.memory_space<vmem>>[vector<16xi32>], vector<16xf32>,
        %mul3A_347 = arith.mulf %gather3A_346, %get3A_345 : vector<16xf32>
        tpu.vector_store_idx %arg10[%get3A_343], %mul3A_347 {add = true} : memref<100000xf32, #tpu.memory_space<vmem>>[vector<16xi32>], vector<16xf32>,
        %mul3A_348 = arith.constant 10 : i32
        %mul3A_349 = arith.muli %scan3A_278, %mul3A_348 : i32
        %add3A_350 = arith.constant 5 : i32
        %add3A_351 = arith.addi %mul3A_349, %add3A_350 : i32
        %mul3A_352 = arith.constant 16 : i32
        %mul3A_353 = arith.muli %add3A_351, %mul3A_352 : i32
        %get3A_354 = arith.index_cast %mul3A_353 : i32 to index
        %get3A_355 = tpu.vector_load %arg12[%get3A_354] {strides = array<i32>} : memref<4000xi32, #tpu.memory_space<vmem>>, vector<16xi32>,
        %get3A_356 = arith.index_cast %mul3A_353 : i32 to index
        %get3A_357 = tpu.vector_load %arg13[%get3A_356] {strides = array<i32>} : memref<4000xi32, #tpu.memory_space<vmem>>, vector<16xi32>,
        %get3A_358 = arith.index_cast %mul3A_353 : i32 to index
        %get3A_359 = tpu.vector_load %arg14[%get3A_358] {strides = array<i32>} : memref<4000xf32, #tpu.memory_space<vmem>>, vector<16xf32>,
        %gather3A_360 = tpu.vector_load_idx %arg11[%get3A_355] : memref<10000xf32, #tpu.memory_space<vmem>>[vector<16xi32>], vector<16xf32>,
        %mul3A_361 = arith.mulf %gather3A_360, %get3A_359 : vector<16xf32>
        tpu.vector_store_idx %arg10[%get3A_357], %mul3A_361 {add = true} : memref<100000xf32, #tpu.memory_space<vmem>>[vector<16xi32>], vector<16xf32>,
        %mul3A_362 = arith.constant 10 : i32
        %mul3A_363 = arith.muli %scan3A_278, %mul3A_362 : i32
        %add3A_364 = arith.constant 6 : i32
        %add3A_365 = arith.addi %mul3A_363, %add3A_364 : i32
        %mul3A_366 = arith.constant 16 : i32
        %mul3A_367 = arith.muli %add3A_365, %mul3A_366 : i32
        %get3A_368 = arith.index_cast %mul3A_367 : i32 to index
        %get3A_369 = tpu.vector_load %arg12[%get3A_368] {strides = array<i32>} : memref<4000xi32, #tpu.memory_space<vmem>>, vector<16xi32>,
        %get3A_370 = arith.index_cast %mul3A_367 : i32 to index
        %get3A_371 = tpu.vector_load %arg13[%get3A_370] {strides = array<i32>} : memref<4000xi32, #tpu.memory_space<vmem>>, vector<16xi32>,
        %get3A_372 = arith.index_cast %mul3A_367 : i32 to index
        %get3A_373 = tpu.vector_load %arg14[%get3A_372] {strides = array<i32>} : memref<4000xf32, #tpu.memory_space<vmem>>, vector<16xf32>,
        %gather3A_374 = tpu.vector_load_idx %arg11[%get3A_369] : memref<10000xf32, #tpu.memory_space<vmem>>[vector<16xi32>], vector<16xf32>,
        %mul3A_375 = arith.mulf %gather3A_374, %get3A_373 : vector<16xf32>
        tpu.vector_store_idx %arg10[%get3A_371], %mul3A_375 {add = true} : memref<100000xf32, #tpu.memory_space<vmem>>[vector<16xi32>], vector<16xf32>,
        %mul3A_376 = arith.constant 10 : i32
        %mul3A_377 = arith.muli %scan3A_278, %mul3A_376 : i32
        %add3A_378 = arith.constant 7 : i32
        %add3A_379 = arith.addi %mul3A_377, %add3A_378 : i32
        %mul3A_380 = arith.constant 16 : i32
        %mul3A_381 = arith.muli %add3A_379, %mul3A_380 : i32
        %get3A_382 = arith.index_cast %mul3A_381 : i32 to index
        %get3A_383 = tpu.vector_load %arg12[%get3A_382] {strides = array<i32>} : memref<4000xi32, #tpu.memory_space<vmem>>, vector<16xi32>,
        %get3A_384 = arith.index_cast %mul3A_381 : i32 to index
        %get3A_385 = tpu.vector_load %arg13[%get3A_384] {strides = array<i32>} : memref<4000xi32, #tpu.memory_space<vmem>>, vector<16xi32>,
        %get3A_386 = arith.index_cast %mul3A_381 : i32 to index
        %get3A_387 = tpu.vector_load %arg14[%get3A_386] {strides = array<i32>} : memref<4000xf32, #tpu.memory_space<vmem>>, vector<16xf32>,
        %gather3A_388 = tpu.vector_load_idx %arg11[%get3A_383] : memref<10000xf32, #tpu.memory_space<vmem>>[vector<16xi32>], vector<16xf32>,
        %mul3A_389 = arith.mulf %gather3A_388, %get3A_387 : vector<16xf32>
        tpu.vector_store_idx %arg10[%get3A_385], %mul3A_389 {add = true} : memref<100000xf32, #tpu.memory_space<vmem>>[vector<16xi32>], vector<16xf32>,
        %mul3A_390 = arith.constant 10 : i32
        %mul3A_391 = arith.muli %scan3A_278, %mul3A_390 : i32
        %add3A_392 = arith.constant 8 : i32
        %add3A_393 = arith.addi %mul3A_391, %add3A_392 : i32
        %mul3A_394 = arith.constant 16 : i32
        %mul3A_395 = arith.muli %add3A_393, %mul3A_394 : i32
        %get3A_396 = arith.index_cast %mul3A_395 : i32 to index
        %get3A_397 = tpu.vector_load %arg12[%get3A_396] {strides = array<i32>} : memref<4000xi32, #tpu.memory_space<vmem>>, vector<16xi32>,
        %get3A_398 = arith.index_cast %mul3A_395 : i32 to index
        %get3A_399 = tpu.vector_load %arg13[%get3A_398] {strides = array<i32>} : memref<4000xi32, #tpu.memory_space<vmem>>, vector<16xi32>,
        %get3A_400 = arith.index_cast %mul3A_395 : i32 to index
        %get3A_401 = tpu.vector_load %arg14[%get3A_400] {strides = array<i32>} : memref<4000xf32, #tpu.memory_space<vmem>>, vector<16xf32>,
        %gather3A_402 = tpu.vector_load_idx %arg11[%get3A_397] : memref<10000xf32, #tpu.memory_space<vmem>>[vector<16xi32>], vector<16xf32>,
        %mul3A_403 = arith.mulf %gather3A_402, %get3A_401 : vector<16xf32>
        tpu.vector_store_idx %arg10[%get3A_399], %mul3A_403 {add = true} : memref<100000xf32, #tpu.memory_space<vmem>>[vector<16xi32>], vector<16xf32>,
        %mul3A_404 = arith.constant 10 : i32
        %mul3A_405 = arith.muli %scan3A_278, %mul3A_404 : i32
        %add3A_406 = arith.constant 9 : i32
        %add3A_407 = arith.addi %mul3A_405, %add3A_406 : i32
        %mul3A_408 = arith.constant 16 : i32
        %mul3A_409 = arith.muli %add3A_407, %mul3A_408 : i32
        %get3A_410 = arith.index_cast %mul3A_409 : i32 to index
        %get3A_411 = tpu.vector_load %arg12[%get3A_410] {strides = array<i32>} : memref<4000xi32, #tpu.memory_space<vmem>>, vector<16xi32>,
        %get3A_412 = arith.index_cast %mul3A_409 : i32 to index
        %get3A_413 = tpu.vector_load %arg13[%get3A_412] {strides = array<i32>} : memref<4000xi32, #tpu.memory_space<vmem>>, vector<16xi32>,
        %get3A_414 = arith.index_cast %mul3A_409 : i32 to index
        %get3A_415 = tpu.vector_load %arg14[%get3A_414] {strides = array<i32>} : memref<4000xf32, #tpu.memory_space<vmem>>, vector<16xf32>,
        %gather3A_416 = tpu.vector_load_idx %arg11[%get3A_411] : memref<10000xf32, #tpu.memory_space<vmem>>[vector<16xi32>], vector<16xf32>,
        %mul3A_417 = arith.mulf %gather3A_416, %get3A_415 : vector<16xf32>
        tpu.vector_store_idx %arg10[%get3A_413], %mul3A_417 {add = true} : memref<100000xf32, #tpu.memory_space<vmem>>[vector<16xi32>], vector<16xf32>,
        %scan3A_418 = arith.constant 0 : i32
        scf.yield %scan3A_418 : i32
      }
      %scan3A_276 = arith.constant 25 : i32
      %scan3A_277 = arith.constant 0 : i32
      scf.yield %scan3A_277 : i32
    }
    %scan3A_31 = arith.constant 100 : i32
    "tpu.region"() ({
      %run_scoped3A = tpu.sem_alloc : memref<!tpu.dma_semaphore, #tpu.memory_space<semaphore_mem>>
      %dma_start3A = arith.constant 0 : i32
      %dma_start3A_256 = tpu.memref_slice %arg9[%add3A_4, %dma_start3A] : memref<256x100000xf32, #tpu.memory_space<hbm>> -> memref<1x100000xf32, #tpu.memory_space<hbm>>
      %dma_start3A_257 = tpu.memref_squeeze %dma_start3A_256 : memref<1x100000xf32, #tpu.memory_space<hbm>> -> memref<100000xf32, #tpu.memory_space<hbm>>
      %dma_start3A_258 = arith.constant 0 : i32
      %dma_start3A_259 = tpu.memref_slice %arg9[%add3A_4, %dma_start3A_258] : memref<256x100000xf32, #tpu.memory_space<hbm>> -> memref<1x100000xf32, #tpu.memory_space<hbm>>
      %dma_start3A_260 = tpu.memref_squeeze %dma_start3A_259 : memref<1x100000xf32, #tpu.memory_space<hbm>> -> memref<100000xf32, #tpu.memory_space<hbm>>
      tpu.enqueue_dma source(%arg10 : memref<100000xf32, #tpu.memory_space<vmem>>) target(%dma_start3A_260 : memref<100000xf32, #tpu.memory_space<hbm>>) target_semaphore(%run_scoped3A : memref<!tpu.dma_semaphore, #tpu.memory_space<semaphore_mem>>)
      %dma_wait3A = arith.constant 0 : i32
      %dma_wait3A_261 = tpu.memref_slice %arg9[%add3A_4, %dma_wait3A] : memref<256x100000xf32, #tpu.memory_space<hbm>> -> memref<1x100000xf32, #tpu.memory_space<hbm>>
      %dma_wait3A_262 = tpu.memref_squeeze %dma_wait3A_261 : memref<1x100000xf32, #tpu.memory_space<hbm>> -> memref<100000xf32, #tpu.memory_space<hbm>>
      %dma_wait3A_263 = arith.constant 0 : i32
      %dma_wait3A_264 = tpu.memref_slice %arg9[%add3A_4, %dma_wait3A_263] : memref<256x100000xf32, #tpu.memory_space<hbm>> -> memref<1x100000xf32, #tpu.memory_space<hbm>>
      %dma_wait3A_265 = tpu.memref_squeeze %dma_wait3A_264 : memref<1x100000xf32, #tpu.memory_space<hbm>> -> memref<100000xf32, #tpu.memory_space<hbm>>
      tpu.wait_dma2 semaphore(%run_scoped3A : memref<!tpu.dma_semaphore, #tpu.memory_space<semaphore_mem>>) src(%arg10 : memref<100000xf32, #tpu.memory_space<vmem>>) dst(%dma_wait3A_265 : memref<100000xf32, #tpu.memory_space<hbm>>)
      tpu.yield
    }) : () -> ()
    %mul3A_32 = arith.constant 8 : i32
    %mul3A_33 = arith.muli %add3A, %mul3A_32 : i32
    %add3A_34 = arith.constant 1 : i32
    %add3A_35 = arith.addi %mul3A_33, %add3A_34 : i32
    "tpu.region"() ({
      %run_scoped3A = tpu.sem_alloc : memref<!tpu.dma_semaphore, #tpu.memory_space<semaphore_mem>>
      %dma_start3A = arith.constant 0 : i32
      %dma_start3A_256 = tpu.memref_slice %arg2[%add3A_35, %dma_start3A] : memref<256x100000xf32, #tpu.memory_space<hbm>> -> memref<1x100000xf32, #tpu.memory_space<hbm>>
      %dma_start3A_257 = tpu.memref_squeeze %dma_start3A_256 : memref<1x100000xf32, #tpu.memory_space<hbm>> -> memref<100000xf32, #tpu.memory_space<hbm>>
      %dma_start3A_258 = arith.constant 0 : i32
      %dma_start3A_259 = tpu.memref_slice %arg2[%add3A_35, %dma_start3A_258] : memref<256x100000xf32, #tpu.memory_space<hbm>> -> memref<1x100000xf32, #tpu.memory_space<hbm>>
      %dma_start3A_260 = tpu.memref_squeeze %dma_start3A_259 : memref<1x100000xf32, #tpu.memory_space<hbm>> -> memref<100000xf32, #tpu.memory_space<hbm>>
      tpu.enqueue_dma source(%dma_start3A_260 : memref<100000xf32, #tpu.memory_space<hbm>>) target(%arg10 : memref<100000xf32, #tpu.memory_space<vmem>>) target_semaphore(%run_scoped3A : memref<!tpu.dma_semaphore, #tpu.memory_space<semaphore_mem>>)
      %dma_wait3A = arith.constant 0 : i32
      %dma_wait3A_261 = tpu.memref_slice %arg2[%add3A_35, %dma_wait3A] : memref<256x100000xf32, #tpu.memory_space<hbm>> -> memref<1x100000xf32, #tpu.memory_space<hbm>>
      %dma_wait3A_262 = tpu.memref_squeeze %dma_wait3A_261 : memref<1x100000xf32, #tpu.memory_space<hbm>> -> memref<100000xf32, #tpu.memory_space<hbm>>
      %dma_wait3A_263 = arith.constant 0 : i32
      %dma_wait3A_264 = tpu.memref_slice %arg2[%add3A_35, %dma_wait3A_263] : memref<256x100000xf32, #tpu.memory_space<hbm>> -> memref<1x100000xf32, #tpu.memory_space<hbm>>
      %dma_wait3A_265 = tpu.memref_squeeze %dma_wait3A_264 : memref<1x100000xf32, #tpu.memory_space<hbm>> -> memref<100000xf32, #tpu.memory_space<hbm>>
      tpu.wait_dma2 semaphore(%run_scoped3A : memref<!tpu.dma_semaphore, #tpu.memory_space<semaphore_mem>>) src(%dma_wait3A_265 : memref<100000xf32, #tpu.memory_space<hbm>>) dst(%arg10 : memref<100000xf32, #tpu.memory_space<vmem>>)
      tpu.yield
    }) : () -> ()
    %scan3A_36 = arith.constant 0 : i32
    %scan3A_37 = arith.constant 0 : i32
    %scan3A_38 = arith.constant 625 : i32
    %scan3A_39 = arith.addi %scan3A_37, %scan3A_38 : i32
    %scan3A_40 = arith.constant 1 : i32
    %scan3A_41 = scf.for %scan3A_256 = %scan3A_37 to %scan3A_39 step %scan3A_40 iter_args(%scan3A_257 = %scan3A_36) -> (i32)  : i32 {
      %broadcast_in_dim3A = arith.constant 0.000000e+00 : f32
      %broadcast_in_dim3A_258 = vector.broadcast %broadcast_in_dim3A : f32 to vector<16xf32>
      %mul3A_259 = arith.constant 16 : i32
      %mul3A_260 = arith.muli %scan3A_256, %mul3A_259 : i32
      %swap3A = arith.index_cast %mul3A_260 : i32 to index
      %swap3A_261 = tpu.vector_load %arg11[%swap3A] {strides = array<i32>} : memref<10000xf32, #tpu.memory_space<vmem>>, vector<16xf32>,
      tpu.vector_store %arg11[%swap3A], %broadcast_in_dim3A_258 {strides = array<i32>} : memref<10000xf32, #tpu.memory_space<vmem>>, vector<16xf32>,
      %scan3A_262 = arith.constant 0 : i32
      scf.yield %scan3A_262 : i32
    }
    %scan3A_42 = arith.constant 625 : i32
    %scan3A_43 = arith.constant 0 : i32
    %scan3A_44 = arith.constant 0 : i32
    %scan3A_45 = arith.constant 100 : i32
    %scan3A_46 = arith.addi %scan3A_44, %scan3A_45 : i32
    %scan3A_47 = arith.constant 1 : i32
    %scan3A_48 = scf.for %scan3A_256 = %scan3A_44 to %scan3A_46 step %scan3A_47 iter_args(%scan3A_257 = %scan3A_43) -> (i32)  : i32 {
      %mul3A_258 = arith.constant 4000 : i32
      %mul3A_259 = arith.muli %scan3A_256, %mul3A_258 : i32
      %dma_start3A = tpu.memref_slice %arg3[%mul3A_259] : memref<400000xi32, #tpu.memory_space<hbm>> -> memref<4000xi32, #tpu.memory_space<hbm>>
      %dma_start3A_260 = tpu.memref_slice %arg3[%mul3A_259] : memref<400000xi32, #tpu.memory_space<hbm>> -> memref<4000xi32, #tpu.memory_space<hbm>>
      tpu.enqueue_dma source(%dma_start3A_260 : memref<4000xi32, #tpu.memory_space<hbm>>) target(%arg12 : memref<4000xi32, #tpu.memory_space<vmem>>) target_semaphore(%arg15 : memref<!tpu.dma_semaphore, #tpu.memory_space<semaphore_mem>>)
      %dma_start3A_261 = tpu.memref_slice %arg4[%mul3A_259] : memref<400000xi32, #tpu.memory_space<hbm>> -> memref<4000xi32, #tpu.memory_space<hbm>>
      %dma_start3A_262 = tpu.memref_slice %arg4[%mul3A_259] : memref<400000xi32, #tpu.memory_space<hbm>> -> memref<4000xi32, #tpu.memory_space<hbm>>
      tpu.enqueue_dma source(%dma_start3A_262 : memref<4000xi32, #tpu.memory_space<hbm>>) target(%arg13 : memref<4000xi32, #tpu.memory_space<vmem>>) target_semaphore(%arg16 : memref<!tpu.dma_semaphore, #tpu.memory_space<semaphore_mem>>)
      %dma_start3A_263 = tpu.memref_slice %arg5[%mul3A_259] : memref<400000xf32, #tpu.memory_space<hbm>> -> memref<4000xf32, #tpu.memory_space<hbm>>
      %dma_start3A_264 = tpu.memref_slice %arg5[%mul3A_259] : memref<400000xf32, #tpu.memory_space<hbm>> -> memref<4000xf32, #tpu.memory_space<hbm>>
      tpu.enqueue_dma source(%dma_start3A_264 : memref<4000xf32, #tpu.memory_space<hbm>>) target(%arg14 : memref<4000xf32, #tpu.memory_space<vmem>>) target_semaphore(%arg17 : memref<!tpu.dma_semaphore, #tpu.memory_space<semaphore_mem>>)
      %dma_wait3A = tpu.memref_slice %arg3[%mul3A_259] : memref<400000xi32, #tpu.memory_space<hbm>> -> memref<4000xi32, #tpu.memory_space<hbm>>
      %dma_wait3A_265 = tpu.memref_slice %arg3[%mul3A_259] : memref<400000xi32, #tpu.memory_space<hbm>> -> memref<4000xi32, #tpu.memory_space<hbm>>
      tpu.wait_dma2 semaphore(%arg15 : memref<!tpu.dma_semaphore, #tpu.memory_space<semaphore_mem>>) src(%dma_wait3A_265 : memref<4000xi32, #tpu.memory_space<hbm>>) dst(%arg12 : memref<4000xi32, #tpu.memory_space<vmem>>)
      %dma_wait3A_266 = tpu.memref_slice %arg4[%mul3A_259] : memref<400000xi32, #tpu.memory_space<hbm>> -> memref<4000xi32, #tpu.memory_space<hbm>>
      %dma_wait3A_267 = tpu.memref_slice %arg4[%mul3A_259] : memref<400000xi32, #tpu.memory_space<hbm>> -> memref<4000xi32, #tpu.memory_space<hbm>>
      tpu.wait_dma2 semaphore(%arg16 : memref<!tpu.dma_semaphore, #tpu.memory_space<semaphore_mem>>) src(%dma_wait3A_267 : memref<4000xi32, #tpu.memory_space<hbm>>) dst(%arg13 : memref<4000xi32, #tpu.memory_space<vmem>>)
      %dma_wait3A_268 = tpu.memref_slice %arg5[%mul3A_259] : memref<400000xf32, #tpu.memory_space<hbm>> -> memref<4000xf32, #tpu.memory_space<hbm>>
      %dma_wait3A_269 = tpu.memref_slice %arg5[%mul3A_259] : memref<400000xf32, #tpu.memory_space<hbm>> -> memref<4000xf32, #tpu.memory_space<hbm>>
      tpu.wait_dma2 semaphore(%arg17 : memref<!tpu.dma_semaphore, #tpu.memory_space<semaphore_mem>>) src(%dma_wait3A_269 : memref<4000xf32, #tpu.memory_space<hbm>>) dst(%arg14 : memref<4000xf32, #tpu.memory_space<vmem>>)
      %scan3A_270 = arith.constant 0 : i32
      %scan3A_271 = arith.constant 0 : i32
      %scan3A_272 = arith.constant 25 : i32
      %scan3A_273 = arith.addi %scan3A_271, %scan3A_272 : i32
      %scan3A_274 = arith.constant 1 : i32
      %scan3A_275 = scf.for %scan3A_278 = %scan3A_271 to %scan3A_273 step %scan3A_274 iter_args(%scan3A_279 = %scan3A_270) -> (i32)  : i32 {
        %mul3A_280 = arith.constant 10 : i32
        %mul3A_281 = arith.muli %scan3A_278, %mul3A_280 : i32
        %add3A_282 = arith.constant 0 : i32
        %add3A_283 = arith.addi %mul3A_281, %add3A_282 : i32
        %mul3A_284 = arith.constant 16 : i32
        %mul3A_285 = arith.muli %add3A_283, %mul3A_284 : i32
        %get3A = arith.index_cast %mul3A_285 : i32 to index
        %get3A_286 = tpu.vector_load %arg12[%get3A] {strides = array<i32>} : memref<4000xi32, #tpu.memory_space<vmem>>, vector<16xi32>,
        %get3A_287 = arith.index_cast %mul3A_285 : i32 to index
        %get3A_288 = tpu.vector_load %arg13[%get3A_287] {strides = array<i32>} : memref<4000xi32, #tpu.memory_space<vmem>>, vector<16xi32>,
        %get3A_289 = arith.index_cast %mul3A_285 : i32 to index
        %get3A_290 = tpu.vector_load %arg14[%get3A_289] {strides = array<i32>} : memref<4000xf32, #tpu.memory_space<vmem>>, vector<16xf32>,
        %gather3A = tpu.vector_load_idx %arg10[%get3A_286] : memref<100000xf32, #tpu.memory_space<vmem>>[vector<16xi32>], vector<16xf32>,
        %mul3A_291 = arith.mulf %gather3A, %get3A_290 : vector<16xf32>
        tpu.vector_store_idx %arg11[%get3A_288], %mul3A_291 {add = true} : memref<10000xf32, #tpu.memory_space<vmem>>[vector<16xi32>], vector<16xf32>,
        %mul3A_292 = arith.constant 10 : i32
        %mul3A_293 = arith.muli %scan3A_278, %mul3A_292 : i32
        %add3A_294 = arith.constant 1 : i32
        %add3A_295 = arith.addi %mul3A_293, %add3A_294 : i32
        %mul3A_296 = arith.constant 16 : i32
        %mul3A_297 = arith.muli %add3A_295, %mul3A_296 : i32
        %get3A_298 = arith.index_cast %mul3A_297 : i32 to index
        %get3A_299 = tpu.vector_load %arg12[%get3A_298] {strides = array<i32>} : memref<4000xi32, #tpu.memory_space<vmem>>, vector<16xi32>,
        %get3A_300 = arith.index_cast %mul3A_297 : i32 to index
        %get3A_301 = tpu.vector_load %arg13[%get3A_300] {strides = array<i32>} : memref<4000xi32, #tpu.memory_space<vmem>>, vector<16xi32>,
        %get3A_302 = arith.index_cast %mul3A_297 : i32 to index
        %get3A_303 = tpu.vector_load %arg14[%get3A_302] {strides = array<i32>} : memref<4000xf32, #tpu.memory_space<vmem>>, vector<16xf32>,
        %gather3A_304 = tpu.vector_load_idx %arg10[%get3A_299] : memref<100000xf32, #tpu.memory_space<vmem>>[vector<16xi32>], vector<16xf32>,
        %mul3A_305 = arith.mulf %gather3A_304, %get3A_303 : vector<16xf32>
        tpu.vector_store_idx %arg11[%get3A_301], %mul3A_305 {add = true} : memref<10000xf32, #tpu.memory_space<vmem>>[vector<16xi32>], vector<16xf32>,
        %mul3A_306 = arith.constant 10 : i32
        %mul3A_307 = arith.muli %scan3A_278, %mul3A_306 : i32
        %add3A_308 = arith.constant 2 : i32
        %add3A_309 = arith.addi %mul3A_307, %add3A_308 : i32
        %mul3A_310 = arith.constant 16 : i32
        %mul3A_311 = arith.muli %add3A_309, %mul3A_310 : i32
        %get3A_312 = arith.index_cast %mul3A_311 : i32 to index
        %get3A_313 = tpu.vector_load %arg12[%get3A_312] {strides = array<i32>} : memref<4000xi32, #tpu.memory_space<vmem>>, vector<16xi32>,
        %get3A_314 = arith.index_cast %mul3A_311 : i32 to index
        %get3A_315 = tpu.vector_load %arg13[%get3A_314] {strides = array<i32>} : memref<4000xi32, #tpu.memory_space<vmem>>, vector<16xi32>,
        %get3A_316 = arith.index_cast %mul3A_311 : i32 to index
        %get3A_317 = tpu.vector_load %arg14[%get3A_316] {strides = array<i32>} : memref<4000xf32, #tpu.memory_space<vmem>>, vector<16xf32>,
        %gather3A_318 = tpu.vector_load_idx %arg10[%get3A_313] : memref<100000xf32, #tpu.memory_space<vmem>>[vector<16xi32>], vector<16xf32>,
        %mul3A_319 = arith.mulf %gather3A_318, %get3A_317 : vector<16xf32>
        tpu.vector_store_idx %arg11[%get3A_315], %mul3A_319 {add = true} : memref<10000xf32, #tpu.memory_space<vmem>>[vector<16xi32>], vector<16xf32>,
        %mul3A_320 = arith.constant 10 : i32
        %mul3A_321 = arith.muli %scan3A_278, %mul3A_320 : i32
        %add3A_322 = arith.constant 3 : i32
        %add3A_323 = arith.addi %mul3A_321, %add3A_322 : i32
        %mul3A_324 = arith.constant 16 : i32
        %mul3A_325 = arith.muli %add3A_323, %mul3A_324 : i32
        %get3A_326 = arith.index_cast %mul3A_325 : i32 to index
        %get3A_327 = tpu.vector_load %arg12[%get3A_326] {strides = array<i32>} : memref<4000xi32, #tpu.memory_space<vmem>>, vector<16xi32>,
        %get3A_328 = arith.index_cast %mul3A_325 : i32 to index
        %get3A_329 = tpu.vector_load %arg13[%get3A_328] {strides = array<i32>} : memref<4000xi32, #tpu.memory_space<vmem>>, vector<16xi32>,
        %get3A_330 = arith.index_cast %mul3A_325 : i32 to index
        %get3A_331 = tpu.vector_load %arg14[%get3A_330] {strides = array<i32>} : memref<4000xf32, #tpu.memory_space<vmem>>, vector<16xf32>,
        %gather3A_332 = tpu.vector_load_idx %arg10[%get3A_327] : memref<100000xf32, #tpu.memory_space<vmem>>[vector<16xi32>], vector<16xf32>,
        %mul3A_333 = arith.mulf %gather3A_332, %get3A_331 : vector<16xf32>
        tpu.vector_store_idx %arg11[%get3A_329], %mul3A_333 {add = true} : memref<10000xf32, #tpu.memory_space<vmem>>[vector<16xi32>], vector<16xf32>,
        %mul3A_334 = arith.constant 10 : i32
        %mul3A_335 = arith.muli %scan3A_278, %mul3A_334 : i32
        %add3A_336 = arith.constant 4 : i32
        %add3A_337 = arith.addi %mul3A_335, %add3A_336 : i32
        %mul3A_338 = arith.constant 16 : i32
        %mul3A_339 = arith.muli %add3A_337, %mul3A_338 : i32
        %get3A_340 = arith.index_cast %mul3A_339 : i32 to index
        %get3A_341 = tpu.vector_load %arg12[%get3A_340] {strides = array<i32>} : memref<4000xi32, #tpu.memory_space<vmem>>, vector<16xi32>,
        %get3A_342 = arith.index_cast %mul3A_339 : i32 to index
        %get3A_343 = tpu.vector_load %arg13[%get3A_342] {strides = array<i32>} : memref<4000xi32, #tpu.memory_space<vmem>>, vector<16xi32>,
        %get3A_344 = arith.index_cast %mul3A_339 : i32 to index
        %get3A_345 = tpu.vector_load %arg14[%get3A_344] {strides = array<i32>} : memref<4000xf32, #tpu.memory_space<vmem>>, vector<16xf32>,
        %gather3A_346 = tpu.vector_load_idx %arg10[%get3A_341] : memref<100000xf32, #tpu.memory_space<vmem>>[vector<16xi32>], vector<16xf32>,
        %mul3A_347 = arith.mulf %gather3A_346, %get3A_345 : vector<16xf32>
        tpu.vector_store_idx %arg11[%get3A_343], %mul3A_347 {add = true} : memref<10000xf32, #tpu.memory_space<vmem>>[vector<16xi32>], vector<16xf32>,
        %mul3A_348 = arith.constant 10 : i32
        %mul3A_349 = arith.muli %scan3A_278, %mul3A_348 : i32
        %add3A_350 = arith.constant 5 : i32
        %add3A_351 = arith.addi %mul3A_349, %add3A_350 : i32
        %mul3A_352 = arith.constant 16 : i32
        %mul3A_353 = arith.muli %add3A_351, %mul3A_352 : i32
        %get3A_354 = arith.index_cast %mul3A_353 : i32 to index
        %get3A_355 = tpu.vector_load %arg12[%get3A_354] {strides = array<i32>} : memref<4000xi32, #tpu.memory_space<vmem>>, vector<16xi32>,
        %get3A_356 = arith.index_cast %mul3A_353 : i32 to index
        %get3A_357 = tpu.vector_load %arg13[%get3A_356] {strides = array<i32>} : memref<4000xi32, #tpu.memory_space<vmem>>, vector<16xi32>,
        %get3A_358 = arith.index_cast %mul3A_353 : i32 to index
        %get3A_359 = tpu.vector_load %arg14[%get3A_358] {strides = array<i32>} : memref<4000xf32, #tpu.memory_space<vmem>>, vector<16xf32>,
        %gather3A_360 = tpu.vector_load_idx %arg10[%get3A_355] : memref<100000xf32, #tpu.memory_space<vmem>>[vector<16xi32>], vector<16xf32>,
        %mul3A_361 = arith.mulf %gather3A_360, %get3A_359 : vector<16xf32>
        tpu.vector_store_idx %arg11[%get3A_357], %mul3A_361 {add = true} : memref<10000xf32, #tpu.memory_space<vmem>>[vector<16xi32>], vector<16xf32>,
        %mul3A_362 = arith.constant 10 : i32
        %mul3A_363 = arith.muli %scan3A_278, %mul3A_362 : i32
        %add3A_364 = arith.constant 6 : i32
        %add3A_365 = arith.addi %mul3A_363, %add3A_364 : i32
        %mul3A_366 = arith.constant 16 : i32
        %mul3A_367 = arith.muli %add3A_365, %mul3A_366 : i32
        %get3A_368 = arith.index_cast %mul3A_367 : i32 to index
        %get3A_369 = tpu.vector_load %arg12[%get3A_368] {strides = array<i32>} : memref<4000xi32, #tpu.memory_space<vmem>>, vector<16xi32>,
        %get3A_370 = arith.index_cast %mul3A_367 : i32 to index
        %get3A_371 = tpu.vector_load %arg13[%get3A_370] {strides = array<i32>} : memref<4000xi32, #tpu.memory_space<vmem>>, vector<16xi32>,
        %get3A_372 = arith.index_cast %mul3A_367 : i32 to index
        %get3A_373 = tpu.vector_load %arg14[%get3A_372] {strides = array<i32>} : memref<4000xf32, #tpu.memory_space<vmem>>, vector<16xf32>,
        %gather3A_374 = tpu.vector_load_idx %arg10[%get3A_369] : memref<100000xf32, #tpu.memory_space<vmem>>[vector<16xi32>], vector<16xf32>,
        %mul3A_375 = arith.mulf %gather3A_374, %get3A_373 : vector<16xf32>
        tpu.vector_store_idx %arg11[%get3A_371], %mul3A_375 {add = true} : memref<10000xf32, #tpu.memory_space<vmem>>[vector<16xi32>], vector<16xf32>,
        %mul3A_376 = arith.constant 10 : i32
        %mul3A_377 = arith.muli %scan3A_278, %mul3A_376 : i32
        %add3A_378 = arith.constant 7 : i32
        %add3A_379 = arith.addi %mul3A_377, %add3A_378 : i32
        %mul3A_380 = arith.constant 16 : i32
        %mul3A_381 = arith.muli %add3A_379, %mul3A_380 : i32
        %get3A_382 = arith.index_cast %mul3A_381 : i32 to index
        %get3A_383 = tpu.vector_load %arg12[%get3A_382] {strides = array<i32>} : memref<4000xi32, #tpu.memory_space<vmem>>, vector<16xi32>,
        %get3A_384 = arith.index_cast %mul3A_381 : i32 to index
        %get3A_385 = tpu.vector_load %arg13[%get3A_384] {strides = array<i32>} : memref<4000xi32, #tpu.memory_space<vmem>>, vector<16xi32>,
        %get3A_386 = arith.index_cast %mul3A_381 : i32 to index
        %get3A_387 = tpu.vector_load %arg14[%get3A_386] {strides = array<i32>} : memref<4000xf32, #tpu.memory_space<vmem>>, vector<16xf32>,
        %gather3A_388 = tpu.vector_load_idx %arg10[%get3A_383] : memref<100000xf32, #tpu.memory_space<vmem>>[vector<16xi32>], vector<16xf32>,
        %mul3A_389 = arith.mulf %gather3A_388, %get3A_387 : vector<16xf32>
        tpu.vector_store_idx %arg11[%get3A_385], %mul3A_389 {add = true} : memref<10000xf32, #tpu.memory_space<vmem>>[vector<16xi32>], vector<16xf32>,
        %mul3A_390 = arith.constant 10 : i32
        %mul3A_391 = arith.muli %scan3A_278, %mul3A_390 : i32
        %add3A_392 = arith.constant 8 : i32
        %add3A_393 = arith.addi %mul3A_391, %add3A_392 : i32
        %mul3A_394 = arith.constant 16 : i32
        %mul3A_395 = arith.muli %add3A_393, %mul3A_394 : i32
        %get3A_396 = arith.index_cast %mul3A_395 : i32 to index
        %get3A_397 = tpu.vector_load %arg12[%get3A_396] {strides = array<i32>} : memref<4000xi32, #tpu.memory_space<vmem>>, vector<16xi32>,
        %get3A_398 = arith.index_cast %mul3A_395 : i32 to index
        %get3A_399 = tpu.vector_load %arg13[%get3A_398] {strides = array<i32>} : memref<4000xi32, #tpu.memory_space<vmem>>, vector<16xi32>,
        %get3A_400 = arith.index_cast %mul3A_395 : i32 to index
        %get3A_401 = tpu.vector_load %arg14[%get3A_400] {strides = array<i32>} : memref<4000xf32, #tpu.memory_space<vmem>>, vector<16xf32>,
        %gather3A_402 = tpu.vector_load_idx %arg10[%get3A_397] : memref<100000xf32, #tpu.memory_space<vmem>>[vector<16xi32>], vector<16xf32>,
        %mul3A_403 = arith.mulf %gather3A_402, %get3A_401 : vector<16xf32>
        tpu.vector_store_idx %arg11[%get3A_399], %mul3A_403 {add = true} : memref<10000xf32, #tpu.memory_space<vmem>>[vector<16xi32>], vector<16xf32>,
        %mul3A_404 = arith.constant 10 : i32
        %mul3A_405 = arith.muli %scan3A_278, %mul3A_404 : i32
        %add3A_406 = arith.constant 9 : i32
        %add3A_407 = arith.addi %mul3A_405, %add3A_406 : i32
        %mul3A_408 = arith.constant 16 : i32
        %mul3A_409 = arith.muli %add3A_407, %mul3A_408 : i32
        %get3A_410 = arith.index_cast %mul3A_409 : i32 to index
        %get3A_411 = tpu.vector_load %arg12[%get3A_410] {strides = array<i32>} : memref<4000xi32, #tpu.memory_space<vmem>>, vector<16xi32>,
        %get3A_412 = arith.index_cast %mul3A_409 : i32 to index
        %get3A_413 = tpu.vector_load %arg13[%get3A_412] {strides = array<i32>} : memref<4000xi32, #tpu.memory_space<vmem>>, vector<16xi32>,
        %get3A_414 = arith.index_cast %mul3A_409 : i32 to index
        %get3A_415 = tpu.vector_load %arg14[%get3A_414] {strides = array<i32>} : memref<4000xf32, #tpu.memory_space<vmem>>, vector<16xf32>,
        %gather3A_416 = tpu.vector_load_idx %arg10[%get3A_411] : memref<100000xf32, #tpu.memory_space<vmem>>[vector<16xi32>], vector<16xf32>,
        %mul3A_417 = arith.mulf %gather3A_416, %get3A_415 : vector<16xf32>
        tpu.vector_store_idx %arg11[%get3A_413], %mul3A_417 {add = true} : memref<10000xf32, #tpu.memory_space<vmem>>[vector<16xi32>], vector<16xf32>,
        %scan3A_418 = arith.constant 0 : i32
        scf.yield %scan3A_418 : i32
      }
      %scan3A_276 = arith.constant 25 : i32
      %scan3A_277 = arith.constant 0 : i32
      scf.yield %scan3A_277 : i32
    }
    %scan3A_49 = arith.constant 100 : i32
    %scan3A_50 = arith.constant 0 : i32
    %scan3A_51 = arith.constant 0 : i32
    %scan3A_52 = arith.constant 6250 : i32
    %scan3A_53 = arith.addi %scan3A_51, %scan3A_52 : i32
    %scan3A_54 = arith.constant 1 : i32
    %scan3A_55 = scf.for %scan3A_256 = %scan3A_51 to %scan3A_53 step %scan3A_54 iter_args(%scan3A_257 = %scan3A_50) -> (i32)  : i32 {
      %broadcast_in_dim3A = arith.constant 0.000000e+00 : f32
      %broadcast_in_dim3A_258 = vector.broadcast %broadcast_in_dim3A : f32 to vector<16xf32>
      %mul3A_259 = arith.constant 16 : i32
      %mul3A_260 = arith.muli %scan3A_256, %mul3A_259 : i32
      %swap3A = arith.index_cast %mul3A_260 : i32 to index
      %swap3A_261 = tpu.vector_load %arg10[%swap3A] {strides = array<i32>} : memref<100000xf32, #tpu.memory_space<vmem>>, vector<16xf32>,
      tpu.vector_store %arg10[%swap3A], %broadcast_in_dim3A_258 {strides = array<i32>} : memref<100000xf32, #tpu.memory_space<vmem>>, vector<16xf32>,
      %scan3A_262 = arith.constant 0 : i32
      scf.yield %scan3A_262 : i32
    }
    %scan3A_56 = arith.constant 6250 : i32
    %scan3A_57 = arith.constant 0 : i32
    %scan3A_58 = arith.constant 0 : i32
    %scan3A_59 = arith.constant 100 : i32
    %scan3A_60 = arith.addi %scan3A_58, %scan3A_59 : i32
    %scan3A_61 = arith.constant 1 : i32
    %scan3A_62 = scf.for %scan3A_256 = %scan3A_58 to %scan3A_60 step %scan3A_61 iter_args(%scan3A_257 = %scan3A_57) -> (i32)  : i32 {
      %mul3A_258 = arith.constant 4000 : i32
      %mul3A_259 = arith.muli %scan3A_256, %mul3A_258 : i32
      %dma_start3A = tpu.memref_slice %arg6[%mul3A_259] : memref<400000xi32, #tpu.memory_space<hbm>> -> memref<4000xi32, #tpu.memory_space<hbm>>
      %dma_start3A_260 = tpu.memref_slice %arg6[%mul3A_259] : memref<400000xi32, #tpu.memory_space<hbm>> -> memref<4000xi32, #tpu.memory_space<hbm>>
      tpu.enqueue_dma source(%dma_start3A_260 : memref<4000xi32, #tpu.memory_space<hbm>>) target(%arg12 : memref<4000xi32, #tpu.memory_space<vmem>>) target_semaphore(%arg15 : memref<!tpu.dma_semaphore, #tpu.memory_space<semaphore_mem>>)
      %dma_start3A_261 = tpu.memref_slice %arg7[%mul3A_259] : memref<400000xi32, #tpu.memory_space<hbm>> -> memref<4000xi32, #tpu.memory_space<hbm>>
      %dma_start3A_262 = tpu.memref_slice %arg7[%mul3A_259] : memref<400000xi32, #tpu.memory_space<hbm>> -> memref<4000xi32, #tpu.memory_space<hbm>>
      tpu.enqueue_dma source(%dma_start3A_262 : memref<4000xi32, #tpu.memory_space<hbm>>) target(%arg13 : memref<4000xi32, #tpu.memory_space<vmem>>) target_semaphore(%arg16 : memref<!tpu.dma_semaphore, #tpu.memory_space<semaphore_mem>>)
      %dma_start3A_263 = tpu.memref_slice %arg8[%mul3A_259] : memref<400000xf32, #tpu.memory_space<hbm>> -> memref<4000xf32, #tpu.memory_space<hbm>>
      %dma_start3A_264 = tpu.memref_slice %arg8[%mul3A_259] : memref<400000xf32, #tpu.memory_space<hbm>> -> memref<4000xf32, #tpu.memory_space<hbm>>
      tpu.enqueue_dma source(%dma_start3A_264 : memref<4000xf32, #tpu.memory_space<hbm>>) target(%arg14 : memref<4000xf32, #tpu.memory_space<vmem>>) target_semaphore(%arg17 : memref<!tpu.dma_semaphore, #tpu.memory_space<semaphore_mem>>)
      %dma_wait3A = tpu.memref_slice %arg6[%mul3A_259] : memref<400000xi32, #tpu.memory_space<hbm>> -> memref<4000xi32, #tpu.memory_space<hbm>>
      %dma_wait3A_265 = tpu.memref_slice %arg6[%mul3A_259] : memref<400000xi32, #tpu.memory_space<hbm>> -> memref<4000xi32, #tpu.memory_space<hbm>>
      tpu.wait_dma2 semaphore(%arg15 : memref<!tpu.dma_semaphore, #tpu.memory_space<semaphore_mem>>) src(%dma_wait3A_265 : memref<4000xi32, #tpu.memory_space<hbm>>) dst(%arg12 : memref<4000xi32, #tpu.memory_space<vmem>>)
      %dma_wait3A_266 = tpu.memref_slice %arg7[%mul3A_259] : memref<400000xi32, #tpu.memory_space<hbm>> -> memref<4000xi32, #tpu.memory_space<hbm>>
      %dma_wait3A_267 = tpu.memref_slice %arg7[%mul3A_259] : memref<400000xi32, #tpu.memory_space<hbm>> -> memref<4000xi32, #tpu.memory_space<hbm>>
      tpu.wait_dma2 semaphore(%arg16 : memref<!tpu.dma_semaphore, #tpu.memory_space<semaphore_mem>>) src(%dma_wait3A_267 : memref<4000xi32, #tpu.memory_space<hbm>>) dst(%arg13 : memref<4000xi32, #tpu.memory_space<vmem>>)
      %dma_wait3A_268 = tpu.memref_slice %arg8[%mul3A_259] : memref<400000xf32, #tpu.memory_space<hbm>> -> memref<4000xf32, #tpu.memory_space<hbm>>
      %dma_wait3A_269 = tpu.memref_slice %arg8[%mul3A_259] : memref<400000xf32, #tpu.memory_space<hbm>> -> memref<4000xf32, #tpu.memory_space<hbm>>
      tpu.wait_dma2 semaphore(%arg17 : memref<!tpu.dma_semaphore, #tpu.memory_space<semaphore_mem>>) src(%dma_wait3A_269 : memref<4000xf32, #tpu.memory_space<hbm>>) dst(%arg14 : memref<4000xf32, #tpu.memory_space<vmem>>)
      %scan3A_270 = arith.constant 0 : i32
      %scan3A_271 = arith.constant 0 : i32
      %scan3A_272 = arith.constant 25 : i32
      %scan3A_273 = arith.addi %scan3A_271, %scan3A_272 : i32
      %scan3A_274 = arith.constant 1 : i32
      %scan3A_275 = scf.for %scan3A_278 = %scan3A_271 to %scan3A_273 step %scan3A_274 iter_args(%scan3A_279 = %scan3A_270) -> (i32)  : i32 {
        %mul3A_280 = arith.constant 10 : i32
        %mul3A_281 = arith.muli %scan3A_278, %mul3A_280 : i32
        %add3A_282 = arith.constant 0 : i32
        %add3A_283 = arith.addi %mul3A_281, %add3A_282 : i32
        %mul3A_284 = arith.constant 16 : i32
        %mul3A_285 = arith.muli %add3A_283, %mul3A_284 : i32
        %get3A = arith.index_cast %mul3A_285 : i32 to index
        %get3A_286 = tpu.vector_load %arg12[%get3A] {strides = array<i32>} : memref<4000xi32, #tpu.memory_space<vmem>>, vector<16xi32>,
        %get3A_287 = arith.index_cast %mul3A_285 : i32 to index
        %get3A_288 = tpu.vector_load %arg13[%get3A_287] {strides = array<i32>} : memref<4000xi32, #tpu.memory_space<vmem>>, vector<16xi32>,
        %get3A_289 = arith.index_cast %mul3A_285 : i32 to index
        %get3A_290 = tpu.vector_load %arg14[%get3A_289] {strides = array<i32>} : memref<4000xf32, #tpu.memory_space<vmem>>, vector<16xf32>,
        %gather3A = tpu.vector_load_idx %arg11[%get3A_286] : memref<10000xf32, #tpu.memory_space<vmem>>[vector<16xi32>], vector<16xf32>,
        %mul3A_291 = arith.mulf %gather3A, %get3A_290 : vector<16xf32>
        tpu.vector_store_idx %arg10[%get3A_288], %mul3A_291 {add = true} : memref<100000xf32, #tpu.memory_space<vmem>>[vector<16xi32>], vector<16xf32>,
        %mul3A_292 = arith.constant 10 : i32
        %mul3A_293 = arith.muli %scan3A_278, %mul3A_292 : i32
        %add3A_294 = arith.constant 1 : i32
        %add3A_295 = arith.addi %mul3A_293, %add3A_294 : i32
        %mul3A_296 = arith.constant 16 : i32
        %mul3A_297 = arith.muli %add3A_295, %mul3A_296 : i32
        %get3A_298 = arith.index_cast %mul3A_297 : i32 to index
        %get3A_299 = tpu.vector_load %arg12[%get3A_298] {strides = array<i32>} : memref<4000xi32, #tpu.memory_space<vmem>>, vector<16xi32>,
        %get3A_300 = arith.index_cast %mul3A_297 : i32 to index
        %get3A_301 = tpu.vector_load %arg13[%get3A_300] {strides = array<i32>} : memref<4000xi32, #tpu.memory_space<vmem>>, vector<16xi32>,
        %get3A_302 = arith.index_cast %mul3A_297 : i32 to index
        %get3A_303 = tpu.vector_load %arg14[%get3A_302] {strides = array<i32>} : memref<4000xf32, #tpu.memory_space<vmem>>, vector<16xf32>,
        %gather3A_304 = tpu.vector_load_idx %arg11[%get3A_299] : memref<10000xf32, #tpu.memory_space<vmem>>[vector<16xi32>], vector<16xf32>,
        %mul3A_305 = arith.mulf %gather3A_304, %get3A_303 : vector<16xf32>
        tpu.vector_store_idx %arg10[%get3A_301], %mul3A_305 {add = true} : memref<100000xf32, #tpu.memory_space<vmem>>[vector<16xi32>], vector<16xf32>,
        %mul3A_306 = arith.constant 10 : i32
        %mul3A_307 = arith.muli %scan3A_278, %mul3A_306 : i32
        %add3A_308 = arith.constant 2 : i32
        %add3A_309 = arith.addi %mul3A_307, %add3A_308 : i32
        %mul3A_310 = arith.constant 16 : i32
        %mul3A_311 = arith.muli %add3A_309, %mul3A_310 : i32
        %get3A_312 = arith.index_cast %mul3A_311 : i32 to index
        %get3A_313 = tpu.vector_load %arg12[%get3A_312] {strides = array<i32>} : memref<4000xi32, #tpu.memory_space<vmem>>, vector<16xi32>,
        %get3A_314 = arith.index_cast %mul3A_311 : i32 to index
        %get3A_315 = tpu.vector_load %arg13[%get3A_314] {strides = array<i32>} : memref<4000xi32, #tpu.memory_space<vmem>>, vector<16xi32>,
        %get3A_316 = arith.index_cast %mul3A_311 : i32 to index
        %get3A_317 = tpu.vector_load %arg14[%get3A_316] {strides = array<i32>} : memref<4000xf32, #tpu.memory_space<vmem>>, vector<16xf32>,
        %gather3A_318 = tpu.vector_load_idx %arg11[%get3A_313] : memref<10000xf32, #tpu.memory_space<vmem>>[vector<16xi32>], vector<16xf32>,
        %mul3A_319 = arith.mulf %gather3A_318, %get3A_317 : vector<16xf32>
        tpu.vector_store_idx %arg10[%get3A_315], %mul3A_319 {add = true} : memref<100000xf32, #tpu.memory_space<vmem>>[vector<16xi32>], vector<16xf32>,
        %mul3A_320 = arith.constant 10 : i32
        %mul3A_321 = arith.muli %scan3A_278, %mul3A_320 : i32
        %add3A_322 = arith.constant 3 : i32
        %add3A_323 = arith.addi %mul3A_321, %add3A_322 : i32
        %mul3A_324 = arith.constant 16 : i32
        %mul3A_325 = arith.muli %add3A_323, %mul3A_324 : i32
        %get3A_326 = arith.index_cast %mul3A_325 : i32 to index
        %get3A_327 = tpu.vector_load %arg12[%get3A_326] {strides = array<i32>} : memref<4000xi32, #tpu.memory_space<vmem>>, vector<16xi32>,
        %get3A_328 = arith.index_cast %mul3A_325 : i32 to index
        %get3A_329 = tpu.vector_load %arg13[%get3A_328] {strides = array<i32>} : memref<4000xi32, #tpu.memory_space<vmem>>, vector<16xi32>,
        %get3A_330 = arith.index_cast %mul3A_325 : i32 to index
        %get3A_331 = tpu.vector_load %arg14[%get3A_330] {strides = array<i32>} : memref<4000xf32, #tpu.memory_space<vmem>>, vector<16xf32>,
        %gather3A_332 = tpu.vector_load_idx %arg11[%get3A_327] : memref<10000xf32, #tpu.memory_space<vmem>>[vector<16xi32>], vector<16xf32>,
        %mul3A_333 = arith.mulf %gather3A_332, %get3A_331 : vector<16xf32>
        tpu.vector_store_idx %arg10[%get3A_329], %mul3A_333 {add = true} : memref<100000xf32, #tpu.memory_space<vmem>>[vector<16xi32>], vector<16xf32>,
        %mul3A_334 = arith.constant 10 : i32
        %mul3A_335 = arith.muli %scan3A_278, %mul3A_334 : i32
        %add3A_336 = arith.constant 4 : i32
        %add3A_337 = arith.addi %mul3A_335, %add3A_336 : i32
        %mul3A_338 = arith.constant 16 : i32
        %mul3A_339 = arith.muli %add3A_337, %mul3A_338 : i32
        %get3A_340 = arith.index_cast %mul3A_339 : i32 to index
        %get3A_341 = tpu.vector_load %arg12[%get3A_340] {strides = array<i32>} : memref<4000xi32, #tpu.memory_space<vmem>>, vector<16xi32>,
        %get3A_342 = arith.index_cast %mul3A_339 : i32 to index
        %get3A_343 = tpu.vector_load %arg13[%get3A_342] {strides = array<i32>} : memref<4000xi32, #tpu.memory_space<vmem>>, vector<16xi32>,
        %get3A_344 = arith.index_cast %mul3A_339 : i32 to index
        %get3A_345 = tpu.vector_load %arg14[%get3A_344] {strides = array<i32>} : memref<4000xf32, #tpu.memory_space<vmem>>, vector<16xf32>,
        %gather3A_346 = tpu.vector_load_idx %arg11[%get3A_341] : memref<10000xf32, #tpu.memory_space<vmem>>[vector<16xi32>], vector<16xf32>,
        %mul3A_347 = arith.mulf %gather3A_346, %get3A_345 : vector<16xf32>
        tpu.vector_store_idx %arg10[%get3A_343], %mul3A_347 {add = true} : memref<100000xf32, #tpu.memory_space<vmem>>[vector<16xi32>], vector<16xf32>,
        %mul3A_348 = arith.constant 10 : i32
        %mul3A_349 = arith.muli %scan3A_278, %mul3A_348 : i32
        %add3A_350 = arith.constant 5 : i32
        %add3A_351 = arith.addi %mul3A_349, %add3A_350 : i32
        %mul3A_352 = arith.constant 16 : i32
        %mul3A_353 = arith.muli %add3A_351, %mul3A_352 : i32
        %get3A_354 = arith.index_cast %mul3A_353 : i32 to index
        %get3A_355 = tpu.vector_load %arg12[%get3A_354] {strides = array<i32>} : memref<4000xi32, #tpu.memory_space<vmem>>, vector<16xi32>,
        %get3A_356 = arith.index_cast %mul3A_353 : i32 to index
        %get3A_357 = tpu.vector_load %arg13[%get3A_356] {strides = array<i32>} : memref<4000xi32, #tpu.memory_space<vmem>>, vector<16xi32>,
        %get3A_358 = arith.index_cast %mul3A_353 : i32 to index
        %get3A_359 = tpu.vector_load %arg14[%get3A_358] {strides = array<i32>} : memref<4000xf32, #tpu.memory_space<vmem>>, vector<16xf32>,
        %gather3A_360 = tpu.vector_load_idx %arg11[%get3A_355] : memref<10000xf32, #tpu.memory_space<vmem>>[vector<16xi32>], vector<16xf32>,
        %mul3A_361 = arith.mulf %gather3A_360, %get3A_359 : vector<16xf32>
        tpu.vector_store_idx %arg10[%get3A_357], %mul3A_361 {add = true} : memref<100000xf32, #tpu.memory_space<vmem>>[vector<16xi32>], vector<16xf32>,
        %mul3A_362 = arith.constant 10 : i32
        %mul3A_363 = arith.muli %scan3A_278, %mul3A_362 : i32
        %add3A_364 = arith.constant 6 : i32
        %add3A_365 = arith.addi %mul3A_363, %add3A_364 : i32
        %mul3A_366 = arith.constant 16 : i32
        %mul3A_367 = arith.muli %add3A_365, %mul3A_366 : i32
        %get3A_368 = arith.index_cast %mul3A_367 : i32 to index
        %get3A_369 = tpu.vector_load %arg12[%get3A_368] {strides = array<i32>} : memref<4000xi32, #tpu.memory_space<vmem>>, vector<16xi32>,
        %get3A_370 = arith.index_cast %mul3A_367 : i32 to index
        %get3A_371 = tpu.vector_load %arg13[%get3A_370] {strides = array<i32>} : memref<4000xi32, #tpu.memory_space<vmem>>, vector<16xi32>,
        %get3A_372 = arith.index_cast %mul3A_367 : i32 to index
        %get3A_373 = tpu.vector_load %arg14[%get3A_372] {strides = array<i32>} : memref<4000xf32, #tpu.memory_space<vmem>>, vector<16xf32>,
        %gather3A_374 = tpu.vector_load_idx %arg11[%get3A_369] : memref<10000xf32, #tpu.memory_space<vmem>>[vector<16xi32>], vector<16xf32>,
        %mul3A_375 = arith.mulf %gather3A_374, %get3A_373 : vector<16xf32>
        tpu.vector_store_idx %arg10[%get3A_371], %mul3A_375 {add = true} : memref<100000xf32, #tpu.memory_space<vmem>>[vector<16xi32>], vector<16xf32>,
        %mul3A_376 = arith.constant 10 : i32
        %mul3A_377 = arith.muli %scan3A_278, %mul3A_376 : i32
        %add3A_378 = arith.constant 7 : i32
        %add3A_379 = arith.addi %mul3A_377, %add3A_378 : i32
        %mul3A_380 = arith.constant 16 : i32
        %mul3A_381 = arith.muli %add3A_379, %mul3A_380 : i32
        %get3A_382 = arith.index_cast %mul3A_381 : i32 to index
        %get3A_383 = tpu.vector_load %arg12[%get3A_382] {strides = array<i32>} : memref<4000xi32, #tpu.memory_space<vmem>>, vector<16xi32>,
        %get3A_384 = arith.index_cast %mul3A_381 : i32 to index
        %get3A_385 = tpu.vector_load %arg13[%get3A_384] {strides = array<i32>} : memref<4000xi32, #tpu.memory_space<vmem>>, vector<16xi32>,
        %get3A_386 = arith.index_cast %mul3A_381 : i32 to index
        %get3A_387 = tpu.vector_load %arg14[%get3A_386] {strides = array<i32>} : memref<4000xf32, #tpu.memory_space<vmem>>, vector<16xf32>,
        %gather3A_388 = tpu.vector_load_idx %arg11[%get3A_383] : memref<10000xf32, #tpu.memory_space<vmem>>[vector<16xi32>], vector<16xf32>,
        %mul3A_389 = arith.mulf %gather3A_388, %get3A_387 : vector<16xf32>
        tpu.vector_store_idx %arg10[%get3A_385], %mul3A_389 {add = true} : memref<100000xf32, #tpu.memory_space<vmem>>[vector<16xi32>], vector<16xf32>,
        %mul3A_390 = arith.constant 10 : i32
        %mul3A_391 = arith.muli %scan3A_278, %mul3A_390 : i32
        %add3A_392 = arith.constant 8 : i32
        %add3A_393 = arith.addi %mul3A_391, %add3A_392 : i32
        %mul3A_394 = arith.constant 16 : i32
        %mul3A_395 = arith.muli %add3A_393, %mul3A_394 : i32
        %get3A_396 = arith.index_cast %mul3A_395 : i32 to index
        %get3A_397 = tpu.vector_load %arg12[%get3A_396] {strides = array<i32>} : memref<4000xi32, #tpu.memory_space<vmem>>, vector<16xi32>,
        %get3A_398 = arith.index_cast %mul3A_395 : i32 to index
        %get3A_399 = tpu.vector_load %arg13[%get3A_398] {strides = array<i32>} : memref<4000xi32, #tpu.memory_space<vmem>>, vector<16xi32>,
        %get3A_400 = arith.index_cast %mul3A_395 : i32 to index
        %get3A_401 = tpu.vector_load %arg14[%get3A_400] {strides = array<i32>} : memref<4000xf32, #tpu.memory_space<vmem>>, vector<16xf32>,
        %gather3A_402 = tpu.vector_load_idx %arg11[%get3A_397] : memref<10000xf32, #tpu.memory_space<vmem>>[vector<16xi32>], vector<16xf32>,
        %mul3A_403 = arith.mulf %gather3A_402, %get3A_401 : vector<16xf32>
        tpu.vector_store_idx %arg10[%get3A_399], %mul3A_403 {add = true} : memref<100000xf32, #tpu.memory_space<vmem>>[vector<16xi32>], vector<16xf32>,
        %mul3A_404 = arith.constant 10 : i32
        %mul3A_405 = arith.muli %scan3A_278, %mul3A_404 : i32
        %add3A_406 = arith.constant 9 : i32
        %add3A_407 = arith.addi %mul3A_405, %add3A_406 : i32
        %mul3A_408 = arith.constant 16 : i32
        %mul3A_409 = arith.muli %add3A_407, %mul3A_408 : i32
        %get3A_410 = arith.index_cast %mul3A_409 : i32 to index
        %get3A_411 = tpu.vector_load %arg12[%get3A_410] {strides = array<i32>} : memref<4000xi32, #tpu.memory_space<vmem>>, vector<16xi32>,
        %get3A_412 = arith.index_cast %mul3A_409 : i32 to index
        %get3A_413 = tpu.vector_load %arg13[%get3A_412] {strides = array<i32>} : memref<4000xi32, #tpu.memory_space<vmem>>, vector<16xi32>,
        %get3A_414 = arith.index_cast %mul3A_409 : i32 to index
        %get3A_415 = tpu.vector_load %arg14[%get3A_414] {strides = array<i32>} : memref<4000xf32, #tpu.memory_space<vmem>>, vector<16xf32>,
        %gather3A_416 = tpu.vector_load_idx %arg11[%get3A_411] : memref<10000xf32, #tpu.memory_space<vmem>>[vector<16xi32>], vector<16xf32>,
        %mul3A_417 = arith.mulf %gather3A_416, %get3A_415 : vector<16xf32>
        tpu.vector_store_idx %arg10[%get3A_413], %mul3A_417 {add = true} : memref<100000xf32, #tpu.memory_space<vmem>>[vector<16xi32>], vector<16xf32>,
        %scan3A_418 = arith.constant 0 : i32
        scf.yield %scan3A_418 : i32
      }
      %scan3A_276 = arith.constant 25 : i32
      %scan3A_277 = arith.constant 0 : i32
      scf.yield %scan3A_277 : i32
    }
    %scan3A_63 = arith.constant 100 : i32
    "tpu.region"() ({
      %run_scoped3A = tpu.sem_alloc : memref<!tpu.dma_semaphore, #tpu.memory_space<semaphore_mem>>
      %dma_start3A = arith.constant 0 : i32
      %dma_start3A_256 = tpu.memref_slice %arg9[%add3A_35, %dma_start3A] : memref<256x100000xf32, #tpu.memory_space<hbm>> -> memref<1x100000xf32, #tpu.memory_space<hbm>>
      %dma_start3A_257 = tpu.memref_squeeze %dma_start3A_256 : memref<1x100000xf32, #tpu.memory_space<hbm>> -> memref<100000xf32, #tpu.memory_space<hbm>>
      %dma_start3A_258 = arith.constant 0 : i32
      %dma_start3A_259 = tpu.memref_slice %arg9[%add3A_35, %dma_start3A_258] : memref<256x100000xf32, #tpu.memory_space<hbm>> -> memref<1x100000xf32, #tpu.memory_space<hbm>>
      %dma_start3A_260 = tpu.memref_squeeze %dma_start3A_259 : memref<1x100000xf32, #tpu.memory_space<hbm>> -> memref<100000xf32, #tpu.memory_space<hbm>>
      tpu.enqueue_dma source(%arg10 : memref<100000xf32, #tpu.memory_space<vmem>>) target(%dma_start3A_260 : memref<100000xf32, #tpu.memory_space<hbm>>) target_semaphore(%run_scoped3A : memref<!tpu.dma_semaphore, #tpu.memory_space<semaphore_mem>>)
      %dma_wait3A = arith.constant 0 : i32
      %dma_wait3A_261 = tpu.memref_slice %arg9[%add3A_35, %dma_wait3A] : memref<256x100000xf32, #tpu.memory_space<hbm>> -> memref<1x100000xf32, #tpu.memory_space<hbm>>
      %dma_wait3A_262 = tpu.memref_squeeze %dma_wait3A_261 : memref<1x100000xf32, #tpu.memory_space<hbm>> -> memref<100000xf32, #tpu.memory_space<hbm>>
      %dma_wait3A_263 = arith.constant 0 : i32
      %dma_wait3A_264 = tpu.memref_slice %arg9[%add3A_35, %dma_wait3A_263] : memref<256x100000xf32, #tpu.memory_space<hbm>> -> memref<1x100000xf32, #tpu.memory_space<hbm>>
      %dma_wait3A_265 = tpu.memref_squeeze %dma_wait3A_264 : memref<1x100000xf32, #tpu.memory_space<hbm>> -> memref<100000xf32, #tpu.memory_space<hbm>>
      tpu.wait_dma2 semaphore(%run_scoped3A : memref<!tpu.dma_semaphore, #tpu.memory_space<semaphore_mem>>) src(%arg10 : memref<100000xf32, #tpu.memory_space<vmem>>) dst(%dma_wait3A_265 : memref<100000xf32, #tpu.memory_space<hbm>>)
      tpu.yield
    }) : () -> ()
    %mul3A_64 = arith.constant 8 : i32
    %mul3A_65 = arith.muli %add3A, %mul3A_64 : i32
    %add3A_66 = arith.constant 2 : i32
    %add3A_67 = arith.addi %mul3A_65, %add3A_66 : i32
    "tpu.region"() ({
      %run_scoped3A = tpu.sem_alloc : memref<!tpu.dma_semaphore, #tpu.memory_space<semaphore_mem>>
      %dma_start3A = arith.constant 0 : i32
      %dma_start3A_256 = tpu.memref_slice %arg2[%add3A_67, %dma_start3A] : memref<256x100000xf32, #tpu.memory_space<hbm>> -> memref<1x100000xf32, #tpu.memory_space<hbm>>
      %dma_start3A_257 = tpu.memref_squeeze %dma_start3A_256 : memref<1x100000xf32, #tpu.memory_space<hbm>> -> memref<100000xf32, #tpu.memory_space<hbm>>
      %dma_start3A_258 = arith.constant 0 : i32
      %dma_start3A_259 = tpu.memref_slice %arg2[%add3A_67, %dma_start3A_258] : memref<256x100000xf32, #tpu.memory_space<hbm>> -> memref<1x100000xf32, #tpu.memory_space<hbm>>
      %dma_start3A_260 = tpu.memref_squeeze %dma_start3A_259 : memref<1x100000xf32, #tpu.memory_space<hbm>> -> memref<100000xf32, #tpu.memory_space<hbm>>
      tpu.enqueue_dma source(%dma_start3A_260 : memref<100000xf32, #tpu.memory_space<hbm>>) target(%arg10 : memref<100000xf32, #tpu.memory_space<vmem>>) target_semaphore(%run_scoped3A : memref<!tpu.dma_semaphore, #tpu.memory_space<semaphore_mem>>)
      %dma_wait3A = arith.constant 0 : i32
      %dma_wait3A_261 = tpu.memref_slice %arg2[%add3A_67, %dma_wait3A] : memref<256x100000xf32, #tpu.memory_space<hbm>> -> memref<1x100000xf32, #tpu.memory_space<hbm>>
      %dma_wait3A_262 = tpu.memref_squeeze %dma_wait3A_261 : memref<1x100000xf32, #tpu.memory_space<hbm>> -> memref<100000xf32, #tpu.memory_space<hbm>>
      %dma_wait3A_263 = arith.constant 0 : i32
      %dma_wait3A_264 = tpu.memref_slice %arg2[%add3A_67, %dma_wait3A_263] : memref<256x100000xf32, #tpu.memory_space<hbm>> -> memref<1x100000xf32, #tpu.memory_space<hbm>>
      %dma_wait3A_265 = tpu.memref_squeeze %dma_wait3A_264 : memref<1x100000xf32, #tpu.memory_space<hbm>> -> memref<100000xf32, #tpu.memory_space<hbm>>
      tpu.wait_dma2 semaphore(%run_scoped3A : memref<!tpu.dma_semaphore, #tpu.memory_space<semaphore_mem>>) src(%dma_wait3A_265 : memref<100000xf32, #tpu.memory_space<hbm>>) dst(%arg10 : memref<100000xf32, #tpu.memory_space<vmem>>)
      tpu.yield
    }) : () -> ()
    %scan3A_68 = arith.constant 0 : i32
    %scan3A_69 = arith.constant 0 : i32
    %scan3A_70 = arith.constant 625 : i32
    %scan3A_71 = arith.addi %scan3A_69, %scan3A_70 : i32
    %scan3A_72 = arith.constant 1 : i32
    %scan3A_73 = scf.for %scan3A_256 = %scan3A_69 to %scan3A_71 step %scan3A_72 iter_args(%scan3A_257 = %scan3A_68) -> (i32)  : i32 {
      %broadcast_in_dim3A = arith.constant 0.000000e+00 : f32
      %broadcast_in_dim3A_258 = vector.broadcast %broadcast_in_dim3A : f32 to vector<16xf32>
      %mul3A_259 = arith.constant 16 : i32
      %mul3A_260 = arith.muli %scan3A_256, %mul3A_259 : i32
      %swap3A = arith.index_cast %mul3A_260 : i32 to index
      %swap3A_261 = tpu.vector_load %arg11[%swap3A] {strides = array<i32>} : memref<10000xf32, #tpu.memory_space<vmem>>, vector<16xf32>,
      tpu.vector_store %arg11[%swap3A], %broadcast_in_dim3A_258 {strides = array<i32>} : memref<10000xf32, #tpu.memory_space<vmem>>, vector<16xf32>,
      %scan3A_262 = arith.constant 0 : i32
      scf.yield %scan3A_262 : i32
    }
    %scan3A_74 = arith.constant 625 : i32
    %scan3A_75 = arith.constant 0 : i32
    %scan3A_76 = arith.constant 0 : i32
    %scan3A_77 = arith.constant 100 : i32
    %scan3A_78 = arith.addi %scan3A_76, %scan3A_77 : i32
    %scan3A_79 = arith.constant 1 : i32
    %scan3A_80 = scf.for %scan3A_256 = %scan3A_76 to %scan3A_78 step %scan3A_79 iter_args(%scan3A_257 = %scan3A_75) -> (i32)  : i32 {
      %mul3A_258 = arith.constant 4000 : i32
      %mul3A_259 = arith.muli %scan3A_256, %mul3A_258 : i32
      %dma_start3A = tpu.memref_slice %arg3[%mul3A_259] : memref<400000xi32, #tpu.memory_space<hbm>> -> memref<4000xi32, #tpu.memory_space<hbm>>
      %dma_start3A_260 = tpu.memref_slice %arg3[%mul3A_259] : memref<400000xi32, #tpu.memory_space<hbm>> -> memref<4000xi32, #tpu.memory_space<hbm>>
      tpu.enqueue_dma source(%dma_start3A_260 : memref<4000xi32, #tpu.memory_space<hbm>>) target(%arg12 : memref<4000xi32, #tpu.memory_space<vmem>>) target_semaphore(%arg15 : memref<!tpu.dma_semaphore, #tpu.memory_space<semaphore_mem>>)
      %dma_start3A_261 = tpu.memref_slice %arg4[%mul3A_259] : memref<400000xi32, #tpu.memory_space<hbm>> -> memref<4000xi32, #tpu.memory_space<hbm>>
      %dma_start3A_262 = tpu.memref_slice %arg4[%mul3A_259] : memref<400000xi32, #tpu.memory_space<hbm>> -> memref<4000xi32, #tpu.memory_space<hbm>>
      tpu.enqueue_dma source(%dma_start3A_262 : memref<4000xi32, #tpu.memory_space<hbm>>) target(%arg13 : memref<4000xi32, #tpu.memory_space<vmem>>) target_semaphore(%arg16 : memref<!tpu.dma_semaphore, #tpu.memory_space<semaphore_mem>>)
      %dma_start3A_263 = tpu.memref_slice %arg5[%mul3A_259] : memref<400000xf32, #tpu.memory_space<hbm>> -> memref<4000xf32, #tpu.memory_space<hbm>>
      %dma_start3A_264 = tpu.memref_slice %arg5[%mul3A_259] : memref<400000xf32, #tpu.memory_space<hbm>> -> memref<4000xf32, #tpu.memory_space<hbm>>
      tpu.enqueue_dma source(%dma_start3A_264 : memref<4000xf32, #tpu.memory_space<hbm>>) target(%arg14 : memref<4000xf32, #tpu.memory_space<vmem>>) target_semaphore(%arg17 : memref<!tpu.dma_semaphore, #tpu.memory_space<semaphore_mem>>)
      %dma_wait3A = tpu.memref_slice %arg3[%mul3A_259] : memref<400000xi32, #tpu.memory_space<hbm>> -> memref<4000xi32, #tpu.memory_space<hbm>>
      %dma_wait3A_265 = tpu.memref_slice %arg3[%mul3A_259] : memref<400000xi32, #tpu.memory_space<hbm>> -> memref<4000xi32, #tpu.memory_space<hbm>>
      tpu.wait_dma2 semaphore(%arg15 : memref<!tpu.dma_semaphore, #tpu.memory_space<semaphore_mem>>) src(%dma_wait3A_265 : memref<4000xi32, #tpu.memory_space<hbm>>) dst(%arg12 : memref<4000xi32, #tpu.memory_space<vmem>>)
      %dma_wait3A_266 = tpu.memref_slice %arg4[%mul3A_259] : memref<400000xi32, #tpu.memory_space<hbm>> -> memref<4000xi32, #tpu.memory_space<hbm>>
      %dma_wait3A_267 = tpu.memref_slice %arg4[%mul3A_259] : memref<400000xi32, #tpu.memory_space<hbm>> -> memref<4000xi32, #tpu.memory_space<hbm>>
      tpu.wait_dma2 semaphore(%arg16 : memref<!tpu.dma_semaphore, #tpu.memory_space<semaphore_mem>>) src(%dma_wait3A_267 : memref<4000xi32, #tpu.memory_space<hbm>>) dst(%arg13 : memref<4000xi32, #tpu.memory_space<vmem>>)
      %dma_wait3A_268 = tpu.memref_slice %arg5[%mul3A_259] : memref<400000xf32, #tpu.memory_space<hbm>> -> memref<4000xf32, #tpu.memory_space<hbm>>
      %dma_wait3A_269 = tpu.memref_slice %arg5[%mul3A_259] : memref<400000xf32, #tpu.memory_space<hbm>> -> memref<4000xf32, #tpu.memory_space<hbm>>
      tpu.wait_dma2 semaphore(%arg17 : memref<!tpu.dma_semaphore, #tpu.memory_space<semaphore_mem>>) src(%dma_wait3A_269 : memref<4000xf32, #tpu.memory_space<hbm>>) dst(%arg14 : memref<4000xf32, #tpu.memory_space<vmem>>)
      %scan3A_270 = arith.constant 0 : i32
      %scan3A_271 = arith.constant 0 : i32
      %scan3A_272 = arith.constant 25 : i32
      %scan3A_273 = arith.addi %scan3A_271, %scan3A_272 : i32
      %scan3A_274 = arith.constant 1 : i32
      %scan3A_275 = scf.for %scan3A_278 = %scan3A_271 to %scan3A_273 step %scan3A_274 iter_args(%scan3A_279 = %scan3A_270) -> (i32)  : i32 {
        %mul3A_280 = arith.constant 10 : i32
        %mul3A_281 = arith.muli %scan3A_278, %mul3A_280 : i32
        %add3A_282 = arith.constant 0 : i32
        %add3A_283 = arith.addi %mul3A_281, %add3A_282 : i32
        %mul3A_284 = arith.constant 16 : i32
        %mul3A_285 = arith.muli %add3A_283, %mul3A_284 : i32
        %get3A = arith.index_cast %mul3A_285 : i32 to index
        %get3A_286 = tpu.vector_load %arg12[%get3A] {strides = array<i32>} : memref<4000xi32, #tpu.memory_space<vmem>>, vector<16xi32>,
        %get3A_287 = arith.index_cast %mul3A_285 : i32 to index
        %get3A_288 = tpu.vector_load %arg13[%get3A_287] {strides = array<i32>} : memref<4000xi32, #tpu.memory_space<vmem>>, vector<16xi32>,
        %get3A_289 = arith.index_cast %mul3A_285 : i32 to index
        %get3A_290 = tpu.vector_load %arg14[%get3A_289] {strides = array<i32>} : memref<4000xf32, #tpu.memory_space<vmem>>, vector<16xf32>,
        %gather3A = tpu.vector_load_idx %arg10[%get3A_286] : memref<100000xf32, #tpu.memory_space<vmem>>[vector<16xi32>], vector<16xf32>,
        %mul3A_291 = arith.mulf %gather3A, %get3A_290 : vector<16xf32>
        tpu.vector_store_idx %arg11[%get3A_288], %mul3A_291 {add = true} : memref<10000xf32, #tpu.memory_space<vmem>>[vector<16xi32>], vector<16xf32>,
        %mul3A_292 = arith.constant 10 : i32
        %mul3A_293 = arith.muli %scan3A_278, %mul3A_292 : i32
        %add3A_294 = arith.constant 1 : i32
        %add3A_295 = arith.addi %mul3A_293, %add3A_294 : i32
        %mul3A_296 = arith.constant 16 : i32
        %mul3A_297 = arith.muli %add3A_295, %mul3A_296 : i32
        %get3A_298 = arith.index_cast %mul3A_297 : i32 to index
        %get3A_299 = tpu.vector_load %arg12[%get3A_298] {strides = array<i32>} : memref<4000xi32, #tpu.memory_space<vmem>>, vector<16xi32>,
        %get3A_300 = arith.index_cast %mul3A_297 : i32 to index
        %get3A_301 = tpu.vector_load %arg13[%get3A_300] {strides = array<i32>} : memref<4000xi32, #tpu.memory_space<vmem>>, vector<16xi32>,
        %get3A_302 = arith.index_cast %mul3A_297 : i32 to index
        %get3A_303 = tpu.vector_load %arg14[%get3A_302] {strides = array<i32>} : memref<4000xf32, #tpu.memory_space<vmem>>, vector<16xf32>,
        %gather3A_304 = tpu.vector_load_idx %arg10[%get3A_299] : memref<100000xf32, #tpu.memory_space<vmem>>[vector<16xi32>], vector<16xf32>,
        %mul3A_305 = arith.mulf %gather3A_304, %get3A_303 : vector<16xf32>
        tpu.vector_store_idx %arg11[%get3A_301], %mul3A_305 {add = true} : memref<10000xf32, #tpu.memory_space<vmem>>[vector<16xi32>], vector<16xf32>,
        %mul3A_306 = arith.constant 10 : i32
        %mul3A_307 = arith.muli %scan3A_278, %mul3A_306 : i32
        %add3A_308 = arith.constant 2 : i32
        %add3A_309 = arith.addi %mul3A_307, %add3A_308 : i32
        %mul3A_310 = arith.constant 16 : i32
        %mul3A_311 = arith.muli %add3A_309, %mul3A_310 : i32
        %get3A_312 = arith.index_cast %mul3A_311 : i32 to index
        %get3A_313 = tpu.vector_load %arg12[%get3A_312] {strides = array<i32>} : memref<4000xi32, #tpu.memory_space<vmem>>, vector<16xi32>,
        %get3A_314 = arith.index_cast %mul3A_311 : i32 to index
        %get3A_315 = tpu.vector_load %arg13[%get3A_314] {strides = array<i32>} : memref<4000xi32, #tpu.memory_space<vmem>>, vector<16xi32>,
        %get3A_316 = arith.index_cast %mul3A_311 : i32 to index
        %get3A_317 = tpu.vector_load %arg14[%get3A_316] {strides = array<i32>} : memref<4000xf32, #tpu.memory_space<vmem>>, vector<16xf32>,
        %gather3A_318 = tpu.vector_load_idx %arg10[%get3A_313] : memref<100000xf32, #tpu.memory_space<vmem>>[vector<16xi32>], vector<16xf32>,
        %mul3A_319 = arith.mulf %gather3A_318, %get3A_317 : vector<16xf32>
        tpu.vector_store_idx %arg11[%get3A_315], %mul3A_319 {add = true} : memref<10000xf32, #tpu.memory_space<vmem>>[vector<16xi32>], vector<16xf32>,
        %mul3A_320 = arith.constant 10 : i32
        %mul3A_321 = arith.muli %scan3A_278, %mul3A_320 : i32
        %add3A_322 = arith.constant 3 : i32
        %add3A_323 = arith.addi %mul3A_321, %add3A_322 : i32
        %mul3A_324 = arith.constant 16 : i32
        %mul3A_325 = arith.muli %add3A_323, %mul3A_324 : i32
        %get3A_326 = arith.index_cast %mul3A_325 : i32 to index
        %get3A_327 = tpu.vector_load %arg12[%get3A_326] {strides = array<i32>} : memref<4000xi32, #tpu.memory_space<vmem>>, vector<16xi32>,
        %get3A_328 = arith.index_cast %mul3A_325 : i32 to index
        %get3A_329 = tpu.vector_load %arg13[%get3A_328] {strides = array<i32>} : memref<4000xi32, #tpu.memory_space<vmem>>, vector<16xi32>,
        %get3A_330 = arith.index_cast %mul3A_325 : i32 to index
        %get3A_331 = tpu.vector_load %arg14[%get3A_330] {strides = array<i32>} : memref<4000xf32, #tpu.memory_space<vmem>>, vector<16xf32>,
        %gather3A_332 = tpu.vector_load_idx %arg10[%get3A_327] : memref<100000xf32, #tpu.memory_space<vmem>>[vector<16xi32>], vector<16xf32>,
        %mul3A_333 = arith.mulf %gather3A_332, %get3A_331 : vector<16xf32>
        tpu.vector_store_idx %arg11[%get3A_329], %mul3A_333 {add = true} : memref<10000xf32, #tpu.memory_space<vmem>>[vector<16xi32>], vector<16xf32>,
        %mul3A_334 = arith.constant 10 : i32
        %mul3A_335 = arith.muli %scan3A_278, %mul3A_334 : i32
        %add3A_336 = arith.constant 4 : i32
        %add3A_337 = arith.addi %mul3A_335, %add3A_336 : i32
        %mul3A_338 = arith.constant 16 : i32
        %mul3A_339 = arith.muli %add3A_337, %mul3A_338 : i32
        %get3A_340 = arith.index_cast %mul3A_339 : i32 to index
        %get3A_341 = tpu.vector_load %arg12[%get3A_340] {strides = array<i32>} : memref<4000xi32, #tpu.memory_space<vmem>>, vector<16xi32>,
        %get3A_342 = arith.index_cast %mul3A_339 : i32 to index
        %get3A_343 = tpu.vector_load %arg13[%get3A_342] {strides = array<i32>} : memref<4000xi32, #tpu.memory_space<vmem>>, vector<16xi32>,
        %get3A_344 = arith.index_cast %mul3A_339 : i32 to index
        %get3A_345 = tpu.vector_load %arg14[%get3A_344] {strides = array<i32>} : memref<4000xf32, #tpu.memory_space<vmem>>, vector<16xf32>,
        %gather3A_346 = tpu.vector_load_idx %arg10[%get3A_341] : memref<100000xf32, #tpu.memory_space<vmem>>[vector<16xi32>], vector<16xf32>,
        %mul3A_347 = arith.mulf %gather3A_346, %get3A_345 : vector<16xf32>
        tpu.vector_store_idx %arg11[%get3A_343], %mul3A_347 {add = true} : memref<10000xf32, #tpu.memory_space<vmem>>[vector<16xi32>], vector<16xf32>,
        %mul3A_348 = arith.constant 10 : i32
        %mul3A_349 = arith.muli %scan3A_278, %mul3A_348 : i32
        %add3A_350 = arith.constant 5 : i32
        %add3A_351 = arith.addi %mul3A_349, %add3A_350 : i32
        %mul3A_352 = arith.constant 16 : i32
        %mul3A_353 = arith.muli %add3A_351, %mul3A_352 : i32
        %get3A_354 = arith.index_cast %mul3A_353 : i32 to index
        %get3A_355 = tpu.vector_load %arg12[%get3A_354] {strides = array<i32>} : memref<4000xi32, #tpu.memory_space<vmem>>, vector<16xi32>,
        %get3A_356 = arith.index_cast %mul3A_353 : i32 to index
        %get3A_357 = tpu.vector_load %arg13[%get3A_356] {strides = array<i32>} : memref<4000xi32, #tpu.memory_space<vmem>>, vector<16xi32>,
        %get3A_358 = arith.index_cast %mul3A_353 : i32 to index
        %get3A_359 = tpu.vector_load %arg14[%get3A_358] {strides = array<i32>} : memref<4000xf32, #tpu.memory_space<vmem>>, vector<16xf32>,
        %gather3A_360 = tpu.vector_load_idx %arg10[%get3A_355] : memref<100000xf32, #tpu.memory_space<vmem>>[vector<16xi32>], vector<16xf32>,
        %mul3A_361 = arith.mulf %gather3A_360, %get3A_359 : vector<16xf32>
        tpu.vector_store_idx %arg11[%get3A_357], %mul3A_361 {add = true} : memref<10000xf32, #tpu.memory_space<vmem>>[vector<16xi32>], vector<16xf32>,
        %mul3A_362 = arith.constant 10 : i32
        %mul3A_363 = arith.muli %scan3A_278, %mul3A_362 : i32
        %add3A_364 = arith.constant 6 : i32
        %add3A_365 = arith.addi %mul3A_363, %add3A_364 : i32
        %mul3A_366 = arith.constant 16 : i32
        %mul3A_367 = arith.muli %add3A_365, %mul3A_366 : i32
        %get3A_368 = arith.index_cast %mul3A_367 : i32 to index
        %get3A_369 = tpu.vector_load %arg12[%get3A_368] {strides = array<i32>} : memref<4000xi32, #tpu.memory_space<vmem>>, vector<16xi32>,
        %get3A_370 = arith.index_cast %mul3A_367 : i32 to index
        %get3A_371 = tpu.vector_load %arg13[%get3A_370] {strides = array<i32>} : memref<4000xi32, #tpu.memory_space<vmem>>, vector<16xi32>,
        %get3A_372 = arith.index_cast %mul3A_367 : i32 to index
        %get3A_373 = tpu.vector_load %arg14[%get3A_372] {strides = array<i32>} : memref<4000xf32, #tpu.memory_space<vmem>>, vector<16xf32>,
        %gather3A_374 = tpu.vector_load_idx %arg10[%get3A_369] : memref<100000xf32, #tpu.memory_space<vmem>>[vector<16xi32>], vector<16xf32>,
        %mul3A_375 = arith.mulf %gather3A_374, %get3A_373 : vector<16xf32>
        tpu.vector_store_idx %arg11[%get3A_371], %mul3A_375 {add = true} : memref<10000xf32, #tpu.memory_space<vmem>>[vector<16xi32>], vector<16xf32>,
        %mul3A_376 = arith.constant 10 : i32
        %mul3A_377 = arith.muli %scan3A_278, %mul3A_376 : i32
        %add3A_378 = arith.constant 7 : i32
        %add3A_379 = arith.addi %mul3A_377, %add3A_378 : i32
        %mul3A_380 = arith.constant 16 : i32
        %mul3A_381 = arith.muli %add3A_379, %mul3A_380 : i32
        %get3A_382 = arith.index_cast %mul3A_381 : i32 to index
        %get3A_383 = tpu.vector_load %arg12[%get3A_382] {strides = array<i32>} : memref<4000xi32, #tpu.memory_space<vmem>>, vector<16xi32>,
        %get3A_384 = arith.index_cast %mul3A_381 : i32 to index
        %get3A_385 = tpu.vector_load %arg13[%get3A_384] {strides = array<i32>} : memref<4000xi32, #tpu.memory_space<vmem>>, vector<16xi32>,
        %get3A_386 = arith.index_cast %mul3A_381 : i32 to index
        %get3A_387 = tpu.vector_load %arg14[%get3A_386] {strides = array<i32>} : memref<4000xf32, #tpu.memory_space<vmem>>, vector<16xf32>,
        %gather3A_388 = tpu.vector_load_idx %arg10[%get3A_383] : memref<100000xf32, #tpu.memory_space<vmem>>[vector<16xi32>], vector<16xf32>,
        %mul3A_389 = arith.mulf %gather3A_388, %get3A_387 : vector<16xf32>
        tpu.vector_store_idx %arg11[%get3A_385], %mul3A_389 {add = true} : memref<10000xf32, #tpu.memory_space<vmem>>[vector<16xi32>], vector<16xf32>,
        %mul3A_390 = arith.constant 10 : i32
        %mul3A_391 = arith.muli %scan3A_278, %mul3A_390 : i32
        %add3A_392 = arith.constant 8 : i32
        %add3A_393 = arith.addi %mul3A_391, %add3A_392 : i32
        %mul3A_394 = arith.constant 16 : i32
        %mul3A_395 = arith.muli %add3A_393, %mul3A_394 : i32
        %get3A_396 = arith.index_cast %mul3A_395 : i32 to index
        %get3A_397 = tpu.vector_load %arg12[%get3A_396] {strides = array<i32>} : memref<4000xi32, #tpu.memory_space<vmem>>, vector<16xi32>,
        %get3A_398 = arith.index_cast %mul3A_395 : i32 to index
        %get3A_399 = tpu.vector_load %arg13[%get3A_398] {strides = array<i32>} : memref<4000xi32, #tpu.memory_space<vmem>>, vector<16xi32>,
        %get3A_400 = arith.index_cast %mul3A_395 : i32 to index
        %get3A_401 = tpu.vector_load %arg14[%get3A_400] {strides = array<i32>} : memref<4000xf32, #tpu.memory_space<vmem>>, vector<16xf32>,
        %gather3A_402 = tpu.vector_load_idx %arg10[%get3A_397] : memref<100000xf32, #tpu.memory_space<vmem>>[vector<16xi32>], vector<16xf32>,
        %mul3A_403 = arith.mulf %gather3A_402, %get3A_401 : vector<16xf32>
        tpu.vector_store_idx %arg11[%get3A_399], %mul3A_403 {add = true} : memref<10000xf32, #tpu.memory_space<vmem>>[vector<16xi32>], vector<16xf32>,
        %mul3A_404 = arith.constant 10 : i32
        %mul3A_405 = arith.muli %scan3A_278, %mul3A_404 : i32
        %add3A_406 = arith.constant 9 : i32
        %add3A_407 = arith.addi %mul3A_405, %add3A_406 : i32
        %mul3A_408 = arith.constant 16 : i32
        %mul3A_409 = arith.muli %add3A_407, %mul3A_408 : i32
        %get3A_410 = arith.index_cast %mul3A_409 : i32 to index
        %get3A_411 = tpu.vector_load %arg12[%get3A_410] {strides = array<i32>} : memref<4000xi32, #tpu.memory_space<vmem>>, vector<16xi32>,
        %get3A_412 = arith.index_cast %mul3A_409 : i32 to index
        %get3A_413 = tpu.vector_load %arg13[%get3A_412] {strides = array<i32>} : memref<4000xi32, #tpu.memory_space<vmem>>, vector<16xi32>,
        %get3A_414 = arith.index_cast %mul3A_409 : i32 to index
        %get3A_415 = tpu.vector_load %arg14[%get3A_414] {strides = array<i32>} : memref<4000xf32, #tpu.memory_space<vmem>>, vector<16xf32>,
        %gather3A_416 = tpu.vector_load_idx %arg10[%get3A_411] : memref<100000xf32, #tpu.memory_space<vmem>>[vector<16xi32>], vector<16xf32>,
        %mul3A_417 = arith.mulf %gather3A_416, %get3A_415 : vector<16xf32>
        tpu.vector_store_idx %arg11[%get3A_413], %mul3A_417 {add = true} : memref<10000xf32, #tpu.memory_space<vmem>>[vector<16xi32>], vector<16xf32>,
        %scan3A_418 = arith.constant 0 : i32
        scf.yield %scan3A_418 : i32
      }
      %scan3A_276 = arith.constant 25 : i32
      %scan3A_277 = arith.constant 0 : i32
      scf.yield %scan3A_277 : i32
    }
    %scan3A_81 = arith.constant 100 : i32
    %scan3A_82 = arith.constant 0 : i32
    %scan3A_83 = arith.constant 0 : i32
    %scan3A_84 = arith.constant 6250 : i32
    %scan3A_85 = arith.addi %scan3A_83, %scan3A_84 : i32
    %scan3A_86 = arith.constant 1 : i32
    %scan3A_87 = scf.for %scan3A_256 = %scan3A_83 to %scan3A_85 step %scan3A_86 iter_args(%scan3A_257 = %scan3A_82) -> (i32)  : i32 {
      %broadcast_in_dim3A = arith.constant 0.000000e+00 : f32
      %broadcast_in_dim3A_258 = vector.broadcast %broadcast_in_dim3A : f32 to vector<16xf32>
      %mul3A_259 = arith.constant 16 : i32
      %mul3A_260 = arith.muli %scan3A_256, %mul3A_259 : i32
      %swap3A = arith.index_cast %mul3A_260 : i32 to index
      %swap3A_261 = tpu.vector_load %arg10[%swap3A] {strides = array<i32>} : memref<100000xf32, #tpu.memory_space<vmem>>, vector<16xf32>,
      tpu.vector_store %arg10[%swap3A], %broadcast_in_dim3A_258 {strides = array<i32>} : memref<100000xf32, #tpu.memory_space<vmem>>, vector<16xf32>,
      %scan3A_262 = arith.constant 0 : i32
      scf.yield %scan3A_262 : i32
    }
    %scan3A_88 = arith.constant 6250 : i32
    %scan3A_89 = arith.constant 0 : i32
    %scan3A_90 = arith.constant 0 : i32
    %scan3A_91 = arith.constant 100 : i32
    %scan3A_92 = arith.addi %scan3A_90, %scan3A_91 : i32
    %scan3A_93 = arith.constant 1 : i32
    %scan3A_94 = scf.for %scan3A_256 = %scan3A_90 to %scan3A_92 step %scan3A_93 iter_args(%scan3A_257 = %scan3A_89) -> (i32)  : i32 {
      %mul3A_258 = arith.constant 4000 : i32
      %mul3A_259 = arith.muli %scan3A_256, %mul3A_258 : i32
      %dma_start3A = tpu.memref_slice %arg6[%mul3A_259] : memref<400000xi32, #tpu.memory_space<hbm>> -> memref<4000xi32, #tpu.memory_space<hbm>>
      %dma_start3A_260 = tpu.memref_slice %arg6[%mul3A_259] : memref<400000xi32, #tpu.memory_space<hbm>> -> memref<4000xi32, #tpu.memory_space<hbm>>
      tpu.enqueue_dma source(%dma_start3A_260 : memref<4000xi32, #tpu.memory_space<hbm>>) target(%arg12 : memref<4000xi32, #tpu.memory_space<vmem>>) target_semaphore(%arg15 : memref<!tpu.dma_semaphore, #tpu.memory_space<semaphore_mem>>)
      %dma_start3A_261 = tpu.memref_slice %arg7[%mul3A_259] : memref<400000xi32, #tpu.memory_space<hbm>> -> memref<4000xi32, #tpu.memory_space<hbm>>
      %dma_start3A_262 = tpu.memref_slice %arg7[%mul3A_259] : memref<400000xi32, #tpu.memory_space<hbm>> -> memref<4000xi32, #tpu.memory_space<hbm>>
      tpu.enqueue_dma source(%dma_start3A_262 : memref<4000xi32, #tpu.memory_space<hbm>>) target(%arg13 : memref<4000xi32, #tpu.memory_space<vmem>>) target_semaphore(%arg16 : memref<!tpu.dma_semaphore, #tpu.memory_space<semaphore_mem>>)
      %dma_start3A_263 = tpu.memref_slice %arg8[%mul3A_259] : memref<400000xf32, #tpu.memory_space<hbm>> -> memref<4000xf32, #tpu.memory_space<hbm>>
      %dma_start3A_264 = tpu.memref_slice %arg8[%mul3A_259] : memref<400000xf32, #tpu.memory_space<hbm>> -> memref<4000xf32, #tpu.memory_space<hbm>>
      tpu.enqueue_dma source(%dma_start3A_264 : memref<4000xf32, #tpu.memory_space<hbm>>) target(%arg14 : memref<4000xf32, #tpu.memory_space<vmem>>) target_semaphore(%arg17 : memref<!tpu.dma_semaphore, #tpu.memory_space<semaphore_mem>>)
      %dma_wait3A = tpu.memref_slice %arg6[%mul3A_259] : memref<400000xi32, #tpu.memory_space<hbm>> -> memref<4000xi32, #tpu.memory_space<hbm>>
      %dma_wait3A_265 = tpu.memref_slice %arg6[%mul3A_259] : memref<400000xi32, #tpu.memory_space<hbm>> -> memref<4000xi32, #tpu.memory_space<hbm>>
      tpu.wait_dma2 semaphore(%arg15 : memref<!tpu.dma_semaphore, #tpu.memory_space<semaphore_mem>>) src(%dma_wait3A_265 : memref<4000xi32, #tpu.memory_space<hbm>>) dst(%arg12 : memref<4000xi32, #tpu.memory_space<vmem>>)
      %dma_wait3A_266 = tpu.memref_slice %arg7[%mul3A_259] : memref<400000xi32, #tpu.memory_space<hbm>> -> memref<4000xi32, #tpu.memory_space<hbm>>
      %dma_wait3A_267 = tpu.memref_slice %arg7[%mul3A_259] : memref<400000xi32, #tpu.memory_space<hbm>> -> memref<4000xi32, #tpu.memory_space<hbm>>
      tpu.wait_dma2 semaphore(%arg16 : memref<!tpu.dma_semaphore, #tpu.memory_space<semaphore_mem>>) src(%dma_wait3A_267 : memref<4000xi32, #tpu.memory_space<hbm>>) dst(%arg13 : memref<4000xi32, #tpu.memory_space<vmem>>)
      %dma_wait3A_268 = tpu.memref_slice %arg8[%mul3A_259] : memref<400000xf32, #tpu.memory_space<hbm>> -> memref<4000xf32, #tpu.memory_space<hbm>>
      %dma_wait3A_269 = tpu.memref_slice %arg8[%mul3A_259] : memref<400000xf32, #tpu.memory_space<hbm>> -> memref<4000xf32, #tpu.memory_space<hbm>>
      tpu.wait_dma2 semaphore(%arg17 : memref<!tpu.dma_semaphore, #tpu.memory_space<semaphore_mem>>) src(%dma_wait3A_269 : memref<4000xf32, #tpu.memory_space<hbm>>) dst(%arg14 : memref<4000xf32, #tpu.memory_space<vmem>>)
      %scan3A_270 = arith.constant 0 : i32
      %scan3A_271 = arith.constant 0 : i32
      %scan3A_272 = arith.constant 25 : i32
      %scan3A_273 = arith.addi %scan3A_271, %scan3A_272 : i32
      %scan3A_274 = arith.constant 1 : i32
      %scan3A_275 = scf.for %scan3A_278 = %scan3A_271 to %scan3A_273 step %scan3A_274 iter_args(%scan3A_279 = %scan3A_270) -> (i32)  : i32 {
        %mul3A_280 = arith.constant 10 : i32
        %mul3A_281 = arith.muli %scan3A_278, %mul3A_280 : i32
        %add3A_282 = arith.constant 0 : i32
        %add3A_283 = arith.addi %mul3A_281, %add3A_282 : i32
        %mul3A_284 = arith.constant 16 : i32
        %mul3A_285 = arith.muli %add3A_283, %mul3A_284 : i32
        %get3A = arith.index_cast %mul3A_285 : i32 to index
        %get3A_286 = tpu.vector_load %arg12[%get3A] {strides = array<i32>} : memref<4000xi32, #tpu.memory_space<vmem>>, vector<16xi32>,
        %get3A_287 = arith.index_cast %mul3A_285 : i32 to index
        %get3A_288 = tpu.vector_load %arg13[%get3A_287] {strides = array<i32>} : memref<4000xi32, #tpu.memory_space<vmem>>, vector<16xi32>,
        %get3A_289 = arith.index_cast %mul3A_285 : i32 to index
        %get3A_290 = tpu.vector_load %arg14[%get3A_289] {strides = array<i32>} : memref<4000xf32, #tpu.memory_space<vmem>>, vector<16xf32>,
        %gather3A = tpu.vector_load_idx %arg11[%get3A_286] : memref<10000xf32, #tpu.memory_space<vmem>>[vector<16xi32>], vector<16xf32>,
        %mul3A_291 = arith.mulf %gather3A, %get3A_290 : vector<16xf32>
        tpu.vector_store_idx %arg10[%get3A_288], %mul3A_291 {add = true} : memref<100000xf32, #tpu.memory_space<vmem>>[vector<16xi32>], vector<16xf32>,
        %mul3A_292 = arith.constant 10 : i32
        %mul3A_293 = arith.muli %scan3A_278, %mul3A_292 : i32
        %add3A_294 = arith.constant 1 : i32
        %add3A_295 = arith.addi %mul3A_293, %add3A_294 : i32
        %mul3A_296 = arith.constant 16 : i32
        %mul3A_297 = arith.muli %add3A_295, %mul3A_296 : i32
        %get3A_298 = arith.index_cast %mul3A_297 : i32 to index
        %get3A_299 = tpu.vector_load %arg12[%get3A_298] {strides = array<i32>} : memref<4000xi32, #tpu.memory_space<vmem>>, vector<16xi32>,
        %get3A_300 = arith.index_cast %mul3A_297 : i32 to index
        %get3A_301 = tpu.vector_load %arg13[%get3A_300] {strides = array<i32>} : memref<4000xi32, #tpu.memory_space<vmem>>, vector<16xi32>,
        %get3A_302 = arith.index_cast %mul3A_297 : i32 to index
        %get3A_303 = tpu.vector_load %arg14[%get3A_302] {strides = array<i32>} : memref<4000xf32, #tpu.memory_space<vmem>>, vector<16xf32>,
        %gather3A_304 = tpu.vector_load_idx %arg11[%get3A_299] : memref<10000xf32, #tpu.memory_space<vmem>>[vector<16xi32>], vector<16xf32>,
        %mul3A_305 = arith.mulf %gather3A_304, %get3A_303 : vector<16xf32>
        tpu.vector_store_idx %arg10[%get3A_301], %mul3A_305 {add = true} : memref<100000xf32, #tpu.memory_space<vmem>>[vector<16xi32>], vector<16xf32>,
        %mul3A_306 = arith.constant 10 : i32
        %mul3A_307 = arith.muli %scan3A_278, %mul3A_306 : i32
        %add3A_308 = arith.constant 2 : i32
        %add3A_309 = arith.addi %mul3A_307, %add3A_308 : i32
        %mul3A_310 = arith.constant 16 : i32
        %mul3A_311 = arith.muli %add3A_309, %mul3A_310 : i32
        %get3A_312 = arith.index_cast %mul3A_311 : i32 to index
        %get3A_313 = tpu.vector_load %arg12[%get3A_312] {strides = array<i32>} : memref<4000xi32, #tpu.memory_space<vmem>>, vector<16xi32>,
        %get3A_314 = arith.index_cast %mul3A_311 : i32 to index
        %get3A_315 = tpu.vector_load %arg13[%get3A_314] {strides = array<i32>} : memref<4000xi32, #tpu.memory_space<vmem>>, vector<16xi32>,
        %get3A_316 = arith.index_cast %mul3A_311 : i32 to index
        %get3A_317 = tpu.vector_load %arg14[%get3A_316] {strides = array<i32>} : memref<4000xf32, #tpu.memory_space<vmem>>, vector<16xf32>,
        %gather3A_318 = tpu.vector_load_idx %arg11[%get3A_313] : memref<10000xf32, #tpu.memory_space<vmem>>[vector<16xi32>], vector<16xf32>,
        %mul3A_319 = arith.mulf %gather3A_318, %get3A_317 : vector<16xf32>
        tpu.vector_store_idx %arg10[%get3A_315], %mul3A_319 {add = true} : memref<100000xf32, #tpu.memory_space<vmem>>[vector<16xi32>], vector<16xf32>,
        %mul3A_320 = arith.constant 10 : i32
        %mul3A_321 = arith.muli %scan3A_278, %mul3A_320 : i32
        %add3A_322 = arith.constant 3 : i32
        %add3A_323 = arith.addi %mul3A_321, %add3A_322 : i32
        %mul3A_324 = arith.constant 16 : i32
        %mul3A_325 = arith.muli %add3A_323, %mul3A_324 : i32
        %get3A_326 = arith.index_cast %mul3A_325 : i32 to index
        %get3A_327 = tpu.vector_load %arg12[%get3A_326] {strides = array<i32>} : memref<4000xi32, #tpu.memory_space<vmem>>, vector<16xi32>,
        %get3A_328 = arith.index_cast %mul3A_325 : i32 to index
        %get3A_329 = tpu.vector_load %arg13[%get3A_328] {strides = array<i32>} : memref<4000xi32, #tpu.memory_space<vmem>>, vector<16xi32>,
        %get3A_330 = arith.index_cast %mul3A_325 : i32 to index
        %get3A_331 = tpu.vector_load %arg14[%get3A_330] {strides = array<i32>} : memref<4000xf32, #tpu.memory_space<vmem>>, vector<16xf32>,
        %gather3A_332 = tpu.vector_load_idx %arg11[%get3A_327] : memref<10000xf32, #tpu.memory_space<vmem>>[vector<16xi32>], vector<16xf32>,
        %mul3A_333 = arith.mulf %gather3A_332, %get3A_331 : vector<16xf32>
        tpu.vector_store_idx %arg10[%get3A_329], %mul3A_333 {add = true} : memref<100000xf32, #tpu.memory_space<vmem>>[vector<16xi32>], vector<16xf32>,
        %mul3A_334 = arith.constant 10 : i32
        %mul3A_335 = arith.muli %scan3A_278, %mul3A_334 : i32
        %add3A_336 = arith.constant 4 : i32
        %add3A_337 = arith.addi %mul3A_335, %add3A_336 : i32
        %mul3A_338 = arith.constant 16 : i32
        %mul3A_339 = arith.muli %add3A_337, %mul3A_338 : i32
        %get3A_340 = arith.index_cast %mul3A_339 : i32 to index
        %get3A_341 = tpu.vector_load %arg12[%get3A_340] {strides = array<i32>} : memref<4000xi32, #tpu.memory_space<vmem>>, vector<16xi32>,
        %get3A_342 = arith.index_cast %mul3A_339 : i32 to index
        %get3A_343 = tpu.vector_load %arg13[%get3A_342] {strides = array<i32>} : memref<4000xi32, #tpu.memory_space<vmem>>, vector<16xi32>,
        %get3A_344 = arith.index_cast %mul3A_339 : i32 to index
        %get3A_345 = tpu.vector_load %arg14[%get3A_344] {strides = array<i32>} : memref<4000xf32, #tpu.memory_space<vmem>>, vector<16xf32>,
        %gather3A_346 = tpu.vector_load_idx %arg11[%get3A_341] : memref<10000xf32, #tpu.memory_space<vmem>>[vector<16xi32>], vector<16xf32>,
        %mul3A_347 = arith.mulf %gather3A_346, %get3A_345 : vector<16xf32>
        tpu.vector_store_idx %arg10[%get3A_343], %mul3A_347 {add = true} : memref<100000xf32, #tpu.memory_space<vmem>>[vector<16xi32>], vector<16xf32>,
        %mul3A_348 = arith.constant 10 : i32
        %mul3A_349 = arith.muli %scan3A_278, %mul3A_348 : i32
        %add3A_350 = arith.constant 5 : i32
        %add3A_351 = arith.addi %mul3A_349, %add3A_350 : i32
        %mul3A_352 = arith.constant 16 : i32
        %mul3A_353 = arith.muli %add3A_351, %mul3A_352 : i32
        %get3A_354 = arith.index_cast %mul3A_353 : i32 to index
        %get3A_355 = tpu.vector_load %arg12[%get3A_354] {strides = array<i32>} : memref<4000xi32, #tpu.memory_space<vmem>>, vector<16xi32>,
        %get3A_356 = arith.index_cast %mul3A_353 : i32 to index
        %get3A_357 = tpu.vector_load %arg13[%get3A_356] {strides = array<i32>} : memref<4000xi32, #tpu.memory_space<vmem>>, vector<16xi32>,
        %get3A_358 = arith.index_cast %mul3A_353 : i32 to index
        %get3A_359 = tpu.vector_load %arg14[%get3A_358] {strides = array<i32>} : memref<4000xf32, #tpu.memory_space<vmem>>, vector<16xf32>,
        %gather3A_360 = tpu.vector_load_idx %arg11[%get3A_355] : memref<10000xf32, #tpu.memory_space<vmem>>[vector<16xi32>], vector<16xf32>,
        %mul3A_361 = arith.mulf %gather3A_360, %get3A_359 : vector<16xf32>
        tpu.vector_store_idx %arg10[%get3A_357], %mul3A_361 {add = true} : memref<100000xf32, #tpu.memory_space<vmem>>[vector<16xi32>], vector<16xf32>,
        %mul3A_362 = arith.constant 10 : i32
        %mul3A_363 = arith.muli %scan3A_278, %mul3A_362 : i32
        %add3A_364 = arith.constant 6 : i32
        %add3A_365 = arith.addi %mul3A_363, %add3A_364 : i32
        %mul3A_366 = arith.constant 16 : i32
        %mul3A_367 = arith.muli %add3A_365, %mul3A_366 : i32
        %get3A_368 = arith.index_cast %mul3A_367 : i32 to index
        %get3A_369 = tpu.vector_load %arg12[%get3A_368] {strides = array<i32>} : memref<4000xi32, #tpu.memory_space<vmem>>, vector<16xi32>,
        %get3A_370 = arith.index_cast %mul3A_367 : i32 to index
        %get3A_371 = tpu.vector_load %arg13[%get3A_370] {strides = array<i32>} : memref<4000xi32, #tpu.memory_space<vmem>>, vector<16xi32>,
        %get3A_372 = arith.index_cast %mul3A_367 : i32 to index
        %get3A_373 = tpu.vector_load %arg14[%get3A_372] {strides = array<i32>} : memref<4000xf32, #tpu.memory_space<vmem>>, vector<16xf32>,
        %gather3A_374 = tpu.vector_load_idx %arg11[%get3A_369] : memref<10000xf32, #tpu.memory_space<vmem>>[vector<16xi32>], vector<16xf32>,
        %mul3A_375 = arith.mulf %gather3A_374, %get3A_373 : vector<16xf32>
        tpu.vector_store_idx %arg10[%get3A_371], %mul3A_375 {add = true} : memref<100000xf32, #tpu.memory_space<vmem>>[vector<16xi32>], vector<16xf32>,
        %mul3A_376 = arith.constant 10 : i32
        %mul3A_377 = arith.muli %scan3A_278, %mul3A_376 : i32
        %add3A_378 = arith.constant 7 : i32
        %add3A_379 = arith.addi %mul3A_377, %add3A_378 : i32
        %mul3A_380 = arith.constant 16 : i32
        %mul3A_381 = arith.muli %add3A_379, %mul3A_380 : i32
        %get3A_382 = arith.index_cast %mul3A_381 : i32 to index
        %get3A_383 = tpu.vector_load %arg12[%get3A_382] {strides = array<i32>} : memref<4000xi32, #tpu.memory_space<vmem>>, vector<16xi32>,
        %get3A_384 = arith.index_cast %mul3A_381 : i32 to index
        %get3A_385 = tpu.vector_load %arg13[%get3A_384] {strides = array<i32>} : memref<4000xi32, #tpu.memory_space<vmem>>, vector<16xi32>,
        %get3A_386 = arith.index_cast %mul3A_381 : i32 to index
        %get3A_387 = tpu.vector_load %arg14[%get3A_386] {strides = array<i32>} : memref<4000xf32, #tpu.memory_space<vmem>>, vector<16xf32>,
        %gather3A_388 = tpu.vector_load_idx %arg11[%get3A_383] : memref<10000xf32, #tpu.memory_space<vmem>>[vector<16xi32>], vector<16xf32>,
        %mul3A_389 = arith.mulf %gather3A_388, %get3A_387 : vector<16xf32>
        tpu.vector_store_idx %arg10[%get3A_385], %mul3A_389 {add = true} : memref<100000xf32, #tpu.memory_space<vmem>>[vector<16xi32>], vector<16xf32>,
        %mul3A_390 = arith.constant 10 : i32
        %mul3A_391 = arith.muli %scan3A_278, %mul3A_390 : i32
        %add3A_392 = arith.constant 8 : i32
        %add3A_393 = arith.addi %mul3A_391, %add3A_392 : i32
        %mul3A_394 = arith.constant 16 : i32
        %mul3A_395 = arith.muli %add3A_393, %mul3A_394 : i32
        %get3A_396 = arith.index_cast %mul3A_395 : i32 to index
        %get3A_397 = tpu.vector_load %arg12[%get3A_396] {strides = array<i32>} : memref<4000xi32, #tpu.memory_space<vmem>>, vector<16xi32>,
        %get3A_398 = arith.index_cast %mul3A_395 : i32 to index
        %get3A_399 = tpu.vector_load %arg13[%get3A_398] {strides = array<i32>} : memref<4000xi32, #tpu.memory_space<vmem>>, vector<16xi32>,
        %get3A_400 = arith.index_cast %mul3A_395 : i32 to index
        %get3A_401 = tpu.vector_load %arg14[%get3A_400] {strides = array<i32>} : memref<4000xf32, #tpu.memory_space<vmem>>, vector<16xf32>,
        %gather3A_402 = tpu.vector_load_idx %arg11[%get3A_397] : memref<10000xf32, #tpu.memory_space<vmem>>[vector<16xi32>], vector<16xf32>,
        %mul3A_403 = arith.mulf %gather3A_402, %get3A_401 : vector<16xf32>
        tpu.vector_store_idx %arg10[%get3A_399], %mul3A_403 {add = true} : memref<100000xf32, #tpu.memory_space<vmem>>[vector<16xi32>], vector<16xf32>,
        %mul3A_404 = arith.constant 10 : i32
        %mul3A_405 = arith.muli %scan3A_278, %mul3A_404 : i32
        %add3A_406 = arith.constant 9 : i32
        %add3A_407 = arith.addi %mul3A_405, %add3A_406 : i32
        %mul3A_408 = arith.constant 16 : i32
        %mul3A_409 = arith.muli %add3A_407, %mul3A_408 : i32
        %get3A_410 = arith.index_cast %mul3A_409 : i32 to index
        %get3A_411 = tpu.vector_load %arg12[%get3A_410] {strides = array<i32>} : memref<4000xi32, #tpu.memory_space<vmem>>, vector<16xi32>,
        %get3A_412 = arith.index_cast %mul3A_409 : i32 to index
        %get3A_413 = tpu.vector_load %arg13[%get3A_412] {strides = array<i32>} : memref<4000xi32, #tpu.memory_space<vmem>>, vector<16xi32>,
        %get3A_414 = arith.index_cast %mul3A_409 : i32 to index
        %get3A_415 = tpu.vector_load %arg14[%get3A_414] {strides = array<i32>} : memref<4000xf32, #tpu.memory_space<vmem>>, vector<16xf32>,
        %gather3A_416 = tpu.vector_load_idx %arg11[%get3A_411] : memref<10000xf32, #tpu.memory_space<vmem>>[vector<16xi32>], vector<16xf32>,
        %mul3A_417 = arith.mulf %gather3A_416, %get3A_415 : vector<16xf32>
        tpu.vector_store_idx %arg10[%get3A_413], %mul3A_417 {add = true} : memref<100000xf32, #tpu.memory_space<vmem>>[vector<16xi32>], vector<16xf32>,
        %scan3A_418 = arith.constant 0 : i32
        scf.yield %scan3A_418 : i32
      }
      %scan3A_276 = arith.constant 25 : i32
      %scan3A_277 = arith.constant 0 : i32
      scf.yield %scan3A_277 : i32
    }
    %scan3A_95 = arith.constant 100 : i32
    "tpu.region"() ({
      %run_scoped3A = tpu.sem_alloc : memref<!tpu.dma_semaphore, #tpu.memory_space<semaphore_mem>>
      %dma_start3A = arith.constant 0 : i32
      %dma_start3A_256 = tpu.memref_slice %arg9[%add3A_67, %dma_start3A] : memref<256x100000xf32, #tpu.memory_space<hbm>> -> memref<1x100000xf32, #tpu.memory_space<hbm>>
      %dma_start3A_257 = tpu.memref_squeeze %dma_start3A_256 : memref<1x100000xf32, #tpu.memory_space<hbm>> -> memref<100000xf32, #tpu.memory_space<hbm>>
      %dma_start3A_258 = arith.constant 0 : i32
      %dma_start3A_259 = tpu.memref_slice %arg9[%add3A_67, %dma_start3A_258] : memref<256x100000xf32, #tpu.memory_space<hbm>> -> memref<1x100000xf32, #tpu.memory_space<hbm>>
      %dma_start3A_260 = tpu.memref_squeeze %dma_start3A_259 : memref<1x100000xf32, #tpu.memory_space<hbm>> -> memref<100000xf32, #tpu.memory_space<hbm>>
      tpu.enqueue_dma source(%arg10 : memref<100000xf32, #tpu.memory_space<vmem>>) target(%dma_start3A_260 : memref<100000xf32, #tpu.memory_space<hbm>>) target_semaphore(%run_scoped3A : memref<!tpu.dma_semaphore, #tpu.memory_space<semaphore_mem>>)
      %dma_wait3A = arith.constant 0 : i32
      %dma_wait3A_261 = tpu.memref_slice %arg9[%add3A_67, %dma_wait3A] : memref<256x100000xf32, #tpu.memory_space<hbm>> -> memref<1x100000xf32, #tpu.memory_space<hbm>>
      %dma_wait3A_262 = tpu.memref_squeeze %dma_wait3A_261 : memref<1x100000xf32, #tpu.memory_space<hbm>> -> memref<100000xf32, #tpu.memory_space<hbm>>
      %dma_wait3A_263 = arith.constant 0 : i32
      %dma_wait3A_264 = tpu.memref_slice %arg9[%add3A_67, %dma_wait3A_263] : memref<256x100000xf32, #tpu.memory_space<hbm>> -> memref<1x100000xf32, #tpu.memory_space<hbm>>
      %dma_wait3A_265 = tpu.memref_squeeze %dma_wait3A_264 : memref<1x100000xf32, #tpu.memory_space<hbm>> -> memref<100000xf32, #tpu.memory_space<hbm>>
      tpu.wait_dma2 semaphore(%run_scoped3A : memref<!tpu.dma_semaphore, #tpu.memory_space<semaphore_mem>>) src(%arg10 : memref<100000xf32, #tpu.memory_space<vmem>>) dst(%dma_wait3A_265 : memref<100000xf32, #tpu.memory_space<hbm>>)
      tpu.yield
    }) : () -> ()
    %mul3A_96 = arith.constant 8 : i32
    %mul3A_97 = arith.muli %add3A, %mul3A_96 : i32
    %add3A_98 = arith.constant 3 : i32
    %add3A_99 = arith.addi %mul3A_97, %add3A_98 : i32
    "tpu.region"() ({
      %run_scoped3A = tpu.sem_alloc : memref<!tpu.dma_semaphore, #tpu.memory_space<semaphore_mem>>
      %dma_start3A = arith.constant 0 : i32
      %dma_start3A_256 = tpu.memref_slice %arg2[%add3A_99, %dma_start3A] : memref<256x100000xf32, #tpu.memory_space<hbm>> -> memref<1x100000xf32, #tpu.memory_space<hbm>>
      %dma_start3A_257 = tpu.memref_squeeze %dma_start3A_256 : memref<1x100000xf32, #tpu.memory_space<hbm>> -> memref<100000xf32, #tpu.memory_space<hbm>>
      %dma_start3A_258 = arith.constant 0 : i32
      %dma_start3A_259 = tpu.memref_slice %arg2[%add3A_99, %dma_start3A_258] : memref<256x100000xf32, #tpu.memory_space<hbm>> -> memref<1x100000xf32, #tpu.memory_space<hbm>>
      %dma_start3A_260 = tpu.memref_squeeze %dma_start3A_259 : memref<1x100000xf32, #tpu.memory_space<hbm>> -> memref<100000xf32, #tpu.memory_space<hbm>>
      tpu.enqueue_dma source(%dma_start3A_260 : memref<100000xf32, #tpu.memory_space<hbm>>) target(%arg10 : memref<100000xf32, #tpu.memory_space<vmem>>) target_semaphore(%run_scoped3A : memref<!tpu.dma_semaphore, #tpu.memory_space<semaphore_mem>>)
      %dma_wait3A = arith.constant 0 : i32
      %dma_wait3A_261 = tpu.memref_slice %arg2[%add3A_99, %dma_wait3A] : memref<256x100000xf32, #tpu.memory_space<hbm>> -> memref<1x100000xf32, #tpu.memory_space<hbm>>
      %dma_wait3A_262 = tpu.memref_squeeze %dma_wait3A_261 : memref<1x100000xf32, #tpu.memory_space<hbm>> -> memref<100000xf32, #tpu.memory_space<hbm>>
      %dma_wait3A_263 = arith.constant 0 : i32
      %dma_wait3A_264 = tpu.memref_slice %arg2[%add3A_99, %dma_wait3A_263] : memref<256x100000xf32, #tpu.memory_space<hbm>> -> memref<1x100000xf32, #tpu.memory_space<hbm>>
      %dma_wait3A_265 = tpu.memref_squeeze %dma_wait3A_264 : memref<1x100000xf32, #tpu.memory_space<hbm>> -> memref<100000xf32, #tpu.memory_space<hbm>>
      tpu.wait_dma2 semaphore(%run_scoped3A : memref<!tpu.dma_semaphore, #tpu.memory_space<semaphore_mem>>) src(%dma_wait3A_265 : memref<100000xf32, #tpu.memory_space<hbm>>) dst(%arg10 : memref<100000xf32, #tpu.memory_space<vmem>>)
      tpu.yield
    }) : () -> ()
    %scan3A_100 = arith.constant 0 : i32
    %scan3A_101 = arith.constant 0 : i32
    %scan3A_102 = arith.constant 625 : i32
    %scan3A_103 = arith.addi %scan3A_101, %scan3A_102 : i32
    %scan3A_104 = arith.constant 1 : i32
    %scan3A_105 = scf.for %scan3A_256 = %scan3A_101 to %scan3A_103 step %scan3A_104 iter_args(%scan3A_257 = %scan3A_100) -> (i32)  : i32 {
      %broadcast_in_dim3A = arith.constant 0.000000e+00 : f32
      %broadcast_in_dim3A_258 = vector.broadcast %broadcast_in_dim3A : f32 to vector<16xf32>
      %mul3A_259 = arith.constant 16 : i32
      %mul3A_260 = arith.muli %scan3A_256, %mul3A_259 : i32
      %swap3A = arith.index_cast %mul3A_260 : i32 to index
      %swap3A_261 = tpu.vector_load %arg11[%swap3A] {strides = array<i32>} : memref<10000xf32, #tpu.memory_space<vmem>>, vector<16xf32>,
      tpu.vector_store %arg11[%swap3A], %broadcast_in_dim3A_258 {strides = array<i32>} : memref<10000xf32, #tpu.memory_space<vmem>>, vector<16xf32>,
      %scan3A_262 = arith.constant 0 : i32
      scf.yield %scan3A_262 : i32
    }
    %scan3A_106 = arith.constant 625 : i32
    %scan3A_107 = arith.constant 0 : i32
    %scan3A_108 = arith.constant 0 : i32
    %scan3A_109 = arith.constant 100 : i32
    %scan3A_110 = arith.addi %scan3A_108, %scan3A_109 : i32
    %scan3A_111 = arith.constant 1 : i32
    %scan3A_112 = scf.for %scan3A_256 = %scan3A_108 to %scan3A_110 step %scan3A_111 iter_args(%scan3A_257 = %scan3A_107) -> (i32)  : i32 {
      %mul3A_258 = arith.constant 4000 : i32
      %mul3A_259 = arith.muli %scan3A_256, %mul3A_258 : i32
      %dma_start3A = tpu.memref_slice %arg3[%mul3A_259] : memref<400000xi32, #tpu.memory_space<hbm>> -> memref<4000xi32, #tpu.memory_space<hbm>>
      %dma_start3A_260 = tpu.memref_slice %arg3[%mul3A_259] : memref<400000xi32, #tpu.memory_space<hbm>> -> memref<4000xi32, #tpu.memory_space<hbm>>
      tpu.enqueue_dma source(%dma_start3A_260 : memref<4000xi32, #tpu.memory_space<hbm>>) target(%arg12 : memref<4000xi32, #tpu.memory_space<vmem>>) target_semaphore(%arg15 : memref<!tpu.dma_semaphore, #tpu.memory_space<semaphore_mem>>)
      %dma_start3A_261 = tpu.memref_slice %arg4[%mul3A_259] : memref<400000xi32, #tpu.memory_space<hbm>> -> memref<4000xi32, #tpu.memory_space<hbm>>
      %dma_start3A_262 = tpu.memref_slice %arg4[%mul3A_259] : memref<400000xi32, #tpu.memory_space<hbm>> -> memref<4000xi32, #tpu.memory_space<hbm>>
      tpu.enqueue_dma source(%dma_start3A_262 : memref<4000xi32, #tpu.memory_space<hbm>>) target(%arg13 : memref<4000xi32, #tpu.memory_space<vmem>>) target_semaphore(%arg16 : memref<!tpu.dma_semaphore, #tpu.memory_space<semaphore_mem>>)
      %dma_start3A_263 = tpu.memref_slice %arg5[%mul3A_259] : memref<400000xf32, #tpu.memory_space<hbm>> -> memref<4000xf32, #tpu.memory_space<hbm>>
      %dma_start3A_264 = tpu.memref_slice %arg5[%mul3A_259] : memref<400000xf32, #tpu.memory_space<hbm>> -> memref<4000xf32, #tpu.memory_space<hbm>>
      tpu.enqueue_dma source(%dma_start3A_264 : memref<4000xf32, #tpu.memory_space<hbm>>) target(%arg14 : memref<4000xf32, #tpu.memory_space<vmem>>) target_semaphore(%arg17 : memref<!tpu.dma_semaphore, #tpu.memory_space<semaphore_mem>>)
      %dma_wait3A = tpu.memref_slice %arg3[%mul3A_259] : memref<400000xi32, #tpu.memory_space<hbm>> -> memref<4000xi32, #tpu.memory_space<hbm>>
      %dma_wait3A_265 = tpu.memref_slice %arg3[%mul3A_259] : memref<400000xi32, #tpu.memory_space<hbm>> -> memref<4000xi32, #tpu.memory_space<hbm>>
      tpu.wait_dma2 semaphore(%arg15 : memref<!tpu.dma_semaphore, #tpu.memory_space<semaphore_mem>>) src(%dma_wait3A_265 : memref<4000xi32, #tpu.memory_space<hbm>>) dst(%arg12 : memref<4000xi32, #tpu.memory_space<vmem>>)
      %dma_wait3A_266 = tpu.memref_slice %arg4[%mul3A_259] : memref<400000xi32, #tpu.memory_space<hbm>> -> memref<4000xi32, #tpu.memory_space<hbm>>
      %dma_wait3A_267 = tpu.memref_slice %arg4[%mul3A_259] : memref<400000xi32, #tpu.memory_space<hbm>> -> memref<4000xi32, #tpu.memory_space<hbm>>
      tpu.wait_dma2 semaphore(%arg16 : memref<!tpu.dma_semaphore, #tpu.memory_space<semaphore_mem>>) src(%dma_wait3A_267 : memref<4000xi32, #tpu.memory_space<hbm>>) dst(%arg13 : memref<4000xi32, #tpu.memory_space<vmem>>)
      %dma_wait3A_268 = tpu.memref_slice %arg5[%mul3A_259] : memref<400000xf32, #tpu.memory_space<hbm>> -> memref<4000xf32, #tpu.memory_space<hbm>>
      %dma_wait3A_269 = tpu.memref_slice %arg5[%mul3A_259] : memref<400000xf32, #tpu.memory_space<hbm>> -> memref<4000xf32, #tpu.memory_space<hbm>>
      tpu.wait_dma2 semaphore(%arg17 : memref<!tpu.dma_semaphore, #tpu.memory_space<semaphore_mem>>) src(%dma_wait3A_269 : memref<4000xf32, #tpu.memory_space<hbm>>) dst(%arg14 : memref<4000xf32, #tpu.memory_space<vmem>>)
      %scan3A_270 = arith.constant 0 : i32
      %scan3A_271 = arith.constant 0 : i32
      %scan3A_272 = arith.constant 25 : i32
      %scan3A_273 = arith.addi %scan3A_271, %scan3A_272 : i32
      %scan3A_274 = arith.constant 1 : i32
      %scan3A_275 = scf.for %scan3A_278 = %scan3A_271 to %scan3A_273 step %scan3A_274 iter_args(%scan3A_279 = %scan3A_270) -> (i32)  : i32 {
        %mul3A_280 = arith.constant 10 : i32
        %mul3A_281 = arith.muli %scan3A_278, %mul3A_280 : i32
        %add3A_282 = arith.constant 0 : i32
        %add3A_283 = arith.addi %mul3A_281, %add3A_282 : i32
        %mul3A_284 = arith.constant 16 : i32
        %mul3A_285 = arith.muli %add3A_283, %mul3A_284 : i32
        %get3A = arith.index_cast %mul3A_285 : i32 to index
        %get3A_286 = tpu.vector_load %arg12[%get3A] {strides = array<i32>} : memref<4000xi32, #tpu.memory_space<vmem>>, vector<16xi32>,
        %get3A_287 = arith.index_cast %mul3A_285 : i32 to index
        %get3A_288 = tpu.vector_load %arg13[%get3A_287] {strides = array<i32>} : memref<4000xi32, #tpu.memory_space<vmem>>, vector<16xi32>,
        %get3A_289 = arith.index_cast %mul3A_285 : i32 to index
        %get3A_290 = tpu.vector_load %arg14[%get3A_289] {strides = array<i32>} : memref<4000xf32, #tpu.memory_space<vmem>>, vector<16xf32>,
        %gather3A = tpu.vector_load_idx %arg10[%get3A_286] : memref<100000xf32, #tpu.memory_space<vmem>>[vector<16xi32>], vector<16xf32>,
        %mul3A_291 = arith.mulf %gather3A, %get3A_290 : vector<16xf32>
        tpu.vector_store_idx %arg11[%get3A_288], %mul3A_291 {add = true} : memref<10000xf32, #tpu.memory_space<vmem>>[vector<16xi32>], vector<16xf32>,
        %mul3A_292 = arith.constant 10 : i32
        %mul3A_293 = arith.muli %scan3A_278, %mul3A_292 : i32
        %add3A_294 = arith.constant 1 : i32
        %add3A_295 = arith.addi %mul3A_293, %add3A_294 : i32
        %mul3A_296 = arith.constant 16 : i32
        %mul3A_297 = arith.muli %add3A_295, %mul3A_296 : i32
        %get3A_298 = arith.index_cast %mul3A_297 : i32 to index
        %get3A_299 = tpu.vector_load %arg12[%get3A_298] {strides = array<i32>} : memref<4000xi32, #tpu.memory_space<vmem>>, vector<16xi32>,
        %get3A_300 = arith.index_cast %mul3A_297 : i32 to index
        %get3A_301 = tpu.vector_load %arg13[%get3A_300] {strides = array<i32>} : memref<4000xi32, #tpu.memory_space<vmem>>, vector<16xi32>,
        %get3A_302 = arith.index_cast %mul3A_297 : i32 to index
        %get3A_303 = tpu.vector_load %arg14[%get3A_302] {strides = array<i32>} : memref<4000xf32, #tpu.memory_space<vmem>>, vector<16xf32>,
        %gather3A_304 = tpu.vector_load_idx %arg10[%get3A_299] : memref<100000xf32, #tpu.memory_space<vmem>>[vector<16xi32>], vector<16xf32>,
        %mul3A_305 = arith.mulf %gather3A_304, %get3A_303 : vector<16xf32>
        tpu.vector_store_idx %arg11[%get3A_301], %mul3A_305 {add = true} : memref<10000xf32, #tpu.memory_space<vmem>>[vector<16xi32>], vector<16xf32>,
        %mul3A_306 = arith.constant 10 : i32
        %mul3A_307 = arith.muli %scan3A_278, %mul3A_306 : i32
        %add3A_308 = arith.constant 2 : i32
        %add3A_309 = arith.addi %mul3A_307, %add3A_308 : i32
        %mul3A_310 = arith.constant 16 : i32
        %mul3A_311 = arith.muli %add3A_309, %mul3A_310 : i32
        %get3A_312 = arith.index_cast %mul3A_311 : i32 to index
        %get3A_313 = tpu.vector_load %arg12[%get3A_312] {strides = array<i32>} : memref<4000xi32, #tpu.memory_space<vmem>>, vector<16xi32>,
        %get3A_314 = arith.index_cast %mul3A_311 : i32 to index
        %get3A_315 = tpu.vector_load %arg13[%get3A_314] {strides = array<i32>} : memref<4000xi32, #tpu.memory_space<vmem>>, vector<16xi32>,
        %get3A_316 = arith.index_cast %mul3A_311 : i32 to index
        %get3A_317 = tpu.vector_load %arg14[%get3A_316] {strides = array<i32>} : memref<4000xf32, #tpu.memory_space<vmem>>, vector<16xf32>,
        %gather3A_318 = tpu.vector_load_idx %arg10[%get3A_313] : memref<100000xf32, #tpu.memory_space<vmem>>[vector<16xi32>], vector<16xf32>,
        %mul3A_319 = arith.mulf %gather3A_318, %get3A_317 : vector<16xf32>
        tpu.vector_store_idx %arg11[%get3A_315], %mul3A_319 {add = true} : memref<10000xf32, #tpu.memory_space<vmem>>[vector<16xi32>], vector<16xf32>,
        %mul3A_320 = arith.constant 10 : i32
        %mul3A_321 = arith.muli %scan3A_278, %mul3A_320 : i32
        %add3A_322 = arith.constant 3 : i32
        %add3A_323 = arith.addi %mul3A_321, %add3A_322 : i32
        %mul3A_324 = arith.constant 16 : i32
        %mul3A_325 = arith.muli %add3A_323, %mul3A_324 : i32
        %get3A_326 = arith.index_cast %mul3A_325 : i32 to index
        %get3A_327 = tpu.vector_load %arg12[%get3A_326] {strides = array<i32>} : memref<4000xi32, #tpu.memory_space<vmem>>, vector<16xi32>,
        %get3A_328 = arith.index_cast %mul3A_325 : i32 to index
        %get3A_329 = tpu.vector_load %arg13[%get3A_328] {strides = array<i32>} : memref<4000xi32, #tpu.memory_space<vmem>>, vector<16xi32>,
        %get3A_330 = arith.index_cast %mul3A_325 : i32 to index
        %get3A_331 = tpu.vector_load %arg14[%get3A_330] {strides = array<i32>} : memref<4000xf32, #tpu.memory_space<vmem>>, vector<16xf32>,
        %gather3A_332 = tpu.vector_load_idx %arg10[%get3A_327] : memref<100000xf32, #tpu.memory_space<vmem>>[vector<16xi32>], vector<16xf32>,
        %mul3A_333 = arith.mulf %gather3A_332, %get3A_331 : vector<16xf32>
        tpu.vector_store_idx %arg11[%get3A_329], %mul3A_333 {add = true} : memref<10000xf32, #tpu.memory_space<vmem>>[vector<16xi32>], vector<16xf32>,
        %mul3A_334 = arith.constant 10 : i32
        %mul3A_335 = arith.muli %scan3A_278, %mul3A_334 : i32
        %add3A_336 = arith.constant 4 : i32
        %add3A_337 = arith.addi %mul3A_335, %add3A_336 : i32
        %mul3A_338 = arith.constant 16 : i32
        %mul3A_339 = arith.muli %add3A_337, %mul3A_338 : i32
        %get3A_340 = arith.index_cast %mul3A_339 : i32 to index
        %get3A_341 = tpu.vector_load %arg12[%get3A_340] {strides = array<i32>} : memref<4000xi32, #tpu.memory_space<vmem>>, vector<16xi32>,
        %get3A_342 = arith.index_cast %mul3A_339 : i32 to index
        %get3A_343 = tpu.vector_load %arg13[%get3A_342] {strides = array<i32>} : memref<4000xi32, #tpu.memory_space<vmem>>, vector<16xi32>,
        %get3A_344 = arith.index_cast %mul3A_339 : i32 to index
        %get3A_345 = tpu.vector_load %arg14[%get3A_344] {strides = array<i32>} : memref<4000xf32, #tpu.memory_space<vmem>>, vector<16xf32>,
        %gather3A_346 = tpu.vector_load_idx %arg10[%get3A_341] : memref<100000xf32, #tpu.memory_space<vmem>>[vector<16xi32>], vector<16xf32>,
        %mul3A_347 = arith.mulf %gather3A_346, %get3A_345 : vector<16xf32>
        tpu.vector_store_idx %arg11[%get3A_343], %mul3A_347 {add = true} : memref<10000xf32, #tpu.memory_space<vmem>>[vector<16xi32>], vector<16xf32>,
        %mul3A_348 = arith.constant 10 : i32
        %mul3A_349 = arith.muli %scan3A_278, %mul3A_348 : i32
        %add3A_350 = arith.constant 5 : i32
        %add3A_351 = arith.addi %mul3A_349, %add3A_350 : i32
        %mul3A_352 = arith.constant 16 : i32
        %mul3A_353 = arith.muli %add3A_351, %mul3A_352 : i32
        %get3A_354 = arith.index_cast %mul3A_353 : i32 to index
        %get3A_355 = tpu.vector_load %arg12[%get3A_354] {strides = array<i32>} : memref<4000xi32, #tpu.memory_space<vmem>>, vector<16xi32>,
        %get3A_356 = arith.index_cast %mul3A_353 : i32 to index
        %get3A_357 = tpu.vector_load %arg13[%get3A_356] {strides = array<i32>} : memref<4000xi32, #tpu.memory_space<vmem>>, vector<16xi32>,
        %get3A_358 = arith.index_cast %mul3A_353 : i32 to index
        %get3A_359 = tpu.vector_load %arg14[%get3A_358] {strides = array<i32>} : memref<4000xf32, #tpu.memory_space<vmem>>, vector<16xf32>,
        %gather3A_360 = tpu.vector_load_idx %arg10[%get3A_355] : memref<100000xf32, #tpu.memory_space<vmem>>[vector<16xi32>], vector<16xf32>,
        %mul3A_361 = arith.mulf %gather3A_360, %get3A_359 : vector<16xf32>
        tpu.vector_store_idx %arg11[%get3A_357], %mul3A_361 {add = true} : memref<10000xf32, #tpu.memory_space<vmem>>[vector<16xi32>], vector<16xf32>,
        %mul3A_362 = arith.constant 10 : i32
        %mul3A_363 = arith.muli %scan3A_278, %mul3A_362 : i32
        %add3A_364 = arith.constant 6 : i32
        %add3A_365 = arith.addi %mul3A_363, %add3A_364 : i32
        %mul3A_366 = arith.constant 16 : i32
        %mul3A_367 = arith.muli %add3A_365, %mul3A_366 : i32
        %get3A_368 = arith.index_cast %mul3A_367 : i32 to index
        %get3A_369 = tpu.vector_load %arg12[%get3A_368] {strides = array<i32>} : memref<4000xi32, #tpu.memory_space<vmem>>, vector<16xi32>,
        %get3A_370 = arith.index_cast %mul3A_367 : i32 to index
        %get3A_371 = tpu.vector_load %arg13[%get3A_370] {strides = array<i32>} : memref<4000xi32, #tpu.memory_space<vmem>>, vector<16xi32>,
        %get3A_372 = arith.index_cast %mul3A_367 : i32 to index
        %get3A_373 = tpu.vector_load %arg14[%get3A_372] {strides = array<i32>} : memref<4000xf32, #tpu.memory_space<vmem>>, vector<16xf32>,
        %gather3A_374 = tpu.vector_load_idx %arg10[%get3A_369] : memref<100000xf32, #tpu.memory_space<vmem>>[vector<16xi32>], vector<16xf32>,
        %mul3A_375 = arith.mulf %gather3A_374, %get3A_373 : vector<16xf32>
        tpu.vector_store_idx %arg11[%get3A_371], %mul3A_375 {add = true} : memref<10000xf32, #tpu.memory_space<vmem>>[vector<16xi32>], vector<16xf32>,
        %mul3A_376 = arith.constant 10 : i32
        %mul3A_377 = arith.muli %scan3A_278, %mul3A_376 : i32
        %add3A_378 = arith.constant 7 : i32
        %add3A_379 = arith.addi %mul3A_377, %add3A_378 : i32
        %mul3A_380 = arith.constant 16 : i32
        %mul3A_381 = arith.muli %add3A_379, %mul3A_380 : i32
        %get3A_382 = arith.index_cast %mul3A_381 : i32 to index
        %get3A_383 = tpu.vector_load %arg12[%get3A_382] {strides = array<i32>} : memref<4000xi32, #tpu.memory_space<vmem>>, vector<16xi32>,
        %get3A_384 = arith.index_cast %mul3A_381 : i32 to index
        %get3A_385 = tpu.vector_load %arg13[%get3A_384] {strides = array<i32>} : memref<4000xi32, #tpu.memory_space<vmem>>, vector<16xi32>,
        %get3A_386 = arith.index_cast %mul3A_381 : i32 to index
        %get3A_387 = tpu.vector_load %arg14[%get3A_386] {strides = array<i32>} : memref<4000xf32, #tpu.memory_space<vmem>>, vector<16xf32>,
        %gather3A_388 = tpu.vector_load_idx %arg10[%get3A_383] : memref<100000xf32, #tpu.memory_space<vmem>>[vector<16xi32>], vector<16xf32>,
        %mul3A_389 = arith.mulf %gather3A_388, %get3A_387 : vector<16xf32>
        tpu.vector_store_idx %arg11[%get3A_385], %mul3A_389 {add = true} : memref<10000xf32, #tpu.memory_space<vmem>>[vector<16xi32>], vector<16xf32>,
        %mul3A_390 = arith.constant 10 : i32
        %mul3A_391 = arith.muli %scan3A_278, %mul3A_390 : i32
        %add3A_392 = arith.constant 8 : i32
        %add3A_393 = arith.addi %mul3A_391, %add3A_392 : i32
        %mul3A_394 = arith.constant 16 : i32
        %mul3A_395 = arith.muli %add3A_393, %mul3A_394 : i32
        %get3A_396 = arith.index_cast %mul3A_395 : i32 to index
        %get3A_397 = tpu.vector_load %arg12[%get3A_396] {strides = array<i32>} : memref<4000xi32, #tpu.memory_space<vmem>>, vector<16xi32>,
        %get3A_398 = arith.index_cast %mul3A_395 : i32 to index
        %get3A_399 = tpu.vector_load %arg13[%get3A_398] {strides = array<i32>} : memref<4000xi32, #tpu.memory_space<vmem>>, vector<16xi32>,
        %get3A_400 = arith.index_cast %mul3A_395 : i32 to index
        %get3A_401 = tpu.vector_load %arg14[%get3A_400] {strides = array<i32>} : memref<4000xf32, #tpu.memory_space<vmem>>, vector<16xf32>,
        %gather3A_402 = tpu.vector_load_idx %arg10[%get3A_397] : memref<100000xf32, #tpu.memory_space<vmem>>[vector<16xi32>], vector<16xf32>,
        %mul3A_403 = arith.mulf %gather3A_402, %get3A_401 : vector<16xf32>
        tpu.vector_store_idx %arg11[%get3A_399], %mul3A_403 {add = true} : memref<10000xf32, #tpu.memory_space<vmem>>[vector<16xi32>], vector<16xf32>,
        %mul3A_404 = arith.constant 10 : i32
        %mul3A_405 = arith.muli %scan3A_278, %mul3A_404 : i32
        %add3A_406 = arith.constant 9 : i32
        %add3A_407 = arith.addi %mul3A_405, %add3A_406 : i32
        %mul3A_408 = arith.constant 16 : i32
        %mul3A_409 = arith.muli %add3A_407, %mul3A_408 : i32
        %get3A_410 = arith.index_cast %mul3A_409 : i32 to index
        %get3A_411 = tpu.vector_load %arg12[%get3A_410] {strides = array<i32>} : memref<4000xi32, #tpu.memory_space<vmem>>, vector<16xi32>,
        %get3A_412 = arith.index_cast %mul3A_409 : i32 to index
        %get3A_413 = tpu.vector_load %arg13[%get3A_412] {strides = array<i32>} : memref<4000xi32, #tpu.memory_space<vmem>>, vector<16xi32>,
        %get3A_414 = arith.index_cast %mul3A_409 : i32 to index
        %get3A_415 = tpu.vector_load %arg14[%get3A_414] {strides = array<i32>} : memref<4000xf32, #tpu.memory_space<vmem>>, vector<16xf32>,
        %gather3A_416 = tpu.vector_load_idx %arg10[%get3A_411] : memref<100000xf32, #tpu.memory_space<vmem>>[vector<16xi32>], vector<16xf32>,
        %mul3A_417 = arith.mulf %gather3A_416, %get3A_415 : vector<16xf32>
        tpu.vector_store_idx %arg11[%get3A_413], %mul3A_417 {add = true} : memref<10000xf32, #tpu.memory_space<vmem>>[vector<16xi32>], vector<16xf32>,
        %scan3A_418 = arith.constant 0 : i32
        scf.yield %scan3A_418 : i32
      }
      %scan3A_276 = arith.constant 25 : i32
      %scan3A_277 = arith.constant 0 : i32
      scf.yield %scan3A_277 : i32
    }
    %scan3A_113 = arith.constant 100 : i32
    %scan3A_114 = arith.constant 0 : i32
    %scan3A_115 = arith.constant 0 : i32
    %scan3A_116 = arith.constant 6250 : i32
    %scan3A_117 = arith.addi %scan3A_115, %scan3A_116 : i32
    %scan3A_118 = arith.constant 1 : i32
    %scan3A_119 = scf.for %scan3A_256 = %scan3A_115 to %scan3A_117 step %scan3A_118 iter_args(%scan3A_257 = %scan3A_114) -> (i32)  : i32 {
      %broadcast_in_dim3A = arith.constant 0.000000e+00 : f32
      %broadcast_in_dim3A_258 = vector.broadcast %broadcast_in_dim3A : f32 to vector<16xf32>
      %mul3A_259 = arith.constant 16 : i32
      %mul3A_260 = arith.muli %scan3A_256, %mul3A_259 : i32
      %swap3A = arith.index_cast %mul3A_260 : i32 to index
      %swap3A_261 = tpu.vector_load %arg10[%swap3A] {strides = array<i32>} : memref<100000xf32, #tpu.memory_space<vmem>>, vector<16xf32>,
      tpu.vector_store %arg10[%swap3A], %broadcast_in_dim3A_258 {strides = array<i32>} : memref<100000xf32, #tpu.memory_space<vmem>>, vector<16xf32>,
      %scan3A_262 = arith.constant 0 : i32
      scf.yield %scan3A_262 : i32
    }
    %scan3A_120 = arith.constant 6250 : i32
    %scan3A_121 = arith.constant 0 : i32
    %scan3A_122 = arith.constant 0 : i32
    %scan3A_123 = arith.constant 100 : i32
    %scan3A_124 = arith.addi %scan3A_122, %scan3A_123 : i32
    %scan3A_125 = arith.constant 1 : i32
    %scan3A_126 = scf.for %scan3A_256 = %scan3A_122 to %scan3A_124 step %scan3A_125 iter_args(%scan3A_257 = %scan3A_121) -> (i32)  : i32 {
      %mul3A_258 = arith.constant 4000 : i32
      %mul3A_259 = arith.muli %scan3A_256, %mul3A_258 : i32
      %dma_start3A = tpu.memref_slice %arg6[%mul3A_259] : memref<400000xi32, #tpu.memory_space<hbm>> -> memref<4000xi32, #tpu.memory_space<hbm>>
      %dma_start3A_260 = tpu.memref_slice %arg6[%mul3A_259] : memref<400000xi32, #tpu.memory_space<hbm>> -> memref<4000xi32, #tpu.memory_space<hbm>>
      tpu.enqueue_dma source(%dma_start3A_260 : memref<4000xi32, #tpu.memory_space<hbm>>) target(%arg12 : memref<4000xi32, #tpu.memory_space<vmem>>) target_semaphore(%arg15 : memref<!tpu.dma_semaphore, #tpu.memory_space<semaphore_mem>>)
      %dma_start3A_261 = tpu.memref_slice %arg7[%mul3A_259] : memref<400000xi32, #tpu.memory_space<hbm>> -> memref<4000xi32, #tpu.memory_space<hbm>>
      %dma_start3A_262 = tpu.memref_slice %arg7[%mul3A_259] : memref<400000xi32, #tpu.memory_space<hbm>> -> memref<4000xi32, #tpu.memory_space<hbm>>
      tpu.enqueue_dma source(%dma_start3A_262 : memref<4000xi32, #tpu.memory_space<hbm>>) target(%arg13 : memref<4000xi32, #tpu.memory_space<vmem>>) target_semaphore(%arg16 : memref<!tpu.dma_semaphore, #tpu.memory_space<semaphore_mem>>)
      %dma_start3A_263 = tpu.memref_slice %arg8[%mul3A_259] : memref<400000xf32, #tpu.memory_space<hbm>> -> memref<4000xf32, #tpu.memory_space<hbm>>
      %dma_start3A_264 = tpu.memref_slice %arg8[%mul3A_259] : memref<400000xf32, #tpu.memory_space<hbm>> -> memref<4000xf32, #tpu.memory_space<hbm>>
      tpu.enqueue_dma source(%dma_start3A_264 : memref<4000xf32, #tpu.memory_space<hbm>>) target(%arg14 : memref<4000xf32, #tpu.memory_space<vmem>>) target_semaphore(%arg17 : memref<!tpu.dma_semaphore, #tpu.memory_space<semaphore_mem>>)
      %dma_wait3A = tpu.memref_slice %arg6[%mul3A_259] : memref<400000xi32, #tpu.memory_space<hbm>> -> memref<4000xi32, #tpu.memory_space<hbm>>
      %dma_wait3A_265 = tpu.memref_slice %arg6[%mul3A_259] : memref<400000xi32, #tpu.memory_space<hbm>> -> memref<4000xi32, #tpu.memory_space<hbm>>
      tpu.wait_dma2 semaphore(%arg15 : memref<!tpu.dma_semaphore, #tpu.memory_space<semaphore_mem>>) src(%dma_wait3A_265 : memref<4000xi32, #tpu.memory_space<hbm>>) dst(%arg12 : memref<4000xi32, #tpu.memory_space<vmem>>)
      %dma_wait3A_266 = tpu.memref_slice %arg7[%mul3A_259] : memref<400000xi32, #tpu.memory_space<hbm>> -> memref<4000xi32, #tpu.memory_space<hbm>>
      %dma_wait3A_267 = tpu.memref_slice %arg7[%mul3A_259] : memref<400000xi32, #tpu.memory_space<hbm>> -> memref<4000xi32, #tpu.memory_space<hbm>>
      tpu.wait_dma2 semaphore(%arg16 : memref<!tpu.dma_semaphore, #tpu.memory_space<semaphore_mem>>) src(%dma_wait3A_267 : memref<4000xi32, #tpu.memory_space<hbm>>) dst(%arg13 : memref<4000xi32, #tpu.memory_space<vmem>>)
      %dma_wait3A_268 = tpu.memref_slice %arg8[%mul3A_259] : memref<400000xf32, #tpu.memory_space<hbm>> -> memref<4000xf32, #tpu.memory_space<hbm>>
      %dma_wait3A_269 = tpu.memref_slice %arg8[%mul3A_259] : memref<400000xf32, #tpu.memory_space<hbm>> -> memref<4000xf32, #tpu.memory_space<hbm>>
      tpu.wait_dma2 semaphore(%arg17 : memref<!tpu.dma_semaphore, #tpu.memory_space<semaphore_mem>>) src(%dma_wait3A_269 : memref<4000xf32, #tpu.memory_space<hbm>>) dst(%arg14 : memref<4000xf32, #tpu.memory_space<vmem>>)
      %scan3A_270 = arith.constant 0 : i32
      %scan3A_271 = arith.constant 0 : i32
      %scan3A_272 = arith.constant 25 : i32
      %scan3A_273 = arith.addi %scan3A_271, %scan3A_272 : i32
      %scan3A_274 = arith.constant 1 : i32
      %scan3A_275 = scf.for %scan3A_278 = %scan3A_271 to %scan3A_273 step %scan3A_274 iter_args(%scan3A_279 = %scan3A_270) -> (i32)  : i32 {
        %mul3A_280 = arith.constant 10 : i32
        %mul3A_281 = arith.muli %scan3A_278, %mul3A_280 : i32
        %add3A_282 = arith.constant 0 : i32
        %add3A_283 = arith.addi %mul3A_281, %add3A_282 : i32
        %mul3A_284 = arith.constant 16 : i32
        %mul3A_285 = arith.muli %add3A_283, %mul3A_284 : i32
        %get3A = arith.index_cast %mul3A_285 : i32 to index
        %get3A_286 = tpu.vector_load %arg12[%get3A] {strides = array<i32>} : memref<4000xi32, #tpu.memory_space<vmem>>, vector<16xi32>,
        %get3A_287 = arith.index_cast %mul3A_285 : i32 to index
        %get3A_288 = tpu.vector_load %arg13[%get3A_287] {strides = array<i32>} : memref<4000xi32, #tpu.memory_space<vmem>>, vector<16xi32>,
        %get3A_289 = arith.index_cast %mul3A_285 : i32 to index
        %get3A_290 = tpu.vector_load %arg14[%get3A_289] {strides = array<i32>} : memref<4000xf32, #tpu.memory_space<vmem>>, vector<16xf32>,
        %gather3A = tpu.vector_load_idx %arg11[%get3A_286] : memref<10000xf32, #tpu.memory_space<vmem>>[vector<16xi32>], vector<16xf32>,
        %mul3A_291 = arith.mulf %gather3A, %get3A_290 : vector<16xf32>
        tpu.vector_store_idx %arg10[%get3A_288], %mul3A_291 {add = true} : memref<100000xf32, #tpu.memory_space<vmem>>[vector<16xi32>], vector<16xf32>,
        %mul3A_292 = arith.constant 10 : i32
        %mul3A_293 = arith.muli %scan3A_278, %mul3A_292 : i32
        %add3A_294 = arith.constant 1 : i32
        %add3A_295 = arith.addi %mul3A_293, %add3A_294 : i32
        %mul3A_296 = arith.constant 16 : i32
        %mul3A_297 = arith.muli %add3A_295, %mul3A_296 : i32
        %get3A_298 = arith.index_cast %mul3A_297 : i32 to index
        %get3A_299 = tpu.vector_load %arg12[%get3A_298] {strides = array<i32>} : memref<4000xi32, #tpu.memory_space<vmem>>, vector<16xi32>,
        %get3A_300 = arith.index_cast %mul3A_297 : i32 to index
        %get3A_301 = tpu.vector_load %arg13[%get3A_300] {strides = array<i32>} : memref<4000xi32, #tpu.memory_space<vmem>>, vector<16xi32>,
        %get3A_302 = arith.index_cast %mul3A_297 : i32 to index
        %get3A_303 = tpu.vector_load %arg14[%get3A_302] {strides = array<i32>} : memref<4000xf32, #tpu.memory_space<vmem>>, vector<16xf32>,
        %gather3A_304 = tpu.vector_load_idx %arg11[%get3A_299] : memref<10000xf32, #tpu.memory_space<vmem>>[vector<16xi32>], vector<16xf32>,
        %mul3A_305 = arith.mulf %gather3A_304, %get3A_303 : vector<16xf32>
        tpu.vector_store_idx %arg10[%get3A_301], %mul3A_305 {add = true} : memref<100000xf32, #tpu.memory_space<vmem>>[vector<16xi32>], vector<16xf32>,
        %mul3A_306 = arith.constant 10 : i32
        %mul3A_307 = arith.muli %scan3A_278, %mul3A_306 : i32
        %add3A_308 = arith.constant 2 : i32
        %add3A_309 = arith.addi %mul3A_307, %add3A_308 : i32
        %mul3A_310 = arith.constant 16 : i32
        %mul3A_311 = arith.muli %add3A_309, %mul3A_310 : i32
        %get3A_312 = arith.index_cast %mul3A_311 : i32 to index
        %get3A_313 = tpu.vector_load %arg12[%get3A_312] {strides = array<i32>} : memref<4000xi32, #tpu.memory_space<vmem>>, vector<16xi32>,
        %get3A_314 = arith.index_cast %mul3A_311 : i32 to index
        %get3A_315 = tpu.vector_load %arg13[%get3A_314] {strides = array<i32>} : memref<4000xi32, #tpu.memory_space<vmem>>, vector<16xi32>,
        %get3A_316 = arith.index_cast %mul3A_311 : i32 to index
        %get3A_317 = tpu.vector_load %arg14[%get3A_316] {strides = array<i32>} : memref<4000xf32, #tpu.memory_space<vmem>>, vector<16xf32>,
        %gather3A_318 = tpu.vector_load_idx %arg11[%get3A_313] : memref<10000xf32, #tpu.memory_space<vmem>>[vector<16xi32>], vector<16xf32>,
        %mul3A_319 = arith.mulf %gather3A_318, %get3A_317 : vector<16xf32>
        tpu.vector_store_idx %arg10[%get3A_315], %mul3A_319 {add = true} : memref<100000xf32, #tpu.memory_space<vmem>>[vector<16xi32>], vector<16xf32>,
        %mul3A_320 = arith.constant 10 : i32
        %mul3A_321 = arith.muli %scan3A_278, %mul3A_320 : i32
        %add3A_322 = arith.constant 3 : i32
        %add3A_323 = arith.addi %mul3A_321, %add3A_322 : i32
        %mul3A_324 = arith.constant 16 : i32
        %mul3A_325 = arith.muli %add3A_323, %mul3A_324 : i32
        %get3A_326 = arith.index_cast %mul3A_325 : i32 to index
        %get3A_327 = tpu.vector_load %arg12[%get3A_326] {strides = array<i32>} : memref<4000xi32, #tpu.memory_space<vmem>>, vector<16xi32>,
        %get3A_328 = arith.index_cast %mul3A_325 : i32 to index
        %get3A_329 = tpu.vector_load %arg13[%get3A_328] {strides = array<i32>} : memref<4000xi32, #tpu.memory_space<vmem>>, vector<16xi32>,
        %get3A_330 = arith.index_cast %mul3A_325 : i32 to index
        %get3A_331 = tpu.vector_load %arg14[%get3A_330] {strides = array<i32>} : memref<4000xf32, #tpu.memory_space<vmem>>, vector<16xf32>,
        %gather3A_332 = tpu.vector_load_idx %arg11[%get3A_327] : memref<10000xf32, #tpu.memory_space<vmem>>[vector<16xi32>], vector<16xf32>,
        %mul3A_333 = arith.mulf %gather3A_332, %get3A_331 : vector<16xf32>
        tpu.vector_store_idx %arg10[%get3A_329], %mul3A_333 {add = true} : memref<100000xf32, #tpu.memory_space<vmem>>[vector<16xi32>], vector<16xf32>,
        %mul3A_334 = arith.constant 10 : i32
        %mul3A_335 = arith.muli %scan3A_278, %mul3A_334 : i32
        %add3A_336 = arith.constant 4 : i32
        %add3A_337 = arith.addi %mul3A_335, %add3A_336 : i32
        %mul3A_338 = arith.constant 16 : i32
        %mul3A_339 = arith.muli %add3A_337, %mul3A_338 : i32
        %get3A_340 = arith.index_cast %mul3A_339 : i32 to index
        %get3A_341 = tpu.vector_load %arg12[%get3A_340] {strides = array<i32>} : memref<4000xi32, #tpu.memory_space<vmem>>, vector<16xi32>,
        %get3A_342 = arith.index_cast %mul3A_339 : i32 to index
        %get3A_343 = tpu.vector_load %arg13[%get3A_342] {strides = array<i32>} : memref<4000xi32, #tpu.memory_space<vmem>>, vector<16xi32>,
        %get3A_344 = arith.index_cast %mul3A_339 : i32 to index
        %get3A_345 = tpu.vector_load %arg14[%get3A_344] {strides = array<i32>} : memref<4000xf32, #tpu.memory_space<vmem>>, vector<16xf32>,
        %gather3A_346 = tpu.vector_load_idx %arg11[%get3A_341] : memref<10000xf32, #tpu.memory_space<vmem>>[vector<16xi32>], vector<16xf32>,
        %mul3A_347 = arith.mulf %gather3A_346, %get3A_345 : vector<16xf32>
        tpu.vector_store_idx %arg10[%get3A_343], %mul3A_347 {add = true} : memref<100000xf32, #tpu.memory_space<vmem>>[vector<16xi32>], vector<16xf32>,
        %mul3A_348 = arith.constant 10 : i32
        %mul3A_349 = arith.muli %scan3A_278, %mul3A_348 : i32
        %add3A_350 = arith.constant 5 : i32
        %add3A_351 = arith.addi %mul3A_349, %add3A_350 : i32
        %mul3A_352 = arith.constant 16 : i32
        %mul3A_353 = arith.muli %add3A_351, %mul3A_352 : i32
        %get3A_354 = arith.index_cast %mul3A_353 : i32 to index
        %get3A_355 = tpu.vector_load %arg12[%get3A_354] {strides = array<i32>} : memref<4000xi32, #tpu.memory_space<vmem>>, vector<16xi32>,
        %get3A_356 = arith.index_cast %mul3A_353 : i32 to index
        %get3A_357 = tpu.vector_load %arg13[%get3A_356] {strides = array<i32>} : memref<4000xi32, #tpu.memory_space<vmem>>, vector<16xi32>,
        %get3A_358 = arith.index_cast %mul3A_353 : i32 to index
        %get3A_359 = tpu.vector_load %arg14[%get3A_358] {strides = array<i32>} : memref<4000xf32, #tpu.memory_space<vmem>>, vector<16xf32>,
        %gather3A_360 = tpu.vector_load_idx %arg11[%get3A_355] : memref<10000xf32, #tpu.memory_space<vmem>>[vector<16xi32>], vector<16xf32>,
        %mul3A_361 = arith.mulf %gather3A_360, %get3A_359 : vector<16xf32>
        tpu.vector_store_idx %arg10[%get3A_357], %mul3A_361 {add = true} : memref<100000xf32, #tpu.memory_space<vmem>>[vector<16xi32>], vector<16xf32>,
        %mul3A_362 = arith.constant 10 : i32
        %mul3A_363 = arith.muli %scan3A_278, %mul3A_362 : i32
        %add3A_364 = arith.constant 6 : i32
        %add3A_365 = arith.addi %mul3A_363, %add3A_364 : i32
        %mul3A_366 = arith.constant 16 : i32
        %mul3A_367 = arith.muli %add3A_365, %mul3A_366 : i32
        %get3A_368 = arith.index_cast %mul3A_367 : i32 to index
        %get3A_369 = tpu.vector_load %arg12[%get3A_368] {strides = array<i32>} : memref<4000xi32, #tpu.memory_space<vmem>>, vector<16xi32>,
        %get3A_370 = arith.index_cast %mul3A_367 : i32 to index
        %get3A_371 = tpu.vector_load %arg13[%get3A_370] {strides = array<i32>} : memref<4000xi32, #tpu.memory_space<vmem>>, vector<16xi32>,
        %get3A_372 = arith.index_cast %mul3A_367 : i32 to index
        %get3A_373 = tpu.vector_load %arg14[%get3A_372] {strides = array<i32>} : memref<4000xf32, #tpu.memory_space<vmem>>, vector<16xf32>,
        %gather3A_374 = tpu.vector_load_idx %arg11[%get3A_369] : memref<10000xf32, #tpu.memory_space<vmem>>[vector<16xi32>], vector<16xf32>,
        %mul3A_375 = arith.mulf %gather3A_374, %get3A_373 : vector<16xf32>
        tpu.vector_store_idx %arg10[%get3A_371], %mul3A_375 {add = true} : memref<100000xf32, #tpu.memory_space<vmem>>[vector<16xi32>], vector<16xf32>,
        %mul3A_376 = arith.constant 10 : i32
        %mul3A_377 = arith.muli %scan3A_278, %mul3A_376 : i32
        %add3A_378 = arith.constant 7 : i32
        %add3A_379 = arith.addi %mul3A_377, %add3A_378 : i32
        %mul3A_380 = arith.constant 16 : i32
        %mul3A_381 = arith.muli %add3A_379, %mul3A_380 : i32
        %get3A_382 = arith.index_cast %mul3A_381 : i32 to index
        %get3A_383 = tpu.vector_load %arg12[%get3A_382] {strides = array<i32>} : memref<4000xi32, #tpu.memory_space<vmem>>, vector<16xi32>,
        %get3A_384 = arith.index_cast %mul3A_381 : i32 to index
        %get3A_385 = tpu.vector_load %arg13[%get3A_384] {strides = array<i32>} : memref<4000xi32, #tpu.memory_space<vmem>>, vector<16xi32>,
        %get3A_386 = arith.index_cast %mul3A_381 : i32 to index
        %get3A_387 = tpu.vector_load %arg14[%get3A_386] {strides = array<i32>} : memref<4000xf32, #tpu.memory_space<vmem>>, vector<16xf32>,
        %gather3A_388 = tpu.vector_load_idx %arg11[%get3A_383] : memref<10000xf32, #tpu.memory_space<vmem>>[vector<16xi32>], vector<16xf32>,
        %mul3A_389 = arith.mulf %gather3A_388, %get3A_387 : vector<16xf32>
        tpu.vector_store_idx %arg10[%get3A_385], %mul3A_389 {add = true} : memref<100000xf32, #tpu.memory_space<vmem>>[vector<16xi32>], vector<16xf32>,
        %mul3A_390 = arith.constant 10 : i32
        %mul3A_391 = arith.muli %scan3A_278, %mul3A_390 : i32
        %add3A_392 = arith.constant 8 : i32
        %add3A_393 = arith.addi %mul3A_391, %add3A_392 : i32
        %mul3A_394 = arith.constant 16 : i32
        %mul3A_395 = arith.muli %add3A_393, %mul3A_394 : i32
        %get3A_396 = arith.index_cast %mul3A_395 : i32 to index
        %get3A_397 = tpu.vector_load %arg12[%get3A_396] {strides = array<i32>} : memref<4000xi32, #tpu.memory_space<vmem>>, vector<16xi32>,
        %get3A_398 = arith.index_cast %mul3A_395 : i32 to index
        %get3A_399 = tpu.vector_load %arg13[%get3A_398] {strides = array<i32>} : memref<4000xi32, #tpu.memory_space<vmem>>, vector<16xi32>,
        %get3A_400 = arith.index_cast %mul3A_395 : i32 to index
        %get3A_401 = tpu.vector_load %arg14[%get3A_400] {strides = array<i32>} : memref<4000xf32, #tpu.memory_space<vmem>>, vector<16xf32>,
        %gather3A_402 = tpu.vector_load_idx %arg11[%get3A_397] : memref<10000xf32, #tpu.memory_space<vmem>>[vector<16xi32>], vector<16xf32>,
        %mul3A_403 = arith.mulf %gather3A_402, %get3A_401 : vector<16xf32>
        tpu.vector_store_idx %arg10[%get3A_399], %mul3A_403 {add = true} : memref<100000xf32, #tpu.memory_space<vmem>>[vector<16xi32>], vector<16xf32>,
        %mul3A_404 = arith.constant 10 : i32
        %mul3A_405 = arith.muli %scan3A_278, %mul3A_404 : i32
        %add3A_406 = arith.constant 9 : i32
        %add3A_407 = arith.addi %mul3A_405, %add3A_406 : i32
        %mul3A_408 = arith.constant 16 : i32
        %mul3A_409 = arith.muli %add3A_407, %mul3A_408 : i32
        %get3A_410 = arith.index_cast %mul3A_409 : i32 to index
        %get3A_411 = tpu.vector_load %arg12[%get3A_410] {strides = array<i32>} : memref<4000xi32, #tpu.memory_space<vmem>>, vector<16xi32>,
        %get3A_412 = arith.index_cast %mul3A_409 : i32 to index
        %get3A_413 = tpu.vector_load %arg13[%get3A_412] {strides = array<i32>} : memref<4000xi32, #tpu.memory_space<vmem>>, vector<16xi32>,
        %get3A_414 = arith.index_cast %mul3A_409 : i32 to index
        %get3A_415 = tpu.vector_load %arg14[%get3A_414] {strides = array<i32>} : memref<4000xf32, #tpu.memory_space<vmem>>, vector<16xf32>,
        %gather3A_416 = tpu.vector_load_idx %arg11[%get3A_411] : memref<10000xf32, #tpu.memory_space<vmem>>[vector<16xi32>], vector<16xf32>,
        %mul3A_417 = arith.mulf %gather3A_416, %get3A_415 : vector<16xf32>
        tpu.vector_store_idx %arg10[%get3A_413], %mul3A_417 {add = true} : memref<100000xf32, #tpu.memory_space<vmem>>[vector<16xi32>], vector<16xf32>,
        %scan3A_418 = arith.constant 0 : i32
        scf.yield %scan3A_418 : i32
      }
      %scan3A_276 = arith.constant 25 : i32
      %scan3A_277 = arith.constant 0 : i32
      scf.yield %scan3A_277 : i32
    }
    %scan3A_127 = arith.constant 100 : i32
    "tpu.region"() ({
      %run_scoped3A = tpu.sem_alloc : memref<!tpu.dma_semaphore, #tpu.memory_space<semaphore_mem>>
      %dma_start3A = arith.constant 0 : i32
      %dma_start3A_256 = tpu.memref_slice %arg9[%add3A_99, %dma_start3A] : memref<256x100000xf32, #tpu.memory_space<hbm>> -> memref<1x100000xf32, #tpu.memory_space<hbm>>
      %dma_start3A_257 = tpu.memref_squeeze %dma_start3A_256 : memref<1x100000xf32, #tpu.memory_space<hbm>> -> memref<100000xf32, #tpu.memory_space<hbm>>
      %dma_start3A_258 = arith.constant 0 : i32
      %dma_start3A_259 = tpu.memref_slice %arg9[%add3A_99, %dma_start3A_258] : memref<256x100000xf32, #tpu.memory_space<hbm>> -> memref<1x100000xf32, #tpu.memory_space<hbm>>
      %dma_start3A_260 = tpu.memref_squeeze %dma_start3A_259 : memref<1x100000xf32, #tpu.memory_space<hbm>> -> memref<100000xf32, #tpu.memory_space<hbm>>
      tpu.enqueue_dma source(%arg10 : memref<100000xf32, #tpu.memory_space<vmem>>) target(%dma_start3A_260 : memref<100000xf32, #tpu.memory_space<hbm>>) target_semaphore(%run_scoped3A : memref<!tpu.dma_semaphore, #tpu.memory_space<semaphore_mem>>)
      %dma_wait3A = arith.constant 0 : i32
      %dma_wait3A_261 = tpu.memref_slice %arg9[%add3A_99, %dma_wait3A] : memref<256x100000xf32, #tpu.memory_space<hbm>> -> memref<1x100000xf32, #tpu.memory_space<hbm>>
      %dma_wait3A_262 = tpu.memref_squeeze %dma_wait3A_261 : memref<1x100000xf32, #tpu.memory_space<hbm>> -> memref<100000xf32, #tpu.memory_space<hbm>>
      %dma_wait3A_263 = arith.constant 0 : i32
      %dma_wait3A_264 = tpu.memref_slice %arg9[%add3A_99, %dma_wait3A_263] : memref<256x100000xf32, #tpu.memory_space<hbm>> -> memref<1x100000xf32, #tpu.memory_space<hbm>>
      %dma_wait3A_265 = tpu.memref_squeeze %dma_wait3A_264 : memref<1x100000xf32, #tpu.memory_space<hbm>> -> memref<100000xf32, #tpu.memory_space<hbm>>
      tpu.wait_dma2 semaphore(%run_scoped3A : memref<!tpu.dma_semaphore, #tpu.memory_space<semaphore_mem>>) src(%arg10 : memref<100000xf32, #tpu.memory_space<vmem>>) dst(%dma_wait3A_265 : memref<100000xf32, #tpu.memory_space<hbm>>)
      tpu.yield
    }) : () -> ()
    %mul3A_128 = arith.constant 8 : i32
    %mul3A_129 = arith.muli %add3A, %mul3A_128 : i32
    %add3A_130 = arith.constant 4 : i32
    %add3A_131 = arith.addi %mul3A_129, %add3A_130 : i32
    "tpu.region"() ({
      %run_scoped3A = tpu.sem_alloc : memref<!tpu.dma_semaphore, #tpu.memory_space<semaphore_mem>>
      %dma_start3A = arith.constant 0 : i32
      %dma_start3A_256 = tpu.memref_slice %arg2[%add3A_131, %dma_start3A] : memref<256x100000xf32, #tpu.memory_space<hbm>> -> memref<1x100000xf32, #tpu.memory_space<hbm>>
      %dma_start3A_257 = tpu.memref_squeeze %dma_start3A_256 : memref<1x100000xf32, #tpu.memory_space<hbm>> -> memref<100000xf32, #tpu.memory_space<hbm>>
      %dma_start3A_258 = arith.constant 0 : i32
      %dma_start3A_259 = tpu.memref_slice %arg2[%add3A_131, %dma_start3A_258] : memref<256x100000xf32, #tpu.memory_space<hbm>> -> memref<1x100000xf32, #tpu.memory_space<hbm>>
      %dma_start3A_260 = tpu.memref_squeeze %dma_start3A_259 : memref<1x100000xf32, #tpu.memory_space<hbm>> -> memref<100000xf32, #tpu.memory_space<hbm>>
      tpu.enqueue_dma source(%dma_start3A_260 : memref<100000xf32, #tpu.memory_space<hbm>>) target(%arg10 : memref<100000xf32, #tpu.memory_space<vmem>>) target_semaphore(%run_scoped3A : memref<!tpu.dma_semaphore, #tpu.memory_space<semaphore_mem>>)
      %dma_wait3A = arith.constant 0 : i32
      %dma_wait3A_261 = tpu.memref_slice %arg2[%add3A_131, %dma_wait3A] : memref<256x100000xf32, #tpu.memory_space<hbm>> -> memref<1x100000xf32, #tpu.memory_space<hbm>>
      %dma_wait3A_262 = tpu.memref_squeeze %dma_wait3A_261 : memref<1x100000xf32, #tpu.memory_space<hbm>> -> memref<100000xf32, #tpu.memory_space<hbm>>
      %dma_wait3A_263 = arith.constant 0 : i32
      %dma_wait3A_264 = tpu.memref_slice %arg2[%add3A_131, %dma_wait3A_263] : memref<256x100000xf32, #tpu.memory_space<hbm>> -> memref<1x100000xf32, #tpu.memory_space<hbm>>
      %dma_wait3A_265 = tpu.memref_squeeze %dma_wait3A_264 : memref<1x100000xf32, #tpu.memory_space<hbm>> -> memref<100000xf32, #tpu.memory_space<hbm>>
      tpu.wait_dma2 semaphore(%run_scoped3A : memref<!tpu.dma_semaphore, #tpu.memory_space<semaphore_mem>>) src(%dma_wait3A_265 : memref<100000xf32, #tpu.memory_space<hbm>>) dst(%arg10 : memref<100000xf32, #tpu.memory_space<vmem>>)
      tpu.yield
    }) : () -> ()
    %scan3A_132 = arith.constant 0 : i32
    %scan3A_133 = arith.constant 0 : i32
    %scan3A_134 = arith.constant 625 : i32
    %scan3A_135 = arith.addi %scan3A_133, %scan3A_134 : i32
    %scan3A_136 = arith.constant 1 : i32
    %scan3A_137 = scf.for %scan3A_256 = %scan3A_133 to %scan3A_135 step %scan3A_136 iter_args(%scan3A_257 = %scan3A_132) -> (i32)  : i32 {
      %broadcast_in_dim3A = arith.constant 0.000000e+00 : f32
      %broadcast_in_dim3A_258 = vector.broadcast %broadcast_in_dim3A : f32 to vector<16xf32>
      %mul3A_259 = arith.constant 16 : i32
      %mul3A_260 = arith.muli %scan3A_256, %mul3A_259 : i32
      %swap3A = arith.index_cast %mul3A_260 : i32 to index
      %swap3A_261 = tpu.vector_load %arg11[%swap3A] {strides = array<i32>} : memref<10000xf32, #tpu.memory_space<vmem>>, vector<16xf32>,
      tpu.vector_store %arg11[%swap3A], %broadcast_in_dim3A_258 {strides = array<i32>} : memref<10000xf32, #tpu.memory_space<vmem>>, vector<16xf32>,
      %scan3A_262 = arith.constant 0 : i32
      scf.yield %scan3A_262 : i32
    }
    %scan3A_138 = arith.constant 625 : i32
    %scan3A_139 = arith.constant 0 : i32
    %scan3A_140 = arith.constant 0 : i32
    %scan3A_141 = arith.constant 100 : i32
    %scan3A_142 = arith.addi %scan3A_140, %scan3A_141 : i32
    %scan3A_143 = arith.constant 1 : i32
    %scan3A_144 = scf.for %scan3A_256 = %scan3A_140 to %scan3A_142 step %scan3A_143 iter_args(%scan3A_257 = %scan3A_139) -> (i32)  : i32 {
      %mul3A_258 = arith.constant 4000 : i32
      %mul3A_259 = arith.muli %scan3A_256, %mul3A_258 : i32
      %dma_start3A = tpu.memref_slice %arg3[%mul3A_259] : memref<400000xi32, #tpu.memory_space<hbm>> -> memref<4000xi32, #tpu.memory_space<hbm>>
      %dma_start3A_260 = tpu.memref_slice %arg3[%mul3A_259] : memref<400000xi32, #tpu.memory_space<hbm>> -> memref<4000xi32, #tpu.memory_space<hbm>>
      tpu.enqueue_dma source(%dma_start3A_260 : memref<4000xi32, #tpu.memory_space<hbm>>) target(%arg12 : memref<4000xi32, #tpu.memory_space<vmem>>) target_semaphore(%arg15 : memref<!tpu.dma_semaphore, #tpu.memory_space<semaphore_mem>>)
      %dma_start3A_261 = tpu.memref_slice %arg4[%mul3A_259] : memref<400000xi32, #tpu.memory_space<hbm>> -> memref<4000xi32, #tpu.memory_space<hbm>>
      %dma_start3A_262 = tpu.memref_slice %arg4[%mul3A_259] : memref<400000xi32, #tpu.memory_space<hbm>> -> memref<4000xi32, #tpu.memory_space<hbm>>
      tpu.enqueue_dma source(%dma_start3A_262 : memref<4000xi32, #tpu.memory_space<hbm>>) target(%arg13 : memref<4000xi32, #tpu.memory_space<vmem>>) target_semaphore(%arg16 : memref<!tpu.dma_semaphore, #tpu.memory_space<semaphore_mem>>)
      %dma_start3A_263 = tpu.memref_slice %arg5[%mul3A_259] : memref<400000xf32, #tpu.memory_space<hbm>> -> memref<4000xf32, #tpu.memory_space<hbm>>
      %dma_start3A_264 = tpu.memref_slice %arg5[%mul3A_259] : memref<400000xf32, #tpu.memory_space<hbm>> -> memref<4000xf32, #tpu.memory_space<hbm>>
      tpu.enqueue_dma source(%dma_start3A_264 : memref<4000xf32, #tpu.memory_space<hbm>>) target(%arg14 : memref<4000xf32, #tpu.memory_space<vmem>>) target_semaphore(%arg17 : memref<!tpu.dma_semaphore, #tpu.memory_space<semaphore_mem>>)
      %dma_wait3A = tpu.memref_slice %arg3[%mul3A_259] : memref<400000xi32, #tpu.memory_space<hbm>> -> memref<4000xi32, #tpu.memory_space<hbm>>
      %dma_wait3A_265 = tpu.memref_slice %arg3[%mul3A_259] : memref<400000xi32, #tpu.memory_space<hbm>> -> memref<4000xi32, #tpu.memory_space<hbm>>
      tpu.wait_dma2 semaphore(%arg15 : memref<!tpu.dma_semaphore, #tpu.memory_space<semaphore_mem>>) src(%dma_wait3A_265 : memref<4000xi32, #tpu.memory_space<hbm>>) dst(%arg12 : memref<4000xi32, #tpu.memory_space<vmem>>)
      %dma_wait3A_266 = tpu.memref_slice %arg4[%mul3A_259] : memref<400000xi32, #tpu.memory_space<hbm>> -> memref<4000xi32, #tpu.memory_space<hbm>>
      %dma_wait3A_267 = tpu.memref_slice %arg4[%mul3A_259] : memref<400000xi32, #tpu.memory_space<hbm>> -> memref<4000xi32, #tpu.memory_space<hbm>>
      tpu.wait_dma2 semaphore(%arg16 : memref<!tpu.dma_semaphore, #tpu.memory_space<semaphore_mem>>) src(%dma_wait3A_267 : memref<4000xi32, #tpu.memory_space<hbm>>) dst(%arg13 : memref<4000xi32, #tpu.memory_space<vmem>>)
      %dma_wait3A_268 = tpu.memref_slice %arg5[%mul3A_259] : memref<400000xf32, #tpu.memory_space<hbm>> -> memref<4000xf32, #tpu.memory_space<hbm>>
      %dma_wait3A_269 = tpu.memref_slice %arg5[%mul3A_259] : memref<400000xf32, #tpu.memory_space<hbm>> -> memref<4000xf32, #tpu.memory_space<hbm>>
      tpu.wait_dma2 semaphore(%arg17 : memref<!tpu.dma_semaphore, #tpu.memory_space<semaphore_mem>>) src(%dma_wait3A_269 : memref<4000xf32, #tpu.memory_space<hbm>>) dst(%arg14 : memref<4000xf32, #tpu.memory_space<vmem>>)
      %scan3A_270 = arith.constant 0 : i32
      %scan3A_271 = arith.constant 0 : i32
      %scan3A_272 = arith.constant 25 : i32
      %scan3A_273 = arith.addi %scan3A_271, %scan3A_272 : i32
      %scan3A_274 = arith.constant 1 : i32
      %scan3A_275 = scf.for %scan3A_278 = %scan3A_271 to %scan3A_273 step %scan3A_274 iter_args(%scan3A_279 = %scan3A_270) -> (i32)  : i32 {
        %mul3A_280 = arith.constant 10 : i32
        %mul3A_281 = arith.muli %scan3A_278, %mul3A_280 : i32
        %add3A_282 = arith.constant 0 : i32
        %add3A_283 = arith.addi %mul3A_281, %add3A_282 : i32
        %mul3A_284 = arith.constant 16 : i32
        %mul3A_285 = arith.muli %add3A_283, %mul3A_284 : i32
        %get3A = arith.index_cast %mul3A_285 : i32 to index
        %get3A_286 = tpu.vector_load %arg12[%get3A] {strides = array<i32>} : memref<4000xi32, #tpu.memory_space<vmem>>, vector<16xi32>,
        %get3A_287 = arith.index_cast %mul3A_285 : i32 to index
        %get3A_288 = tpu.vector_load %arg13[%get3A_287] {strides = array<i32>} : memref<4000xi32, #tpu.memory_space<vmem>>, vector<16xi32>,
        %get3A_289 = arith.index_cast %mul3A_285 : i32 to index
        %get3A_290 = tpu.vector_load %arg14[%get3A_289] {strides = array<i32>} : memref<4000xf32, #tpu.memory_space<vmem>>, vector<16xf32>,
        %gather3A = tpu.vector_load_idx %arg10[%get3A_286] : memref<100000xf32, #tpu.memory_space<vmem>>[vector<16xi32>], vector<16xf32>,
        %mul3A_291 = arith.mulf %gather3A, %get3A_290 : vector<16xf32>
        tpu.vector_store_idx %arg11[%get3A_288], %mul3A_291 {add = true} : memref<10000xf32, #tpu.memory_space<vmem>>[vector<16xi32>], vector<16xf32>,
        %mul3A_292 = arith.constant 10 : i32
        %mul3A_293 = arith.muli %scan3A_278, %mul3A_292 : i32
        %add3A_294 = arith.constant 1 : i32
        %add3A_295 = arith.addi %mul3A_293, %add3A_294 : i32
        %mul3A_296 = arith.constant 16 : i32
        %mul3A_297 = arith.muli %add3A_295, %mul3A_296 : i32
        %get3A_298 = arith.index_cast %mul3A_297 : i32 to index
        %get3A_299 = tpu.vector_load %arg12[%get3A_298] {strides = array<i32>} : memref<4000xi32, #tpu.memory_space<vmem>>, vector<16xi32>,
        %get3A_300 = arith.index_cast %mul3A_297 : i32 to index
        %get3A_301 = tpu.vector_load %arg13[%get3A_300] {strides = array<i32>} : memref<4000xi32, #tpu.memory_space<vmem>>, vector<16xi32>,
        %get3A_302 = arith.index_cast %mul3A_297 : i32 to index
        %get3A_303 = tpu.vector_load %arg14[%get3A_302] {strides = array<i32>} : memref<4000xf32, #tpu.memory_space<vmem>>, vector<16xf32>,
        %gather3A_304 = tpu.vector_load_idx %arg10[%get3A_299] : memref<100000xf32, #tpu.memory_space<vmem>>[vector<16xi32>], vector<16xf32>,
        %mul3A_305 = arith.mulf %gather3A_304, %get3A_303 : vector<16xf32>
        tpu.vector_store_idx %arg11[%get3A_301], %mul3A_305 {add = true} : memref<10000xf32, #tpu.memory_space<vmem>>[vector<16xi32>], vector<16xf32>,
        %mul3A_306 = arith.constant 10 : i32
        %mul3A_307 = arith.muli %scan3A_278, %mul3A_306 : i32
        %add3A_308 = arith.constant 2 : i32
        %add3A_309 = arith.addi %mul3A_307, %add3A_308 : i32
        %mul3A_310 = arith.constant 16 : i32
        %mul3A_311 = arith.muli %add3A_309, %mul3A_310 : i32
        %get3A_312 = arith.index_cast %mul3A_311 : i32 to index
        %get3A_313 = tpu.vector_load %arg12[%get3A_312] {strides = array<i32>} : memref<4000xi32, #tpu.memory_space<vmem>>, vector<16xi32>,
        %get3A_314 = arith.index_cast %mul3A_311 : i32 to index
        %get3A_315 = tpu.vector_load %arg13[%get3A_314] {strides = array<i32>} : memref<4000xi32, #tpu.memory_space<vmem>>, vector<16xi32>,
        %get3A_316 = arith.index_cast %mul3A_311 : i32 to index
        %get3A_317 = tpu.vector_load %arg14[%get3A_316] {strides = array<i32>} : memref<4000xf32, #tpu.memory_space<vmem>>, vector<16xf32>,
        %gather3A_318 = tpu.vector_load_idx %arg10[%get3A_313] : memref<100000xf32, #tpu.memory_space<vmem>>[vector<16xi32>], vector<16xf32>,
        %mul3A_319 = arith.mulf %gather3A_318, %get3A_317 : vector<16xf32>
        tpu.vector_store_idx %arg11[%get3A_315], %mul3A_319 {add = true} : memref<10000xf32, #tpu.memory_space<vmem>>[vector<16xi32>], vector<16xf32>,
        %mul3A_320 = arith.constant 10 : i32
        %mul3A_321 = arith.muli %scan3A_278, %mul3A_320 : i32
        %add3A_322 = arith.constant 3 : i32
        %add3A_323 = arith.addi %mul3A_321, %add3A_322 : i32
        %mul3A_324 = arith.constant 16 : i32
        %mul3A_325 = arith.muli %add3A_323, %mul3A_324 : i32
        %get3A_326 = arith.index_cast %mul3A_325 : i32 to index
        %get3A_327 = tpu.vector_load %arg12[%get3A_326] {strides = array<i32>} : memref<4000xi32, #tpu.memory_space<vmem>>, vector<16xi32>,
        %get3A_328 = arith.index_cast %mul3A_325 : i32 to index
        %get3A_329 = tpu.vector_load %arg13[%get3A_328] {strides = array<i32>} : memref<4000xi32, #tpu.memory_space<vmem>>, vector<16xi32>,
        %get3A_330 = arith.index_cast %mul3A_325 : i32 to index
        %get3A_331 = tpu.vector_load %arg14[%get3A_330] {strides = array<i32>} : memref<4000xf32, #tpu.memory_space<vmem>>, vector<16xf32>,
        %gather3A_332 = tpu.vector_load_idx %arg10[%get3A_327] : memref<100000xf32, #tpu.memory_space<vmem>>[vector<16xi32>], vector<16xf32>,
        %mul3A_333 = arith.mulf %gather3A_332, %get3A_331 : vector<16xf32>
        tpu.vector_store_idx %arg11[%get3A_329], %mul3A_333 {add = true} : memref<10000xf32, #tpu.memory_space<vmem>>[vector<16xi32>], vector<16xf32>,
        %mul3A_334 = arith.constant 10 : i32
        %mul3A_335 = arith.muli %scan3A_278, %mul3A_334 : i32
        %add3A_336 = arith.constant 4 : i32
        %add3A_337 = arith.addi %mul3A_335, %add3A_336 : i32
        %mul3A_338 = arith.constant 16 : i32
        %mul3A_339 = arith.muli %add3A_337, %mul3A_338 : i32
        %get3A_340 = arith.index_cast %mul3A_339 : i32 to index
        %get3A_341 = tpu.vector_load %arg12[%get3A_340] {strides = array<i32>} : memref<4000xi32, #tpu.memory_space<vmem>>, vector<16xi32>,
        %get3A_342 = arith.index_cast %mul3A_339 : i32 to index
        %get3A_343 = tpu.vector_load %arg13[%get3A_342] {strides = array<i32>} : memref<4000xi32, #tpu.memory_space<vmem>>, vector<16xi32>,
        %get3A_344 = arith.index_cast %mul3A_339 : i32 to index
        %get3A_345 = tpu.vector_load %arg14[%get3A_344] {strides = array<i32>} : memref<4000xf32, #tpu.memory_space<vmem>>, vector<16xf32>,
        %gather3A_346 = tpu.vector_load_idx %arg10[%get3A_341] : memref<100000xf32, #tpu.memory_space<vmem>>[vector<16xi32>], vector<16xf32>,
        %mul3A_347 = arith.mulf %gather3A_346, %get3A_345 : vector<16xf32>
        tpu.vector_store_idx %arg11[%get3A_343], %mul3A_347 {add = true} : memref<10000xf32, #tpu.memory_space<vmem>>[vector<16xi32>], vector<16xf32>,
        %mul3A_348 = arith.constant 10 : i32
        %mul3A_349 = arith.muli %scan3A_278, %mul3A_348 : i32
        %add3A_350 = arith.constant 5 : i32
        %add3A_351 = arith.addi %mul3A_349, %add3A_350 : i32
        %mul3A_352 = arith.constant 16 : i32
        %mul3A_353 = arith.muli %add3A_351, %mul3A_352 : i32
        %get3A_354 = arith.index_cast %mul3A_353 : i32 to index
        %get3A_355 = tpu.vector_load %arg12[%get3A_354] {strides = array<i32>} : memref<4000xi32, #tpu.memory_space<vmem>>, vector<16xi32>,
        %get3A_356 = arith.index_cast %mul3A_353 : i32 to index
        %get3A_357 = tpu.vector_load %arg13[%get3A_356] {strides = array<i32>} : memref<4000xi32, #tpu.memory_space<vmem>>, vector<16xi32>,
        %get3A_358 = arith.index_cast %mul3A_353 : i32 to index
        %get3A_359 = tpu.vector_load %arg14[%get3A_358] {strides = array<i32>} : memref<4000xf32, #tpu.memory_space<vmem>>, vector<16xf32>,
        %gather3A_360 = tpu.vector_load_idx %arg10[%get3A_355] : memref<100000xf32, #tpu.memory_space<vmem>>[vector<16xi32>], vector<16xf32>,
        %mul3A_361 = arith.mulf %gather3A_360, %get3A_359 : vector<16xf32>
        tpu.vector_store_idx %arg11[%get3A_357], %mul3A_361 {add = true} : memref<10000xf32, #tpu.memory_space<vmem>>[vector<16xi32>], vector<16xf32>,
        %mul3A_362 = arith.constant 10 : i32
        %mul3A_363 = arith.muli %scan3A_278, %mul3A_362 : i32
        %add3A_364 = arith.constant 6 : i32
        %add3A_365 = arith.addi %mul3A_363, %add3A_364 : i32
        %mul3A_366 = arith.constant 16 : i32
        %mul3A_367 = arith.muli %add3A_365, %mul3A_366 : i32
        %get3A_368 = arith.index_cast %mul3A_367 : i32 to index
        %get3A_369 = tpu.vector_load %arg12[%get3A_368] {strides = array<i32>} : memref<4000xi32, #tpu.memory_space<vmem>>, vector<16xi32>,
        %get3A_370 = arith.index_cast %mul3A_367 : i32 to index
        %get3A_371 = tpu.vector_load %arg13[%get3A_370] {strides = array<i32>} : memref<4000xi32, #tpu.memory_space<vmem>>, vector<16xi32>,
        %get3A_372 = arith.index_cast %mul3A_367 : i32 to index
        %get3A_373 = tpu.vector_load %arg14[%get3A_372] {strides = array<i32>} : memref<4000xf32, #tpu.memory_space<vmem>>, vector<16xf32>,
        %gather3A_374 = tpu.vector_load_idx %arg10[%get3A_369] : memref<100000xf32, #tpu.memory_space<vmem>>[vector<16xi32>], vector<16xf32>,
        %mul3A_375 = arith.mulf %gather3A_374, %get3A_373 : vector<16xf32>
        tpu.vector_store_idx %arg11[%get3A_371], %mul3A_375 {add = true} : memref<10000xf32, #tpu.memory_space<vmem>>[vector<16xi32>], vector<16xf32>,
        %mul3A_376 = arith.constant 10 : i32
        %mul3A_377 = arith.muli %scan3A_278, %mul3A_376 : i32
        %add3A_378 = arith.constant 7 : i32
        %add3A_379 = arith.addi %mul3A_377, %add3A_378 : i32
        %mul3A_380 = arith.constant 16 : i32
        %mul3A_381 = arith.muli %add3A_379, %mul3A_380 : i32
        %get3A_382 = arith.index_cast %mul3A_381 : i32 to index
        %get3A_383 = tpu.vector_load %arg12[%get3A_382] {strides = array<i32>} : memref<4000xi32, #tpu.memory_space<vmem>>, vector<16xi32>,
        %get3A_384 = arith.index_cast %mul3A_381 : i32 to index
        %get3A_385 = tpu.vector_load %arg13[%get3A_384] {strides = array<i32>} : memref<4000xi32, #tpu.memory_space<vmem>>, vector<16xi32>,
        %get3A_386 = arith.index_cast %mul3A_381 : i32 to index
        %get3A_387 = tpu.vector_load %arg14[%get3A_386] {strides = array<i32>} : memref<4000xf32, #tpu.memory_space<vmem>>, vector<16xf32>,
        %gather3A_388 = tpu.vector_load_idx %arg10[%get3A_383] : memref<100000xf32, #tpu.memory_space<vmem>>[vector<16xi32>], vector<16xf32>,
        %mul3A_389 = arith.mulf %gather3A_388, %get3A_387 : vector<16xf32>
        tpu.vector_store_idx %arg11[%get3A_385], %mul3A_389 {add = true} : memref<10000xf32, #tpu.memory_space<vmem>>[vector<16xi32>], vector<16xf32>,
        %mul3A_390 = arith.constant 10 : i32
        %mul3A_391 = arith.muli %scan3A_278, %mul3A_390 : i32
        %add3A_392 = arith.constant 8 : i32
        %add3A_393 = arith.addi %mul3A_391, %add3A_392 : i32
        %mul3A_394 = arith.constant 16 : i32
        %mul3A_395 = arith.muli %add3A_393, %mul3A_394 : i32
        %get3A_396 = arith.index_cast %mul3A_395 : i32 to index
        %get3A_397 = tpu.vector_load %arg12[%get3A_396] {strides = array<i32>} : memref<4000xi32, #tpu.memory_space<vmem>>, vector<16xi32>,
        %get3A_398 = arith.index_cast %mul3A_395 : i32 to index
        %get3A_399 = tpu.vector_load %arg13[%get3A_398] {strides = array<i32>} : memref<4000xi32, #tpu.memory_space<vmem>>, vector<16xi32>,
        %get3A_400 = arith.index_cast %mul3A_395 : i32 to index
        %get3A_401 = tpu.vector_load %arg14[%get3A_400] {strides = array<i32>} : memref<4000xf32, #tpu.memory_space<vmem>>, vector<16xf32>,
        %gather3A_402 = tpu.vector_load_idx %arg10[%get3A_397] : memref<100000xf32, #tpu.memory_space<vmem>>[vector<16xi32>], vector<16xf32>,
        %mul3A_403 = arith.mulf %gather3A_402, %get3A_401 : vector<16xf32>
        tpu.vector_store_idx %arg11[%get3A_399], %mul3A_403 {add = true} : memref<10000xf32, #tpu.memory_space<vmem>>[vector<16xi32>], vector<16xf32>,
        %mul3A_404 = arith.constant 10 : i32
        %mul3A_405 = arith.muli %scan3A_278, %mul3A_404 : i32
        %add3A_406 = arith.constant 9 : i32
        %add3A_407 = arith.addi %mul3A_405, %add3A_406 : i32
        %mul3A_408 = arith.constant 16 : i32
        %mul3A_409 = arith.muli %add3A_407, %mul3A_408 : i32
        %get3A_410 = arith.index_cast %mul3A_409 : i32 to index
        %get3A_411 = tpu.vector_load %arg12[%get3A_410] {strides = array<i32>} : memref<4000xi32, #tpu.memory_space<vmem>>, vector<16xi32>,
        %get3A_412 = arith.index_cast %mul3A_409 : i32 to index
        %get3A_413 = tpu.vector_load %arg13[%get3A_412] {strides = array<i32>} : memref<4000xi32, #tpu.memory_space<vmem>>, vector<16xi32>,
        %get3A_414 = arith.index_cast %mul3A_409 : i32 to index
        %get3A_415 = tpu.vector_load %arg14[%get3A_414] {strides = array<i32>} : memref<4000xf32, #tpu.memory_space<vmem>>, vector<16xf32>,
        %gather3A_416 = tpu.vector_load_idx %arg10[%get3A_411] : memref<100000xf32, #tpu.memory_space<vmem>>[vector<16xi32>], vector<16xf32>,
        %mul3A_417 = arith.mulf %gather3A_416, %get3A_415 : vector<16xf32>
        tpu.vector_store_idx %arg11[%get3A_413], %mul3A_417 {add = true} : memref<10000xf32, #tpu.memory_space<vmem>>[vector<16xi32>], vector<16xf32>,
        %scan3A_418 = arith.constant 0 : i32
        scf.yield %scan3A_418 : i32
      }
      %scan3A_276 = arith.constant 25 : i32
      %scan3A_277 = arith.constant 0 : i32
      scf.yield %scan3A_277 : i32
    }
    %scan3A_145 = arith.constant 100 : i32
    %scan3A_146 = arith.constant 0 : i32
    %scan3A_147 = arith.constant 0 : i32
    %scan3A_148 = arith.constant 6250 : i32
    %scan3A_149 = arith.addi %scan3A_147, %scan3A_148 : i32
    %scan3A_150 = arith.constant 1 : i32
    %scan3A_151 = scf.for %scan3A_256 = %scan3A_147 to %scan3A_149 step %scan3A_150 iter_args(%scan3A_257 = %scan3A_146) -> (i32)  : i32 {
      %broadcast_in_dim3A = arith.constant 0.000000e+00 : f32
      %broadcast_in_dim3A_258 = vector.broadcast %broadcast_in_dim3A : f32 to vector<16xf32>
      %mul3A_259 = arith.constant 16 : i32
      %mul3A_260 = arith.muli %scan3A_256, %mul3A_259 : i32
      %swap3A = arith.index_cast %mul3A_260 : i32 to index
      %swap3A_261 = tpu.vector_load %arg10[%swap3A] {strides = array<i32>} : memref<100000xf32, #tpu.memory_space<vmem>>, vector<16xf32>,
      tpu.vector_store %arg10[%swap3A], %broadcast_in_dim3A_258 {strides = array<i32>} : memref<100000xf32, #tpu.memory_space<vmem>>, vector<16xf32>,
      %scan3A_262 = arith.constant 0 : i32
      scf.yield %scan3A_262 : i32
    }
    %scan3A_152 = arith.constant 6250 : i32
    %scan3A_153 = arith.constant 0 : i32
    %scan3A_154 = arith.constant 0 : i32
    %scan3A_155 = arith.constant 100 : i32
    %scan3A_156 = arith.addi %scan3A_154, %scan3A_155 : i32
    %scan3A_157 = arith.constant 1 : i32
    %scan3A_158 = scf.for %scan3A_256 = %scan3A_154 to %scan3A_156 step %scan3A_157 iter_args(%scan3A_257 = %scan3A_153) -> (i32)  : i32 {
      %mul3A_258 = arith.constant 4000 : i32
      %mul3A_259 = arith.muli %scan3A_256, %mul3A_258 : i32
      %dma_start3A = tpu.memref_slice %arg6[%mul3A_259] : memref<400000xi32, #tpu.memory_space<hbm>> -> memref<4000xi32, #tpu.memory_space<hbm>>
      %dma_start3A_260 = tpu.memref_slice %arg6[%mul3A_259] : memref<400000xi32, #tpu.memory_space<hbm>> -> memref<4000xi32, #tpu.memory_space<hbm>>
      tpu.enqueue_dma source(%dma_start3A_260 : memref<4000xi32, #tpu.memory_space<hbm>>) target(%arg12 : memref<4000xi32, #tpu.memory_space<vmem>>) target_semaphore(%arg15 : memref<!tpu.dma_semaphore, #tpu.memory_space<semaphore_mem>>)
      %dma_start3A_261 = tpu.memref_slice %arg7[%mul3A_259] : memref<400000xi32, #tpu.memory_space<hbm>> -> memref<4000xi32, #tpu.memory_space<hbm>>
      %dma_start3A_262 = tpu.memref_slice %arg7[%mul3A_259] : memref<400000xi32, #tpu.memory_space<hbm>> -> memref<4000xi32, #tpu.memory_space<hbm>>
      tpu.enqueue_dma source(%dma_start3A_262 : memref<4000xi32, #tpu.memory_space<hbm>>) target(%arg13 : memref<4000xi32, #tpu.memory_space<vmem>>) target_semaphore(%arg16 : memref<!tpu.dma_semaphore, #tpu.memory_space<semaphore_mem>>)
      %dma_start3A_263 = tpu.memref_slice %arg8[%mul3A_259] : memref<400000xf32, #tpu.memory_space<hbm>> -> memref<4000xf32, #tpu.memory_space<hbm>>
      %dma_start3A_264 = tpu.memref_slice %arg8[%mul3A_259] : memref<400000xf32, #tpu.memory_space<hbm>> -> memref<4000xf32, #tpu.memory_space<hbm>>
      tpu.enqueue_dma source(%dma_start3A_264 : memref<4000xf32, #tpu.memory_space<hbm>>) target(%arg14 : memref<4000xf32, #tpu.memory_space<vmem>>) target_semaphore(%arg17 : memref<!tpu.dma_semaphore, #tpu.memory_space<semaphore_mem>>)
      %dma_wait3A = tpu.memref_slice %arg6[%mul3A_259] : memref<400000xi32, #tpu.memory_space<hbm>> -> memref<4000xi32, #tpu.memory_space<hbm>>
      %dma_wait3A_265 = tpu.memref_slice %arg6[%mul3A_259] : memref<400000xi32, #tpu.memory_space<hbm>> -> memref<4000xi32, #tpu.memory_space<hbm>>
      tpu.wait_dma2 semaphore(%arg15 : memref<!tpu.dma_semaphore, #tpu.memory_space<semaphore_mem>>) src(%dma_wait3A_265 : memref<4000xi32, #tpu.memory_space<hbm>>) dst(%arg12 : memref<4000xi32, #tpu.memory_space<vmem>>)
      %dma_wait3A_266 = tpu.memref_slice %arg7[%mul3A_259] : memref<400000xi32, #tpu.memory_space<hbm>> -> memref<4000xi32, #tpu.memory_space<hbm>>
      %dma_wait3A_267 = tpu.memref_slice %arg7[%mul3A_259] : memref<400000xi32, #tpu.memory_space<hbm>> -> memref<4000xi32, #tpu.memory_space<hbm>>
      tpu.wait_dma2 semaphore(%arg16 : memref<!tpu.dma_semaphore, #tpu.memory_space<semaphore_mem>>) src(%dma_wait3A_267 : memref<4000xi32, #tpu.memory_space<hbm>>) dst(%arg13 : memref<4000xi32, #tpu.memory_space<vmem>>)
      %dma_wait3A_268 = tpu.memref_slice %arg8[%mul3A_259] : memref<400000xf32, #tpu.memory_space<hbm>> -> memref<4000xf32, #tpu.memory_space<hbm>>
      %dma_wait3A_269 = tpu.memref_slice %arg8[%mul3A_259] : memref<400000xf32, #tpu.memory_space<hbm>> -> memref<4000xf32, #tpu.memory_space<hbm>>
      tpu.wait_dma2 semaphore(%arg17 : memref<!tpu.dma_semaphore, #tpu.memory_space<semaphore_mem>>) src(%dma_wait3A_269 : memref<4000xf32, #tpu.memory_space<hbm>>) dst(%arg14 : memref<4000xf32, #tpu.memory_space<vmem>>)
      %scan3A_270 = arith.constant 0 : i32
      %scan3A_271 = arith.constant 0 : i32
      %scan3A_272 = arith.constant 25 : i32
      %scan3A_273 = arith.addi %scan3A_271, %scan3A_272 : i32
      %scan3A_274 = arith.constant 1 : i32
      %scan3A_275 = scf.for %scan3A_278 = %scan3A_271 to %scan3A_273 step %scan3A_274 iter_args(%scan3A_279 = %scan3A_270) -> (i32)  : i32 {
        %mul3A_280 = arith.constant 10 : i32
        %mul3A_281 = arith.muli %scan3A_278, %mul3A_280 : i32
        %add3A_282 = arith.constant 0 : i32
        %add3A_283 = arith.addi %mul3A_281, %add3A_282 : i32
        %mul3A_284 = arith.constant 16 : i32
        %mul3A_285 = arith.muli %add3A_283, %mul3A_284 : i32
        %get3A = arith.index_cast %mul3A_285 : i32 to index
        %get3A_286 = tpu.vector_load %arg12[%get3A] {strides = array<i32>} : memref<4000xi32, #tpu.memory_space<vmem>>, vector<16xi32>,
        %get3A_287 = arith.index_cast %mul3A_285 : i32 to index
        %get3A_288 = tpu.vector_load %arg13[%get3A_287] {strides = array<i32>} : memref<4000xi32, #tpu.memory_space<vmem>>, vector<16xi32>,
        %get3A_289 = arith.index_cast %mul3A_285 : i32 to index
        %get3A_290 = tpu.vector_load %arg14[%get3A_289] {strides = array<i32>} : memref<4000xf32, #tpu.memory_space<vmem>>, vector<16xf32>,
        %gather3A = tpu.vector_load_idx %arg11[%get3A_286] : memref<10000xf32, #tpu.memory_space<vmem>>[vector<16xi32>], vector<16xf32>,
        %mul3A_291 = arith.mulf %gather3A, %get3A_290 : vector<16xf32>
        tpu.vector_store_idx %arg10[%get3A_288], %mul3A_291 {add = true} : memref<100000xf32, #tpu.memory_space<vmem>>[vector<16xi32>], vector<16xf32>,
        %mul3A_292 = arith.constant 10 : i32
        %mul3A_293 = arith.muli %scan3A_278, %mul3A_292 : i32
        %add3A_294 = arith.constant 1 : i32
        %add3A_295 = arith.addi %mul3A_293, %add3A_294 : i32
        %mul3A_296 = arith.constant 16 : i32
        %mul3A_297 = arith.muli %add3A_295, %mul3A_296 : i32
        %get3A_298 = arith.index_cast %mul3A_297 : i32 to index
        %get3A_299 = tpu.vector_load %arg12[%get3A_298] {strides = array<i32>} : memref<4000xi32, #tpu.memory_space<vmem>>, vector<16xi32>,
        %get3A_300 = arith.index_cast %mul3A_297 : i32 to index
        %get3A_301 = tpu.vector_load %arg13[%get3A_300] {strides = array<i32>} : memref<4000xi32, #tpu.memory_space<vmem>>, vector<16xi32>,
        %get3A_302 = arith.index_cast %mul3A_297 : i32 to index
        %get3A_303 = tpu.vector_load %arg14[%get3A_302] {strides = array<i32>} : memref<4000xf32, #tpu.memory_space<vmem>>, vector<16xf32>,
        %gather3A_304 = tpu.vector_load_idx %arg11[%get3A_299] : memref<10000xf32, #tpu.memory_space<vmem>>[vector<16xi32>], vector<16xf32>,
        %mul3A_305 = arith.mulf %gather3A_304, %get3A_303 : vector<16xf32>
        tpu.vector_store_idx %arg10[%get3A_301], %mul3A_305 {add = true} : memref<100000xf32, #tpu.memory_space<vmem>>[vector<16xi32>], vector<16xf32>,
        %mul3A_306 = arith.constant 10 : i32
        %mul3A_307 = arith.muli %scan3A_278, %mul3A_306 : i32
        %add3A_308 = arith.constant 2 : i32
        %add3A_309 = arith.addi %mul3A_307, %add3A_308 : i32
        %mul3A_310 = arith.constant 16 : i32
        %mul3A_311 = arith.muli %add3A_309, %mul3A_310 : i32
        %get3A_312 = arith.index_cast %mul3A_311 : i32 to index
        %get3A_313 = tpu.vector_load %arg12[%get3A_312] {strides = array<i32>} : memref<4000xi32, #tpu.memory_space<vmem>>, vector<16xi32>,
        %get3A_314 = arith.index_cast %mul3A_311 : i32 to index
        %get3A_315 = tpu.vector_load %arg13[%get3A_314] {strides = array<i32>} : memref<4000xi32, #tpu.memory_space<vmem>>, vector<16xi32>,
        %get3A_316 = arith.index_cast %mul3A_311 : i32 to index
        %get3A_317 = tpu.vector_load %arg14[%get3A_316] {strides = array<i32>} : memref<4000xf32, #tpu.memory_space<vmem>>, vector<16xf32>,
        %gather3A_318 = tpu.vector_load_idx %arg11[%get3A_313] : memref<10000xf32, #tpu.memory_space<vmem>>[vector<16xi32>], vector<16xf32>,
        %mul3A_319 = arith.mulf %gather3A_318, %get3A_317 : vector<16xf32>
        tpu.vector_store_idx %arg10[%get3A_315], %mul3A_319 {add = true} : memref<100000xf32, #tpu.memory_space<vmem>>[vector<16xi32>], vector<16xf32>,
        %mul3A_320 = arith.constant 10 : i32
        %mul3A_321 = arith.muli %scan3A_278, %mul3A_320 : i32
        %add3A_322 = arith.constant 3 : i32
        %add3A_323 = arith.addi %mul3A_321, %add3A_322 : i32
        %mul3A_324 = arith.constant 16 : i32
        %mul3A_325 = arith.muli %add3A_323, %mul3A_324 : i32
        %get3A_326 = arith.index_cast %mul3A_325 : i32 to index
        %get3A_327 = tpu.vector_load %arg12[%get3A_326] {strides = array<i32>} : memref<4000xi32, #tpu.memory_space<vmem>>, vector<16xi32>,
        %get3A_328 = arith.index_cast %mul3A_325 : i32 to index
        %get3A_329 = tpu.vector_load %arg13[%get3A_328] {strides = array<i32>} : memref<4000xi32, #tpu.memory_space<vmem>>, vector<16xi32>,
        %get3A_330 = arith.index_cast %mul3A_325 : i32 to index
        %get3A_331 = tpu.vector_load %arg14[%get3A_330] {strides = array<i32>} : memref<4000xf32, #tpu.memory_space<vmem>>, vector<16xf32>,
        %gather3A_332 = tpu.vector_load_idx %arg11[%get3A_327] : memref<10000xf32, #tpu.memory_space<vmem>>[vector<16xi32>], vector<16xf32>,
        %mul3A_333 = arith.mulf %gather3A_332, %get3A_331 : vector<16xf32>
        tpu.vector_store_idx %arg10[%get3A_329], %mul3A_333 {add = true} : memref<100000xf32, #tpu.memory_space<vmem>>[vector<16xi32>], vector<16xf32>,
        %mul3A_334 = arith.constant 10 : i32
        %mul3A_335 = arith.muli %scan3A_278, %mul3A_334 : i32
        %add3A_336 = arith.constant 4 : i32
        %add3A_337 = arith.addi %mul3A_335, %add3A_336 : i32
        %mul3A_338 = arith.constant 16 : i32
        %mul3A_339 = arith.muli %add3A_337, %mul3A_338 : i32
        %get3A_340 = arith.index_cast %mul3A_339 : i32 to index
        %get3A_341 = tpu.vector_load %arg12[%get3A_340] {strides = array<i32>} : memref<4000xi32, #tpu.memory_space<vmem>>, vector<16xi32>,
        %get3A_342 = arith.index_cast %mul3A_339 : i32 to index
        %get3A_343 = tpu.vector_load %arg13[%get3A_342] {strides = array<i32>} : memref<4000xi32, #tpu.memory_space<vmem>>, vector<16xi32>,
        %get3A_344 = arith.index_cast %mul3A_339 : i32 to index
        %get3A_345 = tpu.vector_load %arg14[%get3A_344] {strides = array<i32>} : memref<4000xf32, #tpu.memory_space<vmem>>, vector<16xf32>,
        %gather3A_346 = tpu.vector_load_idx %arg11[%get3A_341] : memref<10000xf32, #tpu.memory_space<vmem>>[vector<16xi32>], vector<16xf32>,
        %mul3A_347 = arith.mulf %gather3A_346, %get3A_345 : vector<16xf32>
        tpu.vector_store_idx %arg10[%get3A_343], %mul3A_347 {add = true} : memref<100000xf32, #tpu.memory_space<vmem>>[vector<16xi32>], vector<16xf32>,
        %mul3A_348 = arith.constant 10 : i32
        %mul3A_349 = arith.muli %scan3A_278, %mul3A_348 : i32
        %add3A_350 = arith.constant 5 : i32
        %add3A_351 = arith.addi %mul3A_349, %add3A_350 : i32
        %mul3A_352 = arith.constant 16 : i32
        %mul3A_353 = arith.muli %add3A_351, %mul3A_352 : i32
        %get3A_354 = arith.index_cast %mul3A_353 : i32 to index
        %get3A_355 = tpu.vector_load %arg12[%get3A_354] {strides = array<i32>} : memref<4000xi32, #tpu.memory_space<vmem>>, vector<16xi32>,
        %get3A_356 = arith.index_cast %mul3A_353 : i32 to index
        %get3A_357 = tpu.vector_load %arg13[%get3A_356] {strides = array<i32>} : memref<4000xi32, #tpu.memory_space<vmem>>, vector<16xi32>,
        %get3A_358 = arith.index_cast %mul3A_353 : i32 to index
        %get3A_359 = tpu.vector_load %arg14[%get3A_358] {strides = array<i32>} : memref<4000xf32, #tpu.memory_space<vmem>>, vector<16xf32>,
        %gather3A_360 = tpu.vector_load_idx %arg11[%get3A_355] : memref<10000xf32, #tpu.memory_space<vmem>>[vector<16xi32>], vector<16xf32>,
        %mul3A_361 = arith.mulf %gather3A_360, %get3A_359 : vector<16xf32>
        tpu.vector_store_idx %arg10[%get3A_357], %mul3A_361 {add = true} : memref<100000xf32, #tpu.memory_space<vmem>>[vector<16xi32>], vector<16xf32>,
        %mul3A_362 = arith.constant 10 : i32
        %mul3A_363 = arith.muli %scan3A_278, %mul3A_362 : i32
        %add3A_364 = arith.constant 6 : i32
        %add3A_365 = arith.addi %mul3A_363, %add3A_364 : i32
        %mul3A_366 = arith.constant 16 : i32
        %mul3A_367 = arith.muli %add3A_365, %mul3A_366 : i32
        %get3A_368 = arith.index_cast %mul3A_367 : i32 to index
        %get3A_369 = tpu.vector_load %arg12[%get3A_368] {strides = array<i32>} : memref<4000xi32, #tpu.memory_space<vmem>>, vector<16xi32>,
        %get3A_370 = arith.index_cast %mul3A_367 : i32 to index
        %get3A_371 = tpu.vector_load %arg13[%get3A_370] {strides = array<i32>} : memref<4000xi32, #tpu.memory_space<vmem>>, vector<16xi32>,
        %get3A_372 = arith.index_cast %mul3A_367 : i32 to index
        %get3A_373 = tpu.vector_load %arg14[%get3A_372] {strides = array<i32>} : memref<4000xf32, #tpu.memory_space<vmem>>, vector<16xf32>,
        %gather3A_374 = tpu.vector_load_idx %arg11[%get3A_369] : memref<10000xf32, #tpu.memory_space<vmem>>[vector<16xi32>], vector<16xf32>,
        %mul3A_375 = arith.mulf %gather3A_374, %get3A_373 : vector<16xf32>
        tpu.vector_store_idx %arg10[%get3A_371], %mul3A_375 {add = true} : memref<100000xf32, #tpu.memory_space<vmem>>[vector<16xi32>], vector<16xf32>,
        %mul3A_376 = arith.constant 10 : i32
        %mul3A_377 = arith.muli %scan3A_278, %mul3A_376 : i32
        %add3A_378 = arith.constant 7 : i32
        %add3A_379 = arith.addi %mul3A_377, %add3A_378 : i32
        %mul3A_380 = arith.constant 16 : i32
        %mul3A_381 = arith.muli %add3A_379, %mul3A_380 : i32
        %get3A_382 = arith.index_cast %mul3A_381 : i32 to index
        %get3A_383 = tpu.vector_load %arg12[%get3A_382] {strides = array<i32>} : memref<4000xi32, #tpu.memory_space<vmem>>, vector<16xi32>,
        %get3A_384 = arith.index_cast %mul3A_381 : i32 to index
        %get3A_385 = tpu.vector_load %arg13[%get3A_384] {strides = array<i32>} : memref<4000xi32, #tpu.memory_space<vmem>>, vector<16xi32>,
        %get3A_386 = arith.index_cast %mul3A_381 : i32 to index
        %get3A_387 = tpu.vector_load %arg14[%get3A_386] {strides = array<i32>} : memref<4000xf32, #tpu.memory_space<vmem>>, vector<16xf32>,
        %gather3A_388 = tpu.vector_load_idx %arg11[%get3A_383] : memref<10000xf32, #tpu.memory_space<vmem>>[vector<16xi32>], vector<16xf32>,
        %mul3A_389 = arith.mulf %gather3A_388, %get3A_387 : vector<16xf32>
        tpu.vector_store_idx %arg10[%get3A_385], %mul3A_389 {add = true} : memref<100000xf32, #tpu.memory_space<vmem>>[vector<16xi32>], vector<16xf32>,
        %mul3A_390 = arith.constant 10 : i32
        %mul3A_391 = arith.muli %scan3A_278, %mul3A_390 : i32
        %add3A_392 = arith.constant 8 : i32
        %add3A_393 = arith.addi %mul3A_391, %add3A_392 : i32
        %mul3A_394 = arith.constant 16 : i32
        %mul3A_395 = arith.muli %add3A_393, %mul3A_394 : i32
        %get3A_396 = arith.index_cast %mul3A_395 : i32 to index
        %get3A_397 = tpu.vector_load %arg12[%get3A_396] {strides = array<i32>} : memref<4000xi32, #tpu.memory_space<vmem>>, vector<16xi32>,
        %get3A_398 = arith.index_cast %mul3A_395 : i32 to index
        %get3A_399 = tpu.vector_load %arg13[%get3A_398] {strides = array<i32>} : memref<4000xi32, #tpu.memory_space<vmem>>, vector<16xi32>,
        %get3A_400 = arith.index_cast %mul3A_395 : i32 to index
        %get3A_401 = tpu.vector_load %arg14[%get3A_400] {strides = array<i32>} : memref<4000xf32, #tpu.memory_space<vmem>>, vector<16xf32>,
        %gather3A_402 = tpu.vector_load_idx %arg11[%get3A_397] : memref<10000xf32, #tpu.memory_space<vmem>>[vector<16xi32>], vector<16xf32>,
        %mul3A_403 = arith.mulf %gather3A_402, %get3A_401 : vector<16xf32>
        tpu.vector_store_idx %arg10[%get3A_399], %mul3A_403 {add = true} : memref<100000xf32, #tpu.memory_space<vmem>>[vector<16xi32>], vector<16xf32>,
        %mul3A_404 = arith.constant 10 : i32
        %mul3A_405 = arith.muli %scan3A_278, %mul3A_404 : i32
        %add3A_406 = arith.constant 9 : i32
        %add3A_407 = arith.addi %mul3A_405, %add3A_406 : i32
        %mul3A_408 = arith.constant 16 : i32
        %mul3A_409 = arith.muli %add3A_407, %mul3A_408 : i32
        %get3A_410 = arith.index_cast %mul3A_409 : i32 to index
        %get3A_411 = tpu.vector_load %arg12[%get3A_410] {strides = array<i32>} : memref<4000xi32, #tpu.memory_space<vmem>>, vector<16xi32>,
        %get3A_412 = arith.index_cast %mul3A_409 : i32 to index
        %get3A_413 = tpu.vector_load %arg13[%get3A_412] {strides = array<i32>} : memref<4000xi32, #tpu.memory_space<vmem>>, vector<16xi32>,
        %get3A_414 = arith.index_cast %mul3A_409 : i32 to index
        %get3A_415 = tpu.vector_load %arg14[%get3A_414] {strides = array<i32>} : memref<4000xf32, #tpu.memory_space<vmem>>, vector<16xf32>,
        %gather3A_416 = tpu.vector_load_idx %arg11[%get3A_411] : memref<10000xf32, #tpu.memory_space<vmem>>[vector<16xi32>], vector<16xf32>,
        %mul3A_417 = arith.mulf %gather3A_416, %get3A_415 : vector<16xf32>
        tpu.vector_store_idx %arg10[%get3A_413], %mul3A_417 {add = true} : memref<100000xf32, #tpu.memory_space<vmem>>[vector<16xi32>], vector<16xf32>,
        %scan3A_418 = arith.constant 0 : i32
        scf.yield %scan3A_418 : i32
      }
      %scan3A_276 = arith.constant 25 : i32
      %scan3A_277 = arith.constant 0 : i32
      scf.yield %scan3A_277 : i32
    }
    %scan3A_159 = arith.constant 100 : i32
    "tpu.region"() ({
      %run_scoped3A = tpu.sem_alloc : memref<!tpu.dma_semaphore, #tpu.memory_space<semaphore_mem>>
      %dma_start3A = arith.constant 0 : i32
      %dma_start3A_256 = tpu.memref_slice %arg9[%add3A_131, %dma_start3A] : memref<256x100000xf32, #tpu.memory_space<hbm>> -> memref<1x100000xf32, #tpu.memory_space<hbm>>
      %dma_start3A_257 = tpu.memref_squeeze %dma_start3A_256 : memref<1x100000xf32, #tpu.memory_space<hbm>> -> memref<100000xf32, #tpu.memory_space<hbm>>
      %dma_start3A_258 = arith.constant 0 : i32
      %dma_start3A_259 = tpu.memref_slice %arg9[%add3A_131, %dma_start3A_258] : memref<256x100000xf32, #tpu.memory_space<hbm>> -> memref<1x100000xf32, #tpu.memory_space<hbm>>
      %dma_start3A_260 = tpu.memref_squeeze %dma_start3A_259 : memref<1x100000xf32, #tpu.memory_space<hbm>> -> memref<100000xf32, #tpu.memory_space<hbm>>
      tpu.enqueue_dma source(%arg10 : memref<100000xf32, #tpu.memory_space<vmem>>) target(%dma_start3A_260 : memref<100000xf32, #tpu.memory_space<hbm>>) target_semaphore(%run_scoped3A : memref<!tpu.dma_semaphore, #tpu.memory_space<semaphore_mem>>)
      %dma_wait3A = arith.constant 0 : i32
      %dma_wait3A_261 = tpu.memref_slice %arg9[%add3A_131, %dma_wait3A] : memref<256x100000xf32, #tpu.memory_space<hbm>> -> memref<1x100000xf32, #tpu.memory_space<hbm>>
      %dma_wait3A_262 = tpu.memref_squeeze %dma_wait3A_261 : memref<1x100000xf32, #tpu.memory_space<hbm>> -> memref<100000xf32, #tpu.memory_space<hbm>>
      %dma_wait3A_263 = arith.constant 0 : i32
      %dma_wait3A_264 = tpu.memref_slice %arg9[%add3A_131, %dma_wait3A_263] : memref<256x100000xf32, #tpu.memory_space<hbm>> -> memref<1x100000xf32, #tpu.memory_space<hbm>>
      %dma_wait3A_265 = tpu.memref_squeeze %dma_wait3A_264 : memref<1x100000xf32, #tpu.memory_space<hbm>> -> memref<100000xf32, #tpu.memory_space<hbm>>
      tpu.wait_dma2 semaphore(%run_scoped3A : memref<!tpu.dma_semaphore, #tpu.memory_space<semaphore_mem>>) src(%arg10 : memref<100000xf32, #tpu.memory_space<vmem>>) dst(%dma_wait3A_265 : memref<100000xf32, #tpu.memory_space<hbm>>)
      tpu.yield
    }) : () -> ()
    %mul3A_160 = arith.constant 8 : i32
    %mul3A_161 = arith.muli %add3A, %mul3A_160 : i32
    %add3A_162 = arith.constant 5 : i32
    %add3A_163 = arith.addi %mul3A_161, %add3A_162 : i32
    "tpu.region"() ({
      %run_scoped3A = tpu.sem_alloc : memref<!tpu.dma_semaphore, #tpu.memory_space<semaphore_mem>>
      %dma_start3A = arith.constant 0 : i32
      %dma_start3A_256 = tpu.memref_slice %arg2[%add3A_163, %dma_start3A] : memref<256x100000xf32, #tpu.memory_space<hbm>> -> memref<1x100000xf32, #tpu.memory_space<hbm>>
      %dma_start3A_257 = tpu.memref_squeeze %dma_start3A_256 : memref<1x100000xf32, #tpu.memory_space<hbm>> -> memref<100000xf32, #tpu.memory_space<hbm>>
      %dma_start3A_258 = arith.constant 0 : i32
      %dma_start3A_259 = tpu.memref_slice %arg2[%add3A_163, %dma_start3A_258] : memref<256x100000xf32, #tpu.memory_space<hbm>> -> memref<1x100000xf32, #tpu.memory_space<hbm>>
      %dma_start3A_260 = tpu.memref_squeeze %dma_start3A_259 : memref<1x100000xf32, #tpu.memory_space<hbm>> -> memref<100000xf32, #tpu.memory_space<hbm>>
      tpu.enqueue_dma source(%dma_start3A_260 : memref<100000xf32, #tpu.memory_space<hbm>>) target(%arg10 : memref<100000xf32, #tpu.memory_space<vmem>>) target_semaphore(%run_scoped3A : memref<!tpu.dma_semaphore, #tpu.memory_space<semaphore_mem>>)
      %dma_wait3A = arith.constant 0 : i32
      %dma_wait3A_261 = tpu.memref_slice %arg2[%add3A_163, %dma_wait3A] : memref<256x100000xf32, #tpu.memory_space<hbm>> -> memref<1x100000xf32, #tpu.memory_space<hbm>>
      %dma_wait3A_262 = tpu.memref_squeeze %dma_wait3A_261 : memref<1x100000xf32, #tpu.memory_space<hbm>> -> memref<100000xf32, #tpu.memory_space<hbm>>
      %dma_wait3A_263 = arith.constant 0 : i32
      %dma_wait3A_264 = tpu.memref_slice %arg2[%add3A_163, %dma_wait3A_263] : memref<256x100000xf32, #tpu.memory_space<hbm>> -> memref<1x100000xf32, #tpu.memory_space<hbm>>
      %dma_wait3A_265 = tpu.memref_squeeze %dma_wait3A_264 : memref<1x100000xf32, #tpu.memory_space<hbm>> -> memref<100000xf32, #tpu.memory_space<hbm>>
      tpu.wait_dma2 semaphore(%run_scoped3A : memref<!tpu.dma_semaphore, #tpu.memory_space<semaphore_mem>>) src(%dma_wait3A_265 : memref<100000xf32, #tpu.memory_space<hbm>>) dst(%arg10 : memref<100000xf32, #tpu.memory_space<vmem>>)
      tpu.yield
    }) : () -> ()
    %scan3A_164 = arith.constant 0 : i32
    %scan3A_165 = arith.constant 0 : i32
    %scan3A_166 = arith.constant 625 : i32
    %scan3A_167 = arith.addi %scan3A_165, %scan3A_166 : i32
    %scan3A_168 = arith.constant 1 : i32
    %scan3A_169 = scf.for %scan3A_256 = %scan3A_165 to %scan3A_167 step %scan3A_168 iter_args(%scan3A_257 = %scan3A_164) -> (i32)  : i32 {
      %broadcast_in_dim3A = arith.constant 0.000000e+00 : f32
      %broadcast_in_dim3A_258 = vector.broadcast %broadcast_in_dim3A : f32 to vector<16xf32>
      %mul3A_259 = arith.constant 16 : i32
      %mul3A_260 = arith.muli %scan3A_256, %mul3A_259 : i32
      %swap3A = arith.index_cast %mul3A_260 : i32 to index
      %swap3A_261 = tpu.vector_load %arg11[%swap3A] {strides = array<i32>} : memref<10000xf32, #tpu.memory_space<vmem>>, vector<16xf32>,
      tpu.vector_store %arg11[%swap3A], %broadcast_in_dim3A_258 {strides = array<i32>} : memref<10000xf32, #tpu.memory_space<vmem>>, vector<16xf32>,
      %scan3A_262 = arith.constant 0 : i32
      scf.yield %scan3A_262 : i32
    }
    %scan3A_170 = arith.constant 625 : i32
    %scan3A_171 = arith.constant 0 : i32
    %scan3A_172 = arith.constant 0 : i32
    %scan3A_173 = arith.constant 100 : i32
    %scan3A_174 = arith.addi %scan3A_172, %scan3A_173 : i32
    %scan3A_175 = arith.constant 1 : i32
    %scan3A_176 = scf.for %scan3A_256 = %scan3A_172 to %scan3A_174 step %scan3A_175 iter_args(%scan3A_257 = %scan3A_171) -> (i32)  : i32 {
      %mul3A_258 = arith.constant 4000 : i32
      %mul3A_259 = arith.muli %scan3A_256, %mul3A_258 : i32
      %dma_start3A = tpu.memref_slice %arg3[%mul3A_259] : memref<400000xi32, #tpu.memory_space<hbm>> -> memref<4000xi32, #tpu.memory_space<hbm>>
      %dma_start3A_260 = tpu.memref_slice %arg3[%mul3A_259] : memref<400000xi32, #tpu.memory_space<hbm>> -> memref<4000xi32, #tpu.memory_space<hbm>>
      tpu.enqueue_dma source(%dma_start3A_260 : memref<4000xi32, #tpu.memory_space<hbm>>) target(%arg12 : memref<4000xi32, #tpu.memory_space<vmem>>) target_semaphore(%arg15 : memref<!tpu.dma_semaphore, #tpu.memory_space<semaphore_mem>>)
      %dma_start3A_261 = tpu.memref_slice %arg4[%mul3A_259] : memref<400000xi32, #tpu.memory_space<hbm>> -> memref<4000xi32, #tpu.memory_space<hbm>>
      %dma_start3A_262 = tpu.memref_slice %arg4[%mul3A_259] : memref<400000xi32, #tpu.memory_space<hbm>> -> memref<4000xi32, #tpu.memory_space<hbm>>
      tpu.enqueue_dma source(%dma_start3A_262 : memref<4000xi32, #tpu.memory_space<hbm>>) target(%arg13 : memref<4000xi32, #tpu.memory_space<vmem>>) target_semaphore(%arg16 : memref<!tpu.dma_semaphore, #tpu.memory_space<semaphore_mem>>)
      %dma_start3A_263 = tpu.memref_slice %arg5[%mul3A_259] : memref<400000xf32, #tpu.memory_space<hbm>> -> memref<4000xf32, #tpu.memory_space<hbm>>
      %dma_start3A_264 = tpu.memref_slice %arg5[%mul3A_259] : memref<400000xf32, #tpu.memory_space<hbm>> -> memref<4000xf32, #tpu.memory_space<hbm>>
      tpu.enqueue_dma source(%dma_start3A_264 : memref<4000xf32, #tpu.memory_space<hbm>>) target(%arg14 : memref<4000xf32, #tpu.memory_space<vmem>>) target_semaphore(%arg17 : memref<!tpu.dma_semaphore, #tpu.memory_space<semaphore_mem>>)
      %dma_wait3A = tpu.memref_slice %arg3[%mul3A_259] : memref<400000xi32, #tpu.memory_space<hbm>> -> memref<4000xi32, #tpu.memory_space<hbm>>
      %dma_wait3A_265 = tpu.memref_slice %arg3[%mul3A_259] : memref<400000xi32, #tpu.memory_space<hbm>> -> memref<4000xi32, #tpu.memory_space<hbm>>
      tpu.wait_dma2 semaphore(%arg15 : memref<!tpu.dma_semaphore, #tpu.memory_space<semaphore_mem>>) src(%dma_wait3A_265 : memref<4000xi32, #tpu.memory_space<hbm>>) dst(%arg12 : memref<4000xi32, #tpu.memory_space<vmem>>)
      %dma_wait3A_266 = tpu.memref_slice %arg4[%mul3A_259] : memref<400000xi32, #tpu.memory_space<hbm>> -> memref<4000xi32, #tpu.memory_space<hbm>>
      %dma_wait3A_267 = tpu.memref_slice %arg4[%mul3A_259] : memref<400000xi32, #tpu.memory_space<hbm>> -> memref<4000xi32, #tpu.memory_space<hbm>>
      tpu.wait_dma2 semaphore(%arg16 : memref<!tpu.dma_semaphore, #tpu.memory_space<semaphore_mem>>) src(%dma_wait3A_267 : memref<4000xi32, #tpu.memory_space<hbm>>) dst(%arg13 : memref<4000xi32, #tpu.memory_space<vmem>>)
      %dma_wait3A_268 = tpu.memref_slice %arg5[%mul3A_259] : memref<400000xf32, #tpu.memory_space<hbm>> -> memref<4000xf32, #tpu.memory_space<hbm>>
      %dma_wait3A_269 = tpu.memref_slice %arg5[%mul3A_259] : memref<400000xf32, #tpu.memory_space<hbm>> -> memref<4000xf32, #tpu.memory_space<hbm>>
      tpu.wait_dma2 semaphore(%arg17 : memref<!tpu.dma_semaphore, #tpu.memory_space<semaphore_mem>>) src(%dma_wait3A_269 : memref<4000xf32, #tpu.memory_space<hbm>>) dst(%arg14 : memref<4000xf32, #tpu.memory_space<vmem>>)
      %scan3A_270 = arith.constant 0 : i32
      %scan3A_271 = arith.constant 0 : i32
      %scan3A_272 = arith.constant 25 : i32
      %scan3A_273 = arith.addi %scan3A_271, %scan3A_272 : i32
      %scan3A_274 = arith.constant 1 : i32
      %scan3A_275 = scf.for %scan3A_278 = %scan3A_271 to %scan3A_273 step %scan3A_274 iter_args(%scan3A_279 = %scan3A_270) -> (i32)  : i32 {
        %mul3A_280 = arith.constant 10 : i32
        %mul3A_281 = arith.muli %scan3A_278, %mul3A_280 : i32
        %add3A_282 = arith.constant 0 : i32
        %add3A_283 = arith.addi %mul3A_281, %add3A_282 : i32
        %mul3A_284 = arith.constant 16 : i32
        %mul3A_285 = arith.muli %add3A_283, %mul3A_284 : i32
        %get3A = arith.index_cast %mul3A_285 : i32 to index
        %get3A_286 = tpu.vector_load %arg12[%get3A] {strides = array<i32>} : memref<4000xi32, #tpu.memory_space<vmem>>, vector<16xi32>,
        %get3A_287 = arith.index_cast %mul3A_285 : i32 to index
        %get3A_288 = tpu.vector_load %arg13[%get3A_287] {strides = array<i32>} : memref<4000xi32, #tpu.memory_space<vmem>>, vector<16xi32>,
        %get3A_289 = arith.index_cast %mul3A_285 : i32 to index
        %get3A_290 = tpu.vector_load %arg14[%get3A_289] {strides = array<i32>} : memref<4000xf32, #tpu.memory_space<vmem>>, vector<16xf32>,
        %gather3A = tpu.vector_load_idx %arg10[%get3A_286] : memref<100000xf32, #tpu.memory_space<vmem>>[vector<16xi32>], vector<16xf32>,
        %mul3A_291 = arith.mulf %gather3A, %get3A_290 : vector<16xf32>
        tpu.vector_store_idx %arg11[%get3A_288], %mul3A_291 {add = true} : memref<10000xf32, #tpu.memory_space<vmem>>[vector<16xi32>], vector<16xf32>,
        %mul3A_292 = arith.constant 10 : i32
        %mul3A_293 = arith.muli %scan3A_278, %mul3A_292 : i32
        %add3A_294 = arith.constant 1 : i32
        %add3A_295 = arith.addi %mul3A_293, %add3A_294 : i32
        %mul3A_296 = arith.constant 16 : i32
        %mul3A_297 = arith.muli %add3A_295, %mul3A_296 : i32
        %get3A_298 = arith.index_cast %mul3A_297 : i32 to index
        %get3A_299 = tpu.vector_load %arg12[%get3A_298] {strides = array<i32>} : memref<4000xi32, #tpu.memory_space<vmem>>, vector<16xi32>,
        %get3A_300 = arith.index_cast %mul3A_297 : i32 to index
        %get3A_301 = tpu.vector_load %arg13[%get3A_300] {strides = array<i32>} : memref<4000xi32, #tpu.memory_space<vmem>>, vector<16xi32>,
        %get3A_302 = arith.index_cast %mul3A_297 : i32 to index
        %get3A_303 = tpu.vector_load %arg14[%get3A_302] {strides = array<i32>} : memref<4000xf32, #tpu.memory_space<vmem>>, vector<16xf32>,
        %gather3A_304 = tpu.vector_load_idx %arg10[%get3A_299] : memref<100000xf32, #tpu.memory_space<vmem>>[vector<16xi32>], vector<16xf32>,
        %mul3A_305 = arith.mulf %gather3A_304, %get3A_303 : vector<16xf32>
        tpu.vector_store_idx %arg11[%get3A_301], %mul3A_305 {add = true} : memref<10000xf32, #tpu.memory_space<vmem>>[vector<16xi32>], vector<16xf32>,
        %mul3A_306 = arith.constant 10 : i32
        %mul3A_307 = arith.muli %scan3A_278, %mul3A_306 : i32
        %add3A_308 = arith.constant 2 : i32
        %add3A_309 = arith.addi %mul3A_307, %add3A_308 : i32
        %mul3A_310 = arith.constant 16 : i32
        %mul3A_311 = arith.muli %add3A_309, %mul3A_310 : i32
        %get3A_312 = arith.index_cast %mul3A_311 : i32 to index
        %get3A_313 = tpu.vector_load %arg12[%get3A_312] {strides = array<i32>} : memref<4000xi32, #tpu.memory_space<vmem>>, vector<16xi32>,
        %get3A_314 = arith.index_cast %mul3A_311 : i32 to index
        %get3A_315 = tpu.vector_load %arg13[%get3A_314] {strides = array<i32>} : memref<4000xi32, #tpu.memory_space<vmem>>, vector<16xi32>,
        %get3A_316 = arith.index_cast %mul3A_311 : i32 to index
        %get3A_317 = tpu.vector_load %arg14[%get3A_316] {strides = array<i32>} : memref<4000xf32, #tpu.memory_space<vmem>>, vector<16xf32>,
        %gather3A_318 = tpu.vector_load_idx %arg10[%get3A_313] : memref<100000xf32, #tpu.memory_space<vmem>>[vector<16xi32>], vector<16xf32>,
        %mul3A_319 = arith.mulf %gather3A_318, %get3A_317 : vector<16xf32>
        tpu.vector_store_idx %arg11[%get3A_315], %mul3A_319 {add = true} : memref<10000xf32, #tpu.memory_space<vmem>>[vector<16xi32>], vector<16xf32>,
        %mul3A_320 = arith.constant 10 : i32
        %mul3A_321 = arith.muli %scan3A_278, %mul3A_320 : i32
        %add3A_322 = arith.constant 3 : i32
        %add3A_323 = arith.addi %mul3A_321, %add3A_322 : i32
        %mul3A_324 = arith.constant 16 : i32
        %mul3A_325 = arith.muli %add3A_323, %mul3A_324 : i32
        %get3A_326 = arith.index_cast %mul3A_325 : i32 to index
        %get3A_327 = tpu.vector_load %arg12[%get3A_326] {strides = array<i32>} : memref<4000xi32, #tpu.memory_space<vmem>>, vector<16xi32>,
        %get3A_328 = arith.index_cast %mul3A_325 : i32 to index
        %get3A_329 = tpu.vector_load %arg13[%get3A_328] {strides = array<i32>} : memref<4000xi32, #tpu.memory_space<vmem>>, vector<16xi32>,
        %get3A_330 = arith.index_cast %mul3A_325 : i32 to index
        %get3A_331 = tpu.vector_load %arg14[%get3A_330] {strides = array<i32>} : memref<4000xf32, #tpu.memory_space<vmem>>, vector<16xf32>,
        %gather3A_332 = tpu.vector_load_idx %arg10[%get3A_327] : memref<100000xf32, #tpu.memory_space<vmem>>[vector<16xi32>], vector<16xf32>,
        %mul3A_333 = arith.mulf %gather3A_332, %get3A_331 : vector<16xf32>
        tpu.vector_store_idx %arg11[%get3A_329], %mul3A_333 {add = true} : memref<10000xf32, #tpu.memory_space<vmem>>[vector<16xi32>], vector<16xf32>,
        %mul3A_334 = arith.constant 10 : i32
        %mul3A_335 = arith.muli %scan3A_278, %mul3A_334 : i32
        %add3A_336 = arith.constant 4 : i32
        %add3A_337 = arith.addi %mul3A_335, %add3A_336 : i32
        %mul3A_338 = arith.constant 16 : i32
        %mul3A_339 = arith.muli %add3A_337, %mul3A_338 : i32
        %get3A_340 = arith.index_cast %mul3A_339 : i32 to index
        %get3A_341 = tpu.vector_load %arg12[%get3A_340] {strides = array<i32>} : memref<4000xi32, #tpu.memory_space<vmem>>, vector<16xi32>,
        %get3A_342 = arith.index_cast %mul3A_339 : i32 to index
        %get3A_343 = tpu.vector_load %arg13[%get3A_342] {strides = array<i32>} : memref<4000xi32, #tpu.memory_space<vmem>>, vector<16xi32>,
        %get3A_344 = arith.index_cast %mul3A_339 : i32 to index
        %get3A_345 = tpu.vector_load %arg14[%get3A_344] {strides = array<i32>} : memref<4000xf32, #tpu.memory_space<vmem>>, vector<16xf32>,
        %gather3A_346 = tpu.vector_load_idx %arg10[%get3A_341] : memref<100000xf32, #tpu.memory_space<vmem>>[vector<16xi32>], vector<16xf32>,
        %mul3A_347 = arith.mulf %gather3A_346, %get3A_345 : vector<16xf32>
        tpu.vector_store_idx %arg11[%get3A_343], %mul3A_347 {add = true} : memref<10000xf32, #tpu.memory_space<vmem>>[vector<16xi32>], vector<16xf32>,
        %mul3A_348 = arith.constant 10 : i32
        %mul3A_349 = arith.muli %scan3A_278, %mul3A_348 : i32
        %add3A_350 = arith.constant 5 : i32
        %add3A_351 = arith.addi %mul3A_349, %add3A_350 : i32
        %mul3A_352 = arith.constant 16 : i32
        %mul3A_353 = arith.muli %add3A_351, %mul3A_352 : i32
        %get3A_354 = arith.index_cast %mul3A_353 : i32 to index
        %get3A_355 = tpu.vector_load %arg12[%get3A_354] {strides = array<i32>} : memref<4000xi32, #tpu.memory_space<vmem>>, vector<16xi32>,
        %get3A_356 = arith.index_cast %mul3A_353 : i32 to index
        %get3A_357 = tpu.vector_load %arg13[%get3A_356] {strides = array<i32>} : memref<4000xi32, #tpu.memory_space<vmem>>, vector<16xi32>,
        %get3A_358 = arith.index_cast %mul3A_353 : i32 to index
        %get3A_359 = tpu.vector_load %arg14[%get3A_358] {strides = array<i32>} : memref<4000xf32, #tpu.memory_space<vmem>>, vector<16xf32>,
        %gather3A_360 = tpu.vector_load_idx %arg10[%get3A_355] : memref<100000xf32, #tpu.memory_space<vmem>>[vector<16xi32>], vector<16xf32>,
        %mul3A_361 = arith.mulf %gather3A_360, %get3A_359 : vector<16xf32>
        tpu.vector_store_idx %arg11[%get3A_357], %mul3A_361 {add = true} : memref<10000xf32, #tpu.memory_space<vmem>>[vector<16xi32>], vector<16xf32>,
        %mul3A_362 = arith.constant 10 : i32
        %mul3A_363 = arith.muli %scan3A_278, %mul3A_362 : i32
        %add3A_364 = arith.constant 6 : i32
        %add3A_365 = arith.addi %mul3A_363, %add3A_364 : i32
        %mul3A_366 = arith.constant 16 : i32
        %mul3A_367 = arith.muli %add3A_365, %mul3A_366 : i32
        %get3A_368 = arith.index_cast %mul3A_367 : i32 to index
        %get3A_369 = tpu.vector_load %arg12[%get3A_368] {strides = array<i32>} : memref<4000xi32, #tpu.memory_space<vmem>>, vector<16xi32>,
        %get3A_370 = arith.index_cast %mul3A_367 : i32 to index
        %get3A_371 = tpu.vector_load %arg13[%get3A_370] {strides = array<i32>} : memref<4000xi32, #tpu.memory_space<vmem>>, vector<16xi32>,
        %get3A_372 = arith.index_cast %mul3A_367 : i32 to index
        %get3A_373 = tpu.vector_load %arg14[%get3A_372] {strides = array<i32>} : memref<4000xf32, #tpu.memory_space<vmem>>, vector<16xf32>,
        %gather3A_374 = tpu.vector_load_idx %arg10[%get3A_369] : memref<100000xf32, #tpu.memory_space<vmem>>[vector<16xi32>], vector<16xf32>,
        %mul3A_375 = arith.mulf %gather3A_374, %get3A_373 : vector<16xf32>
        tpu.vector_store_idx %arg11[%get3A_371], %mul3A_375 {add = true} : memref<10000xf32, #tpu.memory_space<vmem>>[vector<16xi32>], vector<16xf32>,
        %mul3A_376 = arith.constant 10 : i32
        %mul3A_377 = arith.muli %scan3A_278, %mul3A_376 : i32
        %add3A_378 = arith.constant 7 : i32
        %add3A_379 = arith.addi %mul3A_377, %add3A_378 : i32
        %mul3A_380 = arith.constant 16 : i32
        %mul3A_381 = arith.muli %add3A_379, %mul3A_380 : i32
        %get3A_382 = arith.index_cast %mul3A_381 : i32 to index
        %get3A_383 = tpu.vector_load %arg12[%get3A_382] {strides = array<i32>} : memref<4000xi32, #tpu.memory_space<vmem>>, vector<16xi32>,
        %get3A_384 = arith.index_cast %mul3A_381 : i32 to index
        %get3A_385 = tpu.vector_load %arg13[%get3A_384] {strides = array<i32>} : memref<4000xi32, #tpu.memory_space<vmem>>, vector<16xi32>,
        %get3A_386 = arith.index_cast %mul3A_381 : i32 to index
        %get3A_387 = tpu.vector_load %arg14[%get3A_386] {strides = array<i32>} : memref<4000xf32, #tpu.memory_space<vmem>>, vector<16xf32>,
        %gather3A_388 = tpu.vector_load_idx %arg10[%get3A_383] : memref<100000xf32, #tpu.memory_space<vmem>>[vector<16xi32>], vector<16xf32>,
        %mul3A_389 = arith.mulf %gather3A_388, %get3A_387 : vector<16xf32>
        tpu.vector_store_idx %arg11[%get3A_385], %mul3A_389 {add = true} : memref<10000xf32, #tpu.memory_space<vmem>>[vector<16xi32>], vector<16xf32>,
        %mul3A_390 = arith.constant 10 : i32
        %mul3A_391 = arith.muli %scan3A_278, %mul3A_390 : i32
        %add3A_392 = arith.constant 8 : i32
        %add3A_393 = arith.addi %mul3A_391, %add3A_392 : i32
        %mul3A_394 = arith.constant 16 : i32
        %mul3A_395 = arith.muli %add3A_393, %mul3A_394 : i32
        %get3A_396 = arith.index_cast %mul3A_395 : i32 to index
        %get3A_397 = tpu.vector_load %arg12[%get3A_396] {strides = array<i32>} : memref<4000xi32, #tpu.memory_space<vmem>>, vector<16xi32>,
        %get3A_398 = arith.index_cast %mul3A_395 : i32 to index
        %get3A_399 = tpu.vector_load %arg13[%get3A_398] {strides = array<i32>} : memref<4000xi32, #tpu.memory_space<vmem>>, vector<16xi32>,
        %get3A_400 = arith.index_cast %mul3A_395 : i32 to index
        %get3A_401 = tpu.vector_load %arg14[%get3A_400] {strides = array<i32>} : memref<4000xf32, #tpu.memory_space<vmem>>, vector<16xf32>,
        %gather3A_402 = tpu.vector_load_idx %arg10[%get3A_397] : memref<100000xf32, #tpu.memory_space<vmem>>[vector<16xi32>], vector<16xf32>,
        %mul3A_403 = arith.mulf %gather3A_402, %get3A_401 : vector<16xf32>
        tpu.vector_store_idx %arg11[%get3A_399], %mul3A_403 {add = true} : memref<10000xf32, #tpu.memory_space<vmem>>[vector<16xi32>], vector<16xf32>,
        %mul3A_404 = arith.constant 10 : i32
        %mul3A_405 = arith.muli %scan3A_278, %mul3A_404 : i32
        %add3A_406 = arith.constant 9 : i32
        %add3A_407 = arith.addi %mul3A_405, %add3A_406 : i32
        %mul3A_408 = arith.constant 16 : i32
        %mul3A_409 = arith.muli %add3A_407, %mul3A_408 : i32
        %get3A_410 = arith.index_cast %mul3A_409 : i32 to index
        %get3A_411 = tpu.vector_load %arg12[%get3A_410] {strides = array<i32>} : memref<4000xi32, #tpu.memory_space<vmem>>, vector<16xi32>,
        %get3A_412 = arith.index_cast %mul3A_409 : i32 to index
        %get3A_413 = tpu.vector_load %arg13[%get3A_412] {strides = array<i32>} : memref<4000xi32, #tpu.memory_space<vmem>>, vector<16xi32>,
        %get3A_414 = arith.index_cast %mul3A_409 : i32 to index
        %get3A_415 = tpu.vector_load %arg14[%get3A_414] {strides = array<i32>} : memref<4000xf32, #tpu.memory_space<vmem>>, vector<16xf32>,
        %gather3A_416 = tpu.vector_load_idx %arg10[%get3A_411] : memref<100000xf32, #tpu.memory_space<vmem>>[vector<16xi32>], vector<16xf32>,
        %mul3A_417 = arith.mulf %gather3A_416, %get3A_415 : vector<16xf32>
        tpu.vector_store_idx %arg11[%get3A_413], %mul3A_417 {add = true} : memref<10000xf32, #tpu.memory_space<vmem>>[vector<16xi32>], vector<16xf32>,
        %scan3A_418 = arith.constant 0 : i32
        scf.yield %scan3A_418 : i32
      }
      %scan3A_276 = arith.constant 25 : i32
      %scan3A_277 = arith.constant 0 : i32
      scf.yield %scan3A_277 : i32
    }
    %scan3A_177 = arith.constant 100 : i32
    %scan3A_178 = arith.constant 0 : i32
    %scan3A_179 = arith.constant 0 : i32
    %scan3A_180 = arith.constant 6250 : i32
    %scan3A_181 = arith.addi %scan3A_179, %scan3A_180 : i32
    %scan3A_182 = arith.constant 1 : i32
    %scan3A_183 = scf.for %scan3A_256 = %scan3A_179 to %scan3A_181 step %scan3A_182 iter_args(%scan3A_257 = %scan3A_178) -> (i32)  : i32 {
      %broadcast_in_dim3A = arith.constant 0.000000e+00 : f32
      %broadcast_in_dim3A_258 = vector.broadcast %broadcast_in_dim3A : f32 to vector<16xf32>
      %mul3A_259 = arith.constant 16 : i32
      %mul3A_260 = arith.muli %scan3A_256, %mul3A_259 : i32
      %swap3A = arith.index_cast %mul3A_260 : i32 to index
      %swap3A_261 = tpu.vector_load %arg10[%swap3A] {strides = array<i32>} : memref<100000xf32, #tpu.memory_space<vmem>>, vector<16xf32>,
      tpu.vector_store %arg10[%swap3A], %broadcast_in_dim3A_258 {strides = array<i32>} : memref<100000xf32, #tpu.memory_space<vmem>>, vector<16xf32>,
      %scan3A_262 = arith.constant 0 : i32
      scf.yield %scan3A_262 : i32
    }
    %scan3A_184 = arith.constant 6250 : i32
    %scan3A_185 = arith.constant 0 : i32
    %scan3A_186 = arith.constant 0 : i32
    %scan3A_187 = arith.constant 100 : i32
    %scan3A_188 = arith.addi %scan3A_186, %scan3A_187 : i32
    %scan3A_189 = arith.constant 1 : i32
    %scan3A_190 = scf.for %scan3A_256 = %scan3A_186 to %scan3A_188 step %scan3A_189 iter_args(%scan3A_257 = %scan3A_185) -> (i32)  : i32 {
      %mul3A_258 = arith.constant 4000 : i32
      %mul3A_259 = arith.muli %scan3A_256, %mul3A_258 : i32
      %dma_start3A = tpu.memref_slice %arg6[%mul3A_259] : memref<400000xi32, #tpu.memory_space<hbm>> -> memref<4000xi32, #tpu.memory_space<hbm>>
      %dma_start3A_260 = tpu.memref_slice %arg6[%mul3A_259] : memref<400000xi32, #tpu.memory_space<hbm>> -> memref<4000xi32, #tpu.memory_space<hbm>>
      tpu.enqueue_dma source(%dma_start3A_260 : memref<4000xi32, #tpu.memory_space<hbm>>) target(%arg12 : memref<4000xi32, #tpu.memory_space<vmem>>) target_semaphore(%arg15 : memref<!tpu.dma_semaphore, #tpu.memory_space<semaphore_mem>>)
      %dma_start3A_261 = tpu.memref_slice %arg7[%mul3A_259] : memref<400000xi32, #tpu.memory_space<hbm>> -> memref<4000xi32, #tpu.memory_space<hbm>>
      %dma_start3A_262 = tpu.memref_slice %arg7[%mul3A_259] : memref<400000xi32, #tpu.memory_space<hbm>> -> memref<4000xi32, #tpu.memory_space<hbm>>
      tpu.enqueue_dma source(%dma_start3A_262 : memref<4000xi32, #tpu.memory_space<hbm>>) target(%arg13 : memref<4000xi32, #tpu.memory_space<vmem>>) target_semaphore(%arg16 : memref<!tpu.dma_semaphore, #tpu.memory_space<semaphore_mem>>)
      %dma_start3A_263 = tpu.memref_slice %arg8[%mul3A_259] : memref<400000xf32, #tpu.memory_space<hbm>> -> memref<4000xf32, #tpu.memory_space<hbm>>
      %dma_start3A_264 = tpu.memref_slice %arg8[%mul3A_259] : memref<400000xf32, #tpu.memory_space<hbm>> -> memref<4000xf32, #tpu.memory_space<hbm>>
      tpu.enqueue_dma source(%dma_start3A_264 : memref<4000xf32, #tpu.memory_space<hbm>>) target(%arg14 : memref<4000xf32, #tpu.memory_space<vmem>>) target_semaphore(%arg17 : memref<!tpu.dma_semaphore, #tpu.memory_space<semaphore_mem>>)
      %dma_wait3A = tpu.memref_slice %arg6[%mul3A_259] : memref<400000xi32, #tpu.memory_space<hbm>> -> memref<4000xi32, #tpu.memory_space<hbm>>
      %dma_wait3A_265 = tpu.memref_slice %arg6[%mul3A_259] : memref<400000xi32, #tpu.memory_space<hbm>> -> memref<4000xi32, #tpu.memory_space<hbm>>
      tpu.wait_dma2 semaphore(%arg15 : memref<!tpu.dma_semaphore, #tpu.memory_space<semaphore_mem>>) src(%dma_wait3A_265 : memref<4000xi32, #tpu.memory_space<hbm>>) dst(%arg12 : memref<4000xi32, #tpu.memory_space<vmem>>)
      %dma_wait3A_266 = tpu.memref_slice %arg7[%mul3A_259] : memref<400000xi32, #tpu.memory_space<hbm>> -> memref<4000xi32, #tpu.memory_space<hbm>>
      %dma_wait3A_267 = tpu.memref_slice %arg7[%mul3A_259] : memref<400000xi32, #tpu.memory_space<hbm>> -> memref<4000xi32, #tpu.memory_space<hbm>>
      tpu.wait_dma2 semaphore(%arg16 : memref<!tpu.dma_semaphore, #tpu.memory_space<semaphore_mem>>) src(%dma_wait3A_267 : memref<4000xi32, #tpu.memory_space<hbm>>) dst(%arg13 : memref<4000xi32, #tpu.memory_space<vmem>>)
      %dma_wait3A_268 = tpu.memref_slice %arg8[%mul3A_259] : memref<400000xf32, #tpu.memory_space<hbm>> -> memref<4000xf32, #tpu.memory_space<hbm>>
      %dma_wait3A_269 = tpu.memref_slice %arg8[%mul3A_259] : memref<400000xf32, #tpu.memory_space<hbm>> -> memref<4000xf32, #tpu.memory_space<hbm>>
      tpu.wait_dma2 semaphore(%arg17 : memref<!tpu.dma_semaphore, #tpu.memory_space<semaphore_mem>>) src(%dma_wait3A_269 : memref<4000xf32, #tpu.memory_space<hbm>>) dst(%arg14 : memref<4000xf32, #tpu.memory_space<vmem>>)
      %scan3A_270 = arith.constant 0 : i32
      %scan3A_271 = arith.constant 0 : i32
      %scan3A_272 = arith.constant 25 : i32
      %scan3A_273 = arith.addi %scan3A_271, %scan3A_272 : i32
      %scan3A_274 = arith.constant 1 : i32
      %scan3A_275 = scf.for %scan3A_278 = %scan3A_271 to %scan3A_273 step %scan3A_274 iter_args(%scan3A_279 = %scan3A_270) -> (i32)  : i32 {
        %mul3A_280 = arith.constant 10 : i32
        %mul3A_281 = arith.muli %scan3A_278, %mul3A_280 : i32
        %add3A_282 = arith.constant 0 : i32
        %add3A_283 = arith.addi %mul3A_281, %add3A_282 : i32
        %mul3A_284 = arith.constant 16 : i32
        %mul3A_285 = arith.muli %add3A_283, %mul3A_284 : i32
        %get3A = arith.index_cast %mul3A_285 : i32 to index
        %get3A_286 = tpu.vector_load %arg12[%get3A] {strides = array<i32>} : memref<4000xi32, #tpu.memory_space<vmem>>, vector<16xi32>,
        %get3A_287 = arith.index_cast %mul3A_285 : i32 to index
        %get3A_288 = tpu.vector_load %arg13[%get3A_287] {strides = array<i32>} : memref<4000xi32, #tpu.memory_space<vmem>>, vector<16xi32>,
        %get3A_289 = arith.index_cast %mul3A_285 : i32 to index
        %get3A_290 = tpu.vector_load %arg14[%get3A_289] {strides = array<i32>} : memref<4000xf32, #tpu.memory_space<vmem>>, vector<16xf32>,
        %gather3A = tpu.vector_load_idx %arg11[%get3A_286] : memref<10000xf32, #tpu.memory_space<vmem>>[vector<16xi32>], vector<16xf32>,
        %mul3A_291 = arith.mulf %gather3A, %get3A_290 : vector<16xf32>
        tpu.vector_store_idx %arg10[%get3A_288], %mul3A_291 {add = true} : memref<100000xf32, #tpu.memory_space<vmem>>[vector<16xi32>], vector<16xf32>,
        %mul3A_292 = arith.constant 10 : i32
        %mul3A_293 = arith.muli %scan3A_278, %mul3A_292 : i32
        %add3A_294 = arith.constant 1 : i32
        %add3A_295 = arith.addi %mul3A_293, %add3A_294 : i32
        %mul3A_296 = arith.constant 16 : i32
        %mul3A_297 = arith.muli %add3A_295, %mul3A_296 : i32
        %get3A_298 = arith.index_cast %mul3A_297 : i32 to index
        %get3A_299 = tpu.vector_load %arg12[%get3A_298] {strides = array<i32>} : memref<4000xi32, #tpu.memory_space<vmem>>, vector<16xi32>,
        %get3A_300 = arith.index_cast %mul3A_297 : i32 to index
        %get3A_301 = tpu.vector_load %arg13[%get3A_300] {strides = array<i32>} : memref<4000xi32, #tpu.memory_space<vmem>>, vector<16xi32>,
        %get3A_302 = arith.index_cast %mul3A_297 : i32 to index
        %get3A_303 = tpu.vector_load %arg14[%get3A_302] {strides = array<i32>} : memref<4000xf32, #tpu.memory_space<vmem>>, vector<16xf32>,
        %gather3A_304 = tpu.vector_load_idx %arg11[%get3A_299] : memref<10000xf32, #tpu.memory_space<vmem>>[vector<16xi32>], vector<16xf32>,
        %mul3A_305 = arith.mulf %gather3A_304, %get3A_303 : vector<16xf32>
        tpu.vector_store_idx %arg10[%get3A_301], %mul3A_305 {add = true} : memref<100000xf32, #tpu.memory_space<vmem>>[vector<16xi32>], vector<16xf32>,
        %mul3A_306 = arith.constant 10 : i32
        %mul3A_307 = arith.muli %scan3A_278, %mul3A_306 : i32
        %add3A_308 = arith.constant 2 : i32
        %add3A_309 = arith.addi %mul3A_307, %add3A_308 : i32
        %mul3A_310 = arith.constant 16 : i32
        %mul3A_311 = arith.muli %add3A_309, %mul3A_310 : i32
        %get3A_312 = arith.index_cast %mul3A_311 : i32 to index
        %get3A_313 = tpu.vector_load %arg12[%get3A_312] {strides = array<i32>} : memref<4000xi32, #tpu.memory_space<vmem>>, vector<16xi32>,
        %get3A_314 = arith.index_cast %mul3A_311 : i32 to index
        %get3A_315 = tpu.vector_load %arg13[%get3A_314] {strides = array<i32>} : memref<4000xi32, #tpu.memory_space<vmem>>, vector<16xi32>,
        %get3A_316 = arith.index_cast %mul3A_311 : i32 to index
        %get3A_317 = tpu.vector_load %arg14[%get3A_316] {strides = array<i32>} : memref<4000xf32, #tpu.memory_space<vmem>>, vector<16xf32>,
        %gather3A_318 = tpu.vector_load_idx %arg11[%get3A_313] : memref<10000xf32, #tpu.memory_space<vmem>>[vector<16xi32>], vector<16xf32>,
        %mul3A_319 = arith.mulf %gather3A_318, %get3A_317 : vector<16xf32>
        tpu.vector_store_idx %arg10[%get3A_315], %mul3A_319 {add = true} : memref<100000xf32, #tpu.memory_space<vmem>>[vector<16xi32>], vector<16xf32>,
        %mul3A_320 = arith.constant 10 : i32
        %mul3A_321 = arith.muli %scan3A_278, %mul3A_320 : i32
        %add3A_322 = arith.constant 3 : i32
        %add3A_323 = arith.addi %mul3A_321, %add3A_322 : i32
        %mul3A_324 = arith.constant 16 : i32
        %mul3A_325 = arith.muli %add3A_323, %mul3A_324 : i32
        %get3A_326 = arith.index_cast %mul3A_325 : i32 to index
        %get3A_327 = tpu.vector_load %arg12[%get3A_326] {strides = array<i32>} : memref<4000xi32, #tpu.memory_space<vmem>>, vector<16xi32>,
        %get3A_328 = arith.index_cast %mul3A_325 : i32 to index
        %get3A_329 = tpu.vector_load %arg13[%get3A_328] {strides = array<i32>} : memref<4000xi32, #tpu.memory_space<vmem>>, vector<16xi32>,
        %get3A_330 = arith.index_cast %mul3A_325 : i32 to index
        %get3A_331 = tpu.vector_load %arg14[%get3A_330] {strides = array<i32>} : memref<4000xf32, #tpu.memory_space<vmem>>, vector<16xf32>,
        %gather3A_332 = tpu.vector_load_idx %arg11[%get3A_327] : memref<10000xf32, #tpu.memory_space<vmem>>[vector<16xi32>], vector<16xf32>,
        %mul3A_333 = arith.mulf %gather3A_332, %get3A_331 : vector<16xf32>
        tpu.vector_store_idx %arg10[%get3A_329], %mul3A_333 {add = true} : memref<100000xf32, #tpu.memory_space<vmem>>[vector<16xi32>], vector<16xf32>,
        %mul3A_334 = arith.constant 10 : i32
        %mul3A_335 = arith.muli %scan3A_278, %mul3A_334 : i32
        %add3A_336 = arith.constant 4 : i32
        %add3A_337 = arith.addi %mul3A_335, %add3A_336 : i32
        %mul3A_338 = arith.constant 16 : i32
        %mul3A_339 = arith.muli %add3A_337, %mul3A_338 : i32
        %get3A_340 = arith.index_cast %mul3A_339 : i32 to index
        %get3A_341 = tpu.vector_load %arg12[%get3A_340] {strides = array<i32>} : memref<4000xi32, #tpu.memory_space<vmem>>, vector<16xi32>,
        %get3A_342 = arith.index_cast %mul3A_339 : i32 to index
        %get3A_343 = tpu.vector_load %arg13[%get3A_342] {strides = array<i32>} : memref<4000xi32, #tpu.memory_space<vmem>>, vector<16xi32>,
        %get3A_344 = arith.index_cast %mul3A_339 : i32 to index
        %get3A_345 = tpu.vector_load %arg14[%get3A_344] {strides = array<i32>} : memref<4000xf32, #tpu.memory_space<vmem>>, vector<16xf32>,
        %gather3A_346 = tpu.vector_load_idx %arg11[%get3A_341] : memref<10000xf32, #tpu.memory_space<vmem>>[vector<16xi32>], vector<16xf32>,
        %mul3A_347 = arith.mulf %gather3A_346, %get3A_345 : vector<16xf32>
        tpu.vector_store_idx %arg10[%get3A_343], %mul3A_347 {add = true} : memref<100000xf32, #tpu.memory_space<vmem>>[vector<16xi32>], vector<16xf32>,
        %mul3A_348 = arith.constant 10 : i32
        %mul3A_349 = arith.muli %scan3A_278, %mul3A_348 : i32
        %add3A_350 = arith.constant 5 : i32
        %add3A_351 = arith.addi %mul3A_349, %add3A_350 : i32
        %mul3A_352 = arith.constant 16 : i32
        %mul3A_353 = arith.muli %add3A_351, %mul3A_352 : i32
        %get3A_354 = arith.index_cast %mul3A_353 : i32 to index
        %get3A_355 = tpu.vector_load %arg12[%get3A_354] {strides = array<i32>} : memref<4000xi32, #tpu.memory_space<vmem>>, vector<16xi32>,
        %get3A_356 = arith.index_cast %mul3A_353 : i32 to index
        %get3A_357 = tpu.vector_load %arg13[%get3A_356] {strides = array<i32>} : memref<4000xi32, #tpu.memory_space<vmem>>, vector<16xi32>,
        %get3A_358 = arith.index_cast %mul3A_353 : i32 to index
        %get3A_359 = tpu.vector_load %arg14[%get3A_358] {strides = array<i32>} : memref<4000xf32, #tpu.memory_space<vmem>>, vector<16xf32>,
        %gather3A_360 = tpu.vector_load_idx %arg11[%get3A_355] : memref<10000xf32, #tpu.memory_space<vmem>>[vector<16xi32>], vector<16xf32>,
        %mul3A_361 = arith.mulf %gather3A_360, %get3A_359 : vector<16xf32>
        tpu.vector_store_idx %arg10[%get3A_357], %mul3A_361 {add = true} : memref<100000xf32, #tpu.memory_space<vmem>>[vector<16xi32>], vector<16xf32>,
        %mul3A_362 = arith.constant 10 : i32
        %mul3A_363 = arith.muli %scan3A_278, %mul3A_362 : i32
        %add3A_364 = arith.constant 6 : i32
        %add3A_365 = arith.addi %mul3A_363, %add3A_364 : i32
        %mul3A_366 = arith.constant 16 : i32
        %mul3A_367 = arith.muli %add3A_365, %mul3A_366 : i32
        %get3A_368 = arith.index_cast %mul3A_367 : i32 to index
        %get3A_369 = tpu.vector_load %arg12[%get3A_368] {strides = array<i32>} : memref<4000xi32, #tpu.memory_space<vmem>>, vector<16xi32>,
        %get3A_370 = arith.index_cast %mul3A_367 : i32 to index
        %get3A_371 = tpu.vector_load %arg13[%get3A_370] {strides = array<i32>} : memref<4000xi32, #tpu.memory_space<vmem>>, vector<16xi32>,
        %get3A_372 = arith.index_cast %mul3A_367 : i32 to index
        %get3A_373 = tpu.vector_load %arg14[%get3A_372] {strides = array<i32>} : memref<4000xf32, #tpu.memory_space<vmem>>, vector<16xf32>,
        %gather3A_374 = tpu.vector_load_idx %arg11[%get3A_369] : memref<10000xf32, #tpu.memory_space<vmem>>[vector<16xi32>], vector<16xf32>,
        %mul3A_375 = arith.mulf %gather3A_374, %get3A_373 : vector<16xf32>
        tpu.vector_store_idx %arg10[%get3A_371], %mul3A_375 {add = true} : memref<100000xf32, #tpu.memory_space<vmem>>[vector<16xi32>], vector<16xf32>,
        %mul3A_376 = arith.constant 10 : i32
        %mul3A_377 = arith.muli %scan3A_278, %mul3A_376 : i32
        %add3A_378 = arith.constant 7 : i32
        %add3A_379 = arith.addi %mul3A_377, %add3A_378 : i32
        %mul3A_380 = arith.constant 16 : i32
        %mul3A_381 = arith.muli %add3A_379, %mul3A_380 : i32
        %get3A_382 = arith.index_cast %mul3A_381 : i32 to index
        %get3A_383 = tpu.vector_load %arg12[%get3A_382] {strides = array<i32>} : memref<4000xi32, #tpu.memory_space<vmem>>, vector<16xi32>,
        %get3A_384 = arith.index_cast %mul3A_381 : i32 to index
        %get3A_385 = tpu.vector_load %arg13[%get3A_384] {strides = array<i32>} : memref<4000xi32, #tpu.memory_space<vmem>>, vector<16xi32>,
        %get3A_386 = arith.index_cast %mul3A_381 : i32 to index
        %get3A_387 = tpu.vector_load %arg14[%get3A_386] {strides = array<i32>} : memref<4000xf32, #tpu.memory_space<vmem>>, vector<16xf32>,
        %gather3A_388 = tpu.vector_load_idx %arg11[%get3A_383] : memref<10000xf32, #tpu.memory_space<vmem>>[vector<16xi32>], vector<16xf32>,
        %mul3A_389 = arith.mulf %gather3A_388, %get3A_387 : vector<16xf32>
        tpu.vector_store_idx %arg10[%get3A_385], %mul3A_389 {add = true} : memref<100000xf32, #tpu.memory_space<vmem>>[vector<16xi32>], vector<16xf32>,
        %mul3A_390 = arith.constant 10 : i32
        %mul3A_391 = arith.muli %scan3A_278, %mul3A_390 : i32
        %add3A_392 = arith.constant 8 : i32
        %add3A_393 = arith.addi %mul3A_391, %add3A_392 : i32
        %mul3A_394 = arith.constant 16 : i32
        %mul3A_395 = arith.muli %add3A_393, %mul3A_394 : i32
        %get3A_396 = arith.index_cast %mul3A_395 : i32 to index
        %get3A_397 = tpu.vector_load %arg12[%get3A_396] {strides = array<i32>} : memref<4000xi32, #tpu.memory_space<vmem>>, vector<16xi32>,
        %get3A_398 = arith.index_cast %mul3A_395 : i32 to index
        %get3A_399 = tpu.vector_load %arg13[%get3A_398] {strides = array<i32>} : memref<4000xi32, #tpu.memory_space<vmem>>, vector<16xi32>,
        %get3A_400 = arith.index_cast %mul3A_395 : i32 to index
        %get3A_401 = tpu.vector_load %arg14[%get3A_400] {strides = array<i32>} : memref<4000xf32, #tpu.memory_space<vmem>>, vector<16xf32>,
        %gather3A_402 = tpu.vector_load_idx %arg11[%get3A_397] : memref<10000xf32, #tpu.memory_space<vmem>>[vector<16xi32>], vector<16xf32>,
        %mul3A_403 = arith.mulf %gather3A_402, %get3A_401 : vector<16xf32>
        tpu.vector_store_idx %arg10[%get3A_399], %mul3A_403 {add = true} : memref<100000xf32, #tpu.memory_space<vmem>>[vector<16xi32>], vector<16xf32>,
        %mul3A_404 = arith.constant 10 : i32
        %mul3A_405 = arith.muli %scan3A_278, %mul3A_404 : i32
        %add3A_406 = arith.constant 9 : i32
        %add3A_407 = arith.addi %mul3A_405, %add3A_406 : i32
        %mul3A_408 = arith.constant 16 : i32
        %mul3A_409 = arith.muli %add3A_407, %mul3A_408 : i32
        %get3A_410 = arith.index_cast %mul3A_409 : i32 to index
        %get3A_411 = tpu.vector_load %arg12[%get3A_410] {strides = array<i32>} : memref<4000xi32, #tpu.memory_space<vmem>>, vector<16xi32>,
        %get3A_412 = arith.index_cast %mul3A_409 : i32 to index
        %get3A_413 = tpu.vector_load %arg13[%get3A_412] {strides = array<i32>} : memref<4000xi32, #tpu.memory_space<vmem>>, vector<16xi32>,
        %get3A_414 = arith.index_cast %mul3A_409 : i32 to index
        %get3A_415 = tpu.vector_load %arg14[%get3A_414] {strides = array<i32>} : memref<4000xf32, #tpu.memory_space<vmem>>, vector<16xf32>,
        %gather3A_416 = tpu.vector_load_idx %arg11[%get3A_411] : memref<10000xf32, #tpu.memory_space<vmem>>[vector<16xi32>], vector<16xf32>,
        %mul3A_417 = arith.mulf %gather3A_416, %get3A_415 : vector<16xf32>
        tpu.vector_store_idx %arg10[%get3A_413], %mul3A_417 {add = true} : memref<100000xf32, #tpu.memory_space<vmem>>[vector<16xi32>], vector<16xf32>,
        %scan3A_418 = arith.constant 0 : i32
        scf.yield %scan3A_418 : i32
      }
      %scan3A_276 = arith.constant 25 : i32
      %scan3A_277 = arith.constant 0 : i32
      scf.yield %scan3A_277 : i32
    }
    %scan3A_191 = arith.constant 100 : i32
    "tpu.region"() ({
      %run_scoped3A = tpu.sem_alloc : memref<!tpu.dma_semaphore, #tpu.memory_space<semaphore_mem>>
      %dma_start3A = arith.constant 0 : i32
      %dma_start3A_256 = tpu.memref_slice %arg9[%add3A_163, %dma_start3A] : memref<256x100000xf32, #tpu.memory_space<hbm>> -> memref<1x100000xf32, #tpu.memory_space<hbm>>
      %dma_start3A_257 = tpu.memref_squeeze %dma_start3A_256 : memref<1x100000xf32, #tpu.memory_space<hbm>> -> memref<100000xf32, #tpu.memory_space<hbm>>
      %dma_start3A_258 = arith.constant 0 : i32
      %dma_start3A_259 = tpu.memref_slice %arg9[%add3A_163, %dma_start3A_258] : memref<256x100000xf32, #tpu.memory_space<hbm>> -> memref<1x100000xf32, #tpu.memory_space<hbm>>
      %dma_start3A_260 = tpu.memref_squeeze %dma_start3A_259 : memref<1x100000xf32, #tpu.memory_space<hbm>> -> memref<100000xf32, #tpu.memory_space<hbm>>
      tpu.enqueue_dma source(%arg10 : memref<100000xf32, #tpu.memory_space<vmem>>) target(%dma_start3A_260 : memref<100000xf32, #tpu.memory_space<hbm>>) target_semaphore(%run_scoped3A : memref<!tpu.dma_semaphore, #tpu.memory_space<semaphore_mem>>)
      %dma_wait3A = arith.constant 0 : i32
      %dma_wait3A_261 = tpu.memref_slice %arg9[%add3A_163, %dma_wait3A] : memref<256x100000xf32, #tpu.memory_space<hbm>> -> memref<1x100000xf32, #tpu.memory_space<hbm>>
      %dma_wait3A_262 = tpu.memref_squeeze %dma_wait3A_261 : memref<1x100000xf32, #tpu.memory_space<hbm>> -> memref<100000xf32, #tpu.memory_space<hbm>>
      %dma_wait3A_263 = arith.constant 0 : i32
      %dma_wait3A_264 = tpu.memref_slice %arg9[%add3A_163, %dma_wait3A_263] : memref<256x100000xf32, #tpu.memory_space<hbm>> -> memref<1x100000xf32, #tpu.memory_space<hbm>>
      %dma_wait3A_265 = tpu.memref_squeeze %dma_wait3A_264 : memref<1x100000xf32, #tpu.memory_space<hbm>> -> memref<100000xf32, #tpu.memory_space<hbm>>
      tpu.wait_dma2 semaphore(%run_scoped3A : memref<!tpu.dma_semaphore, #tpu.memory_space<semaphore_mem>>) src(%arg10 : memref<100000xf32, #tpu.memory_space<vmem>>) dst(%dma_wait3A_265 : memref<100000xf32, #tpu.memory_space<hbm>>)
      tpu.yield
    }) : () -> ()
    %mul3A_192 = arith.constant 8 : i32
    %mul3A_193 = arith.muli %add3A, %mul3A_192 : i32
    %add3A_194 = arith.constant 6 : i32
    %add3A_195 = arith.addi %mul3A_193, %add3A_194 : i32
    "tpu.region"() ({
      %run_scoped3A = tpu.sem_alloc : memref<!tpu.dma_semaphore, #tpu.memory_space<semaphore_mem>>
      %dma_start3A = arith.constant 0 : i32
      %dma_start3A_256 = tpu.memref_slice %arg2[%add3A_195, %dma_start3A] : memref<256x100000xf32, #tpu.memory_space<hbm>> -> memref<1x100000xf32, #tpu.memory_space<hbm>>
      %dma_start3A_257 = tpu.memref_squeeze %dma_start3A_256 : memref<1x100000xf32, #tpu.memory_space<hbm>> -> memref<100000xf32, #tpu.memory_space<hbm>>
      %dma_start3A_258 = arith.constant 0 : i32
      %dma_start3A_259 = tpu.memref_slice %arg2[%add3A_195, %dma_start3A_258] : memref<256x100000xf32, #tpu.memory_space<hbm>> -> memref<1x100000xf32, #tpu.memory_space<hbm>>
      %dma_start3A_260 = tpu.memref_squeeze %dma_start3A_259 : memref<1x100000xf32, #tpu.memory_space<hbm>> -> memref<100000xf32, #tpu.memory_space<hbm>>
      tpu.enqueue_dma source(%dma_start3A_260 : memref<100000xf32, #tpu.memory_space<hbm>>) target(%arg10 : memref<100000xf32, #tpu.memory_space<vmem>>) target_semaphore(%run_scoped3A : memref<!tpu.dma_semaphore, #tpu.memory_space<semaphore_mem>>)
      %dma_wait3A = arith.constant 0 : i32
      %dma_wait3A_261 = tpu.memref_slice %arg2[%add3A_195, %dma_wait3A] : memref<256x100000xf32, #tpu.memory_space<hbm>> -> memref<1x100000xf32, #tpu.memory_space<hbm>>
      %dma_wait3A_262 = tpu.memref_squeeze %dma_wait3A_261 : memref<1x100000xf32, #tpu.memory_space<hbm>> -> memref<100000xf32, #tpu.memory_space<hbm>>
      %dma_wait3A_263 = arith.constant 0 : i32
      %dma_wait3A_264 = tpu.memref_slice %arg2[%add3A_195, %dma_wait3A_263] : memref<256x100000xf32, #tpu.memory_space<hbm>> -> memref<1x100000xf32, #tpu.memory_space<hbm>>
      %dma_wait3A_265 = tpu.memref_squeeze %dma_wait3A_264 : memref<1x100000xf32, #tpu.memory_space<hbm>> -> memref<100000xf32, #tpu.memory_space<hbm>>
      tpu.wait_dma2 semaphore(%run_scoped3A : memref<!tpu.dma_semaphore, #tpu.memory_space<semaphore_mem>>) src(%dma_wait3A_265 : memref<100000xf32, #tpu.memory_space<hbm>>) dst(%arg10 : memref<100000xf32, #tpu.memory_space<vmem>>)
      tpu.yield
    }) : () -> ()
    %scan3A_196 = arith.constant 0 : i32
    %scan3A_197 = arith.constant 0 : i32
    %scan3A_198 = arith.constant 625 : i32
    %scan3A_199 = arith.addi %scan3A_197, %scan3A_198 : i32
    %scan3A_200 = arith.constant 1 : i32
    %scan3A_201 = scf.for %scan3A_256 = %scan3A_197 to %scan3A_199 step %scan3A_200 iter_args(%scan3A_257 = %scan3A_196) -> (i32)  : i32 {
      %broadcast_in_dim3A = arith.constant 0.000000e+00 : f32
      %broadcast_in_dim3A_258 = vector.broadcast %broadcast_in_dim3A : f32 to vector<16xf32>
      %mul3A_259 = arith.constant 16 : i32
      %mul3A_260 = arith.muli %scan3A_256, %mul3A_259 : i32
      %swap3A = arith.index_cast %mul3A_260 : i32 to index
      %swap3A_261 = tpu.vector_load %arg11[%swap3A] {strides = array<i32>} : memref<10000xf32, #tpu.memory_space<vmem>>, vector<16xf32>,
      tpu.vector_store %arg11[%swap3A], %broadcast_in_dim3A_258 {strides = array<i32>} : memref<10000xf32, #tpu.memory_space<vmem>>, vector<16xf32>,
      %scan3A_262 = arith.constant 0 : i32
      scf.yield %scan3A_262 : i32
    }
    %scan3A_202 = arith.constant 625 : i32
    %scan3A_203 = arith.constant 0 : i32
    %scan3A_204 = arith.constant 0 : i32
    %scan3A_205 = arith.constant 100 : i32
    %scan3A_206 = arith.addi %scan3A_204, %scan3A_205 : i32
    %scan3A_207 = arith.constant 1 : i32
    %scan3A_208 = scf.for %scan3A_256 = %scan3A_204 to %scan3A_206 step %scan3A_207 iter_args(%scan3A_257 = %scan3A_203) -> (i32)  : i32 {
      %mul3A_258 = arith.constant 4000 : i32
      %mul3A_259 = arith.muli %scan3A_256, %mul3A_258 : i32
      %dma_start3A = tpu.memref_slice %arg3[%mul3A_259] : memref<400000xi32, #tpu.memory_space<hbm>> -> memref<4000xi32, #tpu.memory_space<hbm>>
      %dma_start3A_260 = tpu.memref_slice %arg3[%mul3A_259] : memref<400000xi32, #tpu.memory_space<hbm>> -> memref<4000xi32, #tpu.memory_space<hbm>>
      tpu.enqueue_dma source(%dma_start3A_260 : memref<4000xi32, #tpu.memory_space<hbm>>) target(%arg12 : memref<4000xi32, #tpu.memory_space<vmem>>) target_semaphore(%arg15 : memref<!tpu.dma_semaphore, #tpu.memory_space<semaphore_mem>>)
      %dma_start3A_261 = tpu.memref_slice %arg4[%mul3A_259] : memref<400000xi32, #tpu.memory_space<hbm>> -> memref<4000xi32, #tpu.memory_space<hbm>>
      %dma_start3A_262 = tpu.memref_slice %arg4[%mul3A_259] : memref<400000xi32, #tpu.memory_space<hbm>> -> memref<4000xi32, #tpu.memory_space<hbm>>
      tpu.enqueue_dma source(%dma_start3A_262 : memref<4000xi32, #tpu.memory_space<hbm>>) target(%arg13 : memref<4000xi32, #tpu.memory_space<vmem>>) target_semaphore(%arg16 : memref<!tpu.dma_semaphore, #tpu.memory_space<semaphore_mem>>)
      %dma_start3A_263 = tpu.memref_slice %arg5[%mul3A_259] : memref<400000xf32, #tpu.memory_space<hbm>> -> memref<4000xf32, #tpu.memory_space<hbm>>
      %dma_start3A_264 = tpu.memref_slice %arg5[%mul3A_259] : memref<400000xf32, #tpu.memory_space<hbm>> -> memref<4000xf32, #tpu.memory_space<hbm>>
      tpu.enqueue_dma source(%dma_start3A_264 : memref<4000xf32, #tpu.memory_space<hbm>>) target(%arg14 : memref<4000xf32, #tpu.memory_space<vmem>>) target_semaphore(%arg17 : memref<!tpu.dma_semaphore, #tpu.memory_space<semaphore_mem>>)
      %dma_wait3A = tpu.memref_slice %arg3[%mul3A_259] : memref<400000xi32, #tpu.memory_space<hbm>> -> memref<4000xi32, #tpu.memory_space<hbm>>
      %dma_wait3A_265 = tpu.memref_slice %arg3[%mul3A_259] : memref<400000xi32, #tpu.memory_space<hbm>> -> memref<4000xi32, #tpu.memory_space<hbm>>
      tpu.wait_dma2 semaphore(%arg15 : memref<!tpu.dma_semaphore, #tpu.memory_space<semaphore_mem>>) src(%dma_wait3A_265 : memref<4000xi32, #tpu.memory_space<hbm>>) dst(%arg12 : memref<4000xi32, #tpu.memory_space<vmem>>)
      %dma_wait3A_266 = tpu.memref_slice %arg4[%mul3A_259] : memref<400000xi32, #tpu.memory_space<hbm>> -> memref<4000xi32, #tpu.memory_space<hbm>>
      %dma_wait3A_267 = tpu.memref_slice %arg4[%mul3A_259] : memref<400000xi32, #tpu.memory_space<hbm>> -> memref<4000xi32, #tpu.memory_space<hbm>>
      tpu.wait_dma2 semaphore(%arg16 : memref<!tpu.dma_semaphore, #tpu.memory_space<semaphore_mem>>) src(%dma_wait3A_267 : memref<4000xi32, #tpu.memory_space<hbm>>) dst(%arg13 : memref<4000xi32, #tpu.memory_space<vmem>>)
      %dma_wait3A_268 = tpu.memref_slice %arg5[%mul3A_259] : memref<400000xf32, #tpu.memory_space<hbm>> -> memref<4000xf32, #tpu.memory_space<hbm>>
      %dma_wait3A_269 = tpu.memref_slice %arg5[%mul3A_259] : memref<400000xf32, #tpu.memory_space<hbm>> -> memref<4000xf32, #tpu.memory_space<hbm>>
      tpu.wait_dma2 semaphore(%arg17 : memref<!tpu.dma_semaphore, #tpu.memory_space<semaphore_mem>>) src(%dma_wait3A_269 : memref<4000xf32, #tpu.memory_space<hbm>>) dst(%arg14 : memref<4000xf32, #tpu.memory_space<vmem>>)
      %scan3A_270 = arith.constant 0 : i32
      %scan3A_271 = arith.constant 0 : i32
      %scan3A_272 = arith.constant 25 : i32
      %scan3A_273 = arith.addi %scan3A_271, %scan3A_272 : i32
      %scan3A_274 = arith.constant 1 : i32
      %scan3A_275 = scf.for %scan3A_278 = %scan3A_271 to %scan3A_273 step %scan3A_274 iter_args(%scan3A_279 = %scan3A_270) -> (i32)  : i32 {
        %mul3A_280 = arith.constant 10 : i32
        %mul3A_281 = arith.muli %scan3A_278, %mul3A_280 : i32
        %add3A_282 = arith.constant 0 : i32
        %add3A_283 = arith.addi %mul3A_281, %add3A_282 : i32
        %mul3A_284 = arith.constant 16 : i32
        %mul3A_285 = arith.muli %add3A_283, %mul3A_284 : i32
        %get3A = arith.index_cast %mul3A_285 : i32 to index
        %get3A_286 = tpu.vector_load %arg12[%get3A] {strides = array<i32>} : memref<4000xi32, #tpu.memory_space<vmem>>, vector<16xi32>,
        %get3A_287 = arith.index_cast %mul3A_285 : i32 to index
        %get3A_288 = tpu.vector_load %arg13[%get3A_287] {strides = array<i32>} : memref<4000xi32, #tpu.memory_space<vmem>>, vector<16xi32>,
        %get3A_289 = arith.index_cast %mul3A_285 : i32 to index
        %get3A_290 = tpu.vector_load %arg14[%get3A_289] {strides = array<i32>} : memref<4000xf32, #tpu.memory_space<vmem>>, vector<16xf32>,
        %gather3A = tpu.vector_load_idx %arg10[%get3A_286] : memref<100000xf32, #tpu.memory_space<vmem>>[vector<16xi32>], vector<16xf32>,
        %mul3A_291 = arith.mulf %gather3A, %get3A_290 : vector<16xf32>
        tpu.vector_store_idx %arg11[%get3A_288], %mul3A_291 {add = true} : memref<10000xf32, #tpu.memory_space<vmem>>[vector<16xi32>], vector<16xf32>,
        %mul3A_292 = arith.constant 10 : i32
        %mul3A_293 = arith.muli %scan3A_278, %mul3A_292 : i32
        %add3A_294 = arith.constant 1 : i32
        %add3A_295 = arith.addi %mul3A_293, %add3A_294 : i32
        %mul3A_296 = arith.constant 16 : i32
        %mul3A_297 = arith.muli %add3A_295, %mul3A_296 : i32
        %get3A_298 = arith.index_cast %mul3A_297 : i32 to index
        %get3A_299 = tpu.vector_load %arg12[%get3A_298] {strides = array<i32>} : memref<4000xi32, #tpu.memory_space<vmem>>, vector<16xi32>,
        %get3A_300 = arith.index_cast %mul3A_297 : i32 to index
        %get3A_301 = tpu.vector_load %arg13[%get3A_300] {strides = array<i32>} : memref<4000xi32, #tpu.memory_space<vmem>>, vector<16xi32>,
        %get3A_302 = arith.index_cast %mul3A_297 : i32 to index
        %get3A_303 = tpu.vector_load %arg14[%get3A_302] {strides = array<i32>} : memref<4000xf32, #tpu.memory_space<vmem>>, vector<16xf32>,
        %gather3A_304 = tpu.vector_load_idx %arg10[%get3A_299] : memref<100000xf32, #tpu.memory_space<vmem>>[vector<16xi32>], vector<16xf32>,
        %mul3A_305 = arith.mulf %gather3A_304, %get3A_303 : vector<16xf32>
        tpu.vector_store_idx %arg11[%get3A_301], %mul3A_305 {add = true} : memref<10000xf32, #tpu.memory_space<vmem>>[vector<16xi32>], vector<16xf32>,
        %mul3A_306 = arith.constant 10 : i32
        %mul3A_307 = arith.muli %scan3A_278, %mul3A_306 : i32
        %add3A_308 = arith.constant 2 : i32
        %add3A_309 = arith.addi %mul3A_307, %add3A_308 : i32
        %mul3A_310 = arith.constant 16 : i32
        %mul3A_311 = arith.muli %add3A_309, %mul3A_310 : i32
        %get3A_312 = arith.index_cast %mul3A_311 : i32 to index
        %get3A_313 = tpu.vector_load %arg12[%get3A_312] {strides = array<i32>} : memref<4000xi32, #tpu.memory_space<vmem>>, vector<16xi32>,
        %get3A_314 = arith.index_cast %mul3A_311 : i32 to index
        %get3A_315 = tpu.vector_load %arg13[%get3A_314] {strides = array<i32>} : memref<4000xi32, #tpu.memory_space<vmem>>, vector<16xi32>,
        %get3A_316 = arith.index_cast %mul3A_311 : i32 to index
        %get3A_317 = tpu.vector_load %arg14[%get3A_316] {strides = array<i32>} : memref<4000xf32, #tpu.memory_space<vmem>>, vector<16xf32>,
        %gather3A_318 = tpu.vector_load_idx %arg10[%get3A_313] : memref<100000xf32, #tpu.memory_space<vmem>>[vector<16xi32>], vector<16xf32>,
        %mul3A_319 = arith.mulf %gather3A_318, %get3A_317 : vector<16xf32>
        tpu.vector_store_idx %arg11[%get3A_315], %mul3A_319 {add = true} : memref<10000xf32, #tpu.memory_space<vmem>>[vector<16xi32>], vector<16xf32>,
        %mul3A_320 = arith.constant 10 : i32
        %mul3A_321 = arith.muli %scan3A_278, %mul3A_320 : i32
        %add3A_322 = arith.constant 3 : i32
        %add3A_323 = arith.addi %mul3A_321, %add3A_322 : i32
        %mul3A_324 = arith.constant 16 : i32
        %mul3A_325 = arith.muli %add3A_323, %mul3A_324 : i32
        %get3A_326 = arith.index_cast %mul3A_325 : i32 to index
        %get3A_327 = tpu.vector_load %arg12[%get3A_326] {strides = array<i32>} : memref<4000xi32, #tpu.memory_space<vmem>>, vector<16xi32>,
        %get3A_328 = arith.index_cast %mul3A_325 : i32 to index
        %get3A_329 = tpu.vector_load %arg13[%get3A_328] {strides = array<i32>} : memref<4000xi32, #tpu.memory_space<vmem>>, vector<16xi32>,
        %get3A_330 = arith.index_cast %mul3A_325 : i32 to index
        %get3A_331 = tpu.vector_load %arg14[%get3A_330] {strides = array<i32>} : memref<4000xf32, #tpu.memory_space<vmem>>, vector<16xf32>,
        %gather3A_332 = tpu.vector_load_idx %arg10[%get3A_327] : memref<100000xf32, #tpu.memory_space<vmem>>[vector<16xi32>], vector<16xf32>,
        %mul3A_333 = arith.mulf %gather3A_332, %get3A_331 : vector<16xf32>
        tpu.vector_store_idx %arg11[%get3A_329], %mul3A_333 {add = true} : memref<10000xf32, #tpu.memory_space<vmem>>[vector<16xi32>], vector<16xf32>,
        %mul3A_334 = arith.constant 10 : i32
        %mul3A_335 = arith.muli %scan3A_278, %mul3A_334 : i32
        %add3A_336 = arith.constant 4 : i32
        %add3A_337 = arith.addi %mul3A_335, %add3A_336 : i32
        %mul3A_338 = arith.constant 16 : i32
        %mul3A_339 = arith.muli %add3A_337, %mul3A_338 : i32
        %get3A_340 = arith.index_cast %mul3A_339 : i32 to index
        %get3A_341 = tpu.vector_load %arg12[%get3A_340] {strides = array<i32>} : memref<4000xi32, #tpu.memory_space<vmem>>, vector<16xi32>,
        %get3A_342 = arith.index_cast %mul3A_339 : i32 to index
        %get3A_343 = tpu.vector_load %arg13[%get3A_342] {strides = array<i32>} : memref<4000xi32, #tpu.memory_space<vmem>>, vector<16xi32>,
        %get3A_344 = arith.index_cast %mul3A_339 : i32 to index
        %get3A_345 = tpu.vector_load %arg14[%get3A_344] {strides = array<i32>} : memref<4000xf32, #tpu.memory_space<vmem>>, vector<16xf32>,
        %gather3A_346 = tpu.vector_load_idx %arg10[%get3A_341] : memref<100000xf32, #tpu.memory_space<vmem>>[vector<16xi32>], vector<16xf32>,
        %mul3A_347 = arith.mulf %gather3A_346, %get3A_345 : vector<16xf32>
        tpu.vector_store_idx %arg11[%get3A_343], %mul3A_347 {add = true} : memref<10000xf32, #tpu.memory_space<vmem>>[vector<16xi32>], vector<16xf32>,
        %mul3A_348 = arith.constant 10 : i32
        %mul3A_349 = arith.muli %scan3A_278, %mul3A_348 : i32
        %add3A_350 = arith.constant 5 : i32
        %add3A_351 = arith.addi %mul3A_349, %add3A_350 : i32
        %mul3A_352 = arith.constant 16 : i32
        %mul3A_353 = arith.muli %add3A_351, %mul3A_352 : i32
        %get3A_354 = arith.index_cast %mul3A_353 : i32 to index
        %get3A_355 = tpu.vector_load %arg12[%get3A_354] {strides = array<i32>} : memref<4000xi32, #tpu.memory_space<vmem>>, vector<16xi32>,
        %get3A_356 = arith.index_cast %mul3A_353 : i32 to index
        %get3A_357 = tpu.vector_load %arg13[%get3A_356] {strides = array<i32>} : memref<4000xi32, #tpu.memory_space<vmem>>, vector<16xi32>,
        %get3A_358 = arith.index_cast %mul3A_353 : i32 to index
        %get3A_359 = tpu.vector_load %arg14[%get3A_358] {strides = array<i32>} : memref<4000xf32, #tpu.memory_space<vmem>>, vector<16xf32>,
        %gather3A_360 = tpu.vector_load_idx %arg10[%get3A_355] : memref<100000xf32, #tpu.memory_space<vmem>>[vector<16xi32>], vector<16xf32>,
        %mul3A_361 = arith.mulf %gather3A_360, %get3A_359 : vector<16xf32>
        tpu.vector_store_idx %arg11[%get3A_357], %mul3A_361 {add = true} : memref<10000xf32, #tpu.memory_space<vmem>>[vector<16xi32>], vector<16xf32>,
        %mul3A_362 = arith.constant 10 : i32
        %mul3A_363 = arith.muli %scan3A_278, %mul3A_362 : i32
        %add3A_364 = arith.constant 6 : i32
        %add3A_365 = arith.addi %mul3A_363, %add3A_364 : i32
        %mul3A_366 = arith.constant 16 : i32
        %mul3A_367 = arith.muli %add3A_365, %mul3A_366 : i32
        %get3A_368 = arith.index_cast %mul3A_367 : i32 to index
        %get3A_369 = tpu.vector_load %arg12[%get3A_368] {strides = array<i32>} : memref<4000xi32, #tpu.memory_space<vmem>>, vector<16xi32>,
        %get3A_370 = arith.index_cast %mul3A_367 : i32 to index
        %get3A_371 = tpu.vector_load %arg13[%get3A_370] {strides = array<i32>} : memref<4000xi32, #tpu.memory_space<vmem>>, vector<16xi32>,
        %get3A_372 = arith.index_cast %mul3A_367 : i32 to index
        %get3A_373 = tpu.vector_load %arg14[%get3A_372] {strides = array<i32>} : memref<4000xf32, #tpu.memory_space<vmem>>, vector<16xf32>,
        %gather3A_374 = tpu.vector_load_idx %arg10[%get3A_369] : memref<100000xf32, #tpu.memory_space<vmem>>[vector<16xi32>], vector<16xf32>,
        %mul3A_375 = arith.mulf %gather3A_374, %get3A_373 : vector<16xf32>
        tpu.vector_store_idx %arg11[%get3A_371], %mul3A_375 {add = true} : memref<10000xf32, #tpu.memory_space<vmem>>[vector<16xi32>], vector<16xf32>,
        %mul3A_376 = arith.constant 10 : i32
        %mul3A_377 = arith.muli %scan3A_278, %mul3A_376 : i32
        %add3A_378 = arith.constant 7 : i32
        %add3A_379 = arith.addi %mul3A_377, %add3A_378 : i32
        %mul3A_380 = arith.constant 16 : i32
        %mul3A_381 = arith.muli %add3A_379, %mul3A_380 : i32
        %get3A_382 = arith.index_cast %mul3A_381 : i32 to index
        %get3A_383 = tpu.vector_load %arg12[%get3A_382] {strides = array<i32>} : memref<4000xi32, #tpu.memory_space<vmem>>, vector<16xi32>,
        %get3A_384 = arith.index_cast %mul3A_381 : i32 to index
        %get3A_385 = tpu.vector_load %arg13[%get3A_384] {strides = array<i32>} : memref<4000xi32, #tpu.memory_space<vmem>>, vector<16xi32>,
        %get3A_386 = arith.index_cast %mul3A_381 : i32 to index
        %get3A_387 = tpu.vector_load %arg14[%get3A_386] {strides = array<i32>} : memref<4000xf32, #tpu.memory_space<vmem>>, vector<16xf32>,
        %gather3A_388 = tpu.vector_load_idx %arg10[%get3A_383] : memref<100000xf32, #tpu.memory_space<vmem>>[vector<16xi32>], vector<16xf32>,
        %mul3A_389 = arith.mulf %gather3A_388, %get3A_387 : vector<16xf32>
        tpu.vector_store_idx %arg11[%get3A_385], %mul3A_389 {add = true} : memref<10000xf32, #tpu.memory_space<vmem>>[vector<16xi32>], vector<16xf32>,
        %mul3A_390 = arith.constant 10 : i32
        %mul3A_391 = arith.muli %scan3A_278, %mul3A_390 : i32
        %add3A_392 = arith.constant 8 : i32
        %add3A_393 = arith.addi %mul3A_391, %add3A_392 : i32
        %mul3A_394 = arith.constant 16 : i32
        %mul3A_395 = arith.muli %add3A_393, %mul3A_394 : i32
        %get3A_396 = arith.index_cast %mul3A_395 : i32 to index
        %get3A_397 = tpu.vector_load %arg12[%get3A_396] {strides = array<i32>} : memref<4000xi32, #tpu.memory_space<vmem>>, vector<16xi32>,
        %get3A_398 = arith.index_cast %mul3A_395 : i32 to index
        %get3A_399 = tpu.vector_load %arg13[%get3A_398] {strides = array<i32>} : memref<4000xi32, #tpu.memory_space<vmem>>, vector<16xi32>,
        %get3A_400 = arith.index_cast %mul3A_395 : i32 to index
        %get3A_401 = tpu.vector_load %arg14[%get3A_400] {strides = array<i32>} : memref<4000xf32, #tpu.memory_space<vmem>>, vector<16xf32>,
        %gather3A_402 = tpu.vector_load_idx %arg10[%get3A_397] : memref<100000xf32, #tpu.memory_space<vmem>>[vector<16xi32>], vector<16xf32>,
        %mul3A_403 = arith.mulf %gather3A_402, %get3A_401 : vector<16xf32>
        tpu.vector_store_idx %arg11[%get3A_399], %mul3A_403 {add = true} : memref<10000xf32, #tpu.memory_space<vmem>>[vector<16xi32>], vector<16xf32>,
        %mul3A_404 = arith.constant 10 : i32
        %mul3A_405 = arith.muli %scan3A_278, %mul3A_404 : i32
        %add3A_406 = arith.constant 9 : i32
        %add3A_407 = arith.addi %mul3A_405, %add3A_406 : i32
        %mul3A_408 = arith.constant 16 : i32
        %mul3A_409 = arith.muli %add3A_407, %mul3A_408 : i32
        %get3A_410 = arith.index_cast %mul3A_409 : i32 to index
        %get3A_411 = tpu.vector_load %arg12[%get3A_410] {strides = array<i32>} : memref<4000xi32, #tpu.memory_space<vmem>>, vector<16xi32>,
        %get3A_412 = arith.index_cast %mul3A_409 : i32 to index
        %get3A_413 = tpu.vector_load %arg13[%get3A_412] {strides = array<i32>} : memref<4000xi32, #tpu.memory_space<vmem>>, vector<16xi32>,
        %get3A_414 = arith.index_cast %mul3A_409 : i32 to index
        %get3A_415 = tpu.vector_load %arg14[%get3A_414] {strides = array<i32>} : memref<4000xf32, #tpu.memory_space<vmem>>, vector<16xf32>,
        %gather3A_416 = tpu.vector_load_idx %arg10[%get3A_411] : memref<100000xf32, #tpu.memory_space<vmem>>[vector<16xi32>], vector<16xf32>,
        %mul3A_417 = arith.mulf %gather3A_416, %get3A_415 : vector<16xf32>
        tpu.vector_store_idx %arg11[%get3A_413], %mul3A_417 {add = true} : memref<10000xf32, #tpu.memory_space<vmem>>[vector<16xi32>], vector<16xf32>,
        %scan3A_418 = arith.constant 0 : i32
        scf.yield %scan3A_418 : i32
      }
      %scan3A_276 = arith.constant 25 : i32
      %scan3A_277 = arith.constant 0 : i32
      scf.yield %scan3A_277 : i32
    }
    %scan3A_209 = arith.constant 100 : i32
    %scan3A_210 = arith.constant 0 : i32
    %scan3A_211 = arith.constant 0 : i32
    %scan3A_212 = arith.constant 6250 : i32
    %scan3A_213 = arith.addi %scan3A_211, %scan3A_212 : i32
    %scan3A_214 = arith.constant 1 : i32
    %scan3A_215 = scf.for %scan3A_256 = %scan3A_211 to %scan3A_213 step %scan3A_214 iter_args(%scan3A_257 = %scan3A_210) -> (i32)  : i32 {
      %broadcast_in_dim3A = arith.constant 0.000000e+00 : f32
      %broadcast_in_dim3A_258 = vector.broadcast %broadcast_in_dim3A : f32 to vector<16xf32>
      %mul3A_259 = arith.constant 16 : i32
      %mul3A_260 = arith.muli %scan3A_256, %mul3A_259 : i32
      %swap3A = arith.index_cast %mul3A_260 : i32 to index
      %swap3A_261 = tpu.vector_load %arg10[%swap3A] {strides = array<i32>} : memref<100000xf32, #tpu.memory_space<vmem>>, vector<16xf32>,
      tpu.vector_store %arg10[%swap3A], %broadcast_in_dim3A_258 {strides = array<i32>} : memref<100000xf32, #tpu.memory_space<vmem>>, vector<16xf32>,
      %scan3A_262 = arith.constant 0 : i32
      scf.yield %scan3A_262 : i32
    }
    %scan3A_216 = arith.constant 6250 : i32
    %scan3A_217 = arith.constant 0 : i32
    %scan3A_218 = arith.constant 0 : i32
    %scan3A_219 = arith.constant 100 : i32
    %scan3A_220 = arith.addi %scan3A_218, %scan3A_219 : i32
    %scan3A_221 = arith.constant 1 : i32
    %scan3A_222 = scf.for %scan3A_256 = %scan3A_218 to %scan3A_220 step %scan3A_221 iter_args(%scan3A_257 = %scan3A_217) -> (i32)  : i32 {
      %mul3A_258 = arith.constant 4000 : i32
      %mul3A_259 = arith.muli %scan3A_256, %mul3A_258 : i32
      %dma_start3A = tpu.memref_slice %arg6[%mul3A_259] : memref<400000xi32, #tpu.memory_space<hbm>> -> memref<4000xi32, #tpu.memory_space<hbm>>
      %dma_start3A_260 = tpu.memref_slice %arg6[%mul3A_259] : memref<400000xi32, #tpu.memory_space<hbm>> -> memref<4000xi32, #tpu.memory_space<hbm>>
      tpu.enqueue_dma source(%dma_start3A_260 : memref<4000xi32, #tpu.memory_space<hbm>>) target(%arg12 : memref<4000xi32, #tpu.memory_space<vmem>>) target_semaphore(%arg15 : memref<!tpu.dma_semaphore, #tpu.memory_space<semaphore_mem>>)
      %dma_start3A_261 = tpu.memref_slice %arg7[%mul3A_259] : memref<400000xi32, #tpu.memory_space<hbm>> -> memref<4000xi32, #tpu.memory_space<hbm>>
      %dma_start3A_262 = tpu.memref_slice %arg7[%mul3A_259] : memref<400000xi32, #tpu.memory_space<hbm>> -> memref<4000xi32, #tpu.memory_space<hbm>>
      tpu.enqueue_dma source(%dma_start3A_262 : memref<4000xi32, #tpu.memory_space<hbm>>) target(%arg13 : memref<4000xi32, #tpu.memory_space<vmem>>) target_semaphore(%arg16 : memref<!tpu.dma_semaphore, #tpu.memory_space<semaphore_mem>>)
      %dma_start3A_263 = tpu.memref_slice %arg8[%mul3A_259] : memref<400000xf32, #tpu.memory_space<hbm>> -> memref<4000xf32, #tpu.memory_space<hbm>>
      %dma_start3A_264 = tpu.memref_slice %arg8[%mul3A_259] : memref<400000xf32, #tpu.memory_space<hbm>> -> memref<4000xf32, #tpu.memory_space<hbm>>
      tpu.enqueue_dma source(%dma_start3A_264 : memref<4000xf32, #tpu.memory_space<hbm>>) target(%arg14 : memref<4000xf32, #tpu.memory_space<vmem>>) target_semaphore(%arg17 : memref<!tpu.dma_semaphore, #tpu.memory_space<semaphore_mem>>)
      %dma_wait3A = tpu.memref_slice %arg6[%mul3A_259] : memref<400000xi32, #tpu.memory_space<hbm>> -> memref<4000xi32, #tpu.memory_space<hbm>>
      %dma_wait3A_265 = tpu.memref_slice %arg6[%mul3A_259] : memref<400000xi32, #tpu.memory_space<hbm>> -> memref<4000xi32, #tpu.memory_space<hbm>>
      tpu.wait_dma2 semaphore(%arg15 : memref<!tpu.dma_semaphore, #tpu.memory_space<semaphore_mem>>) src(%dma_wait3A_265 : memref<4000xi32, #tpu.memory_space<hbm>>) dst(%arg12 : memref<4000xi32, #tpu.memory_space<vmem>>)
      %dma_wait3A_266 = tpu.memref_slice %arg7[%mul3A_259] : memref<400000xi32, #tpu.memory_space<hbm>> -> memref<4000xi32, #tpu.memory_space<hbm>>
      %dma_wait3A_267 = tpu.memref_slice %arg7[%mul3A_259] : memref<400000xi32, #tpu.memory_space<hbm>> -> memref<4000xi32, #tpu.memory_space<hbm>>
      tpu.wait_dma2 semaphore(%arg16 : memref<!tpu.dma_semaphore, #tpu.memory_space<semaphore_mem>>) src(%dma_wait3A_267 : memref<4000xi32, #tpu.memory_space<hbm>>) dst(%arg13 : memref<4000xi32, #tpu.memory_space<vmem>>)
      %dma_wait3A_268 = tpu.memref_slice %arg8[%mul3A_259] : memref<400000xf32, #tpu.memory_space<hbm>> -> memref<4000xf32, #tpu.memory_space<hbm>>
      %dma_wait3A_269 = tpu.memref_slice %arg8[%mul3A_259] : memref<400000xf32, #tpu.memory_space<hbm>> -> memref<4000xf32, #tpu.memory_space<hbm>>
      tpu.wait_dma2 semaphore(%arg17 : memref<!tpu.dma_semaphore, #tpu.memory_space<semaphore_mem>>) src(%dma_wait3A_269 : memref<4000xf32, #tpu.memory_space<hbm>>) dst(%arg14 : memref<4000xf32, #tpu.memory_space<vmem>>)
      %scan3A_270 = arith.constant 0 : i32
      %scan3A_271 = arith.constant 0 : i32
      %scan3A_272 = arith.constant 25 : i32
      %scan3A_273 = arith.addi %scan3A_271, %scan3A_272 : i32
      %scan3A_274 = arith.constant 1 : i32
      %scan3A_275 = scf.for %scan3A_278 = %scan3A_271 to %scan3A_273 step %scan3A_274 iter_args(%scan3A_279 = %scan3A_270) -> (i32)  : i32 {
        %mul3A_280 = arith.constant 10 : i32
        %mul3A_281 = arith.muli %scan3A_278, %mul3A_280 : i32
        %add3A_282 = arith.constant 0 : i32
        %add3A_283 = arith.addi %mul3A_281, %add3A_282 : i32
        %mul3A_284 = arith.constant 16 : i32
        %mul3A_285 = arith.muli %add3A_283, %mul3A_284 : i32
        %get3A = arith.index_cast %mul3A_285 : i32 to index
        %get3A_286 = tpu.vector_load %arg12[%get3A] {strides = array<i32>} : memref<4000xi32, #tpu.memory_space<vmem>>, vector<16xi32>,
        %get3A_287 = arith.index_cast %mul3A_285 : i32 to index
        %get3A_288 = tpu.vector_load %arg13[%get3A_287] {strides = array<i32>} : memref<4000xi32, #tpu.memory_space<vmem>>, vector<16xi32>,
        %get3A_289 = arith.index_cast %mul3A_285 : i32 to index
        %get3A_290 = tpu.vector_load %arg14[%get3A_289] {strides = array<i32>} : memref<4000xf32, #tpu.memory_space<vmem>>, vector<16xf32>,
        %gather3A = tpu.vector_load_idx %arg11[%get3A_286] : memref<10000xf32, #tpu.memory_space<vmem>>[vector<16xi32>], vector<16xf32>,
        %mul3A_291 = arith.mulf %gather3A, %get3A_290 : vector<16xf32>
        tpu.vector_store_idx %arg10[%get3A_288], %mul3A_291 {add = true} : memref<100000xf32, #tpu.memory_space<vmem>>[vector<16xi32>], vector<16xf32>,
        %mul3A_292 = arith.constant 10 : i32
        %mul3A_293 = arith.muli %scan3A_278, %mul3A_292 : i32
        %add3A_294 = arith.constant 1 : i32
        %add3A_295 = arith.addi %mul3A_293, %add3A_294 : i32
        %mul3A_296 = arith.constant 16 : i32
        %mul3A_297 = arith.muli %add3A_295, %mul3A_296 : i32
        %get3A_298 = arith.index_cast %mul3A_297 : i32 to index
        %get3A_299 = tpu.vector_load %arg12[%get3A_298] {strides = array<i32>} : memref<4000xi32, #tpu.memory_space<vmem>>, vector<16xi32>,
        %get3A_300 = arith.index_cast %mul3A_297 : i32 to index
        %get3A_301 = tpu.vector_load %arg13[%get3A_300] {strides = array<i32>} : memref<4000xi32, #tpu.memory_space<vmem>>, vector<16xi32>,
        %get3A_302 = arith.index_cast %mul3A_297 : i32 to index
        %get3A_303 = tpu.vector_load %arg14[%get3A_302] {strides = array<i32>} : memref<4000xf32, #tpu.memory_space<vmem>>, vector<16xf32>,
        %gather3A_304 = tpu.vector_load_idx %arg11[%get3A_299] : memref<10000xf32, #tpu.memory_space<vmem>>[vector<16xi32>], vector<16xf32>,
        %mul3A_305 = arith.mulf %gather3A_304, %get3A_303 : vector<16xf32>
        tpu.vector_store_idx %arg10[%get3A_301], %mul3A_305 {add = true} : memref<100000xf32, #tpu.memory_space<vmem>>[vector<16xi32>], vector<16xf32>,
        %mul3A_306 = arith.constant 10 : i32
        %mul3A_307 = arith.muli %scan3A_278, %mul3A_306 : i32
        %add3A_308 = arith.constant 2 : i32
        %add3A_309 = arith.addi %mul3A_307, %add3A_308 : i32
        %mul3A_310 = arith.constant 16 : i32
        %mul3A_311 = arith.muli %add3A_309, %mul3A_310 : i32
        %get3A_312 = arith.index_cast %mul3A_311 : i32 to index
        %get3A_313 = tpu.vector_load %arg12[%get3A_312] {strides = array<i32>} : memref<4000xi32, #tpu.memory_space<vmem>>, vector<16xi32>,
        %get3A_314 = arith.index_cast %mul3A_311 : i32 to index
        %get3A_315 = tpu.vector_load %arg13[%get3A_314] {strides = array<i32>} : memref<4000xi32, #tpu.memory_space<vmem>>, vector<16xi32>,
        %get3A_316 = arith.index_cast %mul3A_311 : i32 to index
        %get3A_317 = tpu.vector_load %arg14[%get3A_316] {strides = array<i32>} : memref<4000xf32, #tpu.memory_space<vmem>>, vector<16xf32>,
        %gather3A_318 = tpu.vector_load_idx %arg11[%get3A_313] : memref<10000xf32, #tpu.memory_space<vmem>>[vector<16xi32>], vector<16xf32>,
        %mul3A_319 = arith.mulf %gather3A_318, %get3A_317 : vector<16xf32>
        tpu.vector_store_idx %arg10[%get3A_315], %mul3A_319 {add = true} : memref<100000xf32, #tpu.memory_space<vmem>>[vector<16xi32>], vector<16xf32>,
        %mul3A_320 = arith.constant 10 : i32
        %mul3A_321 = arith.muli %scan3A_278, %mul3A_320 : i32
        %add3A_322 = arith.constant 3 : i32
        %add3A_323 = arith.addi %mul3A_321, %add3A_322 : i32
        %mul3A_324 = arith.constant 16 : i32
        %mul3A_325 = arith.muli %add3A_323, %mul3A_324 : i32
        %get3A_326 = arith.index_cast %mul3A_325 : i32 to index
        %get3A_327 = tpu.vector_load %arg12[%get3A_326] {strides = array<i32>} : memref<4000xi32, #tpu.memory_space<vmem>>, vector<16xi32>,
        %get3A_328 = arith.index_cast %mul3A_325 : i32 to index
        %get3A_329 = tpu.vector_load %arg13[%get3A_328] {strides = array<i32>} : memref<4000xi32, #tpu.memory_space<vmem>>, vector<16xi32>,
        %get3A_330 = arith.index_cast %mul3A_325 : i32 to index
        %get3A_331 = tpu.vector_load %arg14[%get3A_330] {strides = array<i32>} : memref<4000xf32, #tpu.memory_space<vmem>>, vector<16xf32>,
        %gather3A_332 = tpu.vector_load_idx %arg11[%get3A_327] : memref<10000xf32, #tpu.memory_space<vmem>>[vector<16xi32>], vector<16xf32>,
        %mul3A_333 = arith.mulf %gather3A_332, %get3A_331 : vector<16xf32>
        tpu.vector_store_idx %arg10[%get3A_329], %mul3A_333 {add = true} : memref<100000xf32, #tpu.memory_space<vmem>>[vector<16xi32>], vector<16xf32>,
        %mul3A_334 = arith.constant 10 : i32
        %mul3A_335 = arith.muli %scan3A_278, %mul3A_334 : i32
        %add3A_336 = arith.constant 4 : i32
        %add3A_337 = arith.addi %mul3A_335, %add3A_336 : i32
        %mul3A_338 = arith.constant 16 : i32
        %mul3A_339 = arith.muli %add3A_337, %mul3A_338 : i32
        %get3A_340 = arith.index_cast %mul3A_339 : i32 to index
        %get3A_341 = tpu.vector_load %arg12[%get3A_340] {strides = array<i32>} : memref<4000xi32, #tpu.memory_space<vmem>>, vector<16xi32>,
        %get3A_342 = arith.index_cast %mul3A_339 : i32 to index
        %get3A_343 = tpu.vector_load %arg13[%get3A_342] {strides = array<i32>} : memref<4000xi32, #tpu.memory_space<vmem>>, vector<16xi32>,
        %get3A_344 = arith.index_cast %mul3A_339 : i32 to index
        %get3A_345 = tpu.vector_load %arg14[%get3A_344] {strides = array<i32>} : memref<4000xf32, #tpu.memory_space<vmem>>, vector<16xf32>,
        %gather3A_346 = tpu.vector_load_idx %arg11[%get3A_341] : memref<10000xf32, #tpu.memory_space<vmem>>[vector<16xi32>], vector<16xf32>,
        %mul3A_347 = arith.mulf %gather3A_346, %get3A_345 : vector<16xf32>
        tpu.vector_store_idx %arg10[%get3A_343], %mul3A_347 {add = true} : memref<100000xf32, #tpu.memory_space<vmem>>[vector<16xi32>], vector<16xf32>,
        %mul3A_348 = arith.constant 10 : i32
        %mul3A_349 = arith.muli %scan3A_278, %mul3A_348 : i32
        %add3A_350 = arith.constant 5 : i32
        %add3A_351 = arith.addi %mul3A_349, %add3A_350 : i32
        %mul3A_352 = arith.constant 16 : i32
        %mul3A_353 = arith.muli %add3A_351, %mul3A_352 : i32
        %get3A_354 = arith.index_cast %mul3A_353 : i32 to index
        %get3A_355 = tpu.vector_load %arg12[%get3A_354] {strides = array<i32>} : memref<4000xi32, #tpu.memory_space<vmem>>, vector<16xi32>,
        %get3A_356 = arith.index_cast %mul3A_353 : i32 to index
        %get3A_357 = tpu.vector_load %arg13[%get3A_356] {strides = array<i32>} : memref<4000xi32, #tpu.memory_space<vmem>>, vector<16xi32>,
        %get3A_358 = arith.index_cast %mul3A_353 : i32 to index
        %get3A_359 = tpu.vector_load %arg14[%get3A_358] {strides = array<i32>} : memref<4000xf32, #tpu.memory_space<vmem>>, vector<16xf32>,
        %gather3A_360 = tpu.vector_load_idx %arg11[%get3A_355] : memref<10000xf32, #tpu.memory_space<vmem>>[vector<16xi32>], vector<16xf32>,
        %mul3A_361 = arith.mulf %gather3A_360, %get3A_359 : vector<16xf32>
        tpu.vector_store_idx %arg10[%get3A_357], %mul3A_361 {add = true} : memref<100000xf32, #tpu.memory_space<vmem>>[vector<16xi32>], vector<16xf32>,
        %mul3A_362 = arith.constant 10 : i32
        %mul3A_363 = arith.muli %scan3A_278, %mul3A_362 : i32
        %add3A_364 = arith.constant 6 : i32
        %add3A_365 = arith.addi %mul3A_363, %add3A_364 : i32
        %mul3A_366 = arith.constant 16 : i32
        %mul3A_367 = arith.muli %add3A_365, %mul3A_366 : i32
        %get3A_368 = arith.index_cast %mul3A_367 : i32 to index
        %get3A_369 = tpu.vector_load %arg12[%get3A_368] {strides = array<i32>} : memref<4000xi32, #tpu.memory_space<vmem>>, vector<16xi32>,
        %get3A_370 = arith.index_cast %mul3A_367 : i32 to index
        %get3A_371 = tpu.vector_load %arg13[%get3A_370] {strides = array<i32>} : memref<4000xi32, #tpu.memory_space<vmem>>, vector<16xi32>,
        %get3A_372 = arith.index_cast %mul3A_367 : i32 to index
        %get3A_373 = tpu.vector_load %arg14[%get3A_372] {strides = array<i32>} : memref<4000xf32, #tpu.memory_space<vmem>>, vector<16xf32>,
        %gather3A_374 = tpu.vector_load_idx %arg11[%get3A_369] : memref<10000xf32, #tpu.memory_space<vmem>>[vector<16xi32>], vector<16xf32>,
        %mul3A_375 = arith.mulf %gather3A_374, %get3A_373 : vector<16xf32>
        tpu.vector_store_idx %arg10[%get3A_371], %mul3A_375 {add = true} : memref<100000xf32, #tpu.memory_space<vmem>>[vector<16xi32>], vector<16xf32>,
        %mul3A_376 = arith.constant 10 : i32
        %mul3A_377 = arith.muli %scan3A_278, %mul3A_376 : i32
        %add3A_378 = arith.constant 7 : i32
        %add3A_379 = arith.addi %mul3A_377, %add3A_378 : i32
        %mul3A_380 = arith.constant 16 : i32
        %mul3A_381 = arith.muli %add3A_379, %mul3A_380 : i32
        %get3A_382 = arith.index_cast %mul3A_381 : i32 to index
        %get3A_383 = tpu.vector_load %arg12[%get3A_382] {strides = array<i32>} : memref<4000xi32, #tpu.memory_space<vmem>>, vector<16xi32>,
        %get3A_384 = arith.index_cast %mul3A_381 : i32 to index
        %get3A_385 = tpu.vector_load %arg13[%get3A_384] {strides = array<i32>} : memref<4000xi32, #tpu.memory_space<vmem>>, vector<16xi32>,
        %get3A_386 = arith.index_cast %mul3A_381 : i32 to index
        %get3A_387 = tpu.vector_load %arg14[%get3A_386] {strides = array<i32>} : memref<4000xf32, #tpu.memory_space<vmem>>, vector<16xf32>,
        %gather3A_388 = tpu.vector_load_idx %arg11[%get3A_383] : memref<10000xf32, #tpu.memory_space<vmem>>[vector<16xi32>], vector<16xf32>,
        %mul3A_389 = arith.mulf %gather3A_388, %get3A_387 : vector<16xf32>
        tpu.vector_store_idx %arg10[%get3A_385], %mul3A_389 {add = true} : memref<100000xf32, #tpu.memory_space<vmem>>[vector<16xi32>], vector<16xf32>,
        %mul3A_390 = arith.constant 10 : i32
        %mul3A_391 = arith.muli %scan3A_278, %mul3A_390 : i32
        %add3A_392 = arith.constant 8 : i32
        %add3A_393 = arith.addi %mul3A_391, %add3A_392 : i32
        %mul3A_394 = arith.constant 16 : i32
        %mul3A_395 = arith.muli %add3A_393, %mul3A_394 : i32
        %get3A_396 = arith.index_cast %mul3A_395 : i32 to index
        %get3A_397 = tpu.vector_load %arg12[%get3A_396] {strides = array<i32>} : memref<4000xi32, #tpu.memory_space<vmem>>, vector<16xi32>,
        %get3A_398 = arith.index_cast %mul3A_395 : i32 to index
        %get3A_399 = tpu.vector_load %arg13[%get3A_398] {strides = array<i32>} : memref<4000xi32, #tpu.memory_space<vmem>>, vector<16xi32>,
        %get3A_400 = arith.index_cast %mul3A_395 : i32 to index
        %get3A_401 = tpu.vector_load %arg14[%get3A_400] {strides = array<i32>} : memref<4000xf32, #tpu.memory_space<vmem>>, vector<16xf32>,
        %gather3A_402 = tpu.vector_load_idx %arg11[%get3A_397] : memref<10000xf32, #tpu.memory_space<vmem>>[vector<16xi32>], vector<16xf32>,
        %mul3A_403 = arith.mulf %gather3A_402, %get3A_401 : vector<16xf32>
        tpu.vector_store_idx %arg10[%get3A_399], %mul3A_403 {add = true} : memref<100000xf32, #tpu.memory_space<vmem>>[vector<16xi32>], vector<16xf32>,
        %mul3A_404 = arith.constant 10 : i32
        %mul3A_405 = arith.muli %scan3A_278, %mul3A_404 : i32
        %add3A_406 = arith.constant 9 : i32
        %add3A_407 = arith.addi %mul3A_405, %add3A_406 : i32
        %mul3A_408 = arith.constant 16 : i32
        %mul3A_409 = arith.muli %add3A_407, %mul3A_408 : i32
        %get3A_410 = arith.index_cast %mul3A_409 : i32 to index
        %get3A_411 = tpu.vector_load %arg12[%get3A_410] {strides = array<i32>} : memref<4000xi32, #tpu.memory_space<vmem>>, vector<16xi32>,
        %get3A_412 = arith.index_cast %mul3A_409 : i32 to index
        %get3A_413 = tpu.vector_load %arg13[%get3A_412] {strides = array<i32>} : memref<4000xi32, #tpu.memory_space<vmem>>, vector<16xi32>,
        %get3A_414 = arith.index_cast %mul3A_409 : i32 to index
        %get3A_415 = tpu.vector_load %arg14[%get3A_414] {strides = array<i32>} : memref<4000xf32, #tpu.memory_space<vmem>>, vector<16xf32>,
        %gather3A_416 = tpu.vector_load_idx %arg11[%get3A_411] : memref<10000xf32, #tpu.memory_space<vmem>>[vector<16xi32>], vector<16xf32>,
        %mul3A_417 = arith.mulf %gather3A_416, %get3A_415 : vector<16xf32>
        tpu.vector_store_idx %arg10[%get3A_413], %mul3A_417 {add = true} : memref<100000xf32, #tpu.memory_space<vmem>>[vector<16xi32>], vector<16xf32>,
        %scan3A_418 = arith.constant 0 : i32
        scf.yield %scan3A_418 : i32
      }
      %scan3A_276 = arith.constant 25 : i32
      %scan3A_277 = arith.constant 0 : i32
      scf.yield %scan3A_277 : i32
    }
    %scan3A_223 = arith.constant 100 : i32
    "tpu.region"() ({
      %run_scoped3A = tpu.sem_alloc : memref<!tpu.dma_semaphore, #tpu.memory_space<semaphore_mem>>
      %dma_start3A = arith.constant 0 : i32
      %dma_start3A_256 = tpu.memref_slice %arg9[%add3A_195, %dma_start3A] : memref<256x100000xf32, #tpu.memory_space<hbm>> -> memref<1x100000xf32, #tpu.memory_space<hbm>>
      %dma_start3A_257 = tpu.memref_squeeze %dma_start3A_256 : memref<1x100000xf32, #tpu.memory_space<hbm>> -> memref<100000xf32, #tpu.memory_space<hbm>>
      %dma_start3A_258 = arith.constant 0 : i32
      %dma_start3A_259 = tpu.memref_slice %arg9[%add3A_195, %dma_start3A_258] : memref<256x100000xf32, #tpu.memory_space<hbm>> -> memref<1x100000xf32, #tpu.memory_space<hbm>>
      %dma_start3A_260 = tpu.memref_squeeze %dma_start3A_259 : memref<1x100000xf32, #tpu.memory_space<hbm>> -> memref<100000xf32, #tpu.memory_space<hbm>>
      tpu.enqueue_dma source(%arg10 : memref<100000xf32, #tpu.memory_space<vmem>>) target(%dma_start3A_260 : memref<100000xf32, #tpu.memory_space<hbm>>) target_semaphore(%run_scoped3A : memref<!tpu.dma_semaphore, #tpu.memory_space<semaphore_mem>>)
      %dma_wait3A = arith.constant 0 : i32
      %dma_wait3A_261 = tpu.memref_slice %arg9[%add3A_195, %dma_wait3A] : memref<256x100000xf32, #tpu.memory_space<hbm>> -> memref<1x100000xf32, #tpu.memory_space<hbm>>
      %dma_wait3A_262 = tpu.memref_squeeze %dma_wait3A_261 : memref<1x100000xf32, #tpu.memory_space<hbm>> -> memref<100000xf32, #tpu.memory_space<hbm>>
      %dma_wait3A_263 = arith.constant 0 : i32
      %dma_wait3A_264 = tpu.memref_slice %arg9[%add3A_195, %dma_wait3A_263] : memref<256x100000xf32, #tpu.memory_space<hbm>> -> memref<1x100000xf32, #tpu.memory_space<hbm>>
      %dma_wait3A_265 = tpu.memref_squeeze %dma_wait3A_264 : memref<1x100000xf32, #tpu.memory_space<hbm>> -> memref<100000xf32, #tpu.memory_space<hbm>>
      tpu.wait_dma2 semaphore(%run_scoped3A : memref<!tpu.dma_semaphore, #tpu.memory_space<semaphore_mem>>) src(%arg10 : memref<100000xf32, #tpu.memory_space<vmem>>) dst(%dma_wait3A_265 : memref<100000xf32, #tpu.memory_space<hbm>>)
      tpu.yield
    }) : () -> ()
    %mul3A_224 = arith.constant 8 : i32
    %mul3A_225 = arith.muli %add3A, %mul3A_224 : i32
    %add3A_226 = arith.constant 7 : i32
    %add3A_227 = arith.addi %mul3A_225, %add3A_226 : i32
    "tpu.region"() ({
      %run_scoped3A = tpu.sem_alloc : memref<!tpu.dma_semaphore, #tpu.memory_space<semaphore_mem>>
      %dma_start3A = arith.constant 0 : i32
      %dma_start3A_256 = tpu.memref_slice %arg2[%add3A_227, %dma_start3A] : memref<256x100000xf32, #tpu.memory_space<hbm>> -> memref<1x100000xf32, #tpu.memory_space<hbm>>
      %dma_start3A_257 = tpu.memref_squeeze %dma_start3A_256 : memref<1x100000xf32, #tpu.memory_space<hbm>> -> memref<100000xf32, #tpu.memory_space<hbm>>
      %dma_start3A_258 = arith.constant 0 : i32
      %dma_start3A_259 = tpu.memref_slice %arg2[%add3A_227, %dma_start3A_258] : memref<256x100000xf32, #tpu.memory_space<hbm>> -> memref<1x100000xf32, #tpu.memory_space<hbm>>
      %dma_start3A_260 = tpu.memref_squeeze %dma_start3A_259 : memref<1x100000xf32, #tpu.memory_space<hbm>> -> memref<100000xf32, #tpu.memory_space<hbm>>
      tpu.enqueue_dma source(%dma_start3A_260 : memref<100000xf32, #tpu.memory_space<hbm>>) target(%arg10 : memref<100000xf32, #tpu.memory_space<vmem>>) target_semaphore(%run_scoped3A : memref<!tpu.dma_semaphore, #tpu.memory_space<semaphore_mem>>)
      %dma_wait3A = arith.constant 0 : i32
      %dma_wait3A_261 = tpu.memref_slice %arg2[%add3A_227, %dma_wait3A] : memref<256x100000xf32, #tpu.memory_space<hbm>> -> memref<1x100000xf32, #tpu.memory_space<hbm>>
      %dma_wait3A_262 = tpu.memref_squeeze %dma_wait3A_261 : memref<1x100000xf32, #tpu.memory_space<hbm>> -> memref<100000xf32, #tpu.memory_space<hbm>>
      %dma_wait3A_263 = arith.constant 0 : i32
      %dma_wait3A_264 = tpu.memref_slice %arg2[%add3A_227, %dma_wait3A_263] : memref<256x100000xf32, #tpu.memory_space<hbm>> -> memref<1x100000xf32, #tpu.memory_space<hbm>>
      %dma_wait3A_265 = tpu.memref_squeeze %dma_wait3A_264 : memref<1x100000xf32, #tpu.memory_space<hbm>> -> memref<100000xf32, #tpu.memory_space<hbm>>
      tpu.wait_dma2 semaphore(%run_scoped3A : memref<!tpu.dma_semaphore, #tpu.memory_space<semaphore_mem>>) src(%dma_wait3A_265 : memref<100000xf32, #tpu.memory_space<hbm>>) dst(%arg10 : memref<100000xf32, #tpu.memory_space<vmem>>)
      tpu.yield
    }) : () -> ()
    %scan3A_228 = arith.constant 0 : i32
    %scan3A_229 = arith.constant 0 : i32
    %scan3A_230 = arith.constant 625 : i32
    %scan3A_231 = arith.addi %scan3A_229, %scan3A_230 : i32
    %scan3A_232 = arith.constant 1 : i32
    %scan3A_233 = scf.for %scan3A_256 = %scan3A_229 to %scan3A_231 step %scan3A_232 iter_args(%scan3A_257 = %scan3A_228) -> (i32)  : i32 {
      %broadcast_in_dim3A = arith.constant 0.000000e+00 : f32
      %broadcast_in_dim3A_258 = vector.broadcast %broadcast_in_dim3A : f32 to vector<16xf32>
      %mul3A_259 = arith.constant 16 : i32
      %mul3A_260 = arith.muli %scan3A_256, %mul3A_259 : i32
      %swap3A = arith.index_cast %mul3A_260 : i32 to index
      %swap3A_261 = tpu.vector_load %arg11[%swap3A] {strides = array<i32>} : memref<10000xf32, #tpu.memory_space<vmem>>, vector<16xf32>,
      tpu.vector_store %arg11[%swap3A], %broadcast_in_dim3A_258 {strides = array<i32>} : memref<10000xf32, #tpu.memory_space<vmem>>, vector<16xf32>,
      %scan3A_262 = arith.constant 0 : i32
      scf.yield %scan3A_262 : i32
    }
    %scan3A_234 = arith.constant 625 : i32
    %scan3A_235 = arith.constant 0 : i32
    %scan3A_236 = arith.constant 0 : i32
    %scan3A_237 = arith.constant 100 : i32
    %scan3A_238 = arith.addi %scan3A_236, %scan3A_237 : i32
    %scan3A_239 = arith.constant 1 : i32
    %scan3A_240 = scf.for %scan3A_256 = %scan3A_236 to %scan3A_238 step %scan3A_239 iter_args(%scan3A_257 = %scan3A_235) -> (i32)  : i32 {
      %mul3A_258 = arith.constant 4000 : i32
      %mul3A_259 = arith.muli %scan3A_256, %mul3A_258 : i32
      %dma_start3A = tpu.memref_slice %arg3[%mul3A_259] : memref<400000xi32, #tpu.memory_space<hbm>> -> memref<4000xi32, #tpu.memory_space<hbm>>
      %dma_start3A_260 = tpu.memref_slice %arg3[%mul3A_259] : memref<400000xi32, #tpu.memory_space<hbm>> -> memref<4000xi32, #tpu.memory_space<hbm>>
      tpu.enqueue_dma source(%dma_start3A_260 : memref<4000xi32, #tpu.memory_space<hbm>>) target(%arg12 : memref<4000xi32, #tpu.memory_space<vmem>>) target_semaphore(%arg15 : memref<!tpu.dma_semaphore, #tpu.memory_space<semaphore_mem>>)
      %dma_start3A_261 = tpu.memref_slice %arg4[%mul3A_259] : memref<400000xi32, #tpu.memory_space<hbm>> -> memref<4000xi32, #tpu.memory_space<hbm>>
      %dma_start3A_262 = tpu.memref_slice %arg4[%mul3A_259] : memref<400000xi32, #tpu.memory_space<hbm>> -> memref<4000xi32, #tpu.memory_space<hbm>>
      tpu.enqueue_dma source(%dma_start3A_262 : memref<4000xi32, #tpu.memory_space<hbm>>) target(%arg13 : memref<4000xi32, #tpu.memory_space<vmem>>) target_semaphore(%arg16 : memref<!tpu.dma_semaphore, #tpu.memory_space<semaphore_mem>>)
      %dma_start3A_263 = tpu.memref_slice %arg5[%mul3A_259] : memref<400000xf32, #tpu.memory_space<hbm>> -> memref<4000xf32, #tpu.memory_space<hbm>>
      %dma_start3A_264 = tpu.memref_slice %arg5[%mul3A_259] : memref<400000xf32, #tpu.memory_space<hbm>> -> memref<4000xf32, #tpu.memory_space<hbm>>
      tpu.enqueue_dma source(%dma_start3A_264 : memref<4000xf32, #tpu.memory_space<hbm>>) target(%arg14 : memref<4000xf32, #tpu.memory_space<vmem>>) target_semaphore(%arg17 : memref<!tpu.dma_semaphore, #tpu.memory_space<semaphore_mem>>)
      %dma_wait3A = tpu.memref_slice %arg3[%mul3A_259] : memref<400000xi32, #tpu.memory_space<hbm>> -> memref<4000xi32, #tpu.memory_space<hbm>>
      %dma_wait3A_265 = tpu.memref_slice %arg3[%mul3A_259] : memref<400000xi32, #tpu.memory_space<hbm>> -> memref<4000xi32, #tpu.memory_space<hbm>>
      tpu.wait_dma2 semaphore(%arg15 : memref<!tpu.dma_semaphore, #tpu.memory_space<semaphore_mem>>) src(%dma_wait3A_265 : memref<4000xi32, #tpu.memory_space<hbm>>) dst(%arg12 : memref<4000xi32, #tpu.memory_space<vmem>>)
      %dma_wait3A_266 = tpu.memref_slice %arg4[%mul3A_259] : memref<400000xi32, #tpu.memory_space<hbm>> -> memref<4000xi32, #tpu.memory_space<hbm>>
      %dma_wait3A_267 = tpu.memref_slice %arg4[%mul3A_259] : memref<400000xi32, #tpu.memory_space<hbm>> -> memref<4000xi32, #tpu.memory_space<hbm>>
      tpu.wait_dma2 semaphore(%arg16 : memref<!tpu.dma_semaphore, #tpu.memory_space<semaphore_mem>>) src(%dma_wait3A_267 : memref<4000xi32, #tpu.memory_space<hbm>>) dst(%arg13 : memref<4000xi32, #tpu.memory_space<vmem>>)
      %dma_wait3A_268 = tpu.memref_slice %arg5[%mul3A_259] : memref<400000xf32, #tpu.memory_space<hbm>> -> memref<4000xf32, #tpu.memory_space<hbm>>
      %dma_wait3A_269 = tpu.memref_slice %arg5[%mul3A_259] : memref<400000xf32, #tpu.memory_space<hbm>> -> memref<4000xf32, #tpu.memory_space<hbm>>
      tpu.wait_dma2 semaphore(%arg17 : memref<!tpu.dma_semaphore, #tpu.memory_space<semaphore_mem>>) src(%dma_wait3A_269 : memref<4000xf32, #tpu.memory_space<hbm>>) dst(%arg14 : memref<4000xf32, #tpu.memory_space<vmem>>)
      %scan3A_270 = arith.constant 0 : i32
      %scan3A_271 = arith.constant 0 : i32
      %scan3A_272 = arith.constant 25 : i32
      %scan3A_273 = arith.addi %scan3A_271, %scan3A_272 : i32
      %scan3A_274 = arith.constant 1 : i32
      %scan3A_275 = scf.for %scan3A_278 = %scan3A_271 to %scan3A_273 step %scan3A_274 iter_args(%scan3A_279 = %scan3A_270) -> (i32)  : i32 {
        %mul3A_280 = arith.constant 10 : i32
        %mul3A_281 = arith.muli %scan3A_278, %mul3A_280 : i32
        %add3A_282 = arith.constant 0 : i32
        %add3A_283 = arith.addi %mul3A_281, %add3A_282 : i32
        %mul3A_284 = arith.constant 16 : i32
        %mul3A_285 = arith.muli %add3A_283, %mul3A_284 : i32
        %get3A = arith.index_cast %mul3A_285 : i32 to index
        %get3A_286 = tpu.vector_load %arg12[%get3A] {strides = array<i32>} : memref<4000xi32, #tpu.memory_space<vmem>>, vector<16xi32>,
        %get3A_287 = arith.index_cast %mul3A_285 : i32 to index
        %get3A_288 = tpu.vector_load %arg13[%get3A_287] {strides = array<i32>} : memref<4000xi32, #tpu.memory_space<vmem>>, vector<16xi32>,
        %get3A_289 = arith.index_cast %mul3A_285 : i32 to index
        %get3A_290 = tpu.vector_load %arg14[%get3A_289] {strides = array<i32>} : memref<4000xf32, #tpu.memory_space<vmem>>, vector<16xf32>,
        %gather3A = tpu.vector_load_idx %arg10[%get3A_286] : memref<100000xf32, #tpu.memory_space<vmem>>[vector<16xi32>], vector<16xf32>,
        %mul3A_291 = arith.mulf %gather3A, %get3A_290 : vector<16xf32>
        tpu.vector_store_idx %arg11[%get3A_288], %mul3A_291 {add = true} : memref<10000xf32, #tpu.memory_space<vmem>>[vector<16xi32>], vector<16xf32>,
        %mul3A_292 = arith.constant 10 : i32
        %mul3A_293 = arith.muli %scan3A_278, %mul3A_292 : i32
        %add3A_294 = arith.constant 1 : i32
        %add3A_295 = arith.addi %mul3A_293, %add3A_294 : i32
        %mul3A_296 = arith.constant 16 : i32
        %mul3A_297 = arith.muli %add3A_295, %mul3A_296 : i32
        %get3A_298 = arith.index_cast %mul3A_297 : i32 to index
        %get3A_299 = tpu.vector_load %arg12[%get3A_298] {strides = array<i32>} : memref<4000xi32, #tpu.memory_space<vmem>>, vector<16xi32>,
        %get3A_300 = arith.index_cast %mul3A_297 : i32 to index
        %get3A_301 = tpu.vector_load %arg13[%get3A_300] {strides = array<i32>} : memref<4000xi32, #tpu.memory_space<vmem>>, vector<16xi32>,
        %get3A_302 = arith.index_cast %mul3A_297 : i32 to index
        %get3A_303 = tpu.vector_load %arg14[%get3A_302] {strides = array<i32>} : memref<4000xf32, #tpu.memory_space<vmem>>, vector<16xf32>,
        %gather3A_304 = tpu.vector_load_idx %arg10[%get3A_299] : memref<100000xf32, #tpu.memory_space<vmem>>[vector<16xi32>], vector<16xf32>,
        %mul3A_305 = arith.mulf %gather3A_304, %get3A_303 : vector<16xf32>
        tpu.vector_store_idx %arg11[%get3A_301], %mul3A_305 {add = true} : memref<10000xf32, #tpu.memory_space<vmem>>[vector<16xi32>], vector<16xf32>,
        %mul3A_306 = arith.constant 10 : i32
        %mul3A_307 = arith.muli %scan3A_278, %mul3A_306 : i32
        %add3A_308 = arith.constant 2 : i32
        %add3A_309 = arith.addi %mul3A_307, %add3A_308 : i32
        %mul3A_310 = arith.constant 16 : i32
        %mul3A_311 = arith.muli %add3A_309, %mul3A_310 : i32
        %get3A_312 = arith.index_cast %mul3A_311 : i32 to index
        %get3A_313 = tpu.vector_load %arg12[%get3A_312] {strides = array<i32>} : memref<4000xi32, #tpu.memory_space<vmem>>, vector<16xi32>,
        %get3A_314 = arith.index_cast %mul3A_311 : i32 to index
        %get3A_315 = tpu.vector_load %arg13[%get3A_314] {strides = array<i32>} : memref<4000xi32, #tpu.memory_space<vmem>>, vector<16xi32>,
        %get3A_316 = arith.index_cast %mul3A_311 : i32 to index
        %get3A_317 = tpu.vector_load %arg14[%get3A_316] {strides = array<i32>} : memref<4000xf32, #tpu.memory_space<vmem>>, vector<16xf32>,
        %gather3A_318 = tpu.vector_load_idx %arg10[%get3A_313] : memref<100000xf32, #tpu.memory_space<vmem>>[vector<16xi32>], vector<16xf32>,
        %mul3A_319 = arith.mulf %gather3A_318, %get3A_317 : vector<16xf32>
        tpu.vector_store_idx %arg11[%get3A_315], %mul3A_319 {add = true} : memref<10000xf32, #tpu.memory_space<vmem>>[vector<16xi32>], vector<16xf32>,
        %mul3A_320 = arith.constant 10 : i32
        %mul3A_321 = arith.muli %scan3A_278, %mul3A_320 : i32
        %add3A_322 = arith.constant 3 : i32
        %add3A_323 = arith.addi %mul3A_321, %add3A_322 : i32
        %mul3A_324 = arith.constant 16 : i32
        %mul3A_325 = arith.muli %add3A_323, %mul3A_324 : i32
        %get3A_326 = arith.index_cast %mul3A_325 : i32 to index
        %get3A_327 = tpu.vector_load %arg12[%get3A_326] {strides = array<i32>} : memref<4000xi32, #tpu.memory_space<vmem>>, vector<16xi32>,
        %get3A_328 = arith.index_cast %mul3A_325 : i32 to index
        %get3A_329 = tpu.vector_load %arg13[%get3A_328] {strides = array<i32>} : memref<4000xi32, #tpu.memory_space<vmem>>, vector<16xi32>,
        %get3A_330 = arith.index_cast %mul3A_325 : i32 to index
        %get3A_331 = tpu.vector_load %arg14[%get3A_330] {strides = array<i32>} : memref<4000xf32, #tpu.memory_space<vmem>>, vector<16xf32>,
        %gather3A_332 = tpu.vector_load_idx %arg10[%get3A_327] : memref<100000xf32, #tpu.memory_space<vmem>>[vector<16xi32>], vector<16xf32>,
        %mul3A_333 = arith.mulf %gather3A_332, %get3A_331 : vector<16xf32>
        tpu.vector_store_idx %arg11[%get3A_329], %mul3A_333 {add = true} : memref<10000xf32, #tpu.memory_space<vmem>>[vector<16xi32>], vector<16xf32>,
        %mul3A_334 = arith.constant 10 : i32
        %mul3A_335 = arith.muli %scan3A_278, %mul3A_334 : i32
        %add3A_336 = arith.constant 4 : i32
        %add3A_337 = arith.addi %mul3A_335, %add3A_336 : i32
        %mul3A_338 = arith.constant 16 : i32
        %mul3A_339 = arith.muli %add3A_337, %mul3A_338 : i32
        %get3A_340 = arith.index_cast %mul3A_339 : i32 to index
        %get3A_341 = tpu.vector_load %arg12[%get3A_340] {strides = array<i32>} : memref<4000xi32, #tpu.memory_space<vmem>>, vector<16xi32>,
        %get3A_342 = arith.index_cast %mul3A_339 : i32 to index
        %get3A_343 = tpu.vector_load %arg13[%get3A_342] {strides = array<i32>} : memref<4000xi32, #tpu.memory_space<vmem>>, vector<16xi32>,
        %get3A_344 = arith.index_cast %mul3A_339 : i32 to index
        %get3A_345 = tpu.vector_load %arg14[%get3A_344] {strides = array<i32>} : memref<4000xf32, #tpu.memory_space<vmem>>, vector<16xf32>,
        %gather3A_346 = tpu.vector_load_idx %arg10[%get3A_341] : memref<100000xf32, #tpu.memory_space<vmem>>[vector<16xi32>], vector<16xf32>,
        %mul3A_347 = arith.mulf %gather3A_346, %get3A_345 : vector<16xf32>
        tpu.vector_store_idx %arg11[%get3A_343], %mul3A_347 {add = true} : memref<10000xf32, #tpu.memory_space<vmem>>[vector<16xi32>], vector<16xf32>,
        %mul3A_348 = arith.constant 10 : i32
        %mul3A_349 = arith.muli %scan3A_278, %mul3A_348 : i32
        %add3A_350 = arith.constant 5 : i32
        %add3A_351 = arith.addi %mul3A_349, %add3A_350 : i32
        %mul3A_352 = arith.constant 16 : i32
        %mul3A_353 = arith.muli %add3A_351, %mul3A_352 : i32
        %get3A_354 = arith.index_cast %mul3A_353 : i32 to index
        %get3A_355 = tpu.vector_load %arg12[%get3A_354] {strides = array<i32>} : memref<4000xi32, #tpu.memory_space<vmem>>, vector<16xi32>,
        %get3A_356 = arith.index_cast %mul3A_353 : i32 to index
        %get3A_357 = tpu.vector_load %arg13[%get3A_356] {strides = array<i32>} : memref<4000xi32, #tpu.memory_space<vmem>>, vector<16xi32>,
        %get3A_358 = arith.index_cast %mul3A_353 : i32 to index
        %get3A_359 = tpu.vector_load %arg14[%get3A_358] {strides = array<i32>} : memref<4000xf32, #tpu.memory_space<vmem>>, vector<16xf32>,
        %gather3A_360 = tpu.vector_load_idx %arg10[%get3A_355] : memref<100000xf32, #tpu.memory_space<vmem>>[vector<16xi32>], vector<16xf32>,
        %mul3A_361 = arith.mulf %gather3A_360, %get3A_359 : vector<16xf32>
        tpu.vector_store_idx %arg11[%get3A_357], %mul3A_361 {add = true} : memref<10000xf32, #tpu.memory_space<vmem>>[vector<16xi32>], vector<16xf32>,
        %mul3A_362 = arith.constant 10 : i32
        %mul3A_363 = arith.muli %scan3A_278, %mul3A_362 : i32
        %add3A_364 = arith.constant 6 : i32
        %add3A_365 = arith.addi %mul3A_363, %add3A_364 : i32
        %mul3A_366 = arith.constant 16 : i32
        %mul3A_367 = arith.muli %add3A_365, %mul3A_366 : i32
        %get3A_368 = arith.index_cast %mul3A_367 : i32 to index
        %get3A_369 = tpu.vector_load %arg12[%get3A_368] {strides = array<i32>} : memref<4000xi32, #tpu.memory_space<vmem>>, vector<16xi32>,
        %get3A_370 = arith.index_cast %mul3A_367 : i32 to index
        %get3A_371 = tpu.vector_load %arg13[%get3A_370] {strides = array<i32>} : memref<4000xi32, #tpu.memory_space<vmem>>, vector<16xi32>,
        %get3A_372 = arith.index_cast %mul3A_367 : i32 to index
        %get3A_373 = tpu.vector_load %arg14[%get3A_372] {strides = array<i32>} : memref<4000xf32, #tpu.memory_space<vmem>>, vector<16xf32>,
        %gather3A_374 = tpu.vector_load_idx %arg10[%get3A_369] : memref<100000xf32, #tpu.memory_space<vmem>>[vector<16xi32>], vector<16xf32>,
        %mul3A_375 = arith.mulf %gather3A_374, %get3A_373 : vector<16xf32>
        tpu.vector_store_idx %arg11[%get3A_371], %mul3A_375 {add = true} : memref<10000xf32, #tpu.memory_space<vmem>>[vector<16xi32>], vector<16xf32>,
        %mul3A_376 = arith.constant 10 : i32
        %mul3A_377 = arith.muli %scan3A_278, %mul3A_376 : i32
        %add3A_378 = arith.constant 7 : i32
        %add3A_379 = arith.addi %mul3A_377, %add3A_378 : i32
        %mul3A_380 = arith.constant 16 : i32
        %mul3A_381 = arith.muli %add3A_379, %mul3A_380 : i32
        %get3A_382 = arith.index_cast %mul3A_381 : i32 to index
        %get3A_383 = tpu.vector_load %arg12[%get3A_382] {strides = array<i32>} : memref<4000xi32, #tpu.memory_space<vmem>>, vector<16xi32>,
        %get3A_384 = arith.index_cast %mul3A_381 : i32 to index
        %get3A_385 = tpu.vector_load %arg13[%get3A_384] {strides = array<i32>} : memref<4000xi32, #tpu.memory_space<vmem>>, vector<16xi32>,
        %get3A_386 = arith.index_cast %mul3A_381 : i32 to index
        %get3A_387 = tpu.vector_load %arg14[%get3A_386] {strides = array<i32>} : memref<4000xf32, #tpu.memory_space<vmem>>, vector<16xf32>,
        %gather3A_388 = tpu.vector_load_idx %arg10[%get3A_383] : memref<100000xf32, #tpu.memory_space<vmem>>[vector<16xi32>], vector<16xf32>,
        %mul3A_389 = arith.mulf %gather3A_388, %get3A_387 : vector<16xf32>
        tpu.vector_store_idx %arg11[%get3A_385], %mul3A_389 {add = true} : memref<10000xf32, #tpu.memory_space<vmem>>[vector<16xi32>], vector<16xf32>,
        %mul3A_390 = arith.constant 10 : i32
        %mul3A_391 = arith.muli %scan3A_278, %mul3A_390 : i32
        %add3A_392 = arith.constant 8 : i32
        %add3A_393 = arith.addi %mul3A_391, %add3A_392 : i32
        %mul3A_394 = arith.constant 16 : i32
        %mul3A_395 = arith.muli %add3A_393, %mul3A_394 : i32
        %get3A_396 = arith.index_cast %mul3A_395 : i32 to index
        %get3A_397 = tpu.vector_load %arg12[%get3A_396] {strides = array<i32>} : memref<4000xi32, #tpu.memory_space<vmem>>, vector<16xi32>,
        %get3A_398 = arith.index_cast %mul3A_395 : i32 to index
        %get3A_399 = tpu.vector_load %arg13[%get3A_398] {strides = array<i32>} : memref<4000xi32, #tpu.memory_space<vmem>>, vector<16xi32>,
        %get3A_400 = arith.index_cast %mul3A_395 : i32 to index
        %get3A_401 = tpu.vector_load %arg14[%get3A_400] {strides = array<i32>} : memref<4000xf32, #tpu.memory_space<vmem>>, vector<16xf32>,
        %gather3A_402 = tpu.vector_load_idx %arg10[%get3A_397] : memref<100000xf32, #tpu.memory_space<vmem>>[vector<16xi32>], vector<16xf32>,
        %mul3A_403 = arith.mulf %gather3A_402, %get3A_401 : vector<16xf32>
        tpu.vector_store_idx %arg11[%get3A_399], %mul3A_403 {add = true} : memref<10000xf32, #tpu.memory_space<vmem>>[vector<16xi32>], vector<16xf32>,
        %mul3A_404 = arith.constant 10 : i32
        %mul3A_405 = arith.muli %scan3A_278, %mul3A_404 : i32
        %add3A_406 = arith.constant 9 : i32
        %add3A_407 = arith.addi %mul3A_405, %add3A_406 : i32
        %mul3A_408 = arith.constant 16 : i32
        %mul3A_409 = arith.muli %add3A_407, %mul3A_408 : i32
        %get3A_410 = arith.index_cast %mul3A_409 : i32 to index
        %get3A_411 = tpu.vector_load %arg12[%get3A_410] {strides = array<i32>} : memref<4000xi32, #tpu.memory_space<vmem>>, vector<16xi32>,
        %get3A_412 = arith.index_cast %mul3A_409 : i32 to index
        %get3A_413 = tpu.vector_load %arg13[%get3A_412] {strides = array<i32>} : memref<4000xi32, #tpu.memory_space<vmem>>, vector<16xi32>,
        %get3A_414 = arith.index_cast %mul3A_409 : i32 to index
        %get3A_415 = tpu.vector_load %arg14[%get3A_414] {strides = array<i32>} : memref<4000xf32, #tpu.memory_space<vmem>>, vector<16xf32>,
        %gather3A_416 = tpu.vector_load_idx %arg10[%get3A_411] : memref<100000xf32, #tpu.memory_space<vmem>>[vector<16xi32>], vector<16xf32>,
        %mul3A_417 = arith.mulf %gather3A_416, %get3A_415 : vector<16xf32>
        tpu.vector_store_idx %arg11[%get3A_413], %mul3A_417 {add = true} : memref<10000xf32, #tpu.memory_space<vmem>>[vector<16xi32>], vector<16xf32>,
        %scan3A_418 = arith.constant 0 : i32
        scf.yield %scan3A_418 : i32
      }
      %scan3A_276 = arith.constant 25 : i32
      %scan3A_277 = arith.constant 0 : i32
      scf.yield %scan3A_277 : i32
    }
    %scan3A_241 = arith.constant 100 : i32
    %scan3A_242 = arith.constant 0 : i32
    %scan3A_243 = arith.constant 0 : i32
    %scan3A_244 = arith.constant 6250 : i32
    %scan3A_245 = arith.addi %scan3A_243, %scan3A_244 : i32
    %scan3A_246 = arith.constant 1 : i32
    %scan3A_247 = scf.for %scan3A_256 = %scan3A_243 to %scan3A_245 step %scan3A_246 iter_args(%scan3A_257 = %scan3A_242) -> (i32)  : i32 {
      %broadcast_in_dim3A = arith.constant 0.000000e+00 : f32
      %broadcast_in_dim3A_258 = vector.broadcast %broadcast_in_dim3A : f32 to vector<16xf32>
      %mul3A_259 = arith.constant 16 : i32
      %mul3A_260 = arith.muli %scan3A_256, %mul3A_259 : i32
      %swap3A = arith.index_cast %mul3A_260 : i32 to index
      %swap3A_261 = tpu.vector_load %arg10[%swap3A] {strides = array<i32>} : memref<100000xf32, #tpu.memory_space<vmem>>, vector<16xf32>,
      tpu.vector_store %arg10[%swap3A], %broadcast_in_dim3A_258 {strides = array<i32>} : memref<100000xf32, #tpu.memory_space<vmem>>, vector<16xf32>,
      %scan3A_262 = arith.constant 0 : i32
      scf.yield %scan3A_262 : i32
    }
    %scan3A_248 = arith.constant 6250 : i32
    %scan3A_249 = arith.constant 0 : i32
    %scan3A_250 = arith.constant 0 : i32
    %scan3A_251 = arith.constant 100 : i32
    %scan3A_252 = arith.addi %scan3A_250, %scan3A_251 : i32
    %scan3A_253 = arith.constant 1 : i32
    %scan3A_254 = scf.for %scan3A_256 = %scan3A_250 to %scan3A_252 step %scan3A_253 iter_args(%scan3A_257 = %scan3A_249) -> (i32)  : i32 {
      %mul3A_258 = arith.constant 4000 : i32
      %mul3A_259 = arith.muli %scan3A_256, %mul3A_258 : i32
      %dma_start3A = tpu.memref_slice %arg6[%mul3A_259] : memref<400000xi32, #tpu.memory_space<hbm>> -> memref<4000xi32, #tpu.memory_space<hbm>>
      %dma_start3A_260 = tpu.memref_slice %arg6[%mul3A_259] : memref<400000xi32, #tpu.memory_space<hbm>> -> memref<4000xi32, #tpu.memory_space<hbm>>
      tpu.enqueue_dma source(%dma_start3A_260 : memref<4000xi32, #tpu.memory_space<hbm>>) target(%arg12 : memref<4000xi32, #tpu.memory_space<vmem>>) target_semaphore(%arg15 : memref<!tpu.dma_semaphore, #tpu.memory_space<semaphore_mem>>)
      %dma_start3A_261 = tpu.memref_slice %arg7[%mul3A_259] : memref<400000xi32, #tpu.memory_space<hbm>> -> memref<4000xi32, #tpu.memory_space<hbm>>
      %dma_start3A_262 = tpu.memref_slice %arg7[%mul3A_259] : memref<400000xi32, #tpu.memory_space<hbm>> -> memref<4000xi32, #tpu.memory_space<hbm>>
      tpu.enqueue_dma source(%dma_start3A_262 : memref<4000xi32, #tpu.memory_space<hbm>>) target(%arg13 : memref<4000xi32, #tpu.memory_space<vmem>>) target_semaphore(%arg16 : memref<!tpu.dma_semaphore, #tpu.memory_space<semaphore_mem>>)
      %dma_start3A_263 = tpu.memref_slice %arg8[%mul3A_259] : memref<400000xf32, #tpu.memory_space<hbm>> -> memref<4000xf32, #tpu.memory_space<hbm>>
      %dma_start3A_264 = tpu.memref_slice %arg8[%mul3A_259] : memref<400000xf32, #tpu.memory_space<hbm>> -> memref<4000xf32, #tpu.memory_space<hbm>>
      tpu.enqueue_dma source(%dma_start3A_264 : memref<4000xf32, #tpu.memory_space<hbm>>) target(%arg14 : memref<4000xf32, #tpu.memory_space<vmem>>) target_semaphore(%arg17 : memref<!tpu.dma_semaphore, #tpu.memory_space<semaphore_mem>>)
      %dma_wait3A = tpu.memref_slice %arg6[%mul3A_259] : memref<400000xi32, #tpu.memory_space<hbm>> -> memref<4000xi32, #tpu.memory_space<hbm>>
      %dma_wait3A_265 = tpu.memref_slice %arg6[%mul3A_259] : memref<400000xi32, #tpu.memory_space<hbm>> -> memref<4000xi32, #tpu.memory_space<hbm>>
      tpu.wait_dma2 semaphore(%arg15 : memref<!tpu.dma_semaphore, #tpu.memory_space<semaphore_mem>>) src(%dma_wait3A_265 : memref<4000xi32, #tpu.memory_space<hbm>>) dst(%arg12 : memref<4000xi32, #tpu.memory_space<vmem>>)
      %dma_wait3A_266 = tpu.memref_slice %arg7[%mul3A_259] : memref<400000xi32, #tpu.memory_space<hbm>> -> memref<4000xi32, #tpu.memory_space<hbm>>
      %dma_wait3A_267 = tpu.memref_slice %arg7[%mul3A_259] : memref<400000xi32, #tpu.memory_space<hbm>> -> memref<4000xi32, #tpu.memory_space<hbm>>
      tpu.wait_dma2 semaphore(%arg16 : memref<!tpu.dma_semaphore, #tpu.memory_space<semaphore_mem>>) src(%dma_wait3A_267 : memref<4000xi32, #tpu.memory_space<hbm>>) dst(%arg13 : memref<4000xi32, #tpu.memory_space<vmem>>)
      %dma_wait3A_268 = tpu.memref_slice %arg8[%mul3A_259] : memref<400000xf32, #tpu.memory_space<hbm>> -> memref<4000xf32, #tpu.memory_space<hbm>>
      %dma_wait3A_269 = tpu.memref_slice %arg8[%mul3A_259] : memref<400000xf32, #tpu.memory_space<hbm>> -> memref<4000xf32, #tpu.memory_space<hbm>>
      tpu.wait_dma2 semaphore(%arg17 : memref<!tpu.dma_semaphore, #tpu.memory_space<semaphore_mem>>) src(%dma_wait3A_269 : memref<4000xf32, #tpu.memory_space<hbm>>) dst(%arg14 : memref<4000xf32, #tpu.memory_space<vmem>>)
      %scan3A_270 = arith.constant 0 : i32
      %scan3A_271 = arith.constant 0 : i32
      %scan3A_272 = arith.constant 25 : i32
      %scan3A_273 = arith.addi %scan3A_271, %scan3A_272 : i32
      %scan3A_274 = arith.constant 1 : i32
      %scan3A_275 = scf.for %scan3A_278 = %scan3A_271 to %scan3A_273 step %scan3A_274 iter_args(%scan3A_279 = %scan3A_270) -> (i32)  : i32 {
        %mul3A_280 = arith.constant 10 : i32
        %mul3A_281 = arith.muli %scan3A_278, %mul3A_280 : i32
        %add3A_282 = arith.constant 0 : i32
        %add3A_283 = arith.addi %mul3A_281, %add3A_282 : i32
        %mul3A_284 = arith.constant 16 : i32
        %mul3A_285 = arith.muli %add3A_283, %mul3A_284 : i32
        %get3A = arith.index_cast %mul3A_285 : i32 to index
        %get3A_286 = tpu.vector_load %arg12[%get3A] {strides = array<i32>} : memref<4000xi32, #tpu.memory_space<vmem>>, vector<16xi32>,
        %get3A_287 = arith.index_cast %mul3A_285 : i32 to index
        %get3A_288 = tpu.vector_load %arg13[%get3A_287] {strides = array<i32>} : memref<4000xi32, #tpu.memory_space<vmem>>, vector<16xi32>,
        %get3A_289 = arith.index_cast %mul3A_285 : i32 to index
        %get3A_290 = tpu.vector_load %arg14[%get3A_289] {strides = array<i32>} : memref<4000xf32, #tpu.memory_space<vmem>>, vector<16xf32>,
        %gather3A = tpu.vector_load_idx %arg11[%get3A_286] : memref<10000xf32, #tpu.memory_space<vmem>>[vector<16xi32>], vector<16xf32>,
        %mul3A_291 = arith.mulf %gather3A, %get3A_290 : vector<16xf32>
        tpu.vector_store_idx %arg10[%get3A_288], %mul3A_291 {add = true} : memref<100000xf32, #tpu.memory_space<vmem>>[vector<16xi32>], vector<16xf32>,
        %mul3A_292 = arith.constant 10 : i32
        %mul3A_293 = arith.muli %scan3A_278, %mul3A_292 : i32
        %add3A_294 = arith.constant 1 : i32
        %add3A_295 = arith.addi %mul3A_293, %add3A_294 : i32
        %mul3A_296 = arith.constant 16 : i32
        %mul3A_297 = arith.muli %add3A_295, %mul3A_296 : i32
        %get3A_298 = arith.index_cast %mul3A_297 : i32 to index
        %get3A_299 = tpu.vector_load %arg12[%get3A_298] {strides = array<i32>} : memref<4000xi32, #tpu.memory_space<vmem>>, vector<16xi32>,
        %get3A_300 = arith.index_cast %mul3A_297 : i32 to index
        %get3A_301 = tpu.vector_load %arg13[%get3A_300] {strides = array<i32>} : memref<4000xi32, #tpu.memory_space<vmem>>, vector<16xi32>,
        %get3A_302 = arith.index_cast %mul3A_297 : i32 to index
        %get3A_303 = tpu.vector_load %arg14[%get3A_302] {strides = array<i32>} : memref<4000xf32, #tpu.memory_space<vmem>>, vector<16xf32>,
        %gather3A_304 = tpu.vector_load_idx %arg11[%get3A_299] : memref<10000xf32, #tpu.memory_space<vmem>>[vector<16xi32>], vector<16xf32>,
        %mul3A_305 = arith.mulf %gather3A_304, %get3A_303 : vector<16xf32>
        tpu.vector_store_idx %arg10[%get3A_301], %mul3A_305 {add = true} : memref<100000xf32, #tpu.memory_space<vmem>>[vector<16xi32>], vector<16xf32>,
        %mul3A_306 = arith.constant 10 : i32
        %mul3A_307 = arith.muli %scan3A_278, %mul3A_306 : i32
        %add3A_308 = arith.constant 2 : i32
        %add3A_309 = arith.addi %mul3A_307, %add3A_308 : i32
        %mul3A_310 = arith.constant 16 : i32
        %mul3A_311 = arith.muli %add3A_309, %mul3A_310 : i32
        %get3A_312 = arith.index_cast %mul3A_311 : i32 to index
        %get3A_313 = tpu.vector_load %arg12[%get3A_312] {strides = array<i32>} : memref<4000xi32, #tpu.memory_space<vmem>>, vector<16xi32>,
        %get3A_314 = arith.index_cast %mul3A_311 : i32 to index
        %get3A_315 = tpu.vector_load %arg13[%get3A_314] {strides = array<i32>} : memref<4000xi32, #tpu.memory_space<vmem>>, vector<16xi32>,
        %get3A_316 = arith.index_cast %mul3A_311 : i32 to index
        %get3A_317 = tpu.vector_load %arg14[%get3A_316] {strides = array<i32>} : memref<4000xf32, #tpu.memory_space<vmem>>, vector<16xf32>,
        %gather3A_318 = tpu.vector_load_idx %arg11[%get3A_313] : memref<10000xf32, #tpu.memory_space<vmem>>[vector<16xi32>], vector<16xf32>,
        %mul3A_319 = arith.mulf %gather3A_318, %get3A_317 : vector<16xf32>
        tpu.vector_store_idx %arg10[%get3A_315], %mul3A_319 {add = true} : memref<100000xf32, #tpu.memory_space<vmem>>[vector<16xi32>], vector<16xf32>,
        %mul3A_320 = arith.constant 10 : i32
        %mul3A_321 = arith.muli %scan3A_278, %mul3A_320 : i32
        %add3A_322 = arith.constant 3 : i32
        %add3A_323 = arith.addi %mul3A_321, %add3A_322 : i32
        %mul3A_324 = arith.constant 16 : i32
        %mul3A_325 = arith.muli %add3A_323, %mul3A_324 : i32
        %get3A_326 = arith.index_cast %mul3A_325 : i32 to index
        %get3A_327 = tpu.vector_load %arg12[%get3A_326] {strides = array<i32>} : memref<4000xi32, #tpu.memory_space<vmem>>, vector<16xi32>,
        %get3A_328 = arith.index_cast %mul3A_325 : i32 to index
        %get3A_329 = tpu.vector_load %arg13[%get3A_328] {strides = array<i32>} : memref<4000xi32, #tpu.memory_space<vmem>>, vector<16xi32>,
        %get3A_330 = arith.index_cast %mul3A_325 : i32 to index
        %get3A_331 = tpu.vector_load %arg14[%get3A_330] {strides = array<i32>} : memref<4000xf32, #tpu.memory_space<vmem>>, vector<16xf32>,
        %gather3A_332 = tpu.vector_load_idx %arg11[%get3A_327] : memref<10000xf32, #tpu.memory_space<vmem>>[vector<16xi32>], vector<16xf32>,
        %mul3A_333 = arith.mulf %gather3A_332, %get3A_331 : vector<16xf32>
        tpu.vector_store_idx %arg10[%get3A_329], %mul3A_333 {add = true} : memref<100000xf32, #tpu.memory_space<vmem>>[vector<16xi32>], vector<16xf32>,
        %mul3A_334 = arith.constant 10 : i32
        %mul3A_335 = arith.muli %scan3A_278, %mul3A_334 : i32
        %add3A_336 = arith.constant 4 : i32
        %add3A_337 = arith.addi %mul3A_335, %add3A_336 : i32
        %mul3A_338 = arith.constant 16 : i32
        %mul3A_339 = arith.muli %add3A_337, %mul3A_338 : i32
        %get3A_340 = arith.index_cast %mul3A_339 : i32 to index
        %get3A_341 = tpu.vector_load %arg12[%get3A_340] {strides = array<i32>} : memref<4000xi32, #tpu.memory_space<vmem>>, vector<16xi32>,
        %get3A_342 = arith.index_cast %mul3A_339 : i32 to index
        %get3A_343 = tpu.vector_load %arg13[%get3A_342] {strides = array<i32>} : memref<4000xi32, #tpu.memory_space<vmem>>, vector<16xi32>,
        %get3A_344 = arith.index_cast %mul3A_339 : i32 to index
        %get3A_345 = tpu.vector_load %arg14[%get3A_344] {strides = array<i32>} : memref<4000xf32, #tpu.memory_space<vmem>>, vector<16xf32>,
        %gather3A_346 = tpu.vector_load_idx %arg11[%get3A_341] : memref<10000xf32, #tpu.memory_space<vmem>>[vector<16xi32>], vector<16xf32>,
        %mul3A_347 = arith.mulf %gather3A_346, %get3A_345 : vector<16xf32>
        tpu.vector_store_idx %arg10[%get3A_343], %mul3A_347 {add = true} : memref<100000xf32, #tpu.memory_space<vmem>>[vector<16xi32>], vector<16xf32>,
        %mul3A_348 = arith.constant 10 : i32
        %mul3A_349 = arith.muli %scan3A_278, %mul3A_348 : i32
        %add3A_350 = arith.constant 5 : i32
        %add3A_351 = arith.addi %mul3A_349, %add3A_350 : i32
        %mul3A_352 = arith.constant 16 : i32
        %mul3A_353 = arith.muli %add3A_351, %mul3A_352 : i32
        %get3A_354 = arith.index_cast %mul3A_353 : i32 to index
        %get3A_355 = tpu.vector_load %arg12[%get3A_354] {strides = array<i32>} : memref<4000xi32, #tpu.memory_space<vmem>>, vector<16xi32>,
        %get3A_356 = arith.index_cast %mul3A_353 : i32 to index
        %get3A_357 = tpu.vector_load %arg13[%get3A_356] {strides = array<i32>} : memref<4000xi32, #tpu.memory_space<vmem>>, vector<16xi32>,
        %get3A_358 = arith.index_cast %mul3A_353 : i32 to index
        %get3A_359 = tpu.vector_load %arg14[%get3A_358] {strides = array<i32>} : memref<4000xf32, #tpu.memory_space<vmem>>, vector<16xf32>,
        %gather3A_360 = tpu.vector_load_idx %arg11[%get3A_355] : memref<10000xf32, #tpu.memory_space<vmem>>[vector<16xi32>], vector<16xf32>,
        %mul3A_361 = arith.mulf %gather3A_360, %get3A_359 : vector<16xf32>
        tpu.vector_store_idx %arg10[%get3A_357], %mul3A_361 {add = true} : memref<100000xf32, #tpu.memory_space<vmem>>[vector<16xi32>], vector<16xf32>,
        %mul3A_362 = arith.constant 10 : i32
        %mul3A_363 = arith.muli %scan3A_278, %mul3A_362 : i32
        %add3A_364 = arith.constant 6 : i32
        %add3A_365 = arith.addi %mul3A_363, %add3A_364 : i32
        %mul3A_366 = arith.constant 16 : i32
        %mul3A_367 = arith.muli %add3A_365, %mul3A_366 : i32
        %get3A_368 = arith.index_cast %mul3A_367 : i32 to index
        %get3A_369 = tpu.vector_load %arg12[%get3A_368] {strides = array<i32>} : memref<4000xi32, #tpu.memory_space<vmem>>, vector<16xi32>,
        %get3A_370 = arith.index_cast %mul3A_367 : i32 to index
        %get3A_371 = tpu.vector_load %arg13[%get3A_370] {strides = array<i32>} : memref<4000xi32, #tpu.memory_space<vmem>>, vector<16xi32>,
        %get3A_372 = arith.index_cast %mul3A_367 : i32 to index
        %get3A_373 = tpu.vector_load %arg14[%get3A_372] {strides = array<i32>} : memref<4000xf32, #tpu.memory_space<vmem>>, vector<16xf32>,
        %gather3A_374 = tpu.vector_load_idx %arg11[%get3A_369] : memref<10000xf32, #tpu.memory_space<vmem>>[vector<16xi32>], vector<16xf32>,
        %mul3A_375 = arith.mulf %gather3A_374, %get3A_373 : vector<16xf32>
        tpu.vector_store_idx %arg10[%get3A_371], %mul3A_375 {add = true} : memref<100000xf32, #tpu.memory_space<vmem>>[vector<16xi32>], vector<16xf32>,
        %mul3A_376 = arith.constant 10 : i32
        %mul3A_377 = arith.muli %scan3A_278, %mul3A_376 : i32
        %add3A_378 = arith.constant 7 : i32
        %add3A_379 = arith.addi %mul3A_377, %add3A_378 : i32
        %mul3A_380 = arith.constant 16 : i32
        %mul3A_381 = arith.muli %add3A_379, %mul3A_380 : i32
        %get3A_382 = arith.index_cast %mul3A_381 : i32 to index
        %get3A_383 = tpu.vector_load %arg12[%get3A_382] {strides = array<i32>} : memref<4000xi32, #tpu.memory_space<vmem>>, vector<16xi32>,
        %get3A_384 = arith.index_cast %mul3A_381 : i32 to index
        %get3A_385 = tpu.vector_load %arg13[%get3A_384] {strides = array<i32>} : memref<4000xi32, #tpu.memory_space<vmem>>, vector<16xi32>,
        %get3A_386 = arith.index_cast %mul3A_381 : i32 to index
        %get3A_387 = tpu.vector_load %arg14[%get3A_386] {strides = array<i32>} : memref<4000xf32, #tpu.memory_space<vmem>>, vector<16xf32>,
        %gather3A_388 = tpu.vector_load_idx %arg11[%get3A_383] : memref<10000xf32, #tpu.memory_space<vmem>>[vector<16xi32>], vector<16xf32>,
        %mul3A_389 = arith.mulf %gather3A_388, %get3A_387 : vector<16xf32>
        tpu.vector_store_idx %arg10[%get3A_385], %mul3A_389 {add = true} : memref<100000xf32, #tpu.memory_space<vmem>>[vector<16xi32>], vector<16xf32>,
        %mul3A_390 = arith.constant 10 : i32
        %mul3A_391 = arith.muli %scan3A_278, %mul3A_390 : i32
        %add3A_392 = arith.constant 8 : i32
        %add3A_393 = arith.addi %mul3A_391, %add3A_392 : i32
        %mul3A_394 = arith.constant 16 : i32
        %mul3A_395 = arith.muli %add3A_393, %mul3A_394 : i32
        %get3A_396 = arith.index_cast %mul3A_395 : i32 to index
        %get3A_397 = tpu.vector_load %arg12[%get3A_396] {strides = array<i32>} : memref<4000xi32, #tpu.memory_space<vmem>>, vector<16xi32>,
        %get3A_398 = arith.index_cast %mul3A_395 : i32 to index
        %get3A_399 = tpu.vector_load %arg13[%get3A_398] {strides = array<i32>} : memref<4000xi32, #tpu.memory_space<vmem>>, vector<16xi32>,
        %get3A_400 = arith.index_cast %mul3A_395 : i32 to index
        %get3A_401 = tpu.vector_load %arg14[%get3A_400] {strides = array<i32>} : memref<4000xf32, #tpu.memory_space<vmem>>, vector<16xf32>,
        %gather3A_402 = tpu.vector_load_idx %arg11[%get3A_397] : memref<10000xf32, #tpu.memory_space<vmem>>[vector<16xi32>], vector<16xf32>,
        %mul3A_403 = arith.mulf %gather3A_402, %get3A_401 : vector<16xf32>
        tpu.vector_store_idx %arg10[%get3A_399], %mul3A_403 {add = true} : memref<100000xf32, #tpu.memory_space<vmem>>[vector<16xi32>], vector<16xf32>,
        %mul3A_404 = arith.constant 10 : i32
        %mul3A_405 = arith.muli %scan3A_278, %mul3A_404 : i32
        %add3A_406 = arith.constant 9 : i32
        %add3A_407 = arith.addi %mul3A_405, %add3A_406 : i32
        %mul3A_408 = arith.constant 16 : i32
        %mul3A_409 = arith.muli %add3A_407, %mul3A_408 : i32
        %get3A_410 = arith.index_cast %mul3A_409 : i32 to index
        %get3A_411 = tpu.vector_load %arg12[%get3A_410] {strides = array<i32>} : memref<4000xi32, #tpu.memory_space<vmem>>, vector<16xi32>,
        %get3A_412 = arith.index_cast %mul3A_409 : i32 to index
        %get3A_413 = tpu.vector_load %arg13[%get3A_412] {strides = array<i32>} : memref<4000xi32, #tpu.memory_space<vmem>>, vector<16xi32>,
        %get3A_414 = arith.index_cast %mul3A_409 : i32 to index
        %get3A_415 = tpu.vector_load %arg14[%get3A_414] {strides = array<i32>} : memref<4000xf32, #tpu.memory_space<vmem>>, vector<16xf32>,
        %gather3A_416 = tpu.vector_load_idx %arg11[%get3A_411] : memref<10000xf32, #tpu.memory_space<vmem>>[vector<16xi32>], vector<16xf32>,
        %mul3A_417 = arith.mulf %gather3A_416, %get3A_415 : vector<16xf32>
        tpu.vector_store_idx %arg10[%get3A_413], %mul3A_417 {add = true} : memref<100000xf32, #tpu.memory_space<vmem>>[vector<16xi32>], vector<16xf32>,
        %scan3A_418 = arith.constant 0 : i32
        scf.yield %scan3A_418 : i32
      }
      %scan3A_276 = arith.constant 25 : i32
      %scan3A_277 = arith.constant 0 : i32
      scf.yield %scan3A_277 : i32
    }
    %scan3A_255 = arith.constant 100 : i32
    "tpu.region"() ({
      %run_scoped3A = tpu.sem_alloc : memref<!tpu.dma_semaphore, #tpu.memory_space<semaphore_mem>>
      %dma_start3A = arith.constant 0 : i32
      %dma_start3A_256 = tpu.memref_slice %arg9[%add3A_227, %dma_start3A] : memref<256x100000xf32, #tpu.memory_space<hbm>> -> memref<1x100000xf32, #tpu.memory_space<hbm>>
      %dma_start3A_257 = tpu.memref_squeeze %dma_start3A_256 : memref<1x100000xf32, #tpu.memory_space<hbm>> -> memref<100000xf32, #tpu.memory_space<hbm>>
      %dma_start3A_258 = arith.constant 0 : i32
      %dma_start3A_259 = tpu.memref_slice %arg9[%add3A_227, %dma_start3A_258] : memref<256x100000xf32, #tpu.memory_space<hbm>> -> memref<1x100000xf32, #tpu.memory_space<hbm>>
      %dma_start3A_260 = tpu.memref_squeeze %dma_start3A_259 : memref<1x100000xf32, #tpu.memory_space<hbm>> -> memref<100000xf32, #tpu.memory_space<hbm>>
      tpu.enqueue_dma source(%arg10 : memref<100000xf32, #tpu.memory_space<vmem>>) target(%dma_start3A_260 : memref<100000xf32, #tpu.memory_space<hbm>>) target_semaphore(%run_scoped3A : memref<!tpu.dma_semaphore, #tpu.memory_space<semaphore_mem>>)
      %dma_wait3A = arith.constant 0 : i32
      %dma_wait3A_261 = tpu.memref_slice %arg9[%add3A_227, %dma_wait3A] : memref<256x100000xf32, #tpu.memory_space<hbm>> -> memref<1x100000xf32, #tpu.memory_space<hbm>>
      %dma_wait3A_262 = tpu.memref_squeeze %dma_wait3A_261 : memref<1x100000xf32, #tpu.memory_space<hbm>> -> memref<100000xf32, #tpu.memory_space<hbm>>
      %dma_wait3A_263 = arith.constant 0 : i32
      %dma_wait3A_264 = tpu.memref_slice %arg9[%add3A_227, %dma_wait3A_263] : memref<256x100000xf32, #tpu.memory_space<hbm>> -> memref<1x100000xf32, #tpu.memory_space<hbm>>
      %dma_wait3A_265 = tpu.memref_squeeze %dma_wait3A_264 : memref<1x100000xf32, #tpu.memory_space<hbm>> -> memref<100000xf32, #tpu.memory_space<hbm>>
      tpu.wait_dma2 semaphore(%run_scoped3A : memref<!tpu.dma_semaphore, #tpu.memory_space<semaphore_mem>>) src(%arg10 : memref<100000xf32, #tpu.memory_space<vmem>>) dst(%dma_wait3A_265 : memref<100000xf32, #tpu.memory_space<hbm>>)
      tpu.yield
    }) : () -> ()
    return
  }
}

</mosaic_0001>

<sc_bundles>
// kernel: _run.3.cloned.1.call-start
scs
__scs_entry_jumppad:
0x0: {  	(pc) =	sbr.rel $0x88, $3  }
0x1: {  	(tag) =	ssettag $0x0;
	lr =	simm.s32 $0x1  }
0x2: {  	[smem:$0x3F9A] =	sst lr;
	_ =	strace $0xD0000000  }
0x3: {  	_ = 	snop  }
0x4: {  	_ = 	snop  }
0x5: {  	_ = 	snop  }
0x6: {  	_ = 	snop  }
0x7: {  	_ = 	snop  }
__scs_overlays_trampoline_lowered:
0x8: {  	[smem:$0x3FA9] =	sst s0  }
0x9: {  	[smem:$0x3FAA] =	sst s1  }
0xa: {  	[smem:$0x3FAB] =	sst s2  }
0xb: {  	[smem:$0x3FAC] =	sst s3  }
0xc: {  	[smem:$0x3FAD] =	sst s4  }
0xd: {  	[smem:$0x3FAE] =	sst s5  }
0xe: {  	[smem:$0x3FAF] =	sst s6  }
0xf: {  	[smem:$0x3FB0] =	sst s7  }
0x10: {  	[smem:$0x3FB1] =	sst s8  }
0x11: {  	[smem:$0x3FB2] =	sst s9;
	s0 =	simm.s32 @!p0 $0x0  }
0x12: {  	s1 =	sld [smem:$0x3F98];
	s0 =	simm.s32 @p0 $0x1  }
0x13: {  	[smem:$0x3FB3] =	sst s0;
	s0 =	simm.s32 @!p1 $0x0  }
0x14: {  	s2 =	sld [smem:$0x3F97];
	s0 =	simm.s32 @p1 $0x1  }
0x15: {  	[smem:$0x3FB4] =	sst s0;
	s0 =	simm.s32 @!p2 $0x0  }
0x16: {  	s3 =	sld [smem:$0x3FDB];
	s0 =	simm.s32 @p2 $0x1  }
0x17: {  	s4 =	simm.s32 $0x1BF5;
	[smem:$0x3FB6] =	sst s0  }
0x18: {  	s0 =	sld [smem:$0x3F99];
	_ =	swait.ge [sflag:s4], $0x0  }
0x19: {  	s7 =	sld [smem:$0x3F9A]  }
0x1a: {  	s8 =	sadd.s32 $0xFFFFE003, lr  }
0x1b: {  	s9 =	sadd.s32 $0xFFFFFEF7, lr;
	s5 =	simm.s32 $0xFFFFFFFF;
	p2 =	slt.u32 s8, $0xFFFFF086  }
0x1c: {  	p1 =	slt.u32 s9, $0xF7A;
	s5 =	simm.s32 @!p2 $0x0  }
0x1d: {  	s5 =	simm.s32 @p1 $0x1;
	p0 =	seq.s32 s7, s2  }
0x1e: {  	s7 =	smul.u32 @!p0 $0xF7A, s2;
	p2 =	seq.s32 @!p0 s5, $0x0  }
0x1f: {  	s9 =	smul.u32 $0xF7A, s1;
	s8 =	simm.s32 @!p0 $0x1BF5;
	p2 =	por !p2, p0  }
0x20: {  	[sflag:s8] =	ssyncset.s32 @!p0 $0xFFFFF086;
	s6 =	sadd.s32 @!p0 s3, s7;
	s7 =	simm.s32 @!p0 $0x108  }
0x21: {  	s3 =	sadd.s32 s3, s9;
	s6 =	sadd.s32 @!p0 $0x88, s6;
	s7 =	simm.s32 @p2 $0x1082  }
0x22: {  	[simem:s7], [sflag:s8] =	dma.local @!p0 [hbm:s6], $0xF7A  }
0x23: {  	s9 =	sor.u32 $0xD0000000, s2;
	s6 =	simm.s32 $0x108;
	_ =	swait.ge @!p0 [sflag:s8], $0x0  }
0x24: {  	s3 =	sadd.s32 $0x88, s3;
	s6 =	simm.s32 @!p1 $0x1082;
	[sflag:s4] =	ssyncset.s32 $0xFFFFF086  }
0x25: {  	[simem:s6], [sflag:s4] =	dma.local [hbm:s3], $0xF7A  }
0x26: {  	[smem:$0x3F9A] =	sst s1;
	(tag) =	ssettag s2;
	_ =	strace s9  }
0x27: {  	s1 =	sld [smem:$0x3FAA]  }
0x28: {  	s2 =	sld [smem:$0x3FAB]  }
0x29: {  	s4 =	sld [smem:$0x3FAD]  }
0x2a: {  	p0 =	seq.s32 s5, $0x0;
	s5 =	sld [smem:$0x3FAE]  }
0x2b: {  	s6 =	sld [smem:$0x3FAF]  }
0x2c: {  	s7 =	sld [smem:$0x3FB0]  }
0x2d: {  	s3 =	simm.s32 $0x108;
	s8 =	sld [smem:$0x3FB1]  }
0x2e: {  	s3 =	simm.s32 @!p0 $0x1082;
	s9 =	sld [smem:$0x3FB2]  }
0x2f: {  	lr =	sadd.s32 s0, s3;
	s0 =	sld [smem:$0x3FA9]  }
0x30: {  	s3 =	sld [smem:$0x3FAC]  }
0x31: {  	[smem:$0x3FB5] =	sst s10  }
0x32: {  	s10 =	sld [smem:$0x3FB3];
	_ =	sdelay $0x3  }
0x33: {  	p0 =	seq.s32 s10, $0x1;
	s10 =	sld [smem:$0x3FB5];
	_ =	sdelay $0x3  }
0x34: {  	[smem:$0x3FB5] =	sst s10  }
0x35: {  	s10 =	sld [smem:$0x3FB4];
	_ =	sdelay $0x3  }
0x36: {  	p1 =	seq.s32 s10, $0x1;
	s10 =	sld [smem:$0x3FB5];
	_ =	sdelay $0x3  }
0x37: {  	[smem:$0x3FB5] =	sst s10  }
0x38: {  	s10 =	sld [smem:$0x3FB6]  }
0x39: {  	_ = 	snop;
	(pc) =	sbr.ind lr, $3  }
0x3a: {  	_ = 	snop  }
0x3b: {  	_ = 	snop  }
0x3c: {  	p2 =	seq.s32 s10, $0x1;
	s10 =	sld [smem:$0x3FB5]  }
0x3d: {  	_ =	shalt  }
0x3e: {  	_ =	shalt  }
0x3f: {  	_ =	shalt  }
0x40: {  	_ =	shalt  }
0x41: {  	_ =	shalt  }
0x42: {  	_ =	shalt  }
0x43: {  	_ =	shalt  }
0x44: {  	_ =	shalt  }
0x45: {  	_ =	shalt  }
0x46: {  	_ =	shalt  }
0x47: {  	_ =	shalt  }
0x48: {  	_ =	shalt  }
0x49: {  	_ =	shalt  }
0x4a: {  	_ =	shalt  }
0x4b: {  	_ =	shalt  }
0x4c: {  	_ =	shalt  }
0x4d: {  	_ =	shalt  }
0x4e: {  	_ =	shalt  }
0x4f: {  	_ =	shalt  }
0x50: {  	_ =	shalt  }
0x51: {  	_ =	shalt  }
0x52: {  	_ =	shalt  }
0x53: {  	_ =	shalt  }
0x54: {  	_ =	shalt  }
0x55: {  	_ =	shalt  }
0x56: {  	_ =	shalt  }
0x57: {  	_ =	shalt  }
0x58: {  	_ =	shalt  }
0x59: {  	_ =	shalt  }
0x5a: {  	_ =	shalt  }
0x5b: {  	_ =	shalt  }
0x5c: {  	_ =	shalt  }
0x5d: {  	_ =	shalt  }
0x5e: {  	_ =	shalt  }
0x5f: {  	_ =	shalt  }
0x60: {  	_ =	shalt  }
0x61: {  	_ =	shalt  }
0x62: {  	_ =	shalt  }
0x63: {  	_ =	shalt  }
0x64: {  	_ =	shalt  }
0x65: {  	_ =	shalt  }
0x66: {  	_ =	shalt  }
0x67: {  	_ =	shalt  }
0x68: {  	_ =	shalt  }
0x69: {  	_ =	shalt  }
0x6a: {  	_ =	shalt  }
0x6b: {  	_ =	shalt  }
0x6c: {  	_ =	shalt  }
0x6d: {  	_ =	shalt  }
0x6e: {  	_ =	shalt  }
0x6f: {  	_ =	shalt  }
0x70: {  	_ =	shalt  }
0x71: {  	_ =	shalt  }
0x72: {  	_ =	shalt  }
0x73: {  	_ =	shalt  }
0x74: {  	_ =	shalt  }
0x75: {  	_ =	shalt  }
0x76: {  	_ =	shalt  }
0x77: {  	_ =	shalt  }
0x78: {  	_ =	shalt  }
0x79: {  	_ =	shalt  }
0x7a: {  	_ =	shalt  }
0x7b: {  	_ =	shalt  }
0x7c: {  	_ =	shalt  }
0x7d: {  	_ =	shalt  }
0x7e: {  	_ =	shalt  }
0x7f: {  	_ =	shalt  }
0x80: {  	_ =	shalt  }
0x81: {  	_ =	shalt  }
0x82: {  	_ =	shalt  }
0x83: {  	_ =	shalt  }
0x84: {  	_ =	shalt  }
0x85: {  	_ =	shalt  }
0x86: {  	_ =	shalt  }
0x87: {  	_ =	shalt  }
.Lfunc_end0:
.L_simem_size_0:
called_computation.1_lowered:
.L_overlay_start_0:
0x88: {  	s2 =	sld [smem:$0x3FD9]  }
0x89: {  	s3 =	sld [smem:$0x3FFE];
	_ =	sdelay $0x1  }
0x8a: {  	s1 =	srdreg.scid  }
0x8b: {  	s0 =	sand.u32 $0x1, s1  }
0x8c: {  	s17 =	sshll.u32 s0, $0xA;
	s2 =	sadd.s32 s3, s2  }
0x8d: {  	s2 =	sadd.s32 s2, s17  }
0x8e: {  	[smem:$0x3FC1] =	sst s2  }
0x8f: {  	_ = 	snop  }
0x90: {  	s2 =	sld [smem:$0x3FC8]  }
0x91: {  	s18 =	sld [smem:$0x3FC7]  }
0x92: {  	s4 =	sld [smem:$0x3FC6]  }
0x93: {  	s5 =	sld [smem:$0x3FC5]  }
0x94: {  	s6 =	sld [smem:$0x3FC4]  }
0x95: {  	s7 =	sld [smem:$0x3FC3]  }
0x96: {  	s8 =	sld [smem:$0x3FD0];
	(tm) =	ssettm $0x1  }
0x97: {  	s9 =	sld [smem:$0x3FFB];
	_ =	sdelay $0x3  }
0x98: {  	_ =	strace s9  }
0x99: {  	s9 =	sld [smem:$0x3FFC];
	_ =	sdelay $0x3  }
0x9a: {  	_ =	strace s9  }
0x9b: {  	s9 =	sld [smem:$0x3FFD];
	_ =	sdelay $0x3  }
0x9c: {  	_ =	strace s9  }
0x9d: {  	_ =	strace $0x8FFFFFFF  }
0x9e: {  	s19 =	sld [smem:$0x3FDB];
	_ =	sdelay $0x1  }
0x9f: {  	s10 =	simm.s32 $_scs_section_size  }
0xa0: {  	s11 =	simm.s32 $_size__tile_overlayer_lowered;
	s12 =	simm.s32 $_tile_overlayer_lowered  }
0xa1: {  	s22 =	simm.s32 $0x1BFF;
	s21 =	sshll.u32 s12, $0x1;
	s9 =	sadd.s32 s10, s19  }
0xa2: {  	s13 =	simm.s32 $0x0;
	s20 =	sshll.u32 s11, $0x1;
	s11 =	sadd.s32 s21, s9  }
0xa3: {  	[timem:s13], [sflag:s22] =	dma.local [hbm:s11], s20  }
0xa4: {  	_ =	swait.ge [sflag:s22], s20  }
0xa5: {  	s10 =	ssub.s32 $0x0, s20;
	[sflag:s22] =	ssyncset.done $0x0  }
0xa6: {  	[sflag:s22] =	ssyncadd.s32 s10;
	_ =	sdelay $0x1  }
0xa7: {  	s23 =	simm.s32 $0x1B8B  }
0xa8: {  	_ =	swait.ge [sflag:s23], $0x1  }
0xa9: {  	[sflag:s23] =	ssyncset.done $0x0  }
0xaa: {  	s25 =	simm.s32 $0x1B8E;
	s24 =	sld [smem:$0x3FFE];
	[sflag:s23] =	ssyncadd.s32 $0xFFFFFFFF  }
0xab: {  	s26 =	simm.s32 $execute0_lowered;
	[smem:$0x3FD2] =	sst s25  }
0xac: {  	s11 =	sshll.u32 s26, $0x1;
	_ =	strace $0x80000046;
	[dreg:$0x1] =	wrdreg $0xFFFFFFFF  }
0xad: {  	s28 =	simm.s32 $_size_execute0_lowered;
	s9 =	sadd.s32 s9, s11;
	[dreg:$0x0] =	wrdreg $0x0  }
0xae: {  	s11 =	sshll.u32 s28, $0x1;
	[dreg:$0x2] =	wrdreg s9  }
0xaf: {  	[dreg:$0x3] =	wrdreg s11  }
0xb0: {  	[dreg:$0x4] =	wrdreg $0xC0  }
0xb1: {  	_ =	task [dreg:s13], $0x5FFFF  }
0xb2: {  	[dreg:$0x1] =	wrdreg $0xFFFFFFFF  }
0xb3: {  	[dreg:$0x0] =	wrdreg $0x60  }
0xb4: {  	[dreg:$0x2] =	wrdreg s8  }
0xb5: {  	[dreg:$0x3] =	wrdreg s2  }
0xb6: {  	[dreg:$0x4] =	wrdreg s18  }
0xb7: {  	[dreg:$0x5] =	wrdreg s4  }
0xb8: {  	[dreg:$0x6] =	wrdreg s5  }
0xb9: {  	[dreg:$0x7] =	wrdreg s6  }
0xba: {  	[dreg:$0x8] =	wrdreg s7  }
0xbb: {  	[dreg:$0x9] =	wrdreg s24  }
0xbc: {  	[dreg:$0xa] =	wrdreg $0x9  }
0xbd: {  	_ =	task.clear_ibuf [dreg:s13], $0xBFFFF;
	_ =	strace $0x90000046  }
0xbe: {  	s29 =	simm.s32 $0x9;
	_ =	strace $0x80000048  }
0xbf: {  	_ =	swait.ge [sflag:s29], $0x1  }
0xc0: {  	[sflag:s29] =	ssyncadd.s32 $0xFFFFFFFF  }
0xc1: {  	_ =	strace $0x90000048  }
0xc2: {  	_ =	sfence  }
0xc3: {  	s30 =	sld [smem:$0x0];
	_ =	sdelay $0x2  }
0xc4: {  	s31 =	sshll.u32 s1, $0xD;
	s1 =	sshrl.u32 s1, $0x2  }
0xc5: {  	s3 =	sand.u32 $0x4000, s31;
	s1 =	sadd.s32 s1, s30  }
0xc6: {  	s0 =	sor.u32 s3, s0;
	s1 =	sshll.u32 s1, $0x11  }
0xc7: {  	s0 =	sor.u32 s1, s0  }
0xc8: {  	s0 =	sadd.s32 $0x8F2B, s0  }
0xc9: {  	[sflag:s0] =	ssyncadd.remote.s32 $0x1  }
0xca: {  	_ =	sfence.sel $0xFFFF  }
0xcb: {  	[dreg:$0x0] =	wrdreg $0xFFFFFFFF;
	(pc) =	sbr.abs _section_cstart, $3  }
0xcc: {  	[dreg:$0x1] =	wrdreg $0xFFFFFFFF  }
0xcd: {  	_ =	task.clear_ibuf [dreg:s13], $0x2FFFF;
	_ =	strace $0x9FFFFFFF  }
0xce: {  	(tm) =	ssettm $0x7FFFFFFF  }
0xcf: {  	_ =	shalt  }
tec
execute0_lowered:
.L_overlay_start_1:
0x0: {  	(tag) =	ssettag $0x1  }
0x1: {  	s1 =	rddreg [dreg:$0x0]  }
0x2: {  	s0 =	rddreg [dreg:$0x1]  }
0x3: {  	s2 =	rddreg [dreg:$0x2]  }
0x4: {  	s3 =	rddreg [dreg:$0x3]  }
0x5: {  	s5 =	srdreg.scid;
	s4 =	rddreg [dreg:$0x4]  }
0x6: {  	s6 =	stileid.u32;
	s10 =	rddreg [dreg:$0x7];
	s8 =	sand.u32 $0x1, s5  }
0x7: {  	s28 =	simm.s32 $0x1ADB0;
	s7 =	sshll.u32 s6, $0x4;
	s9 =	sshll.u32 s8, $0x3  }
0x8: {  	s29 =	simm.s32 $0x1BD50;
	s30 =	simm.s32 $0x1CCF0;
	s9 =	sor.u32 s9, s7  }
0x9: {  	s31 =	simm.s32 $0x1;
	s5 =	rddreg [dreg:$0x5];
	s11 =	smul.u32 $0x186A0, s9  }
0xa: {  	s6 =	rddreg [dreg:$0x6];
	s8 =	ssub.s32 $0x2, s8;
	s9 =	smul.u32 $0x30D4, s9  }
0xb: {  	s10 =	sadd.s32 $0x800, s10;
	s7 =	simm.s32 $0x0;
	s12 =	sshrl.u32 s8, $0x1  }
0xc: {  	[smem:$0x7FF] =	sst s7;
	s8 =	ssub.s32 s8, s12;
	s18 =	sadd.s32 s1, s9  }
0xd: {  	s11 =	sshrl.u32 s11, $0x3;
	s9 =	sadd.s32 s10, s9;
	[dreg:$0x9] =	wrdreg s18  }
0xe: {  	s19 =	sadd.s32 $0x30D4, s11;
	[dreg:$0xa] =	wrdreg s9;
	s21 =	sadd.s32 $0x61A8, s11  }
0xf: {  	s23 =	sadd.s32 $0x927C, s11;
	s24 =	sadd.s32 $0xC350, s11;
	s25 =	sadd.s32 $0xF424, s11  }
0x10: {  	s26 =	sadd.s32 $0x124F8, s11;
	s11 =	sadd.s32 $0x155CC, s11;
	s20 =	sadd.s32 s1, s19  }
0x11: {  	s12 =	sadd.s32 s10, s19;
	s22 =	sadd.s32 s1, s21;
	s9 =	sadd.s32 s10, s21  }
0x12: {  	s14 =	sadd.s32 s1, s23;
	s15 =	sadd.s32 s10, s23;
	s16 =	sadd.s32 s1, s24  }
0x13: {  	s17 =	sadd.s32 s10, s24;
	s18 =	sadd.s32 s1, s25;
	[dreg:$0xb] =	wrdreg s20  }
0x14: {  	s21 =	sadd.s32 s1, s26;
	s23 =	sadd.s32 s1, s11;
	[dreg:$0xc] =	wrdreg s12  }
0x15: {  	s24 =	sadd.s32 s10, s11;
	s19 =	simm.s32 $0x2;
	[dreg:$0xd] =	wrdreg s22  }
0x16: {  	s1 =	simm.s32 $0x3;
	[dreg:$0xe] =	wrdreg s9;
	s20 =	sadd.s32 s10, s25  }
0x17: {  	s22 =	sadd.s32 s10, s26;
	s25 =	smax.u32 s8, $0x1;
	s26 =	simm.s32 $0x4  }
0x18: {  	v0 =	vimm.f32 $0.0e+00;
	s8 =	simm.s32 $0x186A0;
	s9 =	simm.s32 $0x0;
	_ =	strace $0x80000047  }
.LBB2_1:
0x19: {  	s10 =	rddreg [dreg:$0x9]  }
0x1a: {  	[tilespmem:s7], [sflag:$0x4] =	stream.linear.gather [hbm4b:s10+s7], $0x186A0, $0x38;
	[tilespmem:$0x1DC90] =	vst v63  }
0x1b: {  	_ =	swait.ge [sflag:s26], $0x186A0  }
0x1c: {  	[sflag:s26] =	ssyncset.done $0x0  }
0x1d: {  	s11 =	simm.s32 $0x0;
	s10 =	simm.s32 $0x40;
	[sflag:s26] =	ssyncadd.s32 $0xFFFE7960  }
.LBB2_2:
0x1e: {  	p0 =	sne.s32 s10, $0x9C00;
	[tilespmem:s11+$0x186A0] =	vst v0;
	s11 =	smov.u32 s10;
	s10 =	sadd.s32 $0x40, s10  }
.Ltmp0:
0x1f: {  	(pc) =	sbr.rel @p0 .LBB2_2-.Ltmp0, $2  }
0x20: {  	_ =	sdelay $0x2  }
0x21: {  	s11 =	sshra.s32 s11, $0x2  }
0x22: {  	[tilespmem:s11+$0x186A0] =	vst v0;
	s11 =	simm.s32 $0x0;
	s12 =	simm.s32 $0x0  }
.LBB2_4:
0x23: {  	s10 =	smul.u32 $0x1F4, s12;
	_ =	sdelay $0x1  }
0x24: {  	s13 =	sadd.s32 s0, s10  }
0x25: {  	[tilespmem:s28], [sflag:$0x1] =	stream.linear.gather [hbm4b:s13+s11], $0xFA0, $0x38;
	[tilespmem:$0x1DC90] =	vst v63  }
0x26: {  	s13 =	sadd.s32 s2, s10  }
0x27: {  	[tilespmem:s29], [sflag:$0x2] =	stream.linear.gather [hbm4b:s13+s11], $0xFA0, $0x38;
	[tilespmem:$0x1DC90] =	vst v63  }
0x28: {  	s10 =	sadd.s32 s3, s10  }
0x29: {  	[tilespmem:s30], [sflag:$0x3] =	stream.linear.gather [hbm4b:s10+s11], $0xFA0, $0x38;
	[tilespmem:$0x1DC90] =	vst v63  }
0x2a: {  	_ =	swait.ge [sflag:s31], $0xFA0  }
0x2b: {  	[sflag:s31] =	ssyncset.done $0x0  }
0x2c: {  	[sflag:s31] =	ssyncadd.s32 $0xFFFFF060  }
0x2d: {  	_ =	swait.ge [sflag:s19], $0xFA0  }
0x2e: {  	[sflag:s19] =	ssyncset.done $0x0  }
0x2f: {  	[sflag:s19] =	ssyncadd.s32 $0xFFFFF060  }
0x30: {  	_ =	swait.ge [sflag:s1], $0xFA0  }
0x31: {  	[sflag:s1] =	ssyncset.done $0x0  }
0x32: {  	s10 =	simm.s32 $0x0;
	[sflag:s1] =	ssyncadd.s32 $0xFFFFF060  }
.LBB2_5:
0x33: {  	s13 =	sshra.s32 s10, $0x2  }
0x34: {  	v1 =	vld [tilespmem:s13+$0x1ADB0];
	_ =	sdelay $0x5  }
0x35: {  	v2 =	vld [tilespmem:s13+$0x1BD50]  }
0x36: {  	v3 =	vld [tilespmem:s13+$0x1CCF0]  }
0x37: {  	v1 =	vld.idx.msk [tilespmem:v1+s7+$0x0], $0xffff;
	_ =	sdelay $0x4  }
0x38: {  	v1 =	vmul.f32 v1, v3;
	_ =	sdelay $0x1  }
0x39: {  	[tilespmem:v2+s8+$0x0] =	vst.idx.add.f32.msk $0xffff, v1  }
0x3a: {  	v1 =	vld [tilespmem:s13+$0x1ADC0];
	_ =	sdelay $0x5  }
0x3b: {  	v2 =	vld [tilespmem:s13+$0x1BD60]  }
0x3c: {  	v3 =	vld [tilespmem:s13+$0x1CD00]  }
0x3d: {  	v1 =	vld.idx.msk [tilespmem:v1+s7+$0x0], $0xffff;
	_ =	sdelay $0x4  }
0x3e: {  	v1 =	vmul.f32 v1, v3;
	_ =	sdelay $0x1  }
0x3f: {  	[tilespmem:v2+s8+$0x0] =	vst.idx.add.f32.msk $0xffff, v1  }
0x40: {  	v1 =	vld [tilespmem:s13+$0x1ADD0];
	_ =	sdelay $0x5  }
0x41: {  	v2 =	vld [tilespmem:s13+$0x1BD70]  }
0x42: {  	v3 =	vld [tilespmem:s13+$0x1CD10]  }
0x43: {  	v1 =	vld.idx.msk [tilespmem:v1+s7+$0x0], $0xffff;
	_ =	sdelay $0x4  }
0x44: {  	v1 =	vmul.f32 v1, v3;
	_ =	sdelay $0x1  }
0x45: {  	[tilespmem:v2+s8+$0x0] =	vst.idx.add.f32.msk $0xffff, v1  }
0x46: {  	v1 =	vld [tilespmem:s13+$0x1ADE0];
	_ =	sdelay $0x5  }
0x47: {  	v2 =	vld [tilespmem:s13+$0x1BD80]  }
0x48: {  	v3 =	vld [tilespmem:s13+$0x1CD20]  }
0x49: {  	v1 =	vld.idx.msk [tilespmem:v1+s7+$0x0], $0xffff;
	_ =	sdelay $0x4  }
0x4a: {  	v1 =	vmul.f32 v1, v3;
	_ =	sdelay $0x1  }
0x4b: {  	[tilespmem:v2+s8+$0x0] =	vst.idx.add.f32.msk $0xffff, v1  }
0x4c: {  	v1 =	vld [tilespmem:s13+$0x1ADF0];
	_ =	sdelay $0x5  }
0x4d: {  	v2 =	vld [tilespmem:s13+$0x1BD90]  }
0x4e: {  	v3 =	vld [tilespmem:s13+$0x1CD30]  }
0x4f: {  	v1 =	vld.idx.msk [tilespmem:v1+s7+$0x0], $0xffff;
	_ =	sdelay $0x4  }
0x50: {  	v1 =	vmul.f32 v1, v3;
	_ =	sdelay $0x1  }
0x51: {  	[tilespmem:v2+s8+$0x0] =	vst.idx.add.f32.msk $0xffff, v1  }
0x52: {  	v1 =	vld [tilespmem:s13+$0x1AE00];
	_ =	sdelay $0x5  }
0x53: {  	v2 =	vld [tilespmem:s13+$0x1BDA0]  }
0x54: {  	v3 =	vld [tilespmem:s13+$0x1CD40]  }
0x55: {  	v1 =	vld.idx.msk [tilespmem:v1+s7+$0x0], $0xffff;
	_ =	sdelay $0x4  }
0x56: {  	v1 =	vmul.f32 v1, v3;
	_ =	sdelay $0x1  }
0x57: {  	[tilespmem:v2+s8+$0x0] =	vst.idx.add.f32.msk $0xffff, v1  }
0x58: {  	v1 =	vld [tilespmem:s13+$0x1AE10];
	_ =	sdelay $0x5  }
0x59: {  	v2 =	vld [tilespmem:s13+$0x1BDB0]  }
0x5a: {  	v3 =	vld [tilespmem:s13+$0x1CD50]  }
0x5b: {  	v1 =	vld.idx.msk [tilespmem:v1+s7+$0x0], $0xffff;
	_ =	sdelay $0x4  }
0x5c: {  	v1 =	vmul.f32 v1, v3;
	_ =	sdelay $0x1  }
0x5d: {  	[tilespmem:v2+s8+$0x0] =	vst.idx.add.f32.msk $0xffff, v1  }
0x5e: {  	v1 =	vld [tilespmem:s13+$0x1AE20];
	_ =	sdelay $0x5  }
0x5f: {  	v2 =	vld [tilespmem:s13+$0x1BDC0]  }
0x60: {  	v3 =	vld [tilespmem:s13+$0x1CD60]  }
0x61: {  	v1 =	vld.idx.msk [tilespmem:v1+s7+$0x0], $0xffff;
	_ =	sdelay $0x4  }
0x62: {  	v1 =	vmul.f32 v1, v3;
	_ =	sdelay $0x1  }
0x63: {  	[tilespmem:v2+s8+$0x0] =	vst.idx.add.f32.msk $0xffff, v1  }
0x64: {  	v1 =	vld [tilespmem:s13+$0x1AE30];
	_ =	sdelay $0x5  }
0x65: {  	v2 =	vld [tilespmem:s13+$0x1BDD0]  }
0x66: {  	v3 =	vld [tilespmem:s13+$0x1CD70]  }
0x67: {  	v1 =	vld.idx.msk [tilespmem:v1+s7+$0x0], $0xffff;
	_ =	sdelay $0x4  }
0x68: {  	v1 =	vmul.f32 v1, v3;
	_ =	sdelay $0x1  }
0x69: {  	[tilespmem:v2+s8+$0x0] =	vst.idx.add.f32.msk $0xffff, v1  }
0x6a: {  	v1 =	vld [tilespmem:s13+$0x1AE40];
	_ =	sdelay $0x5  }
0x6b: {  	v2 =	vld [tilespmem:s13+$0x1BDE0]  }
0x6c: {  	v3 =	vld [tilespmem:s13+$0x1CD80]  }
0x6d: {  	v1 =	vld.idx.msk [tilespmem:v1+s7+$0x0], $0xffff;
	_ =	sdelay $0x1  }
0x6e: {  	p0 =	sne.s32 s10, $0x3C00  }
.Ltmp1:
0x6f: {  	_ = 	snop;
	(pc) =	sbr.rel @p0 .LBB2_5-.Ltmp1, $3  }
0x70: {  	_ = 	snop  }
0x71: {  	v1 =	vmul.f32 v1, v3;
	_ =	sdelay $0x1  }
0x72: {  	s10 =	sadd.s32 $0x280, s10;
	[tilespmem:v2+s8+$0x0] =	vst.idx.add.f32.msk $0xffff, v1  }
0x73: {  	s12 =	sadd.s32 $0x1, s12  }
0x74: {  	p0 =	sne.s32 s12, $0x64  }
.Ltmp2:
0x75: {  	_ = 	snop;
	(pc) =	sbr.rel @p0 .LBB2_4-.Ltmp2, $2  }
0x76: {  	_ =	sdelay $0x2  }
0x77: {  	s10 =	simm.s32 $0x0  }
0x78: {  	s11 =	simm.s32 $0x40;
	s12 =	simm.s32 $0x0  }
.LBB2_8:
0x79: {  	p0 =	sne.s32 s11, $0x61A40;
	[tilespmem:s12+$0x0] =	vst v0;
	s12 =	smov.u32 s11;
	s11 =	sadd.s32 $0x40, s11  }
.Ltmp3:
0x7a: {  	(pc) =	sbr.rel @p0 .LBB2_8-.Ltmp3, $2  }
0x7b: {  	_ =	sdelay $0x2  }
0x7c: {  	s12 =	sshra.s32 s12, $0x2  }
0x7d: {  	[tilespmem:s12+$0x0] =	vst v0  }
.LBB2_10:
0x7e: {  	s12 =	smul.u32 $0x1F4, s10;
	_ =	sdelay $0x1  }
0x7f: {  	s11 =	simm.s32 $0x0;
	s13 =	sadd.s32 s4, s12  }
0x80: {  	[tilespmem:s28], [sflag:$0x1] =	stream.linear.gather [hbm4b:s13+s11], $0xFA0, $0x38;
	[tilespmem:$0x1DC90] =	vst v63  }
0x81: {  	s13 =	sadd.s32 s5, s12  }
0x82: {  	[tilespmem:s29], [sflag:$0x2] =	stream.linear.gather [hbm4b:s13+s11], $0xFA0, $0x38;
	[tilespmem:$0x1DC90] =	vst v63  }
0x83: {  	s12 =	sadd.s32 s6, s12  }
0x84: {  	[tilespmem:s30], [sflag:$0x3] =	stream.linear.gather [hbm4b:s12+s11], $0xFA0, $0x38;
	[tilespmem:$0x1DC90] =	vst v63  }
0x85: {  	_ =	swait.ge [sflag:s31], $0xFA0  }
0x86: {  	[sflag:s31] =	ssyncset.done $0x0  }
0x87: {  	[sflag:s31] =	ssyncadd.s32 $0xFFFFF060  }
0x88: {  	_ =	swait.ge [sflag:s19], $0xFA0  }
0x89: {  	[sflag:s19] =	ssyncset.done $0x0  }
0x8a: {  	[sflag:s19] =	ssyncadd.s32 $0xFFFFF060  }
0x8b: {  	_ =	swait.ge [sflag:s1], $0xFA0  }
0x8c: {  	[sflag:s1] =	ssyncset.done $0x0  }
0x8d: {  	[sflag:s1] =	ssyncadd.s32 $0xFFFFF060  }
.LBB2_11:
0x8e: {  	s12 =	sshra.s32 s11, $0x2  }
0x8f: {  	v1 =	vld [tilespmem:s12+$0x1ADB0];
	_ =	sdelay $0x5  }
0x90: {  	v2 =	vld [tilespmem:s12+$0x1BD50]  }
0x91: {  	v3 =	vld [tilespmem:s12+$0x1CCF0]  }
0x92: {  	v1 =	vld.idx.msk [tilespmem:v1+s8+$0x0], $0xffff;
	_ =	sdelay $0x4  }
0x93: {  	v1 =	vmul.f32 v1, v3;
	_ =	sdelay $0x1  }
0x94: {  	[tilespmem:v2+s7+$0x0] =	vst.idx.add.f32.msk $0xffff, v1  }
0x95: {  	v1 =	vld [tilespmem:s12+$0x1ADC0];
	_ =	sdelay $0x5  }
0x96: {  	v2 =	vld [tilespmem:s12+$0x1BD60]  }
0x97: {  	v3 =	vld [tilespmem:s12+$0x1CD00]  }
0x98: {  	v1 =	vld.idx.msk [tilespmem:v1+s8+$0x0], $0xffff;
	_ =	sdelay $0x4  }
0x99: {  	v1 =	vmul.f32 v1, v3;
	_ =	sdelay $0x1  }
0x9a: {  	[tilespmem:v2+s7+$0x0] =	vst.idx.add.f32.msk $0xffff, v1  }
0x9b: {  	v1 =	vld [tilespmem:s12+$0x1ADD0];
	_ =	sdelay $0x5  }
0x9c: {  	v2 =	vld [tilespmem:s12+$0x1BD70]  }
0x9d: {  	v3 =	vld [tilespmem:s12+$0x1CD10]  }
0x9e: {  	v1 =	vld.idx.msk [tilespmem:v1+s8+$0x0], $0xffff;
	_ =	sdelay $0x4  }
0x9f: {  	v1 =	vmul.f32 v1, v3;
	_ =	sdelay $0x1  }
0xa0: {  	[tilespmem:v2+s7+$0x0] =	vst.idx.add.f32.msk $0xffff, v1  }
0xa1: {  	v1 =	vld [tilespmem:s12+$0x1ADE0];
	_ =	sdelay $0x5  }
0xa2: {  	v2 =	vld [tilespmem:s12+$0x1BD80]  }
0xa3: {  	v3 =	vld [tilespmem:s12+$0x1CD20]  }
0xa4: {  	v1 =	vld.idx.msk [tilespmem:v1+s8+$0x0], $0xffff;
	_ =	sdelay $0x4  }
0xa5: {  	v1 =	vmul.f32 v1, v3;
	_ =	sdelay $0x1  }
0xa6: {  	[tilespmem:v2+s7+$0x0] =	vst.idx.add.f32.msk $0xffff, v1  }
0xa7: {  	v1 =	vld [tilespmem:s12+$0x1ADF0];
	_ =	sdelay $0x5  }
0xa8: {  	v2 =	vld [tilespmem:s12+$0x1BD90]  }
0xa9: {  	v3 =	vld [tilespmem:s12+$0x1CD30]  }
0xaa: {  	v1 =	vld.idx.msk [tilespmem:v1+s8+$0x0], $0xffff;
	_ =	sdelay $0x4  }
0xab: {  	v1 =	vmul.f32 v1, v3;
	_ =	sdelay $0x1  }
0xac: {  	[tilespmem:v2+s7+$0x0] =	vst.idx.add.f32.msk $0xffff, v1  }
0xad: {  	v1 =	vld [tilespmem:s12+$0x1AE00];
	_ =	sdelay $0x5  }
0xae: {  	v2 =	vld [tilespmem:s12+$0x1BDA0]  }
0xaf: {  	v3 =	vld [tilespmem:s12+$0x1CD40]  }
0xb0: {  	v1 =	vld.idx.msk [tilespmem:v1+s8+$0x0], $0xffff;
	_ =	sdelay $0x4  }
0xb1: {  	v1 =	vmul.f32 v1, v3;
	_ =	sdelay $0x1  }
0xb2: {  	[tilespmem:v2+s7+$0x0] =	vst.idx.add.f32.msk $0xffff, v1  }
0xb3: {  	v1 =	vld [tilespmem:s12+$0x1AE10];
	_ =	sdelay $0x5  }
0xb4: {  	v2 =	vld [tilespmem:s12+$0x1BDB0]  }
0xb5: {  	v3 =	vld [tilespmem:s12+$0x1CD50]  }
0xb6: {  	v1 =	vld.idx.msk [tilespmem:v1+s8+$0x0], $0xffff;
	_ =	sdelay $0x4  }
0xb7: {  	v1 =	vmul.f32 v1, v3;
	_ =	sdelay $0x1  }
0xb8: {  	[tilespmem:v2+s7+$0x0] =	vst.idx.add.f32.msk $0xffff, v1  }
0xb9: {  	v1 =	vld [tilespmem:s12+$0x1AE20];
	_ =	sdelay $0x5  }
0xba: {  	v2 =	vld [tilespmem:s12+$0x1BDC0]  }
0xbb: {  	v3 =	vld [tilespmem:s12+$0x1CD60]  }
0xbc: {  	v1 =	vld.idx.msk [tilespmem:v1+s8+$0x0], $0xffff;
	_ =	sdelay $0x4  }
0xbd: {  	v1 =	vmul.f32 v1, v3;
	_ =	sdelay $0x1  }
0xbe: {  	[tilespmem:v2+s7+$0x0] =	vst.idx.add.f32.msk $0xffff, v1  }
0xbf: {  	v1 =	vld [tilespmem:s12+$0x1AE30];
	_ =	sdelay $0x5  }
0xc0: {  	v2 =	vld [tilespmem:s12+$0x1BDD0]  }
0xc1: {  	v3 =	vld [tilespmem:s12+$0x1CD70]  }
0xc2: {  	v1 =	vld.idx.msk [tilespmem:v1+s8+$0x0], $0xffff;
	_ =	sdelay $0x4  }
0xc3: {  	v1 =	vmul.f32 v1, v3;
	_ =	sdelay $0x1  }
0xc4: {  	[tilespmem:v2+s7+$0x0] =	vst.idx.add.f32.msk $0xffff, v1  }
0xc5: {  	v1 =	vld [tilespmem:s12+$0x1AE40];
	_ =	sdelay $0x5  }
0xc6: {  	v2 =	vld [tilespmem:s12+$0x1BDE0]  }
0xc7: {  	v3 =	vld [tilespmem:s12+$0x1CD80]  }
0xc8: {  	v1 =	vld.idx.msk [tilespmem:v1+s8+$0x0], $0xffff;
	_ =	sdelay $0x1  }
0xc9: {  	p0 =	sne.s32 s11, $0x3C00  }
.Ltmp4:
0xca: {  	_ = 	snop;
	(pc) =	sbr.rel @p0 .LBB2_11-.Ltmp4, $3  }
0xcb: {  	_ = 	snop  }
0xcc: {  	v1 =	vmul.f32 v1, v3;
	_ =	sdelay $0x1  }
0xcd: {  	s11 =	sadd.s32 $0x280, s11;
	[tilespmem:v2+s7+$0x0] =	vst.idx.add.f32.msk $0xffff, v1  }
0xce: {  	s10 =	sadd.s32 $0x1, s10  }
0xcf: {  	p0 =	sne.s32 s10, $0x64  }
.Ltmp5:
0xd0: {  	_ = 	snop;
	(pc) =	sbr.rel @p0 .LBB2_10-.Ltmp5, $1  }
0xd1: {  	_ =	sdelay $0x3  }
0xd2: {  	s10 =	simm.s32 $0x0;
	s11 =	rddreg [dreg:$0xa]  }
0xd3: {  	[hbm4b:s11+s10] =	stream.linear.scatter [tilespmem:s10], [sflag:$0x4], $0x186A0, $0x38;
	[tilespmem:$0x1DC90] =	vst v63  }
0xd4: {  	_ =	swait.ge [sflag:s26], $0x186A0  }
0xd5: {  	[sflag:s26] =	ssyncset.done $0x0  }
0xd6: {  	s13 =	rddreg [dreg:$0xb];
	[sflag:s26] =	ssyncadd.s32 $0xFFFE7960  }
0xd7: {  	[tilespmem:s10], [sflag:$0x4] =	stream.linear.gather [hbm4b:s13+s10], $0x186A0, $0x38;
	[tilespmem:$0x1DC90] =	vst v63  }
0xd8: {  	_ =	swait.ge [sflag:s26], $0x186A0  }
0xd9: {  	[sflag:s26] =	ssyncset.done $0x0  }
0xda: {  	s12 =	simm.s32 $0x0;
	s11 =	simm.s32 $0x40;
	[sflag:s26] =	ssyncadd.s32 $0xFFFE7960  }
.LBB2_14:
0xdb: {  	p0 =	sne.s32 s11, $0x9C00;
	[tilespmem:s12+$0x186A0] =	vst v0;
	s12 =	smov.u32 s11;
	s11 =	sadd.s32 $0x40, s11  }
.Ltmp6:
0xdc: {  	(pc) =	sbr.rel @p0 .LBB2_14-.Ltmp6, $2  }
0xdd: {  	_ =	sdelay $0x2  }
0xde: {  	s12 =	sshra.s32 s12, $0x2  }
0xdf: {  	[tilespmem:s12+$0x186A0] =	vst v0  }
.LBB2_16:
0xe0: {  	s12 =	smul.u32 $0x1F4, s10;
	_ =	sdelay $0x1  }
0xe1: {  	s11 =	simm.s32 $0x0;
	s13 =	sadd.s32 s0, s12  }
0xe2: {  	[tilespmem:s28], [sflag:$0x1] =	stream.linear.gather [hbm4b:s13+s11], $0xFA0, $0x38;
	[tilespmem:$0x1DC90] =	vst v63  }
0xe3: {  	s13 =	sadd.s32 s2, s12  }
0xe4: {  	[tilespmem:s29], [sflag:$0x2] =	stream.linear.gather [hbm4b:s13+s11], $0xFA0, $0x38;
	[tilespmem:$0x1DC90] =	vst v63  }
0xe5: {  	s12 =	sadd.s32 s3, s12  }
0xe6: {  	[tilespmem:s30], [sflag:$0x3] =	stream.linear.gather [hbm4b:s12+s11], $0xFA0, $0x38;
	[tilespmem:$0x1DC90] =	vst v63  }
0xe7: {  	_ =	swait.ge [sflag:s31], $0xFA0  }
0xe8: {  	[sflag:s31] =	ssyncset.done $0x0  }
0xe9: {  	[sflag:s31] =	ssyncadd.s32 $0xFFFFF060  }
0xea: {  	_ =	swait.ge [sflag:s19], $0xFA0  }
0xeb: {  	[sflag:s19] =	ssyncset.done $0x0  }
0xec: {  	[sflag:s19] =	ssyncadd.s32 $0xFFFFF060  }
0xed: {  	_ =	swait.ge [sflag:s1], $0xFA0  }
0xee: {  	[sflag:s1] =	ssyncset.done $0x0  }
0xef: {  	[sflag:s1] =	ssyncadd.s32 $0xFFFFF060  }
.LBB2_17:
0xf0: {  	s12 =	sshra.s32 s11, $0x2  }
0xf1: {  	v1 =	vld [tilespmem:s12+$0x1ADB0];
	_ =	sdelay $0x5  }
0xf2: {  	v2 =	vld [tilespmem:s12+$0x1BD50]  }
0xf3: {  	v3 =	vld [tilespmem:s12+$0x1CCF0]  }
0xf4: {  	v1 =	vld.idx.msk [tilespmem:v1+s7+$0x0], $0xffff;
	_ =	sdelay $0x4  }
0xf5: {  	v1 =	vmul.f32 v1, v3;
	_ =	sdelay $0x1  }
0xf6: {  	[tilespmem:v2+s8+$0x0] =	vst.idx.add.f32.msk $0xffff, v1  }
0xf7: {  	v1 =	vld [tilespmem:s12+$0x1ADC0];
	_ =	sdelay $0x5  }
0xf8: {  	v2 =	vld [tilespmem:s12+$0x1BD60]  }
0xf9: {  	v3 =	vld [tilespmem:s12+$0x1CD00]  }
0xfa: {  	v1 =	vld.idx.msk [tilespmem:v1+s7+$0x0], $0xffff;
	_ =	sdelay $0x4  }
0xfb: {  	v1 =	vmul.f32 v1, v3;
	_ =	sdelay $0x1  }
0xfc: {  	[tilespmem:v2+s8+$0x0] =	vst.idx.add.f32.msk $0xffff, v1  }
0xfd: {  	v1 =	vld [tilespmem:s12+$0x1ADD0];
	_ =	sdelay $0x5  }
0xfe: {  	v2 =	vld [tilespmem:s12+$0x1BD70]  }
0xff: {  	v3 =	vld [tilespmem:s12+$0x1CD10]  }
0x100: {  	v1 =	vld.idx.msk [tilespmem:v1+s7+$0x0], $0xffff;
	_ =	sdelay $0x4  }
0x101: {  	v1 =	vmul.f32 v1, v3;
	_ =	sdelay $0x1  }
0x102: {  	[tilespmem:v2+s8+$0x0] =	vst.idx.add.f32.msk $0xffff, v1  }
0x103: {  	v1 =	vld [tilespmem:s12+$0x1ADE0];
	_ =	sdelay $0x5  }
0x104: {  	v2 =	vld [tilespmem:s12+$0x1BD80]  }
0x105: {  	v3 =	vld [tilespmem:s12+$0x1CD20]  }
0x106: {  	v1 =	vld.idx.msk [tilespmem:v1+s7+$0x0], $0xffff;
	_ =	sdelay $0x4  }
0x107: {  	v1 =	vmul.f32 v1, v3;
	_ =	sdelay $0x1  }
0x108: {  	[tilespmem:v2+s8+$0x0] =	vst.idx.add.f32.msk $0xffff, v1  }
0x109: {  	v1 =	vld [tilespmem:s12+$0x1ADF0];
	_ =	sdelay $0x5  }
0x10a: {  	v2 =	vld [tilespmem:s12+$0x1BD90]  }
0x10b: {  	v3 =	vld [tilespmem:s12+$0x1CD30]  }
0x10c: {  	v1 =	vld.idx.msk [tilespmem:v1+s7+$0x0], $0xffff;
	_ =	sdelay $0x4  }
0x10d: {  	v1 =	vmul.f32 v1, v3;
	_ =	sdelay $0x1  }
0x10e: {  	[tilespmem:v2+s8+$0x0] =	vst.idx.add.f32.msk $0xffff, v1  }
0x10f: {  	v1 =	vld [tilespmem:s12+$0x1AE00];
	_ =	sdelay $0x5  }
0x110: {  	v2 =	vld [tilespmem:s12+$0x1BDA0]  }
0x111: {  	v3 =	vld [tilespmem:s12+$0x1CD40]  }
0x112: {  	v1 =	vld.idx.msk [tilespmem:v1+s7+$0x0], $0xffff;
	_ =	sdelay $0x4  }
0x113: {  	v1 =	vmul.f32 v1, v3;
	_ =	sdelay $0x1  }
0x114: {  	[tilespmem:v2+s8+$0x0] =	vst.idx.add.f32.msk $0xffff, v1  }
0x115: {  	v1 =	vld [tilespmem:s12+$0x1AE10];
	_ =	sdelay $0x5  }
0x116: {  	v2 =	vld [tilespmem:s12+$0x1BDB0]  }
0x117: {  	v3 =	vld [tilespmem:s12+$0x1CD50]  }
0x118: {  	v1 =	vld.idx.msk [tilespmem:v1+s7+$0x0], $0xffff;
	_ =	sdelay $0x4  }
0x119: {  	v1 =	vmul.f32 v1, v3;
	_ =	sdelay $0x1  }
0x11a: {  	[tilespmem:v2+s8+$0x0] =	vst.idx.add.f32.msk $0xffff, v1  }
0x11b: {  	v1 =	vld [tilespmem:s12+$0x1AE20];
	_ =	sdelay $0x5  }
0x11c: {  	v2 =	vld [tilespmem:s12+$0x1BDC0]  }
0x11d: {  	v3 =	vld [tilespmem:s12+$0x1CD60]  }
0x11e: {  	v1 =	vld.idx.msk [tilespmem:v1+s7+$0x0], $0xffff;
	_ =	sdelay $0x4  }
0x11f: {  	v1 =	vmul.f32 v1, v3;
	_ =	sdelay $0x1  }
0x120: {  	[tilespmem:v2+s8+$0x0] =	vst.idx.add.f32.msk $0xffff, v1  }
0x121: {  	v1 =	vld [tilespmem:s12+$0x1AE30];
	_ =	sdelay $0x5  }
0x122: {  	v2 =	vld [tilespmem:s12+$0x1BDD0]  }
0x123: {  	v3 =	vld [tilespmem:s12+$0x1CD70]  }
0x124: {  	v1 =	vld.idx.msk [tilespmem:v1+s7+$0x0], $0xffff;
	_ =	sdelay $0x4  }
0x125: {  	v1 =	vmul.f32 v1, v3;
	_ =	sdelay $0x1  }
0x126: {  	[tilespmem:v2+s8+$0x0] =	vst.idx.add.f32.msk $0xffff, v1  }
0x127: {  	v1 =	vld [tilespmem:s12+$0x1AE40];
	_ =	sdelay $0x5  }
0x128: {  	v2 =	vld [tilespmem:s12+$0x1BDE0]  }
0x129: {  	v3 =	vld [tilespmem:s12+$0x1CD80]  }
0x12a: {  	v1 =	vld.idx.msk [tilespmem:v1+s7+$0x0], $0xffff;
	_ =	sdelay $0x1  }
0x12b: {  	p0 =	sne.s32 s11, $0x3C00  }
.Ltmp7:
0x12c: {  	_ = 	snop;
	(pc) =	sbr.rel @p0 .LBB2_17-.Ltmp7, $3  }
0x12d: {  	_ = 	snop  }
0x12e: {  	v1 =	vmul.f32 v1, v3;
	_ =	sdelay $0x1  }
0x12f: {  	s11 =	sadd.s32 $0x280, s11;
	[tilespmem:v2+s8+$0x0] =	vst.idx.add.f32.msk $0xffff, v1  }
0x130: {  	s10 =	sadd.s32 $0x1, s10  }
0x131: {  	p0 =	sne.s32 s10, $0x64  }
.Ltmp8:
0x132: {  	_ = 	snop;
	(pc) =	sbr.rel @p0 .LBB2_16-.Ltmp8, $2  }
0x133: {  	_ =	sdelay $0x2  }
0x134: {  	s11 =	simm.s32 $0x0  }
0x135: {  	s10 =	simm.s32 $0x40;
	s12 =	simm.s32 $0x0  }
.LBB2_20:
0x136: {  	p0 =	sne.s32 s10, $0x61A40;
	[tilespmem:s12+$0x0] =	vst v0;
	s12 =	smov.u32 s10;
	s10 =	sadd.s32 $0x40, s10  }
.Ltmp9:
0x137: {  	(pc) =	sbr.rel @p0 .LBB2_20-.Ltmp9, $2  }
0x138: {  	_ =	sdelay $0x2  }
0x139: {  	s12 =	sshra.s32 s12, $0x2  }
0x13a: {  	[tilespmem:s12+$0x0] =	vst v0  }
.LBB2_22:
0x13b: {  	s12 =	smul.u32 $0x1F4, s11;
	_ =	sdelay $0x1  }
0x13c: {  	s10 =	simm.s32 $0x0;
	s13 =	sadd.s32 s4, s12  }
0x13d: {  	[tilespmem:s28], [sflag:$0x1] =	stream.linear.gather [hbm4b:s13+s10], $0xFA0, $0x38;
	[tilespmem:$0x1DC90] =	vst v63  }
0x13e: {  	s13 =	sadd.s32 s5, s12  }
0x13f: {  	[tilespmem:s29], [sflag:$0x2] =	stream.linear.gather [hbm4b:s13+s10], $0xFA0, $0x38;
	[tilespmem:$0x1DC90] =	vst v63  }
0x140: {  	s12 =	sadd.s32 s6, s12  }
0x141: {  	[tilespmem:s30], [sflag:$0x3] =	stream.linear.gather [hbm4b:s12+s10], $0xFA0, $0x38;
	[tilespmem:$0x1DC90] =	vst v63  }
0x142: {  	_ =	swait.ge [sflag:s31], $0xFA0  }
0x143: {  	[sflag:s31] =	ssyncset.done $0x0  }
0x144: {  	[sflag:s31] =	ssyncadd.s32 $0xFFFFF060  }
0x145: {  	_ =	swait.ge [sflag:s19], $0xFA0  }
0x146: {  	[sflag:s19] =	ssyncset.done $0x0  }
0x147: {  	[sflag:s19] =	ssyncadd.s32 $0xFFFFF060  }
0x148: {  	_ =	swait.ge [sflag:s1], $0xFA0  }
0x149: {  	[sflag:s1] =	ssyncset.done $0x0  }
0x14a: {  	[sflag:s1] =	ssyncadd.s32 $0xFFFFF060  }
.LBB2_23:
0x14b: {  	s12 =	sshra.s32 s10, $0x2  }
0x14c: {  	v1 =	vld [tilespmem:s12+$0x1ADB0];
	_ =	sdelay $0x5  }
0x14d: {  	v2 =	vld [tilespmem:s12+$0x1BD50]  }
0x14e: {  	v3 =	vld [tilespmem:s12+$0x1CCF0]  }
0x14f: {  	v1 =	vld.idx.msk [tilespmem:v1+s8+$0x0], $0xffff;
	_ =	sdelay $0x4  }
0x150: {  	v1 =	vmul.f32 v1, v3;
	_ =	sdelay $0x1  }
0x151: {  	[tilespmem:v2+s7+$0x0] =	vst.idx.add.f32.msk $0xffff, v1  }
0x152: {  	v1 =	vld [tilespmem:s12+$0x1ADC0];
	_ =	sdelay $0x5  }
0x153: {  	v2 =	vld [tilespmem:s12+$0x1BD60]  }
0x154: {  	v3 =	vld [tilespmem:s12+$0x1CD00]  }
0x155: {  	v1 =	vld.idx.msk [tilespmem:v1+s8+$0x0], $0xffff;
	_ =	sdelay $0x4  }
0x156: {  	v1 =	vmul.f32 v1, v3;
	_ =	sdelay $0x1  }
0x157: {  	[tilespmem:v2+s7+$0x0] =	vst.idx.add.f32.msk $0xffff, v1  }
0x158: {  	v1 =	vld [tilespmem:s12+$0x1ADD0];
	_ =	sdelay $0x5  }
0x159: {  	v2 =	vld [tilespmem:s12+$0x1BD70]  }
0x15a: {  	v3 =	vld [tilespmem:s12+$0x1CD10]  }
0x15b: {  	v1 =	vld.idx.msk [tilespmem:v1+s8+$0x0], $0xffff;
	_ =	sdelay $0x4  }
0x15c: {  	v1 =	vmul.f32 v1, v3;
	_ =	sdelay $0x1  }
0x15d: {  	[tilespmem:v2+s7+$0x0] =	vst.idx.add.f32.msk $0xffff, v1  }
0x15e: {  	v1 =	vld [tilespmem:s12+$0x1ADE0];
	_ =	sdelay $0x5  }
0x15f: {  	v2 =	vld [tilespmem:s12+$0x1BD80]  }
0x160: {  	v3 =	vld [tilespmem:s12+$0x1CD20]  }
0x161: {  	v1 =	vld.idx.msk [tilespmem:v1+s8+$0x0], $0xffff;
	_ =	sdelay $0x4  }
0x162: {  	v1 =	vmul.f32 v1, v3;
	_ =	sdelay $0x1  }
0x163: {  	[tilespmem:v2+s7+$0x0] =	vst.idx.add.f32.msk $0xffff, v1  }
0x164: {  	v1 =	vld [tilespmem:s12+$0x1ADF0];
	_ =	sdelay $0x5  }
0x165: {  	v2 =	vld [tilespmem:s12+$0x1BD90]  }
0x166: {  	v3 =	vld [tilespmem:s12+$0x1CD30]  }
0x167: {  	v1 =	vld.idx.msk [tilespmem:v1+s8+$0x0], $0xffff;
	_ =	sdelay $0x4  }
0x168: {  	v1 =	vmul.f32 v1, v3;
	_ =	sdelay $0x1  }
0x169: {  	[tilespmem:v2+s7+$0x0] =	vst.idx.add.f32.msk $0xffff, v1  }
0x16a: {  	v1 =	vld [tilespmem:s12+$0x1AE00];
	_ =	sdelay $0x5  }
0x16b: {  	v2 =	vld [tilespmem:s12+$0x1BDA0]  }
0x16c: {  	v3 =	vld [tilespmem:s12+$0x1CD40]  }
0x16d: {  	v1 =	vld.idx.msk [tilespmem:v1+s8+$0x0], $0xffff;
	_ =	sdelay $0x4  }
0x16e: {  	v1 =	vmul.f32 v1, v3;
	_ =	sdelay $0x1  }
0x16f: {  	[tilespmem:v2+s7+$0x0] =	vst.idx.add.f32.msk $0xffff, v1  }
0x170: {  	v1 =	vld [tilespmem:s12+$0x1AE10];
	_ =	sdelay $0x5  }
0x171: {  	v2 =	vld [tilespmem:s12+$0x1BDB0]  }
0x172: {  	v3 =	vld [tilespmem:s12+$0x1CD50]  }
0x173: {  	v1 =	vld.idx.msk [tilespmem:v1+s8+$0x0], $0xffff;
	_ =	sdelay $0x4  }
0x174: {  	v1 =	vmul.f32 v1, v3;
	_ =	sdelay $0x1  }
0x175: {  	[tilespmem:v2+s7+$0x0] =	vst.idx.add.f32.msk $0xffff, v1  }
0x176: {  	v1 =	vld [tilespmem:s12+$0x1AE20];
	_ =	sdelay $0x5  }
0x177: {  	v2 =	vld [tilespmem:s12+$0x1BDC0]  }
0x178: {  	v3 =	vld [tilespmem:s12+$0x1CD60]  }
0x179: {  	v1 =	vld.idx.msk [tilespmem:v1+s8+$0x0], $0xffff;
	_ =	sdelay $0x4  }
0x17a: {  	v1 =	vmul.f32 v1, v3;
	_ =	sdelay $0x1  }
0x17b: {  	[tilespmem:v2+s7+$0x0] =	vst.idx.add.f32.msk $0xffff, v1  }
0x17c: {  	v1 =	vld [tilespmem:s12+$0x1AE30];
	_ =	sdelay $0x5  }
0x17d: {  	v2 =	vld [tilespmem:s12+$0x1BDD0]  }
0x17e: {  	v3 =	vld [tilespmem:s12+$0x1CD70]  }
0x17f: {  	v1 =	vld.idx.msk [tilespmem:v1+s8+$0x0], $0xffff;
	_ =	sdelay $0x4  }
0x180: {  	v1 =	vmul.f32 v1, v3;
	_ =	sdelay $0x1  }
0x181: {  	[tilespmem:v2+s7+$0x0] =	vst.idx.add.f32.msk $0xffff, v1  }
0x182: {  	v1 =	vld [tilespmem:s12+$0x1AE40];
	_ =	sdelay $0x5  }
0x183: {  	v2 =	vld [tilespmem:s12+$0x1BDE0]  }
0x184: {  	v3 =	vld [tilespmem:s12+$0x1CD80]  }
0x185: {  	v1 =	vld.idx.msk [tilespmem:v1+s8+$0x0], $0xffff;
	_ =	sdelay $0x1  }
0x186: {  	p0 =	sne.s32 s10, $0x3C00  }
.Ltmp10:
0x187: {  	_ = 	snop;
	(pc) =	sbr.rel @p0 .LBB2_23-.Ltmp10, $3  }
0x188: {  	_ = 	snop  }
0x189: {  	v1 =	vmul.f32 v1, v3;
	_ =	sdelay $0x1  }
0x18a: {  	s10 =	sadd.s32 $0x280, s10;
	[tilespmem:v2+s7+$0x0] =	vst.idx.add.f32.msk $0xffff, v1  }
0x18b: {  	s11 =	sadd.s32 $0x1, s11  }
0x18c: {  	p0 =	sne.s32 s11, $0x64  }
.Ltmp11:
0x18d: {  	_ = 	snop;
	(pc) =	sbr.rel @p0 .LBB2_22-.Ltmp11, $1  }
0x18e: {  	_ =	sdelay $0x3  }
0x18f: {  	s10 =	simm.s32 $0x0;
	s11 =	rddreg [dreg:$0xc]  }
0x190: {  	[hbm4b:s11+s10] =	stream.linear.scatter [tilespmem:s10], [sflag:$0x4], $0x186A0, $0x38;
	[tilespmem:$0x1DC90] =	vst v63  }
0x191: {  	_ =	swait.ge [sflag:s26], $0x186A0  }
0x192: {  	[sflag:s26] =	ssyncset.done $0x0  }
0x193: {  	s13 =	rddreg [dreg:$0xd];
	[sflag:s26] =	ssyncadd.s32 $0xFFFE7960  }
0x194: {  	[tilespmem:s10], [sflag:$0x4] =	stream.linear.gather [hbm4b:s13+s10], $0x186A0, $0x38;
	[tilespmem:$0x1DC90] =	vst v63  }
0x195: {  	_ =	swait.ge [sflag:s26], $0x186A0  }
0x196: {  	[sflag:s26] =	ssyncset.done $0x0  }
0x197: {  	s12 =	simm.s32 $0x0;
	s11 =	simm.s32 $0x40;
	[sflag:s26] =	ssyncadd.s32 $0xFFFE7960  }
.LBB2_26:
0x198: {  	p0 =	sne.s32 s11, $0x9C00;
	[tilespmem:s12+$0x186A0] =	vst v0;
	s12 =	smov.u32 s11;
	s11 =	sadd.s32 $0x40, s11  }
.Ltmp12:
0x199: {  	(pc) =	sbr.rel @p0 .LBB2_26-.Ltmp12, $2  }
0x19a: {  	_ =	sdelay $0x2  }
0x19b: {  	s12 =	sshra.s32 s12, $0x2  }
0x19c: {  	[tilespmem:s12+$0x186A0] =	vst v0  }
.LBB2_28:
0x19d: {  	s12 =	smul.u32 $0x1F4, s10;
	_ =	sdelay $0x1  }
0x19e: {  	s11 =	simm.s32 $0x0;
	s13 =	sadd.s32 s0, s12  }
0x19f: {  	[tilespmem:s28], [sflag:$0x1] =	stream.linear.gather [hbm4b:s13+s11], $0xFA0, $0x38;
	[tilespmem:$0x1DC90] =	vst v63  }
0x1a0: {  	s13 =	sadd.s32 s2, s12  }
0x1a1: {  	[tilespmem:s29], [sflag:$0x2] =	stream.linear.gather [hbm4b:s13+s11], $0xFA0, $0x38;
	[tilespmem:$0x1DC90] =	vst v63  }
0x1a2: {  	s12 =	sadd.s32 s3, s12  }
0x1a3: {  	[tilespmem:s30], [sflag:$0x3] =	stream.linear.gather [hbm4b:s12+s11], $0xFA0, $0x38;
	[tilespmem:$0x1DC90] =	vst v63  }
0x1a4: {  	_ =	swait.ge [sflag:s31], $0xFA0  }
0x1a5: {  	[sflag:s31] =	ssyncset.done $0x0  }
0x1a6: {  	[sflag:s31] =	ssyncadd.s32 $0xFFFFF060  }
0x1a7: {  	_ =	swait.ge [sflag:s19], $0xFA0  }
0x1a8: {  	[sflag:s19] =	ssyncset.done $0x0  }
0x1a9: {  	[sflag:s19] =	ssyncadd.s32 $0xFFFFF060  }
0x1aa: {  	_ =	swait.ge [sflag:s1], $0xFA0  }
0x1ab: {  	[sflag:s1] =	ssyncset.done $0x0  }
0x1ac: {  	[sflag:s1] =	ssyncadd.s32 $0xFFFFF060  }
.LBB2_29:
0x1ad: {  	s12 =	sshra.s32 s11, $0x2  }
0x1ae: {  	v1 =	vld [tilespmem:s12+$0x1ADB0];
	_ =	sdelay $0x5  }
0x1af: {  	v2 =	vld [tilespmem:s12+$0x1BD50]  }
0x1b0: {  	v3 =	vld [tilespmem:s12+$0x1CCF0]  }
0x1b1: {  	v1 =	vld.idx.msk [tilespmem:v1+s7+$0x0], $0xffff;
	_ =	sdelay $0x4  }
0x1b2: {  	v1 =	vmul.f32 v1, v3;
	_ =	sdelay $0x1  }
0x1b3: {  	[tilespmem:v2+s8+$0x0] =	vst.idx.add.f32.msk $0xffff, v1  }
0x1b4: {  	v1 =	vld [tilespmem:s12+$0x1ADC0];
	_ =	sdelay $0x5  }
0x1b5: {  	v2 =	vld [tilespmem:s12+$0x1BD60]  }
0x1b6: {  	v3 =	vld [tilespmem:s12+$0x1CD00]  }
0x1b7: {  	v1 =	vld.idx.msk [tilespmem:v1+s7+$0x0], $0xffff;
	_ =	sdelay $0x4  }
0x1b8: {  	v1 =	vmul.f32 v1, v3;
	_ =	sdelay $0x1  }
0x1b9: {  	[tilespmem:v2+s8+$0x0] =	vst.idx.add.f32.msk $0xffff, v1  }
0x1ba: {  	v1 =	vld [tilespmem:s12+$0x1ADD0];
	_ =	sdelay $0x5  }
0x1bb: {  	v2 =	vld [tilespmem:s12+$0x1BD70]  }
0x1bc: {  	v3 =	vld [tilespmem:s12+$0x1CD10]  }
0x1bd: {  	v1 =	vld.idx.msk [tilespmem:v1+s7+$0x0], $0xffff;
	_ =	sdelay $0x4  }
0x1be: {  	v1 =	vmul.f32 v1, v3;
	_ =	sdelay $0x1  }
0x1bf: {  	[tilespmem:v2+s8+$0x0] =	vst.idx.add.f32.msk $0xffff, v1  }
0x1c0: {  	v1 =	vld [tilespmem:s12+$0x1ADE0];
	_ =	sdelay $0x5  }
0x1c1: {  	v2 =	vld [tilespmem:s12+$0x1BD80]  }
0x1c2: {  	v3 =	vld [tilespmem:s12+$0x1CD20]  }
0x1c3: {  	v1 =	vld.idx.msk [tilespmem:v1+s7+$0x0], $0xffff;
	_ =	sdelay $0x4  }
0x1c4: {  	v1 =	vmul.f32 v1, v3;
	_ =	sdelay $0x1  }
0x1c5: {  	[tilespmem:v2+s8+$0x0] =	vst.idx.add.f32.msk $0xffff, v1  }
0x1c6: {  	v1 =	vld [tilespmem:s12+$0x1ADF0];
	_ =	sdelay $0x5  }
0x1c7: {  	v2 =	vld [tilespmem:s12+$0x1BD90]  }
0x1c8: {  	v3 =	vld [tilespmem:s12+$0x1CD30]  }
0x1c9: {  	v1 =	vld.idx.msk [tilespmem:v1+s7+$0x0], $0xffff;
	_ =	sdelay $0x4  }
0x1ca: {  	v1 =	vmul.f32 v1, v3;
	_ =	sdelay $0x1  }
0x1cb: {  	[tilespmem:v2+s8+$0x0] =	vst.idx.add.f32.msk $0xffff, v1  }
0x1cc: {  	v1 =	vld [tilespmem:s12+$0x1AE00];
	_ =	sdelay $0x5  }
0x1cd: {  	v2 =	vld [tilespmem:s12+$0x1BDA0]  }
0x1ce: {  	v3 =	vld [tilespmem:s12+$0x1CD40]  }
0x1cf: {  	v1 =	vld.idx.msk [tilespmem:v1+s7+$0x0], $0xffff;
	_ =	sdelay $0x4  }
0x1d0: {  	v1 =	vmul.f32 v1, v3;
	_ =	sdelay $0x1  }
0x1d1: {  	[tilespmem:v2+s8+$0x0] =	vst.idx.add.f32.msk $0xffff, v1  }
0x1d2: {  	v1 =	vld [tilespmem:s12+$0x1AE10];
	_ =	sdelay $0x5  }
0x1d3: {  	v2 =	vld [tilespmem:s12+$0x1BDB0]  }
0x1d4: {  	v3 =	vld [tilespmem:s12+$0x1CD50]  }
0x1d5: {  	v1 =	vld.idx.msk [tilespmem:v1+s7+$0x0], $0xffff;
	_ =	sdelay $0x4  }
0x1d6: {  	v1 =	vmul.f32 v1, v3;
	_ =	sdelay $0x1  }
0x1d7: {  	[tilespmem:v2+s8+$0x0] =	vst.idx.add.f32.msk $0xffff, v1  }
0x1d8: {  	v1 =	vld [tilespmem:s12+$0x1AE20];
	_ =	sdelay $0x5  }
0x1d9: {  	v2 =	vld [tilespmem:s12+$0x1BDC0]  }
0x1da: {  	v3 =	vld [tilespmem:s12+$0x1CD60]  }
0x1db: {  	v1 =	vld.idx.msk [tilespmem:v1+s7+$0x0], $0xffff;
	_ =	sdelay $0x4  }
0x1dc: {  	v1 =	vmul.f32 v1, v3;
	_ =	sdelay $0x1  }
0x1dd: {  	[tilespmem:v2+s8+$0x0] =	vst.idx.add.f32.msk $0xffff, v1  }
0x1de: {  	v1 =	vld [tilespmem:s12+$0x1AE30];
	_ =	sdelay $0x5  }
0x1df: {  	v2 =	vld [tilespmem:s12+$0x1BDD0]  }
0x1e0: {  	v3 =	vld [tilespmem:s12+$0x1CD70]  }
0x1e1: {  	v1 =	vld.idx.msk [tilespmem:v1+s7+$0x0], $0xffff;
	_ =	sdelay $0x4  }
0x1e2: {  	v1 =	vmul.f32 v1, v3;
	_ =	sdelay $0x1  }
0x1e3: {  	[tilespmem:v2+s8+$0x0] =	vst.idx.add.f32.msk $0xffff, v1  }
0x1e4: {  	v1 =	vld [tilespmem:s12+$0x1AE40];
	_ =	sdelay $0x5  }
0x1e5: {  	v2 =	vld [tilespmem:s12+$0x1BDE0]  }
0x1e6: {  	v3 =	vld [tilespmem:s12+$0x1CD80]  }
0x1e7: {  	v1 =	vld.idx.msk [tilespmem:v1+s7+$0x0], $0xffff;
	_ =	sdelay $0x1  }
0x1e8: {  	p0 =	sne.s32 s11, $0x3C00  }
.Ltmp13:
0x1e9: {  	_ = 	snop;
	(pc) =	sbr.rel @p0 .LBB2_29-.Ltmp13, $3  }
0x1ea: {  	_ = 	snop  }
0x1eb: {  	v1 =	vmul.f32 v1, v3;
	_ =	sdelay $0x1  }
0x1ec: {  	s11 =	sadd.s32 $0x280, s11;
	[tilespmem:v2+s8+$0x0] =	vst.idx.add.f32.msk $0xffff, v1  }
0x1ed: {  	s10 =	sadd.s32 $0x1, s10  }
0x1ee: {  	p0 =	sne.s32 s10, $0x64  }
.Ltmp14:
0x1ef: {  	_ = 	snop;
	(pc) =	sbr.rel @p0 .LBB2_28-.Ltmp14, $2  }
0x1f0: {  	_ =	sdelay $0x2  }
0x1f1: {  	s11 =	simm.s32 $0x0  }
0x1f2: {  	s10 =	simm.s32 $0x40;
	s12 =	simm.s32 $0x0  }
.LBB2_32:
0x1f3: {  	p0 =	sne.s32 s10, $0x61A40;
	[tilespmem:s12+$0x0] =	vst v0;
	s12 =	smov.u32 s10;
	s10 =	sadd.s32 $0x40, s10  }
.Ltmp15:
0x1f4: {  	(pc) =	sbr.rel @p0 .LBB2_32-.Ltmp15, $2  }
0x1f5: {  	_ =	sdelay $0x2  }
0x1f6: {  	s12 =	sshra.s32 s12, $0x2  }
0x1f7: {  	[tilespmem:s12+$0x0] =	vst v0  }
.LBB2_34:
0x1f8: {  	s12 =	smul.u32 $0x1F4, s11;
	_ =	sdelay $0x1  }
0x1f9: {  	s10 =	simm.s32 $0x0;
	s13 =	sadd.s32 s4, s12  }
0x1fa: {  	[tilespmem:s28], [sflag:$0x1] =	stream.linear.gather [hbm4b:s13+s10], $0xFA0, $0x38;
	[tilespmem:$0x1DC90] =	vst v63  }
0x1fb: {  	s13 =	sadd.s32 s5, s12  }
0x1fc: {  	[tilespmem:s29], [sflag:$0x2] =	stream.linear.gather [hbm4b:s13+s10], $0xFA0, $0x38;
	[tilespmem:$0x1DC90] =	vst v63  }
0x1fd: {  	s12 =	sadd.s32 s6, s12  }
0x1fe: {  	[tilespmem:s30], [sflag:$0x3] =	stream.linear.gather [hbm4b:s12+s10], $0xFA0, $0x38;
	[tilespmem:$0x1DC90] =	vst v63  }
0x1ff: {  	_ =	swait.ge [sflag:s31], $0xFA0  }
0x200: {  	[sflag:s31] =	ssyncset.done $0x0  }
0x201: {  	[sflag:s31] =	ssyncadd.s32 $0xFFFFF060  }
0x202: {  	_ =	swait.ge [sflag:s19], $0xFA0  }
0x203: {  	[sflag:s19] =	ssyncset.done $0x0  }
0x204: {  	[sflag:s19] =	ssyncadd.s32 $0xFFFFF060  }
0x205: {  	_ =	swait.ge [sflag:s1], $0xFA0  }
0x206: {  	[sflag:s1] =	ssyncset.done $0x0  }
0x207: {  	[sflag:s1] =	ssyncadd.s32 $0xFFFFF060  }
.LBB2_35:
0x208: {  	s12 =	sshra.s32 s10, $0x2  }
0x209: {  	v1 =	vld [tilespmem:s12+$0x1ADB0];
	_ =	sdelay $0x5  }
0x20a: {  	v2 =	vld [tilespmem:s12+$0x1BD50]  }
0x20b: {  	v3 =	vld [tilespmem:s12+$0x1CCF0]  }
0x20c: {  	v1 =	vld.idx.msk [tilespmem:v1+s8+$0x0], $0xffff;
	_ =	sdelay $0x4  }
0x20d: {  	v1 =	vmul.f32 v1, v3;
	_ =	sdelay $0x1  }
0x20e: {  	[tilespmem:v2+s7+$0x0] =	vst.idx.add.f32.msk $0xffff, v1  }
0x20f: {  	v1 =	vld [tilespmem:s12+$0x1ADC0];
	_ =	sdelay $0x5  }
0x210: {  	v2 =	vld [tilespmem:s12+$0x1BD60]  }
0x211: {  	v3 =	vld [tilespmem:s12+$0x1CD00]  }
0x212: {  	v1 =	vld.idx.msk [tilespmem:v1+s8+$0x0], $0xffff;
	_ =	sdelay $0x4  }
0x213: {  	v1 =	vmul.f32 v1, v3;
	_ =	sdelay $0x1  }
0x214: {  	[tilespmem:v2+s7+$0x0] =	vst.idx.add.f32.msk $0xffff, v1  }
0x215: {  	v1 =	vld [tilespmem:s12+$0x1ADD0];
	_ =	sdelay $0x5  }
0x216: {  	v2 =	vld [tilespmem:s12+$0x1BD70]  }
0x217: {  	v3 =	vld [tilespmem:s12+$0x1CD10]  }
0x218: {  	v1 =	vld.idx.msk [tilespmem:v1+s8+$0x0], $0xffff;
	_ =	sdelay $0x4  }
0x219: {  	v1 =	vmul.f32 v1, v3;
	_ =	sdelay $0x1  }
0x21a: {  	[tilespmem:v2+s7+$0x0] =	vst.idx.add.f32.msk $0xffff, v1  }
0x21b: {  	v1 =	vld [tilespmem:s12+$0x1ADE0];
	_ =	sdelay $0x5  }
0x21c: {  	v2 =	vld [tilespmem:s12+$0x1BD80]  }
0x21d: {  	v3 =	vld [tilespmem:s12+$0x1CD20]  }
0x21e: {  	v1 =	vld.idx.msk [tilespmem:v1+s8+$0x0], $0xffff;
	_ =	sdelay $0x4  }
0x21f: {  	v1 =	vmul.f32 v1, v3;
	_ =	sdelay $0x1  }
0x220: {  	[tilespmem:v2+s7+$0x0] =	vst.idx.add.f32.msk $0xffff, v1  }
0x221: {  	v1 =	vld [tilespmem:s12+$0x1ADF0];
	_ =	sdelay $0x5  }
0x222: {  	v2 =	vld [tilespmem:s12+$0x1BD90]  }
0x223: {  	v3 =	vld [tilespmem:s12+$0x1CD30]  }
0x224: {  	v1 =	vld.idx.msk [tilespmem:v1+s8+$0x0], $0xffff;
	_ =	sdelay $0x4  }
0x225: {  	v1 =	vmul.f32 v1, v3;
	_ =	sdelay $0x1  }
0x226: {  	[tilespmem:v2+s7+$0x0] =	vst.idx.add.f32.msk $0xffff, v1  }
0x227: {  	v1 =	vld [tilespmem:s12+$0x1AE00];
	_ =	sdelay $0x5  }
0x228: {  	v2 =	vld [tilespmem:s12+$0x1BDA0]  }
0x229: {  	v3 =	vld [tilespmem:s12+$0x1CD40]  }
0x22a: {  	v1 =	vld.idx.msk [tilespmem:v1+s8+$0x0], $0xffff;
	_ =	sdelay $0x4  }
0x22b: {  	v1 =	vmul.f32 v1, v3;
	_ =	sdelay $0x1  }
0x22c: {  	[tilespmem:v2+s7+$0x0] =	vst.idx.add.f32.msk $0xffff, v1  }
0x22d: {  	v1 =	vld [tilespmem:s12+$0x1AE10];
	_ =	sdelay $0x5  }
0x22e: {  	v2 =	vld [tilespmem:s12+$0x1BDB0]  }
0x22f: {  	v3 =	vld [tilespmem:s12+$0x1CD50]  }
0x230: {  	v1 =	vld.idx.msk [tilespmem:v1+s8+$0x0], $0xffff;
	_ =	sdelay $0x4  }
0x231: {  	v1 =	vmul.f32 v1, v3;
	_ =	sdelay $0x1  }
0x232: {  	[tilespmem:v2+s7+$0x0] =	vst.idx.add.f32.msk $0xffff, v1  }
0x233: {  	v1 =	vld [tilespmem:s12+$0x1AE20];
	_ =	sdelay $0x5  }
0x234: {  	v2 =	vld [tilespmem:s12+$0x1BDC0]  }
0x235: {  	v3 =	vld [tilespmem:s12+$0x1CD60]  }
0x236: {  	v1 =	vld.idx.msk [tilespmem:v1+s8+$0x0], $0xffff;
	_ =	sdelay $0x4  }
0x237: {  	v1 =	vmul.f32 v1, v3;
	_ =	sdelay $0x1  }
0x238: {  	[tilespmem:v2+s7+$0x0] =	vst.idx.add.f32.msk $0xffff, v1  }
0x239: {  	v1 =	vld [tilespmem:s12+$0x1AE30];
	_ =	sdelay $0x5  }
0x23a: {  	v2 =	vld [tilespmem:s12+$0x1BDD0]  }
0x23b: {  	v3 =	vld [tilespmem:s12+$0x1CD70]  }
0x23c: {  	v1 =	vld.idx.msk [tilespmem:v1+s8+$0x0], $0xffff;
	_ =	sdelay $0x4  }
0x23d: {  	v1 =	vmul.f32 v1, v3;
	_ =	sdelay $0x1  }
0x23e: {  	[tilespmem:v2+s7+$0x0] =	vst.idx.add.f32.msk $0xffff, v1  }
0x23f: {  	v1 =	vld [tilespmem:s12+$0x1AE40];
	_ =	sdelay $0x5  }
0x240: {  	v2 =	vld [tilespmem:s12+$0x1BDE0]  }
0x241: {  	v3 =	vld [tilespmem:s12+$0x1CD80]  }
0x242: {  	v1 =	vld.idx.msk [tilespmem:v1+s8+$0x0], $0xffff;
	_ =	sdelay $0x1  }
0x243: {  	p0 =	sne.s32 s10, $0x3C00  }
.Ltmp16:
0x244: {  	_ = 	snop;
	(pc) =	sbr.rel @p0 .LBB2_35-.Ltmp16, $3  }
0x245: {  	_ = 	snop  }
0x246: {  	v1 =	vmul.f32 v1, v3;
	_ =	sdelay $0x1  }
0x247: {  	s10 =	sadd.s32 $0x280, s10;
	[tilespmem:v2+s7+$0x0] =	vst.idx.add.f32.msk $0xffff, v1  }
0x248: {  	s11 =	sadd.s32 $0x1, s11  }
0x249: {  	p0 =	sne.s32 s11, $0x64  }
.Ltmp17:
0x24a: {  	_ = 	snop;
	(pc) =	sbr.rel @p0 .LBB2_34-.Ltmp17, $1  }
0x24b: {  	_ =	sdelay $0x3  }
0x24c: {  	s10 =	simm.s32 $0x0;
	s11 =	rddreg [dreg:$0xe]  }
0x24d: {  	[hbm4b:s11+s10] =	stream.linear.scatter [tilespmem:s10], [sflag:$0x4], $0x186A0, $0x38;
	[tilespmem:$0x1DC90] =	vst v63  }
0x24e: {  	_ =	swait.ge [sflag:s26], $0x186A0  }
0x24f: {  	[sflag:s26] =	ssyncset.done $0x0  }
0x250: {  	[sflag:s26] =	ssyncadd.s32 $0xFFFE7960  }
0x251: {  	[tilespmem:s10], [sflag:$0x4] =	stream.linear.gather [hbm4b:s14+s10], $0x186A0, $0x38;
	[tilespmem:$0x1DC90] =	vst v63  }
0x252: {  	_ =	swait.ge [sflag:s26], $0x186A0  }
0x253: {  	[sflag:s26] =	ssyncset.done $0x0  }
0x254: {  	s12 =	simm.s32 $0x0;
	s11 =	simm.s32 $0x40;
	[sflag:s26] =	ssyncadd.s32 $0xFFFE7960  }
.LBB2_38:
0x255: {  	p0 =	sne.s32 s11, $0x9C00;
	[tilespmem:s12+$0x186A0] =	vst v0;
	s12 =	smov.u32 s11;
	s11 =	sadd.s32 $0x40, s11  }
.Ltmp18:
0x256: {  	(pc) =	sbr.rel @p0 .LBB2_38-.Ltmp18, $2  }
0x257: {  	_ =	sdelay $0x2  }
0x258: {  	s12 =	sshra.s32 s12, $0x2  }
0x259: {  	[tilespmem:s12+$0x186A0] =	vst v0  }
.LBB2_40:
0x25a: {  	s12 =	smul.u32 $0x1F4, s10;
	_ =	sdelay $0x1  }
0x25b: {  	s11 =	simm.s32 $0x0;
	s13 =	sadd.s32 s0, s12  }
0x25c: {  	[tilespmem:s28], [sflag:$0x1] =	stream.linear.gather [hbm4b:s13+s11], $0xFA0, $0x38;
	[tilespmem:$0x1DC90] =	vst v63  }
0x25d: {  	s13 =	sadd.s32 s2, s12  }
0x25e: {  	[tilespmem:s29], [sflag:$0x2] =	stream.linear.gather [hbm4b:s13+s11], $0xFA0, $0x38;
	[tilespmem:$0x1DC90] =	vst v63  }
0x25f: {  	s12 =	sadd.s32 s3, s12  }
0x260: {  	[tilespmem:s30], [sflag:$0x3] =	stream.linear.gather [hbm4b:s12+s11], $0xFA0, $0x38;
	[tilespmem:$0x1DC90] =	vst v63  }
0x261: {  	_ =	swait.ge [sflag:s31], $0xFA0  }
0x262: {  	[sflag:s31] =	ssyncset.done $0x0  }
0x263: {  	[sflag:s31] =	ssyncadd.s32 $0xFFFFF060  }
0x264: {  	_ =	swait.ge [sflag:s19], $0xFA0  }
0x265: {  	[sflag:s19] =	ssyncset.done $0x0  }
0x266: {  	[sflag:s19] =	ssyncadd.s32 $0xFFFFF060  }
0x267: {  	_ =	swait.ge [sflag:s1], $0xFA0  }
0x268: {  	[sflag:s1] =	ssyncset.done $0x0  }
0x269: {  	[sflag:s1] =	ssyncadd.s32 $0xFFFFF060  }
.LBB2_41:
0x26a: {  	s12 =	sshra.s32 s11, $0x2  }
0x26b: {  	v1 =	vld [tilespmem:s12+$0x1ADB0];
	_ =	sdelay $0x5  }
0x26c: {  	v2 =	vld [tilespmem:s12+$0x1BD50]  }
0x26d: {  	v3 =	vld [tilespmem:s12+$0x1CCF0]  }
0x26e: {  	v1 =	vld.idx.msk [tilespmem:v1+s7+$0x0], $0xffff;
	_ =	sdelay $0x4  }
0x26f: {  	v1 =	vmul.f32 v1, v3;
	_ =	sdelay $0x1  }
0x270: {  	[tilespmem:v2+s8+$0x0] =	vst.idx.add.f32.msk $0xffff, v1  }
0x271: {  	v1 =	vld [tilespmem:s12+$0x1ADC0];
	_ =	sdelay $0x5  }
0x272: {  	v2 =	vld [tilespmem:s12+$0x1BD60]  }
0x273: {  	v3 =	vld [tilespmem:s12+$0x1CD00]  }
0x274: {  	v1 =	vld.idx.msk [tilespmem:v1+s7+$0x0], $0xffff;
	_ =	sdelay $0x4  }
0x275: {  	v1 =	vmul.f32 v1, v3;
	_ =	sdelay $0x1  }
0x276: {  	[tilespmem:v2+s8+$0x0] =	vst.idx.add.f32.msk $0xffff, v1  }
0x277: {  	v1 =	vld [tilespmem:s12+$0x1ADD0];
	_ =	sdelay $0x5  }
0x278: {  	v2 =	vld [tilespmem:s12+$0x1BD70]  }
0x279: {  	v3 =	vld [tilespmem:s12+$0x1CD10]  }
0x27a: {  	v1 =	vld.idx.msk [tilespmem:v1+s7+$0x0], $0xffff;
	_ =	sdelay $0x4  }
0x27b: {  	v1 =	vmul.f32 v1, v3;
	_ =	sdelay $0x1  }
0x27c: {  	[tilespmem:v2+s8+$0x0] =	vst.idx.add.f32.msk $0xffff, v1  }
0x27d: {  	v1 =	vld [tilespmem:s12+$0x1ADE0];
	_ =	sdelay $0x5  }
0x27e: {  	v2 =	vld [tilespmem:s12+$0x1BD80]  }
0x27f: {  	v3 =	vld [tilespmem:s12+$0x1CD20]  }
0x280: {  	v1 =	vld.idx.msk [tilespmem:v1+s7+$0x0], $0xffff;
	_ =	sdelay $0x4  }
0x281: {  	v1 =	vmul.f32 v1, v3;
	_ =	sdelay $0x1  }
0x282: {  	[tilespmem:v2+s8+$0x0] =	vst.idx.add.f32.msk $0xffff, v1  }
0x283: {  	v1 =	vld [tilespmem:s12+$0x1ADF0];
	_ =	sdelay $0x5  }
0x284: {  	v2 =	vld [tilespmem:s12+$0x1BD90]  }
0x285: {  	v3 =	vld [tilespmem:s12+$0x1CD30]  }
0x286: {  	v1 =	vld.idx.msk [tilespmem:v1+s7+$0x0], $0xffff;
	_ =	sdelay $0x4  }
0x287: {  	v1 =	vmul.f32 v1, v3;
	_ =	sdelay $0x1  }
0x288: {  	[tilespmem:v2+s8+$0x0] =	vst.idx.add.f32.msk $0xffff, v1  }
0x289: {  	v1 =	vld [tilespmem:s12+$0x1AE00];
	_ =	sdelay $0x5  }
0x28a: {  	v2 =	vld [tilespmem:s12+$0x1BDA0]  }
0x28b: {  	v3 =	vld [tilespmem:s12+$0x1CD40]  }
0x28c: {  	v1 =	vld.idx.msk [tilespmem:v1+s7+$0x0], $0xffff;
	_ =	sdelay $0x4  }
0x28d: {  	v1 =	vmul.f32 v1, v3;
	_ =	sdelay $0x1  }
0x28e: {  	[tilespmem:v2+s8+$0x0] =	vst.idx.add.f32.msk $0xffff, v1  }
0x28f: {  	v1 =	vld [tilespmem:s12+$0x1AE10];
	_ =	sdelay $0x5  }
0x290: {  	v2 =	vld [tilespmem:s12+$0x1BDB0]  }
0x291: {  	v3 =	vld [tilespmem:s12+$0x1CD50]  }
0x292: {  	v1 =	vld.idx.msk [tilespmem:v1+s7+$0x0], $0xffff;
	_ =	sdelay $0x4  }
0x293: {  	v1 =	vmul.f32 v1, v3;
	_ =	sdelay $0x1  }
0x294: {  	[tilespmem:v2+s8+$0x0] =	vst.idx.add.f32.msk $0xffff, v1  }
0x295: {  	v1 =	vld [tilespmem:s12+$0x1AE20];
	_ =	sdelay $0x5  }
0x296: {  	v2 =	vld [tilespmem:s12+$0x1BDC0]  }
0x297: {  	v3 =	vld [tilespmem:s12+$0x1CD60]  }
0x298: {  	v1 =	vld.idx.msk [tilespmem:v1+s7+$0x0], $0xffff;
	_ =	sdelay $0x4  }
0x299: {  	v1 =	vmul.f32 v1, v3;
	_ =	sdelay $0x1  }
0x29a: {  	[tilespmem:v2+s8+$0x0] =	vst.idx.add.f32.msk $0xffff, v1  }
0x29b: {  	v1 =	vld [tilespmem:s12+$0x1AE30];
	_ =	sdelay $0x5  }
0x29c: {  	v2 =	vld [tilespmem:s12+$0x1BDD0]  }
0x29d: {  	v3 =	vld [tilespmem:s12+$0x1CD70]  }
0x29e: {  	v1 =	vld.idx.msk [tilespmem:v1+s7+$0x0], $0xffff;
	_ =	sdelay $0x4  }
0x29f: {  	v1 =	vmul.f32 v1, v3;
	_ =	sdelay $0x1  }
0x2a0: {  	[tilespmem:v2+s8+$0x0] =	vst.idx.add.f32.msk $0xffff, v1  }
0x2a1: {  	v1 =	vld [tilespmem:s12+$0x1AE40];
	_ =	sdelay $0x5  }
0x2a2: {  	v2 =	vld [tilespmem:s12+$0x1BDE0]  }
0x2a3: {  	v3 =	vld [tilespmem:s12+$0x1CD80]  }
0x2a4: {  	v1 =	vld.idx.msk [tilespmem:v1+s7+$0x0], $0xffff;
	_ =	sdelay $0x1  }
0x2a5: {  	p0 =	sne.s32 s11, $0x3C00  }
.Ltmp19:
0x2a6: {  	_ = 	snop;
	(pc) =	sbr.rel @p0 .LBB2_41-.Ltmp19, $3  }
0x2a7: {  	_ = 	snop  }
0x2a8: {  	v1 =	vmul.f32 v1, v3;
	_ =	sdelay $0x1  }
0x2a9: {  	s11 =	sadd.s32 $0x280, s11;
	[tilespmem:v2+s8+$0x0] =	vst.idx.add.f32.msk $0xffff, v1  }
0x2aa: {  	s10 =	sadd.s32 $0x1, s10  }
0x2ab: {  	p0 =	sne.s32 s10, $0x64  }
.Ltmp20:
0x2ac: {  	_ = 	snop;
	(pc) =	sbr.rel @p0 .LBB2_40-.Ltmp20, $2  }
0x2ad: {  	_ =	sdelay $0x2  }
0x2ae: {  	s11 =	simm.s32 $0x0  }
0x2af: {  	s10 =	simm.s32 $0x40;
	s12 =	simm.s32 $0x0  }
.LBB2_44:
0x2b0: {  	p0 =	sne.s32 s10, $0x61A40;
	[tilespmem:s12+$0x0] =	vst v0;
	s12 =	smov.u32 s10;
	s10 =	sadd.s32 $0x40, s10  }
.Ltmp21:
0x2b1: {  	(pc) =	sbr.rel @p0 .LBB2_44-.Ltmp21, $2  }
0x2b2: {  	_ =	sdelay $0x2  }
0x2b3: {  	s12 =	sshra.s32 s12, $0x2  }
0x2b4: {  	[tilespmem:s12+$0x0] =	vst v0  }
.LBB2_46:
0x2b5: {  	s12 =	smul.u32 $0x1F4, s11;
	_ =	sdelay $0x1  }
0x2b6: {  	s10 =	simm.s32 $0x0;
	s13 =	sadd.s32 s4, s12  }
0x2b7: {  	[tilespmem:s28], [sflag:$0x1] =	stream.linear.gather [hbm4b:s13+s10], $0xFA0, $0x38;
	[tilespmem:$0x1DC90] =	vst v63  }
0x2b8: {  	s13 =	sadd.s32 s5, s12  }
0x2b9: {  	[tilespmem:s29], [sflag:$0x2] =	stream.linear.gather [hbm4b:s13+s10], $0xFA0, $0x38;
	[tilespmem:$0x1DC90] =	vst v63  }
0x2ba: {  	s12 =	sadd.s32 s6, s12  }
0x2bb: {  	[tilespmem:s30], [sflag:$0x3] =	stream.linear.gather [hbm4b:s12+s10], $0xFA0, $0x38;
	[tilespmem:$0x1DC90] =	vst v63  }
0x2bc: {  	_ =	swait.ge [sflag:s31], $0xFA0  }
0x2bd: {  	[sflag:s31] =	ssyncset.done $0x0  }
0x2be: {  	[sflag:s31] =	ssyncadd.s32 $0xFFFFF060  }
0x2bf: {  	_ =	swait.ge [sflag:s19], $0xFA0  }
0x2c0: {  	[sflag:s19] =	ssyncset.done $0x0  }
0x2c1: {  	[sflag:s19] =	ssyncadd.s32 $0xFFFFF060  }
0x2c2: {  	_ =	swait.ge [sflag:s1], $0xFA0  }
0x2c3: {  	[sflag:s1] =	ssyncset.done $0x0  }
0x2c4: {  	[sflag:s1] =	ssyncadd.s32 $0xFFFFF060  }
.LBB2_47:
0x2c5: {  	s12 =	sshra.s32 s10, $0x2  }
0x2c6: {  	v1 =	vld [tilespmem:s12+$0x1ADB0];
	_ =	sdelay $0x5  }
0x2c7: {  	v2 =	vld [tilespmem:s12+$0x1BD50]  }
0x2c8: {  	v3 =	vld [tilespmem:s12+$0x1CCF0]  }
0x2c9: {  	v1 =	vld.idx.msk [tilespmem:v1+s8+$0x0], $0xffff;
	_ =	sdelay $0x4  }
0x2ca: {  	v1 =	vmul.f32 v1, v3;
	_ =	sdelay $0x1  }
0x2cb: {  	[tilespmem:v2+s7+$0x0] =	vst.idx.add.f32.msk $0xffff, v1  }
0x2cc: {  	v1 =	vld [tilespmem:s12+$0x1ADC0];
	_ =	sdelay $0x5  }
0x2cd: {  	v2 =	vld [tilespmem:s12+$0x1BD60]  }
0x2ce: {  	v3 =	vld [tilespmem:s12+$0x1CD00]  }
0x2cf: {  	v1 =	vld.idx.msk [tilespmem:v1+s8+$0x0], $0xffff;
	_ =	sdelay $0x4  }
0x2d0: {  	v1 =	vmul.f32 v1, v3;
	_ =	sdelay $0x1  }
0x2d1: {  	[tilespmem:v2+s7+$0x0] =	vst.idx.add.f32.msk $0xffff, v1  }
0x2d2: {  	v1 =	vld [tilespmem:s12+$0x1ADD0];
	_ =	sdelay $0x5  }
0x2d3: {  	v2 =	vld [tilespmem:s12+$0x1BD70]  }
0x2d4: {  	v3 =	vld [tilespmem:s12+$0x1CD10]  }
0x2d5: {  	v1 =	vld.idx.msk [tilespmem:v1+s8+$0x0], $0xffff;
	_ =	sdelay $0x4  }
0x2d6: {  	v1 =	vmul.f32 v1, v3;
	_ =	sdelay $0x1  }
0x2d7: {  	[tilespmem:v2+s7+$0x0] =	vst.idx.add.f32.msk $0xffff, v1  }
0x2d8: {  	v1 =	vld [tilespmem:s12+$0x1ADE0];
	_ =	sdelay $0x5  }
0x2d9: {  	v2 =	vld [tilespmem:s12+$0x1BD80]  }
0x2da: {  	v3 =	vld [tilespmem:s12+$0x1CD20]  }
0x2db: {  	v1 =	vld.idx.msk [tilespmem:v1+s8+$0x0], $0xffff;
	_ =	sdelay $0x4  }
0x2dc: {  	v1 =	vmul.f32 v1, v3;
	_ =	sdelay $0x1  }
0x2dd: {  	[tilespmem:v2+s7+$0x0] =	vst.idx.add.f32.msk $0xffff, v1  }
0x2de: {  	v1 =	vld [tilespmem:s12+$0x1ADF0];
	_ =	sdelay $0x5  }
0x2df: {  	v2 =	vld [tilespmem:s12+$0x1BD90]  }
0x2e0: {  	v3 =	vld [tilespmem:s12+$0x1CD30]  }
0x2e1: {  	v1 =	vld.idx.msk [tilespmem:v1+s8+$0x0], $0xffff;
	_ =	sdelay $0x4  }
0x2e2: {  	v1 =	vmul.f32 v1, v3;
	_ =	sdelay $0x1  }
0x2e3: {  	[tilespmem:v2+s7+$0x0] =	vst.idx.add.f32.msk $0xffff, v1  }
0x2e4: {  	v1 =	vld [tilespmem:s12+$0x1AE00];
	_ =	sdelay $0x5  }
0x2e5: {  	v2 =	vld [tilespmem:s12+$0x1BDA0]  }
0x2e6: {  	v3 =	vld [tilespmem:s12+$0x1CD40]  }
0x2e7: {  	v1 =	vld.idx.msk [tilespmem:v1+s8+$0x0], $0xffff;
	_ =	sdelay $0x4  }
0x2e8: {  	v1 =	vmul.f32 v1, v3;
	_ =	sdelay $0x1  }
0x2e9: {  	[tilespmem:v2+s7+$0x0] =	vst.idx.add.f32.msk $0xffff, v1  }
0x2ea: {  	v1 =	vld [tilespmem:s12+$0x1AE10];
	_ =	sdelay $0x5  }
0x2eb: {  	v2 =	vld [tilespmem:s12+$0x1BDB0]  }
0x2ec: {  	v3 =	vld [tilespmem:s12+$0x1CD50]  }
0x2ed: {  	v1 =	vld.idx.msk [tilespmem:v1+s8+$0x0], $0xffff;
	_ =	sdelay $0x4  }
0x2ee: {  	v1 =	vmul.f32 v1, v3;
	_ =	sdelay $0x1  }
0x2ef: {  	[tilespmem:v2+s7+$0x0] =	vst.idx.add.f32.msk $0xffff, v1  }
0x2f0: {  	v1 =	vld [tilespmem:s12+$0x1AE20];
	_ =	sdelay $0x5  }
0x2f1: {  	v2 =	vld [tilespmem:s12+$0x1BDC0]  }
0x2f2: {  	v3 =	vld [tilespmem:s12+$0x1CD60]  }
0x2f3: {  	v1 =	vld.idx.msk [tilespmem:v1+s8+$0x0], $0xffff;
	_ =	sdelay $0x4  }
0x2f4: {  	v1 =	vmul.f32 v1, v3;
	_ =	sdelay $0x1  }
0x2f5: {  	[tilespmem:v2+s7+$0x0] =	vst.idx.add.f32.msk $0xffff, v1  }
0x2f6: {  	v1 =	vld [tilespmem:s12+$0x1AE30];
	_ =	sdelay $0x5  }
0x2f7: {  	v2 =	vld [tilespmem:s12+$0x1BDD0]  }
0x2f8: {  	v3 =	vld [tilespmem:s12+$0x1CD70]  }
0x2f9: {  	v1 =	vld.idx.msk [tilespmem:v1+s8+$0x0], $0xffff;
	_ =	sdelay $0x4  }
0x2fa: {  	v1 =	vmul.f32 v1, v3;
	_ =	sdelay $0x1  }
0x2fb: {  	[tilespmem:v2+s7+$0x0] =	vst.idx.add.f32.msk $0xffff, v1  }
0x2fc: {  	v1 =	vld [tilespmem:s12+$0x1AE40];
	_ =	sdelay $0x5  }
0x2fd: {  	v2 =	vld [tilespmem:s12+$0x1BDE0]  }
0x2fe: {  	v3 =	vld [tilespmem:s12+$0x1CD80]  }
0x2ff: {  	v1 =	vld.idx.msk [tilespmem:v1+s8+$0x0], $0xffff;
	_ =	sdelay $0x1  }
0x300: {  	p0 =	sne.s32 s10, $0x3C00  }
.Ltmp22:
0x301: {  	_ = 	snop;
	(pc) =	sbr.rel @p0 .LBB2_47-.Ltmp22, $3  }
0x302: {  	_ = 	snop  }
0x303: {  	v1 =	vmul.f32 v1, v3;
	_ =	sdelay $0x1  }
0x304: {  	s10 =	sadd.s32 $0x280, s10;
	[tilespmem:v2+s7+$0x0] =	vst.idx.add.f32.msk $0xffff, v1  }
0x305: {  	s11 =	sadd.s32 $0x1, s11  }
0x306: {  	p0 =	sne.s32 s11, $0x64  }
.Ltmp23:
0x307: {  	_ = 	snop;
	(pc) =	sbr.rel @p0 .LBB2_46-.Ltmp23, $1  }
0x308: {  	_ =	sdelay $0x3  }
0x309: {  	s10 =	simm.s32 $0x0  }
0x30a: {  	[hbm4b:s15+s10] =	stream.linear.scatter [tilespmem:s10], [sflag:$0x4], $0x186A0, $0x38;
	[tilespmem:$0x1DC90] =	vst v63  }
0x30b: {  	_ =	swait.ge [sflag:s26], $0x186A0  }
0x30c: {  	[sflag:s26] =	ssyncset.done $0x0  }
0x30d: {  	[sflag:s26] =	ssyncadd.s32 $0xFFFE7960  }
0x30e: {  	[tilespmem:s10], [sflag:$0x4] =	stream.linear.gather [hbm4b:s16+s10], $0x186A0, $0x38;
	[tilespmem:$0x1DC90] =	vst v63  }
0x30f: {  	_ =	swait.ge [sflag:s26], $0x186A0  }
0x310: {  	[sflag:s26] =	ssyncset.done $0x0  }
0x311: {  	s11 =	simm.s32 $0x40;
	s12 =	simm.s32 $0x0;
	[sflag:s26] =	ssyncadd.s32 $0xFFFE7960  }
.LBB2_50:
0x312: {  	p0 =	sne.s32 s11, $0x9C00;
	[tilespmem:s12+$0x186A0] =	vst v0;
	s12 =	smov.u32 s11;
	s11 =	sadd.s32 $0x40, s11  }
.Ltmp24:
0x313: {  	(pc) =	sbr.rel @p0 .LBB2_50-.Ltmp24, $2  }
0x314: {  	_ =	sdelay $0x2  }
0x315: {  	s12 =	sshra.s32 s12, $0x2  }
0x316: {  	[tilespmem:s12+$0x186A0] =	vst v0  }
.LBB2_52:
0x317: {  	s12 =	smul.u32 $0x1F4, s10;
	_ =	sdelay $0x1  }
0x318: {  	s11 =	simm.s32 $0x0;
	s13 =	sadd.s32 s0, s12  }
0x319: {  	[tilespmem:s28], [sflag:$0x1] =	stream.linear.gather [hbm4b:s13+s11], $0xFA0, $0x38;
	[tilespmem:$0x1DC90] =	vst v63  }
0x31a: {  	s13 =	sadd.s32 s2, s12  }
0x31b: {  	[tilespmem:s29], [sflag:$0x2] =	stream.linear.gather [hbm4b:s13+s11], $0xFA0, $0x38;
	[tilespmem:$0x1DC90] =	vst v63  }
0x31c: {  	s12 =	sadd.s32 s3, s12  }
0x31d: {  	[tilespmem:s30], [sflag:$0x3] =	stream.linear.gather [hbm4b:s12+s11], $0xFA0, $0x38;
	[tilespmem:$0x1DC90] =	vst v63  }
0x31e: {  	_ =	swait.ge [sflag:s31], $0xFA0  }
0x31f: {  	[sflag:s31] =	ssyncset.done $0x0  }
0x320: {  	[sflag:s31] =	ssyncadd.s32 $0xFFFFF060  }
0x321: {  	_ =	swait.ge [sflag:s19], $0xFA0  }
0x322: {  	[sflag:s19] =	ssyncset.done $0x0  }
0x323: {  	[sflag:s19] =	ssyncadd.s32 $0xFFFFF060  }
0x324: {  	_ =	swait.ge [sflag:s1], $0xFA0  }
0x325: {  	[sflag:s1] =	ssyncset.done $0x0  }
0x326: {  	[sflag:s1] =	ssyncadd.s32 $0xFFFFF060  }
.LBB2_53:
0x327: {  	s12 =	sshra.s32 s11, $0x2  }
0x328: {  	v1 =	vld [tilespmem:s12+$0x1ADB0];
	_ =	sdelay $0x5  }
0x329: {  	v2 =	vld [tilespmem:s12+$0x1BD50]  }
0x32a: {  	v3 =	vld [tilespmem:s12+$0x1CCF0]  }
0x32b: {  	v1 =	vld.idx.msk [tilespmem:v1+s7+$0x0], $0xffff;
	_ =	sdelay $0x4  }
0x32c: {  	v1 =	vmul.f32 v1, v3;
	_ =	sdelay $0x1  }
0x32d: {  	[tilespmem:v2+s8+$0x0] =	vst.idx.add.f32.msk $0xffff, v1  }
0x32e: {  	v1 =	vld [tilespmem:s12+$0x1ADC0];
	_ =	sdelay $0x5  }
0x32f: {  	v2 =	vld [tilespmem:s12+$0x1BD60]  }
0x330: {  	v3 =	vld [tilespmem:s12+$0x1CD00]  }
0x331: {  	v1 =	vld.idx.msk [tilespmem:v1+s7+$0x0], $0xffff;
	_ =	sdelay $0x4  }
0x332: {  	v1 =	vmul.f32 v1, v3;
	_ =	sdelay $0x1  }
0x333: {  	[tilespmem:v2+s8+$0x0] =	vst.idx.add.f32.msk $0xffff, v1  }
0x334: {  	v1 =	vld [tilespmem:s12+$0x1ADD0];
	_ =	sdelay $0x5  }
0x335: {  	v2 =	vld [tilespmem:s12+$0x1BD70]  }
0x336: {  	v3 =	vld [tilespmem:s12+$0x1CD10]  }
0x337: {  	v1 =	vld.idx.msk [tilespmem:v1+s7+$0x0], $0xffff;
	_ =	sdelay $0x4  }
0x338: {  	v1 =	vmul.f32 v1, v3;
	_ =	sdelay $0x1  }
0x339: {  	[tilespmem:v2+s8+$0x0] =	vst.idx.add.f32.msk $0xffff, v1  }
0x33a: {  	v1 =	vld [tilespmem:s12+$0x1ADE0];
	_ =	sdelay $0x5  }
0x33b: {  	v2 =	vld [tilespmem:s12+$0x1BD80]  }
0x33c: {  	v3 =	vld [tilespmem:s12+$0x1CD20]  }
0x33d: {  	v1 =	vld.idx.msk [tilespmem:v1+s7+$0x0], $0xffff;
	_ =	sdelay $0x4  }
0x33e: {  	v1 =	vmul.f32 v1, v3;
	_ =	sdelay $0x1  }
0x33f: {  	[tilespmem:v2+s8+$0x0] =	vst.idx.add.f32.msk $0xffff, v1  }
0x340: {  	v1 =	vld [tilespmem:s12+$0x1ADF0];
	_ =	sdelay $0x5  }
0x341: {  	v2 =	vld [tilespmem:s12+$0x1BD90]  }
0x342: {  	v3 =	vld [tilespmem:s12+$0x1CD30]  }
0x343: {  	v1 =	vld.idx.msk [tilespmem:v1+s7+$0x0], $0xffff;
	_ =	sdelay $0x4  }
0x344: {  	v1 =	vmul.f32 v1, v3;
	_ =	sdelay $0x1  }
0x345: {  	[tilespmem:v2+s8+$0x0] =	vst.idx.add.f32.msk $0xffff, v1  }
0x346: {  	v1 =	vld [tilespmem:s12+$0x1AE00];
	_ =	sdelay $0x5  }
0x347: {  	v2 =	vld [tilespmem:s12+$0x1BDA0]  }
0x348: {  	v3 =	vld [tilespmem:s12+$0x1CD40]  }
0x349: {  	v1 =	vld.idx.msk [tilespmem:v1+s7+$0x0], $0xffff;
	_ =	sdelay $0x4  }
0x34a: {  	v1 =	vmul.f32 v1, v3;
	_ =	sdelay $0x1  }
0x34b: {  	[tilespmem:v2+s8+$0x0] =	vst.idx.add.f32.msk $0xffff, v1  }
0x34c: {  	v1 =	vld [tilespmem:s12+$0x1AE10];
	_ =	sdelay $0x5  }
0x34d: {  	v2 =	vld [tilespmem:s12+$0x1BDB0]  }
0x34e: {  	v3 =	vld [tilespmem:s12+$0x1CD50]  }
0x34f: {  	v1 =	vld.idx.msk [tilespmem:v1+s7+$0x0], $0xffff;
	_ =	sdelay $0x4  }
0x350: {  	v1 =	vmul.f32 v1, v3;
	_ =	sdelay $0x1  }
0x351: {  	[tilespmem:v2+s8+$0x0] =	vst.idx.add.f32.msk $0xffff, v1  }
0x352: {  	v1 =	vld [tilespmem:s12+$0x1AE20];
	_ =	sdelay $0x5  }
0x353: {  	v2 =	vld [tilespmem:s12+$0x1BDC0]  }
0x354: {  	v3 =	vld [tilespmem:s12+$0x1CD60]  }
0x355: {  	v1 =	vld.idx.msk [tilespmem:v1+s7+$0x0], $0xffff;
	_ =	sdelay $0x4  }
0x356: {  	v1 =	vmul.f32 v1, v3;
	_ =	sdelay $0x1  }
0x357: {  	[tilespmem:v2+s8+$0x0] =	vst.idx.add.f32.msk $0xffff, v1  }
0x358: {  	v1 =	vld [tilespmem:s12+$0x1AE30];
	_ =	sdelay $0x5  }
0x359: {  	v2 =	vld [tilespmem:s12+$0x1BDD0]  }
0x35a: {  	v3 =	vld [tilespmem:s12+$0x1CD70]  }
0x35b: {  	v1 =	vld.idx.msk [tilespmem:v1+s7+$0x0], $0xffff;
	_ =	sdelay $0x4  }
0x35c: {  	v1 =	vmul.f32 v1, v3;
	_ =	sdelay $0x1  }
0x35d: {  	[tilespmem:v2+s8+$0x0] =	vst.idx.add.f32.msk $0xffff, v1  }
0x35e: {  	v1 =	vld [tilespmem:s12+$0x1AE40];
	_ =	sdelay $0x5  }
0x35f: {  	v2 =	vld [tilespmem:s12+$0x1BDE0]  }
0x360: {  	v3 =	vld [tilespmem:s12+$0x1CD80]  }
0x361: {  	v1 =	vld.idx.msk [tilespmem:v1+s7+$0x0], $0xffff;
	_ =	sdelay $0x1  }
0x362: {  	p0 =	sne.s32 s11, $0x3C00  }
.Ltmp25:
0x363: {  	_ = 	snop;
	(pc) =	sbr.rel @p0 .LBB2_53-.Ltmp25, $3  }
0x364: {  	_ = 	snop  }
0x365: {  	v1 =	vmul.f32 v1, v3;
	_ =	sdelay $0x1  }
0x366: {  	s11 =	sadd.s32 $0x280, s11;
	[tilespmem:v2+s8+$0x0] =	vst.idx.add.f32.msk $0xffff, v1  }
0x367: {  	s10 =	sadd.s32 $0x1, s10  }
0x368: {  	p0 =	sne.s32 s10, $0x64  }
.Ltmp26:
0x369: {  	_ = 	snop;
	(pc) =	sbr.rel @p0 .LBB2_52-.Ltmp26, $2  }
0x36a: {  	_ =	sdelay $0x2  }
0x36b: {  	s11 =	simm.s32 $0x0  }
0x36c: {  	s10 =	simm.s32 $0x40;
	s12 =	simm.s32 $0x0  }
.LBB2_56:
0x36d: {  	p0 =	sne.s32 s10, $0x61A40;
	[tilespmem:s12+$0x0] =	vst v0;
	s12 =	smov.u32 s10;
	s10 =	sadd.s32 $0x40, s10  }
.Ltmp27:
0x36e: {  	(pc) =	sbr.rel @p0 .LBB2_56-.Ltmp27, $2  }
0x36f: {  	_ =	sdelay $0x2  }
0x370: {  	s12 =	sshra.s32 s12, $0x2  }
0x371: {  	[tilespmem:s12+$0x0] =	vst v0  }
.LBB2_58:
0x372: {  	s12 =	smul.u32 $0x1F4, s11;
	_ =	sdelay $0x1  }
0x373: {  	s10 =	simm.s32 $0x0;
	s13 =	sadd.s32 s4, s12  }
0x374: {  	[tilespmem:s28], [sflag:$0x1] =	stream.linear.gather [hbm4b:s13+s10], $0xFA0, $0x38;
	[tilespmem:$0x1DC90] =	vst v63  }
0x375: {  	s13 =	sadd.s32 s5, s12  }
0x376: {  	[tilespmem:s29], [sflag:$0x2] =	stream.linear.gather [hbm4b:s13+s10], $0xFA0, $0x38;
	[tilespmem:$0x1DC90] =	vst v63  }
0x377: {  	s12 =	sadd.s32 s6, s12  }
0x378: {  	[tilespmem:s30], [sflag:$0x3] =	stream.linear.gather [hbm4b:s12+s10], $0xFA0, $0x38;
	[tilespmem:$0x1DC90] =	vst v63  }
0x379: {  	_ =	swait.ge [sflag:s31], $0xFA0  }
0x37a: {  	[sflag:s31] =	ssyncset.done $0x0  }
0x37b: {  	[sflag:s31] =	ssyncadd.s32 $0xFFFFF060  }
0x37c: {  	_ =	swait.ge [sflag:s19], $0xFA0  }
0x37d: {  	[sflag:s19] =	ssyncset.done $0x0  }
0x37e: {  	[sflag:s19] =	ssyncadd.s32 $0xFFFFF060  }
0x37f: {  	_ =	swait.ge [sflag:s1], $0xFA0  }
0x380: {  	[sflag:s1] =	ssyncset.done $0x0  }
0x381: {  	[sflag:s1] =	ssyncadd.s32 $0xFFFFF060  }
.LBB2_59:
0x382: {  	s12 =	sshra.s32 s10, $0x2  }
0x383: {  	v1 =	vld [tilespmem:s12+$0x1ADB0];
	_ =	sdelay $0x5  }
0x384: {  	v2 =	vld [tilespmem:s12+$0x1BD50]  }
0x385: {  	v3 =	vld [tilespmem:s12+$0x1CCF0]  }
0x386: {  	v1 =	vld.idx.msk [tilespmem:v1+s8+$0x0], $0xffff;
	_ =	sdelay $0x4  }
0x387: {  	v1 =	vmul.f32 v1, v3;
	_ =	sdelay $0x1  }
0x388: {  	[tilespmem:v2+s7+$0x0] =	vst.idx.add.f32.msk $0xffff, v1  }
0x389: {  	v1 =	vld [tilespmem:s12+$0x1ADC0];
	_ =	sdelay $0x5  }
0x38a: {  	v2 =	vld [tilespmem:s12+$0x1BD60]  }
0x38b: {  	v3 =	vld [tilespmem:s12+$0x1CD00]  }
0x38c: {  	v1 =	vld.idx.msk [tilespmem:v1+s8+$0x0], $0xffff;
	_ =	sdelay $0x4  }
0x38d: {  	v1 =	vmul.f32 v1, v3;
	_ =	sdelay $0x1  }
0x38e: {  	[tilespmem:v2+s7+$0x0] =	vst.idx.add.f32.msk $0xffff, v1  }
0x38f: {  	v1 =	vld [tilespmem:s12+$0x1ADD0];
	_ =	sdelay $0x5  }
0x390: {  	v2 =	vld [tilespmem:s12+$0x1BD70]  }
0x391: {  	v3 =	vld [tilespmem:s12+$0x1CD10]  }
0x392: {  	v1 =	vld.idx.msk [tilespmem:v1+s8+$0x0], $0xffff;
	_ =	sdelay $0x4  }
0x393: {  	v1 =	vmul.f32 v1, v3;
	_ =	sdelay $0x1  }
0x394: {  	[tilespmem:v2+s7+$0x0] =	vst.idx.add.f32.msk $0xffff, v1  }
0x395: {  	v1 =	vld [tilespmem:s12+$0x1ADE0];
	_ =	sdelay $0x5  }
0x396: {  	v2 =	vld [tilespmem:s12+$0x1BD80]  }
0x397: {  	v3 =	vld [tilespmem:s12+$0x1CD20]  }
0x398: {  	v1 =	vld.idx.msk [tilespmem:v1+s8+$0x0], $0xffff;
	_ =	sdelay $0x4  }
0x399: {  	v1 =	vmul.f32 v1, v3;
	_ =	sdelay $0x1  }
0x39a: {  	[tilespmem:v2+s7+$0x0] =	vst.idx.add.f32.msk $0xffff, v1  }
0x39b: {  	v1 =	vld [tilespmem:s12+$0x1ADF0];
	_ =	sdelay $0x5  }
0x39c: {  	v2 =	vld [tilespmem:s12+$0x1BD90]  }
0x39d: {  	v3 =	vld [tilespmem:s12+$0x1CD30]  }
0x39e: {  	v1 =	vld.idx.msk [tilespmem:v1+s8+$0x0], $0xffff;
	_ =	sdelay $0x4  }
0x39f: {  	v1 =	vmul.f32 v1, v3;
	_ =	sdelay $0x1  }
0x3a0: {  	[tilespmem:v2+s7+$0x0] =	vst.idx.add.f32.msk $0xffff, v1  }
0x3a1: {  	v1 =	vld [tilespmem:s12+$0x1AE00];
	_ =	sdelay $0x5  }
0x3a2: {  	v2 =	vld [tilespmem:s12+$0x1BDA0]  }
0x3a3: {  	v3 =	vld [tilespmem:s12+$0x1CD40]  }
0x3a4: {  	v1 =	vld.idx.msk [tilespmem:v1+s8+$0x0], $0xffff;
	_ =	sdelay $0x4  }
0x3a5: {  	v1 =	vmul.f32 v1, v3;
	_ =	sdelay $0x1  }
0x3a6: {  	[tilespmem:v2+s7+$0x0] =	vst.idx.add.f32.msk $0xffff, v1  }
0x3a7: {  	v1 =	vld [tilespmem:s12+$0x1AE10];
	_ =	sdelay $0x5  }
0x3a8: {  	v2 =	vld [tilespmem:s12+$0x1BDB0]  }
0x3a9: {  	v3 =	vld [tilespmem:s12+$0x1CD50]  }
0x3aa: {  	v1 =	vld.idx.msk [tilespmem:v1+s8+$0x0], $0xffff;
	_ =	sdelay $0x4  }
0x3ab: {  	v1 =	vmul.f32 v1, v3;
	_ =	sdelay $0x1  }
0x3ac: {  	[tilespmem:v2+s7+$0x0] =	vst.idx.add.f32.msk $0xffff, v1  }
0x3ad: {  	v1 =	vld [tilespmem:s12+$0x1AE20];
	_ =	sdelay $0x5  }
0x3ae: {  	v2 =	vld [tilespmem:s12+$0x1BDC0]  }
0x3af: {  	v3 =	vld [tilespmem:s12+$0x1CD60]  }
0x3b0: {  	v1 =	vld.idx.msk [tilespmem:v1+s8+$0x0], $0xffff;
	_ =	sdelay $0x4  }
0x3b1: {  	v1 =	vmul.f32 v1, v3;
	_ =	sdelay $0x1  }
0x3b2: {  	[tilespmem:v2+s7+$0x0] =	vst.idx.add.f32.msk $0xffff, v1  }
0x3b3: {  	v1 =	vld [tilespmem:s12+$0x1AE30];
	_ =	sdelay $0x5  }
0x3b4: {  	v2 =	vld [tilespmem:s12+$0x1BDD0]  }
0x3b5: {  	v3 =	vld [tilespmem:s12+$0x1CD70]  }
0x3b6: {  	v1 =	vld.idx.msk [tilespmem:v1+s8+$0x0], $0xffff;
	_ =	sdelay $0x4  }
0x3b7: {  	v1 =	vmul.f32 v1, v3;
	_ =	sdelay $0x1  }
0x3b8: {  	[tilespmem:v2+s7+$0x0] =	vst.idx.add.f32.msk $0xffff, v1  }
0x3b9: {  	v1 =	vld [tilespmem:s12+$0x1AE40];
	_ =	sdelay $0x5  }
0x3ba: {  	v2 =	vld [tilespmem:s12+$0x1BDE0]  }
0x3bb: {  	v3 =	vld [tilespmem:s12+$0x1CD80]  }
0x3bc: {  	v1 =	vld.idx.msk [tilespmem:v1+s8+$0x0], $0xffff;
	_ =	sdelay $0x1  }
0x3bd: {  	p0 =	sne.s32 s10, $0x3C00  }
.Ltmp28:
0x3be: {  	_ = 	snop;
	(pc) =	sbr.rel @p0 .LBB2_59-.Ltmp28, $3  }
0x3bf: {  	_ = 	snop  }
0x3c0: {  	v1 =	vmul.f32 v1, v3;
	_ =	sdelay $0x1  }
0x3c1: {  	s10 =	sadd.s32 $0x280, s10;
	[tilespmem:v2+s7+$0x0] =	vst.idx.add.f32.msk $0xffff, v1  }
0x3c2: {  	s11 =	sadd.s32 $0x1, s11  }
0x3c3: {  	p0 =	sne.s32 s11, $0x64  }
.Ltmp29:
0x3c4: {  	_ = 	snop;
	(pc) =	sbr.rel @p0 .LBB2_58-.Ltmp29, $1  }
0x3c5: {  	_ =	sdelay $0x3  }
0x3c6: {  	s10 =	simm.s32 $0x0  }
0x3c7: {  	[hbm4b:s17+s10] =	stream.linear.scatter [tilespmem:s10], [sflag:$0x4], $0x186A0, $0x38;
	[tilespmem:$0x1DC90] =	vst v63  }
0x3c8: {  	_ =	swait.ge [sflag:s26], $0x186A0  }
0x3c9: {  	[sflag:s26] =	ssyncset.done $0x0  }
0x3ca: {  	[sflag:s26] =	ssyncadd.s32 $0xFFFE7960  }
0x3cb: {  	[tilespmem:s10], [sflag:$0x4] =	stream.linear.gather [hbm4b:s18+s10], $0x186A0, $0x38;
	[tilespmem:$0x1DC90] =	vst v63  }
0x3cc: {  	_ =	swait.ge [sflag:s26], $0x186A0  }
0x3cd: {  	[sflag:s26] =	ssyncset.done $0x0  }
0x3ce: {  	s11 =	simm.s32 $0x40;
	s12 =	simm.s32 $0x0;
	[sflag:s26] =	ssyncadd.s32 $0xFFFE7960  }
.LBB2_62:
0x3cf: {  	p0 =	sne.s32 s11, $0x9C00;
	[tilespmem:s12+$0x186A0] =	vst v0;
	s12 =	smov.u32 s11;
	s11 =	sadd.s32 $0x40, s11  }
.Ltmp30:
0x3d0: {  	(pc) =	sbr.rel @p0 .LBB2_62-.Ltmp30, $2  }
0x3d1: {  	_ =	sdelay $0x2  }
0x3d2: {  	s12 =	sshra.s32 s12, $0x2  }
0x3d3: {  	[tilespmem:s12+$0x186A0] =	vst v0  }
.LBB2_64:
0x3d4: {  	s12 =	smul.u32 $0x1F4, s10;
	_ =	sdelay $0x1  }
0x3d5: {  	s11 =	simm.s32 $0x0;
	s13 =	sadd.s32 s0, s12  }
0x3d6: {  	[tilespmem:s28], [sflag:$0x1] =	stream.linear.gather [hbm4b:s13+s11], $0xFA0, $0x38;
	[tilespmem:$0x1DC90] =	vst v63  }
0x3d7: {  	s13 =	sadd.s32 s2, s12  }
0x3d8: {  	[tilespmem:s29], [sflag:$0x2] =	stream.linear.gather [hbm4b:s13+s11], $0xFA0, $0x38;
	[tilespmem:$0x1DC90] =	vst v63  }
0x3d9: {  	s12 =	sadd.s32 s3, s12  }
0x3da: {  	[tilespmem:s30], [sflag:$0x3] =	stream.linear.gather [hbm4b:s12+s11], $0xFA0, $0x38;
	[tilespmem:$0x1DC90] =	vst v63  }
0x3db: {  	_ =	swait.ge [sflag:s31], $0xFA0  }
0x3dc: {  	[sflag:s31] =	ssyncset.done $0x0  }
0x3dd: {  	[sflag:s31] =	ssyncadd.s32 $0xFFFFF060  }
0x3de: {  	_ =	swait.ge [sflag:s19], $0xFA0  }
0x3df: {  	[sflag:s19] =	ssyncset.done $0x0  }
0x3e0: {  	[sflag:s19] =	ssyncadd.s32 $0xFFFFF060  }
0x3e1: {  	_ =	swait.ge [sflag:s1], $0xFA0  }
0x3e2: {  	[sflag:s1] =	ssyncset.done $0x0  }
0x3e3: {  	[sflag:s1] =	ssyncadd.s32 $0xFFFFF060  }
.LBB2_65:
0x3e4: {  	s12 =	sshra.s32 s11, $0x2  }
0x3e5: {  	v1 =	vld [tilespmem:s12+$0x1ADB0];
	_ =	sdelay $0x5  }
0x3e6: {  	v2 =	vld [tilespmem:s12+$0x1BD50]  }
0x3e7: {  	v3 =	vld [tilespmem:s12+$0x1CCF0]  }
0x3e8: {  	v1 =	vld.idx.msk [tilespmem:v1+s7+$0x0], $0xffff;
	_ =	sdelay $0x4  }
0x3e9: {  	v1 =	vmul.f32 v1, v3;
	_ =	sdelay $0x1  }
0x3ea: {  	[tilespmem:v2+s8+$0x0] =	vst.idx.add.f32.msk $0xffff, v1  }
0x3eb: {  	v1 =	vld [tilespmem:s12+$0x1ADC0];
	_ =	sdelay $0x5  }
0x3ec: {  	v2 =	vld [tilespmem:s12+$0x1BD60]  }
0x3ed: {  	v3 =	vld [tilespmem:s12+$0x1CD00]  }
0x3ee: {  	v1 =	vld.idx.msk [tilespmem:v1+s7+$0x0], $0xffff;
	_ =	sdelay $0x4  }
0x3ef: {  	v1 =	vmul.f32 v1, v3;
	_ =	sdelay $0x1  }
0x3f0: {  	[tilespmem:v2+s8+$0x0] =	vst.idx.add.f32.msk $0xffff, v1  }
0x3f1: {  	v1 =	vld [tilespmem:s12+$0x1ADD0];
	_ =	sdelay $0x5  }
0x3f2: {  	v2 =	vld [tilespmem:s12+$0x1BD70]  }
0x3f3: {  	v3 =	vld [tilespmem:s12+$0x1CD10]  }
0x3f4: {  	v1 =	vld.idx.msk [tilespmem:v1+s7+$0x0], $0xffff;
	_ =	sdelay $0x4  }
0x3f5: {  	v1 =	vmul.f32 v1, v3;
	_ =	sdelay $0x1  }
0x3f6: {  	[tilespmem:v2+s8+$0x0] =	vst.idx.add.f32.msk $0xffff, v1  }
0x3f7: {  	v1 =	vld [tilespmem:s12+$0x1ADE0];
	_ =	sdelay $0x5  }
0x3f8: {  	v2 =	vld [tilespmem:s12+$0x1BD80]  }
0x3f9: {  	v3 =	vld [tilespmem:s12+$0x1CD20]  }
0x3fa: {  	v1 =	vld.idx.msk [tilespmem:v1+s7+$0x0], $0xffff;
	_ =	sdelay $0x4  }
0x3fb: {  	v1 =	vmul.f32 v1, v3;
	_ =	sdelay $0x1  }
0x3fc: {  	[tilespmem:v2+s8+$0x0] =	vst.idx.add.f32.msk $0xffff, v1  }
0x3fd: {  	v1 =	vld [tilespmem:s12+$0x1ADF0];
	_ =	sdelay $0x5  }
0x3fe: {  	v2 =	vld [tilespmem:s12+$0x1BD90]  }
0x3ff: {  	v3 =	vld [tilespmem:s12+$0x1CD30]  }
0x400: {  	v1 =	vld.idx.msk [tilespmem:v1+s7+$0x0], $0xffff;
	_ =	sdelay $0x4  }
0x401: {  	v1 =	vmul.f32 v1, v3;
	_ =	sdelay $0x1  }
0x402: {  	[tilespmem:v2+s8+$0x0] =	vst.idx.add.f32.msk $0xffff, v1  }
0x403: {  	v1 =	vld [tilespmem:s12+$0x1AE00];
	_ =	sdelay $0x5  }
0x404: {  	v2 =	vld [tilespmem:s12+$0x1BDA0]  }
0x405: {  	v3 =	vld [tilespmem:s12+$0x1CD40]  }
0x406: {  	v1 =	vld.idx.msk [tilespmem:v1+s7+$0x0], $0xffff;
	_ =	sdelay $0x4  }
0x407: {  	v1 =	vmul.f32 v1, v3;
	_ =	sdelay $0x1  }
0x408: {  	[tilespmem:v2+s8+$0x0] =	vst.idx.add.f32.msk $0xffff, v1  }
0x409: {  	v1 =	vld [tilespmem:s12+$0x1AE10];
	_ =	sdelay $0x5  }
0x40a: {  	v2 =	vld [tilespmem:s12+$0x1BDB0]  }
0x40b: {  	v3 =	vld [tilespmem:s12+$0x1CD50]  }
0x40c: {  	v1 =	vld.idx.msk [tilespmem:v1+s7+$0x0], $0xffff;
	_ =	sdelay $0x4  }
0x40d: {  	v1 =	vmul.f32 v1, v3;
	_ =	sdelay $0x1  }
0x40e: {  	[tilespmem:v2+s8+$0x0] =	vst.idx.add.f32.msk $0xffff, v1  }
0x40f: {  	v1 =	vld [tilespmem:s12+$0x1AE20];
	_ =	sdelay $0x5  }
0x410: {  	v2 =	vld [tilespmem:s12+$0x1BDC0]  }
0x411: {  	v3 =	vld [tilespmem:s12+$0x1CD60]  }
0x412: {  	v1 =	vld.idx.msk [tilespmem:v1+s7+$0x0], $0xffff;
	_ =	sdelay $0x4  }
0x413: {  	v1 =	vmul.f32 v1, v3;
	_ =	sdelay $0x1  }
0x414: {  	[tilespmem:v2+s8+$0x0] =	vst.idx.add.f32.msk $0xffff, v1  }
0x415: {  	v1 =	vld [tilespmem:s12+$0x1AE30];
	_ =	sdelay $0x5  }
0x416: {  	v2 =	vld [tilespmem:s12+$0x1BDD0]  }
0x417: {  	v3 =	vld [tilespmem:s12+$0x1CD70]  }
0x418: {  	v1 =	vld.idx.msk [tilespmem:v1+s7+$0x0], $0xffff;
	_ =	sdelay $0x4  }
0x419: {  	v1 =	vmul.f32 v1, v3;
	_ =	sdelay $0x1  }
0x41a: {  	[tilespmem:v2+s8+$0x0] =	vst.idx.add.f32.msk $0xffff, v1  }
0x41b: {  	v1 =	vld [tilespmem:s12+$0x1AE40];
	_ =	sdelay $0x5  }
0x41c: {  	v2 =	vld [tilespmem:s12+$0x1BDE0]  }
0x41d: {  	v3 =	vld [tilespmem:s12+$0x1CD80]  }
0x41e: {  	v1 =	vld.idx.msk [tilespmem:v1+s7+$0x0], $0xffff;
	_ =	sdelay $0x1  }
0x41f: {  	p0 =	sne.s32 s11, $0x3C00  }
.Ltmp31:
0x420: {  	_ = 	snop;
	(pc) =	sbr.rel @p0 .LBB2_65-.Ltmp31, $3  }
0x421: {  	_ = 	snop  }
0x422: {  	v1 =	vmul.f32 v1, v3;
	_ =	sdelay $0x1  }
0x423: {  	s11 =	sadd.s32 $0x280, s11;
	[tilespmem:v2+s8+$0x0] =	vst.idx.add.f32.msk $0xffff, v1  }
0x424: {  	s10 =	sadd.s32 $0x1, s10  }
0x425: {  	p0 =	sne.s32 s10, $0x64  }
.Ltmp32:
0x426: {  	_ = 	snop;
	(pc) =	sbr.rel @p0 .LBB2_64-.Ltmp32, $2  }
0x427: {  	_ =	sdelay $0x2  }
0x428: {  	s11 =	simm.s32 $0x0  }
0x429: {  	s10 =	simm.s32 $0x40;
	s12 =	simm.s32 $0x0  }
.LBB2_68:
0x42a: {  	p0 =	sne.s32 s10, $0x61A40;
	[tilespmem:s12+$0x0] =	vst v0;
	s12 =	smov.u32 s10;
	s10 =	sadd.s32 $0x40, s10  }
.Ltmp33:
0x42b: {  	(pc) =	sbr.rel @p0 .LBB2_68-.Ltmp33, $2  }
0x42c: {  	_ =	sdelay $0x2  }
0x42d: {  	s12 =	sshra.s32 s12, $0x2  }
0x42e: {  	[tilespmem:s12+$0x0] =	vst v0  }
.LBB2_70:
0x42f: {  	s12 =	smul.u32 $0x1F4, s11;
	_ =	sdelay $0x1  }
0x430: {  	s10 =	simm.s32 $0x0;
	s13 =	sadd.s32 s4, s12  }
0x431: {  	[tilespmem:s28], [sflag:$0x1] =	stream.linear.gather [hbm4b:s13+s10], $0xFA0, $0x38;
	[tilespmem:$0x1DC90] =	vst v63  }
0x432: {  	s13 =	sadd.s32 s5, s12  }
0x433: {  	[tilespmem:s29], [sflag:$0x2] =	stream.linear.gather [hbm4b:s13+s10], $0xFA0, $0x38;
	[tilespmem:$0x1DC90] =	vst v63  }
0x434: {  	s12 =	sadd.s32 s6, s12  }
0x435: {  	[tilespmem:s30], [sflag:$0x3] =	stream.linear.gather [hbm4b:s12+s10], $0xFA0, $0x38;
	[tilespmem:$0x1DC90] =	vst v63  }
0x436: {  	_ =	swait.ge [sflag:s31], $0xFA0  }
0x437: {  	[sflag:s31] =	ssyncset.done $0x0  }
0x438: {  	[sflag:s31] =	ssyncadd.s32 $0xFFFFF060  }
0x439: {  	_ =	swait.ge [sflag:s19], $0xFA0  }
0x43a: {  	[sflag:s19] =	ssyncset.done $0x0  }
0x43b: {  	[sflag:s19] =	ssyncadd.s32 $0xFFFFF060  }
0x43c: {  	_ =	swait.ge [sflag:s1], $0xFA0  }
0x43d: {  	[sflag:s1] =	ssyncset.done $0x0  }
0x43e: {  	[sflag:s1] =	ssyncadd.s32 $0xFFFFF060  }
.LBB2_71:
0x43f: {  	s12 =	sshra.s32 s10, $0x2  }
0x440: {  	v1 =	vld [tilespmem:s12+$0x1ADB0];
	_ =	sdelay $0x5  }
0x441: {  	v2 =	vld [tilespmem:s12+$0x1BD50]  }
0x442: {  	v3 =	vld [tilespmem:s12+$0x1CCF0]  }
0x443: {  	v1 =	vld.idx.msk [tilespmem:v1+s8+$0x0], $0xffff;
	_ =	sdelay $0x4  }
0x444: {  	v1 =	vmul.f32 v1, v3;
	_ =	sdelay $0x1  }
0x445: {  	[tilespmem:v2+s7+$0x0] =	vst.idx.add.f32.msk $0xffff, v1  }
0x446: {  	v1 =	vld [tilespmem:s12+$0x1ADC0];
	_ =	sdelay $0x5  }
0x447: {  	v2 =	vld [tilespmem:s12+$0x1BD60]  }
0x448: {  	v3 =	vld [tilespmem:s12+$0x1CD00]  }
0x449: {  	v1 =	vld.idx.msk [tilespmem:v1+s8+$0x0], $0xffff;
	_ =	sdelay $0x4  }
0x44a: {  	v1 =	vmul.f32 v1, v3;
	_ =	sdelay $0x1  }
0x44b: {  	[tilespmem:v2+s7+$0x0] =	vst.idx.add.f32.msk $0xffff, v1  }
0x44c: {  	v1 =	vld [tilespmem:s12+$0x1ADD0];
	_ =	sdelay $0x5  }
0x44d: {  	v2 =	vld [tilespmem:s12+$0x1BD70]  }
0x44e: {  	v3 =	vld [tilespmem:s12+$0x1CD10]  }
0x44f: {  	v1 =	vld.idx.msk [tilespmem:v1+s8+$0x0], $0xffff;
	_ =	sdelay $0x4  }
0x450: {  	v1 =	vmul.f32 v1, v3;
	_ =	sdelay $0x1  }
0x451: {  	[tilespmem:v2+s7+$0x0] =	vst.idx.add.f32.msk $0xffff, v1  }
0x452: {  	v1 =	vld [tilespmem:s12+$0x1ADE0];
	_ =	sdelay $0x5  }
0x453: {  	v2 =	vld [tilespmem:s12+$0x1BD80]  }
0x454: {  	v3 =	vld [tilespmem:s12+$0x1CD20]  }
0x455: {  	v1 =	vld.idx.msk [tilespmem:v1+s8+$0x0], $0xffff;
	_ =	sdelay $0x4  }
0x456: {  	v1 =	vmul.f32 v1, v3;
	_ =	sdelay $0x1  }
0x457: {  	[tilespmem:v2+s7+$0x0] =	vst.idx.add.f32.msk $0xffff, v1  }
0x458: {  	v1 =	vld [tilespmem:s12+$0x1ADF0];
	_ =	sdelay $0x5  }
0x459: {  	v2 =	vld [tilespmem:s12+$0x1BD90]  }
0x45a: {  	v3 =	vld [tilespmem:s12+$0x1CD30]  }
0x45b: {  	v1 =	vld.idx.msk [tilespmem:v1+s8+$0x0], $0xffff;
	_ =	sdelay $0x4  }
0x45c: {  	v1 =	vmul.f32 v1, v3;
	_ =	sdelay $0x1  }
0x45d: {  	[tilespmem:v2+s7+$0x0] =	vst.idx.add.f32.msk $0xffff, v1  }
0x45e: {  	v1 =	vld [tilespmem:s12+$0x1AE00];
	_ =	sdelay $0x5  }
0x45f: {  	v2 =	vld [tilespmem:s12+$0x1BDA0]  }
0x460: {  	v3 =	vld [tilespmem:s12+$0x1CD40]  }
0x461: {  	v1 =	vld.idx.msk [tilespmem:v1+s8+$0x0], $0xffff;
	_ =	sdelay $0x4  }
0x462: {  	v1 =	vmul.f32 v1, v3;
	_ =	sdelay $0x1  }
0x463: {  	[tilespmem:v2+s7+$0x0] =	vst.idx.add.f32.msk $0xffff, v1  }
0x464: {  	v1 =	vld [tilespmem:s12+$0x1AE10];
	_ =	sdelay $0x5  }
0x465: {  	v2 =	vld [tilespmem:s12+$0x1BDB0]  }
0x466: {  	v3 =	vld [tilespmem:s12+$0x1CD50]  }
0x467: {  	v1 =	vld.idx.msk [tilespmem:v1+s8+$0x0], $0xffff;
	_ =	sdelay $0x4  }
0x468: {  	v1 =	vmul.f32 v1, v3;
	_ =	sdelay $0x1  }
0x469: {  	[tilespmem:v2+s7+$0x0] =	vst.idx.add.f32.msk $0xffff, v1  }
0x46a: {  	v1 =	vld [tilespmem:s12+$0x1AE20];
	_ =	sdelay $0x5  }
0x46b: {  	v2 =	vld [tilespmem:s12+$0x1BDC0]  }
0x46c: {  	v3 =	vld [tilespmem:s12+$0x1CD60]  }
0x46d: {  	v1 =	vld.idx.msk [tilespmem:v1+s8+$0x0], $0xffff;
	_ =	sdelay $0x4  }
0x46e: {  	v1 =	vmul.f32 v1, v3;
	_ =	sdelay $0x1  }
0x46f: {  	[tilespmem:v2+s7+$0x0] =	vst.idx.add.f32.msk $0xffff, v1  }
0x470: {  	v1 =	vld [tilespmem:s12+$0x1AE30];
	_ =	sdelay $0x5  }
0x471: {  	v2 =	vld [tilespmem:s12+$0x1BDD0]  }
0x472: {  	v3 =	vld [tilespmem:s12+$0x1CD70]  }
0x473: {  	v1 =	vld.idx.msk [tilespmem:v1+s8+$0x0], $0xffff;
	_ =	sdelay $0x4  }
0x474: {  	v1 =	vmul.f32 v1, v3;
	_ =	sdelay $0x1  }
0x475: {  	[tilespmem:v2+s7+$0x0] =	vst.idx.add.f32.msk $0xffff, v1  }
0x476: {  	v1 =	vld [tilespmem:s12+$0x1AE40];
	_ =	sdelay $0x5  }
0x477: {  	v2 =	vld [tilespmem:s12+$0x1BDE0]  }
0x478: {  	v3 =	vld [tilespmem:s12+$0x1CD80]  }
0x479: {  	v1 =	vld.idx.msk [tilespmem:v1+s8+$0x0], $0xffff;
	_ =	sdelay $0x1  }
0x47a: {  	p0 =	sne.s32 s10, $0x3C00  }
.Ltmp34:
0x47b: {  	_ = 	snop;
	(pc) =	sbr.rel @p0 .LBB2_71-.Ltmp34, $3  }
0x47c: {  	_ = 	snop  }
0x47d: {  	v1 =	vmul.f32 v1, v3;
	_ =	sdelay $0x1  }
0x47e: {  	s10 =	sadd.s32 $0x280, s10;
	[tilespmem:v2+s7+$0x0] =	vst.idx.add.f32.msk $0xffff, v1  }
0x47f: {  	s11 =	sadd.s32 $0x1, s11  }
0x480: {  	p0 =	sne.s32 s11, $0x64  }
.Ltmp35:
0x481: {  	_ = 	snop;
	(pc) =	sbr.rel @p0 .LBB2_70-.Ltmp35, $1  }
0x482: {  	_ =	sdelay $0x3  }
0x483: {  	s10 =	simm.s32 $0x0  }
0x484: {  	[hbm4b:s20+s10] =	stream.linear.scatter [tilespmem:s10], [sflag:$0x4], $0x186A0, $0x38;
	[tilespmem:$0x1DC90] =	vst v63  }
0x485: {  	_ =	swait.ge [sflag:s26], $0x186A0  }
0x486: {  	[sflag:s26] =	ssyncset.done $0x0  }
0x487: {  	[sflag:s26] =	ssyncadd.s32 $0xFFFE7960  }
0x488: {  	[tilespmem:s10], [sflag:$0x4] =	stream.linear.gather [hbm4b:s21+s10], $0x186A0, $0x38;
	[tilespmem:$0x1DC90] =	vst v63  }
0x489: {  	_ =	swait.ge [sflag:s26], $0x186A0  }
0x48a: {  	[sflag:s26] =	ssyncset.done $0x0  }
0x48b: {  	s11 =	simm.s32 $0x40;
	s12 =	simm.s32 $0x0;
	[sflag:s26] =	ssyncadd.s32 $0xFFFE7960  }
.LBB2_74:
0x48c: {  	p0 =	sne.s32 s11, $0x9C00;
	[tilespmem:s12+$0x186A0] =	vst v0;
	s12 =	smov.u32 s11;
	s11 =	sadd.s32 $0x40, s11  }
.Ltmp36:
0x48d: {  	(pc) =	sbr.rel @p0 .LBB2_74-.Ltmp36, $2  }
0x48e: {  	_ =	sdelay $0x2  }
0x48f: {  	s12 =	sshra.s32 s12, $0x2  }
0x490: {  	[tilespmem:s12+$0x186A0] =	vst v0  }
.LBB2_76:
0x491: {  	s12 =	smul.u32 $0x1F4, s10;
	_ =	sdelay $0x1  }
0x492: {  	s11 =	simm.s32 $0x0;
	s13 =	sadd.s32 s0, s12  }
0x493: {  	[tilespmem:s28], [sflag:$0x1] =	stream.linear.gather [hbm4b:s13+s11], $0xFA0, $0x38;
	[tilespmem:$0x1DC90] =	vst v63  }
0x494: {  	s13 =	sadd.s32 s2, s12  }
0x495: {  	[tilespmem:s29], [sflag:$0x2] =	stream.linear.gather [hbm4b:s13+s11], $0xFA0, $0x38;
	[tilespmem:$0x1DC90] =	vst v63  }
0x496: {  	s12 =	sadd.s32 s3, s12  }
0x497: {  	[tilespmem:s30], [sflag:$0x3] =	stream.linear.gather [hbm4b:s12+s11], $0xFA0, $0x38;
	[tilespmem:$0x1DC90] =	vst v63  }
0x498: {  	_ =	swait.ge [sflag:s31], $0xFA0  }
0x499: {  	[sflag:s31] =	ssyncset.done $0x0  }
0x49a: {  	[sflag:s31] =	ssyncadd.s32 $0xFFFFF060  }
0x49b: {  	_ =	swait.ge [sflag:s19], $0xFA0  }
0x49c: {  	[sflag:s19] =	ssyncset.done $0x0  }
0x49d: {  	[sflag:s19] =	ssyncadd.s32 $0xFFFFF060  }
0x49e: {  	_ =	swait.ge [sflag:s1], $0xFA0  }
0x49f: {  	[sflag:s1] =	ssyncset.done $0x0  }
0x4a0: {  	[sflag:s1] =	ssyncadd.s32 $0xFFFFF060  }
.LBB2_77:
0x4a1: {  	s12 =	sshra.s32 s11, $0x2  }
0x4a2: {  	v1 =	vld [tilespmem:s12+$0x1ADB0];
	_ =	sdelay $0x5  }
0x4a3: {  	v2 =	vld [tilespmem:s12+$0x1BD50]  }
0x4a4: {  	v3 =	vld [tilespmem:s12+$0x1CCF0]  }
0x4a5: {  	v1 =	vld.idx.msk [tilespmem:v1+s7+$0x0], $0xffff;
	_ =	sdelay $0x4  }
0x4a6: {  	v1 =	vmul.f32 v1, v3;
	_ =	sdelay $0x1  }
0x4a7: {  	[tilespmem:v2+s8+$0x0] =	vst.idx.add.f32.msk $0xffff, v1  }
0x4a8: {  	v1 =	vld [tilespmem:s12+$0x1ADC0];
	_ =	sdelay $0x5  }
0x4a9: {  	v2 =	vld [tilespmem:s12+$0x1BD60]  }
0x4aa: {  	v3 =	vld [tilespmem:s12+$0x1CD00]  }
0x4ab: {  	v1 =	vld.idx.msk [tilespmem:v1+s7+$0x0], $0xffff;
	_ =	sdelay $0x4  }
0x4ac: {  	v1 =	vmul.f32 v1, v3;
	_ =	sdelay $0x1  }
0x4ad: {  	[tilespmem:v2+s8+$0x0] =	vst.idx.add.f32.msk $0xffff, v1  }
0x4ae: {  	v1 =	vld [tilespmem:s12+$0x1ADD0];
	_ =	sdelay $0x5  }
0x4af: {  	v2 =	vld [tilespmem:s12+$0x1BD70]  }
0x4b0: {  	v3 =	vld [tilespmem:s12+$0x1CD10]  }
0x4b1: {  	v1 =	vld.idx.msk [tilespmem:v1+s7+$0x0], $0xffff;
	_ =	sdelay $0x4  }
0x4b2: {  	v1 =	vmul.f32 v1, v3;
	_ =	sdelay $0x1  }
0x4b3: {  	[tilespmem:v2+s8+$0x0] =	vst.idx.add.f32.msk $0xffff, v1  }
0x4b4: {  	v1 =	vld [tilespmem:s12+$0x1ADE0];
	_ =	sdelay $0x5  }
0x4b5: {  	v2 =	vld [tilespmem:s12+$0x1BD80]  }
0x4b6: {  	v3 =	vld [tilespmem:s12+$0x1CD20]  }
0x4b7: {  	v1 =	vld.idx.msk [tilespmem:v1+s7+$0x0], $0xffff;
	_ =	sdelay $0x4  }
0x4b8: {  	v1 =	vmul.f32 v1, v3;
	_ =	sdelay $0x1  }
0x4b9: {  	[tilespmem:v2+s8+$0x0] =	vst.idx.add.f32.msk $0xffff, v1  }
0x4ba: {  	v1 =	vld [tilespmem:s12+$0x1ADF0];
	_ =	sdelay $0x5  }
0x4bb: {  	v2 =	vld [tilespmem:s12+$0x1BD90]  }
0x4bc: {  	v3 =	vld [tilespmem:s12+$0x1CD30]  }
0x4bd: {  	v1 =	vld.idx.msk [tilespmem:v1+s7+$0x0], $0xffff;
	_ =	sdelay $0x4  }
0x4be: {  	v1 =	vmul.f32 v1, v3;
	_ =	sdelay $0x1  }
0x4bf: {  	[tilespmem:v2+s8+$0x0] =	vst.idx.add.f32.msk $0xffff, v1  }
0x4c0: {  	v1 =	vld [tilespmem:s12+$0x1AE00];
	_ =	sdelay $0x5  }
0x4c1: {  	v2 =	vld [tilespmem:s12+$0x1BDA0]  }
0x4c2: {  	v3 =	vld [tilespmem:s12+$0x1CD40]  }
0x4c3: {  	v1 =	vld.idx.msk [tilespmem:v1+s7+$0x0], $0xffff;
	_ =	sdelay $0x4  }
0x4c4: {  	v1 =	vmul.f32 v1, v3;
	_ =	sdelay $0x1  }
0x4c5: {  	[tilespmem:v2+s8+$0x0] =	vst.idx.add.f32.msk $0xffff, v1  }
0x4c6: {  	v1 =	vld [tilespmem:s12+$0x1AE10];
	_ =	sdelay $0x5  }
0x4c7: {  	v2 =	vld [tilespmem:s12+$0x1BDB0]  }
0x4c8: {  	v3 =	vld [tilespmem:s12+$0x1CD50]  }
0x4c9: {  	v1 =	vld.idx.msk [tilespmem:v1+s7+$0x0], $0xffff;
	_ =	sdelay $0x4  }
0x4ca: {  	v1 =	vmul.f32 v1, v3;
	_ =	sdelay $0x1  }
0x4cb: {  	[tilespmem:v2+s8+$0x0] =	vst.idx.add.f32.msk $0xffff, v1  }
0x4cc: {  	v1 =	vld [tilespmem:s12+$0x1AE20];
	_ =	sdelay $0x5  }
0x4cd: {  	v2 =	vld [tilespmem:s12+$0x1BDC0]  }
0x4ce: {  	v3 =	vld [tilespmem:s12+$0x1CD60]  }
0x4cf: {  	v1 =	vld.idx.msk [tilespmem:v1+s7+$0x0], $0xffff;
	_ =	sdelay $0x4  }
0x4d0: {  	v1 =	vmul.f32 v1, v3;
	_ =	sdelay $0x1  }
0x4d1: {  	[tilespmem:v2+s8+$0x0] =	vst.idx.add.f32.msk $0xffff, v1  }
0x4d2: {  	v1 =	vld [tilespmem:s12+$0x1AE30];
	_ =	sdelay $0x5  }
0x4d3: {  	v2 =	vld [tilespmem:s12+$0x1BDD0]  }
0x4d4: {  	v3 =	vld [tilespmem:s12+$0x1CD70]  }
0x4d5: {  	v1 =	vld.idx.msk [tilespmem:v1+s7+$0x0], $0xffff;
	_ =	sdelay $0x4  }
0x4d6: {  	v1 =	vmul.f32 v1, v3;
	_ =	sdelay $0x1  }
0x4d7: {  	[tilespmem:v2+s8+$0x0] =	vst.idx.add.f32.msk $0xffff, v1  }
0x4d8: {  	v1 =	vld [tilespmem:s12+$0x1AE40];
	_ =	sdelay $0x5  }
0x4d9: {  	v2 =	vld [tilespmem:s12+$0x1BDE0]  }
0x4da: {  	v3 =	vld [tilespmem:s12+$0x1CD80]  }
0x4db: {  	v1 =	vld.idx.msk [tilespmem:v1+s7+$0x0], $0xffff;
	_ =	sdelay $0x1  }
0x4dc: {  	p0 =	sne.s32 s11, $0x3C00  }
.Ltmp37:
0x4dd: {  	_ = 	snop;
	(pc) =	sbr.rel @p0 .LBB2_77-.Ltmp37, $3  }
0x4de: {  	_ = 	snop  }
0x4df: {  	v1 =	vmul.f32 v1, v3;
	_ =	sdelay $0x1  }
0x4e0: {  	s11 =	sadd.s32 $0x280, s11;
	[tilespmem:v2+s8+$0x0] =	vst.idx.add.f32.msk $0xffff, v1  }
0x4e1: {  	s10 =	sadd.s32 $0x1, s10  }
0x4e2: {  	p0 =	sne.s32 s10, $0x64  }
.Ltmp38:
0x4e3: {  	_ = 	snop;
	(pc) =	sbr.rel @p0 .LBB2_76-.Ltmp38, $2  }
0x4e4: {  	_ =	sdelay $0x2  }
0x4e5: {  	s11 =	simm.s32 $0x0  }
0x4e6: {  	s10 =	simm.s32 $0x40;
	s12 =	simm.s32 $0x0  }
.LBB2_80:
0x4e7: {  	p0 =	sne.s32 s10, $0x61A40;
	[tilespmem:s12+$0x0] =	vst v0;
	s12 =	smov.u32 s10;
	s10 =	sadd.s32 $0x40, s10  }
.Ltmp39:
0x4e8: {  	(pc) =	sbr.rel @p0 .LBB2_80-.Ltmp39, $2  }
0x4e9: {  	_ =	sdelay $0x2  }
0x4ea: {  	s12 =	sshra.s32 s12, $0x2  }
0x4eb: {  	[tilespmem:s12+$0x0] =	vst v0  }
.LBB2_82:
0x4ec: {  	s12 =	smul.u32 $0x1F4, s11;
	_ =	sdelay $0x1  }
0x4ed: {  	s10 =	simm.s32 $0x0;
	s13 =	sadd.s32 s4, s12  }
0x4ee: {  	[tilespmem:s28], [sflag:$0x1] =	stream.linear.gather [hbm4b:s13+s10], $0xFA0, $0x38;
	[tilespmem:$0x1DC90] =	vst v63  }
0x4ef: {  	s13 =	sadd.s32 s5, s12  }
0x4f0: {  	[tilespmem:s29], [sflag:$0x2] =	stream.linear.gather [hbm4b:s13+s10], $0xFA0, $0x38;
	[tilespmem:$0x1DC90] =	vst v63  }
0x4f1: {  	s12 =	sadd.s32 s6, s12  }
0x4f2: {  	[tilespmem:s30], [sflag:$0x3] =	stream.linear.gather [hbm4b:s12+s10], $0xFA0, $0x38;
	[tilespmem:$0x1DC90] =	vst v63  }
0x4f3: {  	_ =	swait.ge [sflag:s31], $0xFA0  }
0x4f4: {  	[sflag:s31] =	ssyncset.done $0x0  }
0x4f5: {  	[sflag:s31] =	ssyncadd.s32 $0xFFFFF060  }
0x4f6: {  	_ =	swait.ge [sflag:s19], $0xFA0  }
0x4f7: {  	[sflag:s19] =	ssyncset.done $0x0  }
0x4f8: {  	[sflag:s19] =	ssyncadd.s32 $0xFFFFF060  }
0x4f9: {  	_ =	swait.ge [sflag:s1], $0xFA0  }
0x4fa: {  	[sflag:s1] =	ssyncset.done $0x0  }
0x4fb: {  	[sflag:s1] =	ssyncadd.s32 $0xFFFFF060  }
.LBB2_83:
0x4fc: {  	s12 =	sshra.s32 s10, $0x2  }
0x4fd: {  	v1 =	vld [tilespmem:s12+$0x1ADB0];
	_ =	sdelay $0x5  }
0x4fe: {  	v2 =	vld [tilespmem:s12+$0x1BD50]  }
0x4ff: {  	v3 =	vld [tilespmem:s12+$0x1CCF0]  }
0x500: {  	v1 =	vld.idx.msk [tilespmem:v1+s8+$0x0], $0xffff;
	_ =	sdelay $0x4  }
0x501: {  	v1 =	vmul.f32 v1, v3;
	_ =	sdelay $0x1  }
0x502: {  	[tilespmem:v2+s7+$0x0] =	vst.idx.add.f32.msk $0xffff, v1  }
0x503: {  	v1 =	vld [tilespmem:s12+$0x1ADC0];
	_ =	sdelay $0x5  }
0x504: {  	v2 =	vld [tilespmem:s12+$0x1BD60]  }
0x505: {  	v3 =	vld [tilespmem:s12+$0x1CD00]  }
0x506: {  	v1 =	vld.idx.msk [tilespmem:v1+s8+$0x0], $0xffff;
	_ =	sdelay $0x4  }
0x507: {  	v1 =	vmul.f32 v1, v3;
	_ =	sdelay $0x1  }
0x508: {  	[tilespmem:v2+s7+$0x0] =	vst.idx.add.f32.msk $0xffff, v1  }
0x509: {  	v1 =	vld [tilespmem:s12+$0x1ADD0];
	_ =	sdelay $0x5  }
0x50a: {  	v2 =	vld [tilespmem:s12+$0x1BD70]  }
0x50b: {  	v3 =	vld [tilespmem:s12+$0x1CD10]  }
0x50c: {  	v1 =	vld.idx.msk [tilespmem:v1+s8+$0x0], $0xffff;
	_ =	sdelay $0x4  }
0x50d: {  	v1 =	vmul.f32 v1, v3;
	_ =	sdelay $0x1  }
0x50e: {  	[tilespmem:v2+s7+$0x0] =	vst.idx.add.f32.msk $0xffff, v1  }
0x50f: {  	v1 =	vld [tilespmem:s12+$0x1ADE0];
	_ =	sdelay $0x5  }
0x510: {  	v2 =	vld [tilespmem:s12+$0x1BD80]  }
0x511: {  	v3 =	vld [tilespmem:s12+$0x1CD20]  }
0x512: {  	v1 =	vld.idx.msk [tilespmem:v1+s8+$0x0], $0xffff;
	_ =	sdelay $0x4  }
0x513: {  	v1 =	vmul.f32 v1, v3;
	_ =	sdelay $0x1  }
0x514: {  	[tilespmem:v2+s7+$0x0] =	vst.idx.add.f32.msk $0xffff, v1  }
0x515: {  	v1 =	vld [tilespmem:s12+$0x1ADF0];
	_ =	sdelay $0x5  }
0x516: {  	v2 =	vld [tilespmem:s12+$0x1BD90]  }
0x517: {  	v3 =	vld [tilespmem:s12+$0x1CD30]  }
0x518: {  	v1 =	vld.idx.msk [tilespmem:v1+s8+$0x0], $0xffff;
	_ =	sdelay $0x4  }
0x519: {  	v1 =	vmul.f32 v1, v3;
	_ =	sdelay $0x1  }
0x51a: {  	[tilespmem:v2+s7+$0x0] =	vst.idx.add.f32.msk $0xffff, v1  }
0x51b: {  	v1 =	vld [tilespmem:s12+$0x1AE00];
	_ =	sdelay $0x5  }
0x51c: {  	v2 =	vld [tilespmem:s12+$0x1BDA0]  }
0x51d: {  	v3 =	vld [tilespmem:s12+$0x1CD40]  }
0x51e: {  	v1 =	vld.idx.msk [tilespmem:v1+s8+$0x0], $0xffff;
	_ =	sdelay $0x4  }
0x51f: {  	v1 =	vmul.f32 v1, v3;
	_ =	sdelay $0x1  }
0x520: {  	[tilespmem:v2+s7+$0x0] =	vst.idx.add.f32.msk $0xffff, v1  }
0x521: {  	v1 =	vld [tilespmem:s12+$0x1AE10];
	_ =	sdelay $0x5  }
0x522: {  	v2 =	vld [tilespmem:s12+$0x1BDB0]  }
0x523: {  	v3 =	vld [tilespmem:s12+$0x1CD50]  }
0x524: {  	v1 =	vld.idx.msk [tilespmem:v1+s8+$0x0], $0xffff;
	_ =	sdelay $0x4  }
0x525: {  	v1 =	vmul.f32 v1, v3;
	_ =	sdelay $0x1  }
0x526: {  	[tilespmem:v2+s7+$0x0] =	vst.idx.add.f32.msk $0xffff, v1  }
0x527: {  	v1 =	vld [tilespmem:s12+$0x1AE20];
	_ =	sdelay $0x5  }
0x528: {  	v2 =	vld [tilespmem:s12+$0x1BDC0]  }
0x529: {  	v3 =	vld [tilespmem:s12+$0x1CD60]  }
0x52a: {  	v1 =	vld.idx.msk [tilespmem:v1+s8+$0x0], $0xffff;
	_ =	sdelay $0x4  }
0x52b: {  	v1 =	vmul.f32 v1, v3;
	_ =	sdelay $0x1  }
0x52c: {  	[tilespmem:v2+s7+$0x0] =	vst.idx.add.f32.msk $0xffff, v1  }
0x52d: {  	v1 =	vld [tilespmem:s12+$0x1AE30];
	_ =	sdelay $0x5  }
0x52e: {  	v2 =	vld [tilespmem:s12+$0x1BDD0]  }
0x52f: {  	v3 =	vld [tilespmem:s12+$0x1CD70]  }
0x530: {  	v1 =	vld.idx.msk [tilespmem:v1+s8+$0x0], $0xffff;
	_ =	sdelay $0x4  }
0x531: {  	v1 =	vmul.f32 v1, v3;
	_ =	sdelay $0x1  }
0x532: {  	[tilespmem:v2+s7+$0x0] =	vst.idx.add.f32.msk $0xffff, v1  }
0x533: {  	v1 =	vld [tilespmem:s12+$0x1AE40];
	_ =	sdelay $0x5  }
0x534: {  	v2 =	vld [tilespmem:s12+$0x1BDE0]  }
0x535: {  	v3 =	vld [tilespmem:s12+$0x1CD80]  }
0x536: {  	v1 =	vld.idx.msk [tilespmem:v1+s8+$0x0], $0xffff;
	_ =	sdelay $0x1  }
0x537: {  	p0 =	sne.s32 s10, $0x3C00  }
.Ltmp40:
0x538: {  	_ = 	snop;
	(pc) =	sbr.rel @p0 .LBB2_83-.Ltmp40, $3  }
0x539: {  	_ = 	snop  }
0x53a: {  	v1 =	vmul.f32 v1, v3;
	_ =	sdelay $0x1  }
0x53b: {  	s10 =	sadd.s32 $0x280, s10;
	[tilespmem:v2+s7+$0x0] =	vst.idx.add.f32.msk $0xffff, v1  }
0x53c: {  	s11 =	sadd.s32 $0x1, s11  }
0x53d: {  	p0 =	sne.s32 s11, $0x64  }
.Ltmp41:
0x53e: {  	_ = 	snop;
	(pc) =	sbr.rel @p0 .LBB2_82-.Ltmp41, $1  }
0x53f: {  	_ =	sdelay $0x3  }
0x540: {  	s10 =	simm.s32 $0x0  }
0x541: {  	[hbm4b:s22+s10] =	stream.linear.scatter [tilespmem:s10], [sflag:$0x4], $0x186A0, $0x38;
	[tilespmem:$0x1DC90] =	vst v63  }
0x542: {  	_ =	swait.ge [sflag:s26], $0x186A0  }
0x543: {  	[sflag:s26] =	ssyncset.done $0x0  }
0x544: {  	[sflag:s26] =	ssyncadd.s32 $0xFFFE7960  }
0x545: {  	[tilespmem:s10], [sflag:$0x4] =	stream.linear.gather [hbm4b:s23+s10], $0x186A0, $0x38;
	[tilespmem:$0x1DC90] =	vst v63  }
0x546: {  	_ =	swait.ge [sflag:s26], $0x186A0  }
0x547: {  	[sflag:s26] =	ssyncset.done $0x0  }
0x548: {  	s11 =	simm.s32 $0x40;
	s12 =	simm.s32 $0x0;
	[sflag:s26] =	ssyncadd.s32 $0xFFFE7960  }
.LBB2_86:
0x549: {  	p0 =	sne.s32 s11, $0x9C00;
	[tilespmem:s12+$0x186A0] =	vst v0;
	s12 =	smov.u32 s11;
	s11 =	sadd.s32 $0x40, s11  }
.Ltmp42:
0x54a: {  	(pc) =	sbr.rel @p0 .LBB2_86-.Ltmp42, $2  }
0x54b: {  	_ =	sdelay $0x2  }
0x54c: {  	s12 =	sshra.s32 s12, $0x2  }
0x54d: {  	[tilespmem:s12+$0x186A0] =	vst v0  }
.LBB2_88:
0x54e: {  	s12 =	smul.u32 $0x1F4, s10;
	_ =	sdelay $0x1  }
0x54f: {  	s11 =	simm.s32 $0x0;
	s13 =	sadd.s32 s0, s12  }
0x550: {  	[tilespmem:s28], [sflag:$0x1] =	stream.linear.gather [hbm4b:s13+s11], $0xFA0, $0x38;
	[tilespmem:$0x1DC90] =	vst v63  }
0x551: {  	s13 =	sadd.s32 s2, s12  }
0x552: {  	[tilespmem:s29], [sflag:$0x2] =	stream.linear.gather [hbm4b:s13+s11], $0xFA0, $0x38;
	[tilespmem:$0x1DC90] =	vst v63  }
0x553: {  	s12 =	sadd.s32 s3, s12  }
0x554: {  	[tilespmem:s30], [sflag:$0x3] =	stream.linear.gather [hbm4b:s12+s11], $0xFA0, $0x38;
	[tilespmem:$0x1DC90] =	vst v63  }
0x555: {  	_ =	swait.ge [sflag:s31], $0xFA0  }
0x556: {  	[sflag:s31] =	ssyncset.done $0x0  }
0x557: {  	[sflag:s31] =	ssyncadd.s32 $0xFFFFF060  }
0x558: {  	_ =	swait.ge [sflag:s19], $0xFA0  }
0x559: {  	[sflag:s19] =	ssyncset.done $0x0  }
0x55a: {  	[sflag:s19] =	ssyncadd.s32 $0xFFFFF060  }
0x55b: {  	_ =	swait.ge [sflag:s1], $0xFA0  }
0x55c: {  	[sflag:s1] =	ssyncset.done $0x0  }
0x55d: {  	[sflag:s1] =	ssyncadd.s32 $0xFFFFF060  }
.LBB2_89:
0x55e: {  	s12 =	sshra.s32 s11, $0x2  }
0x55f: {  	v1 =	vld [tilespmem:s12+$0x1ADB0];
	_ =	sdelay $0x5  }
0x560: {  	v2 =	vld [tilespmem:s12+$0x1BD50]  }
0x561: {  	v3 =	vld [tilespmem:s12+$0x1CCF0]  }
0x562: {  	v1 =	vld.idx.msk [tilespmem:v1+s7+$0x0], $0xffff;
	_ =	sdelay $0x4  }
0x563: {  	v1 =	vmul.f32 v1, v3;
	_ =	sdelay $0x1  }
0x564: {  	[tilespmem:v2+s8+$0x0] =	vst.idx.add.f32.msk $0xffff, v1  }
0x565: {  	v1 =	vld [tilespmem:s12+$0x1ADC0];
	_ =	sdelay $0x5  }
0x566: {  	v2 =	vld [tilespmem:s12+$0x1BD60]  }
0x567: {  	v3 =	vld [tilespmem:s12+$0x1CD00]  }
0x568: {  	v1 =	vld.idx.msk [tilespmem:v1+s7+$0x0], $0xffff;
	_ =	sdelay $0x4  }
0x569: {  	v1 =	vmul.f32 v1, v3;
	_ =	sdelay $0x1  }
0x56a: {  	[tilespmem:v2+s8+$0x0] =	vst.idx.add.f32.msk $0xffff, v1  }
0x56b: {  	v1 =	vld [tilespmem:s12+$0x1ADD0];
	_ =	sdelay $0x5  }
0x56c: {  	v2 =	vld [tilespmem:s12+$0x1BD70]  }
0x56d: {  	v3 =	vld [tilespmem:s12+$0x1CD10]  }
0x56e: {  	v1 =	vld.idx.msk [tilespmem:v1+s7+$0x0], $0xffff;
	_ =	sdelay $0x4  }
0x56f: {  	v1 =	vmul.f32 v1, v3;
	_ =	sdelay $0x1  }
0x570: {  	[tilespmem:v2+s8+$0x0] =	vst.idx.add.f32.msk $0xffff, v1  }
0x571: {  	v1 =	vld [tilespmem:s12+$0x1ADE0];
	_ =	sdelay $0x5  }
0x572: {  	v2 =	vld [tilespmem:s12+$0x1BD80]  }
0x573: {  	v3 =	vld [tilespmem:s12+$0x1CD20]  }
0x574: {  	v1 =	vld.idx.msk [tilespmem:v1+s7+$0x0], $0xffff;
	_ =	sdelay $0x4  }
0x575: {  	v1 =	vmul.f32 v1, v3;
	_ =	sdelay $0x1  }
0x576: {  	[tilespmem:v2+s8+$0x0] =	vst.idx.add.f32.msk $0xffff, v1  }
0x577: {  	v1 =	vld [tilespmem:s12+$0x1ADF0];
	_ =	sdelay $0x5  }
0x578: {  	v2 =	vld [tilespmem:s12+$0x1BD90]  }
0x579: {  	v3 =	vld [tilespmem:s12+$0x1CD30]  }
0x57a: {  	v1 =	vld.idx.msk [tilespmem:v1+s7+$0x0], $0xffff;
	_ =	sdelay $0x4  }
0x57b: {  	v1 =	vmul.f32 v1, v3;
	_ =	sdelay $0x1  }
0x57c: {  	[tilespmem:v2+s8+$0x0] =	vst.idx.add.f32.msk $0xffff, v1  }
0x57d: {  	v1 =	vld [tilespmem:s12+$0x1AE00];
	_ =	sdelay $0x5  }
0x57e: {  	v2 =	vld [tilespmem:s12+$0x1BDA0]  }
0x57f: {  	v3 =	vld [tilespmem:s12+$0x1CD40]  }
0x580: {  	v1 =	vld.idx.msk [tilespmem:v1+s7+$0x0], $0xffff;
	_ =	sdelay $0x4  }
0x581: {  	v1 =	vmul.f32 v1, v3;
	_ =	sdelay $0x1  }
0x582: {  	[tilespmem:v2+s8+$0x0] =	vst.idx.add.f32.msk $0xffff, v1  }
0x583: {  	v1 =	vld [tilespmem:s12+$0x1AE10];
	_ =	sdelay $0x5  }
0x584: {  	v2 =	vld [tilespmem:s12+$0x1BDB0]  }
0x585: {  	v3 =	vld [tilespmem:s12+$0x1CD50]  }
0x586: {  	v1 =	vld.idx.msk [tilespmem:v1+s7+$0x0], $0xffff;
	_ =	sdelay $0x4  }
0x587: {  	v1 =	vmul.f32 v1, v3;
	_ =	sdelay $0x1  }
0x588: {  	[tilespmem:v2+s8+$0x0] =	vst.idx.add.f32.msk $0xffff, v1  }
0x589: {  	v1 =	vld [tilespmem:s12+$0x1AE20];
	_ =	sdelay $0x5  }
0x58a: {  	v2 =	vld [tilespmem:s12+$0x1BDC0]  }
0x58b: {  	v3 =	vld [tilespmem:s12+$0x1CD60]  }
0x58c: {  	v1 =	vld.idx.msk [tilespmem:v1+s7+$0x0], $0xffff;
	_ =	sdelay $0x4  }
0x58d: {  	v1 =	vmul.f32 v1, v3;
	_ =	sdelay $0x1  }
0x58e: {  	[tilespmem:v2+s8+$0x0] =	vst.idx.add.f32.msk $0xffff, v1  }
0x58f: {  	v1 =	vld [tilespmem:s12+$0x1AE30];
	_ =	sdelay $0x5  }
0x590: {  	v2 =	vld [tilespmem:s12+$0x1BDD0]  }
0x591: {  	v3 =	vld [tilespmem:s12+$0x1CD70]  }
0x592: {  	v1 =	vld.idx.msk [tilespmem:v1+s7+$0x0], $0xffff;
	_ =	sdelay $0x4  }
0x593: {  	v1 =	vmul.f32 v1, v3;
	_ =	sdelay $0x1  }
0x594: {  	[tilespmem:v2+s8+$0x0] =	vst.idx.add.f32.msk $0xffff, v1  }
0x595: {  	v1 =	vld [tilespmem:s12+$0x1AE40];
	_ =	sdelay $0x5  }
0x596: {  	v2 =	vld [tilespmem:s12+$0x1BDE0]  }
0x597: {  	v3 =	vld [tilespmem:s12+$0x1CD80]  }
0x598: {  	v1 =	vld.idx.msk [tilespmem:v1+s7+$0x0], $0xffff;
	_ =	sdelay $0x1  }
0x599: {  	p0 =	sne.s32 s11, $0x3C00  }
.Ltmp43:
0x59a: {  	_ = 	snop;
	(pc) =	sbr.rel @p0 .LBB2_89-.Ltmp43, $3  }
0x59b: {  	_ = 	snop  }
0x59c: {  	v1 =	vmul.f32 v1, v3;
	_ =	sdelay $0x1  }
0x59d: {  	s11 =	sadd.s32 $0x280, s11;
	[tilespmem:v2+s8+$0x0] =	vst.idx.add.f32.msk $0xffff, v1  }
0x59e: {  	s10 =	sadd.s32 $0x1, s10  }
0x59f: {  	p0 =	sne.s32 s10, $0x64  }
.Ltmp44:
0x5a0: {  	_ = 	snop;
	(pc) =	sbr.rel @p0 .LBB2_88-.Ltmp44, $2  }
0x5a1: {  	_ =	sdelay $0x2  }
0x5a2: {  	s11 =	simm.s32 $0x0  }
0x5a3: {  	s10 =	simm.s32 $0x40;
	s12 =	simm.s32 $0x0  }
.LBB2_92:
0x5a4: {  	p0 =	sne.s32 s10, $0x61A40;
	[tilespmem:s12+$0x0] =	vst v0;
	s12 =	smov.u32 s10;
	s10 =	sadd.s32 $0x40, s10  }
.Ltmp45:
0x5a5: {  	(pc) =	sbr.rel @p0 .LBB2_92-.Ltmp45, $2  }
0x5a6: {  	_ =	sdelay $0x2  }
0x5a7: {  	s12 =	sshra.s32 s12, $0x2  }
0x5a8: {  	[tilespmem:s12+$0x0] =	vst v0  }
.LBB2_94:
0x5a9: {  	s12 =	smul.u32 $0x1F4, s11;
	_ =	sdelay $0x1  }
0x5aa: {  	s10 =	simm.s32 $0x0;
	s13 =	sadd.s32 s4, s12  }
0x5ab: {  	[tilespmem:s28], [sflag:$0x1] =	stream.linear.gather [hbm4b:s13+s10], $0xFA0, $0x38;
	[tilespmem:$0x1DC90] =	vst v63  }
0x5ac: {  	s13 =	sadd.s32 s5, s12  }
0x5ad: {  	[tilespmem:s29], [sflag:$0x2] =	stream.linear.gather [hbm4b:s13+s10], $0xFA0, $0x38;
	[tilespmem:$0x1DC90] =	vst v63  }
0x5ae: {  	s12 =	sadd.s32 s6, s12  }
0x5af: {  	[tilespmem:s30], [sflag:$0x3] =	stream.linear.gather [hbm4b:s12+s10], $0xFA0, $0x38;
	[tilespmem:$0x1DC90] =	vst v63  }
0x5b0: {  	_ =	swait.ge [sflag:s31], $0xFA0  }
0x5b1: {  	[sflag:s31] =	ssyncset.done $0x0  }
0x5b2: {  	[sflag:s31] =	ssyncadd.s32 $0xFFFFF060  }
0x5b3: {  	_ =	swait.ge [sflag:s19], $0xFA0  }
0x5b4: {  	[sflag:s19] =	ssyncset.done $0x0  }
0x5b5: {  	[sflag:s19] =	ssyncadd.s32 $0xFFFFF060  }
0x5b6: {  	_ =	swait.ge [sflag:s1], $0xFA0  }
0x5b7: {  	[sflag:s1] =	ssyncset.done $0x0  }
0x5b8: {  	[sflag:s1] =	ssyncadd.s32 $0xFFFFF060  }
.LBB2_95:
0x5b9: {  	s12 =	sshra.s32 s10, $0x2  }
0x5ba: {  	v1 =	vld [tilespmem:s12+$0x1ADB0];
	_ =	sdelay $0x5  }
0x5bb: {  	v2 =	vld [tilespmem:s12+$0x1BD50]  }
0x5bc: {  	v3 =	vld [tilespmem:s12+$0x1CCF0]  }
0x5bd: {  	v1 =	vld.idx.msk [tilespmem:v1+s8+$0x0], $0xffff;
	_ =	sdelay $0x4  }
0x5be: {  	v1 =	vmul.f32 v1, v3;
	_ =	sdelay $0x1  }
0x5bf: {  	[tilespmem:v2+s7+$0x0] =	vst.idx.add.f32.msk $0xffff, v1  }
0x5c0: {  	v1 =	vld [tilespmem:s12+$0x1ADC0];
	_ =	sdelay $0x5  }
0x5c1: {  	v2 =	vld [tilespmem:s12+$0x1BD60]  }
0x5c2: {  	v3 =	vld [tilespmem:s12+$0x1CD00]  }
0x5c3: {  	v1 =	vld.idx.msk [tilespmem:v1+s8+$0x0], $0xffff;
	_ =	sdelay $0x4  }
0x5c4: {  	v1 =	vmul.f32 v1, v3;
	_ =	sdelay $0x1  }
0x5c5: {  	[tilespmem:v2+s7+$0x0] =	vst.idx.add.f32.msk $0xffff, v1  }
0x5c6: {  	v1 =	vld [tilespmem:s12+$0x1ADD0];
	_ =	sdelay $0x5  }
0x5c7: {  	v2 =	vld [tilespmem:s12+$0x1BD70]  }
0x5c8: {  	v3 =	vld [tilespmem:s12+$0x1CD10]  }
0x5c9: {  	v1 =	vld.idx.msk [tilespmem:v1+s8+$0x0], $0xffff;
	_ =	sdelay $0x4  }
0x5ca: {  	v1 =	vmul.f32 v1, v3;
	_ =	sdelay $0x1  }
0x5cb: {  	[tilespmem:v2+s7+$0x0] =	vst.idx.add.f32.msk $0xffff, v1  }
0x5cc: {  	v1 =	vld [tilespmem:s12+$0x1ADE0];
	_ =	sdelay $0x5  }
0x5cd: {  	v2 =	vld [tilespmem:s12+$0x1BD80]  }
0x5ce: {  	v3 =	vld [tilespmem:s12+$0x1CD20]  }
0x5cf: {  	v1 =	vld.idx.msk [tilespmem:v1+s8+$0x0], $0xffff;
	_ =	sdelay $0x4  }
0x5d0: {  	v1 =	vmul.f32 v1, v3;
	_ =	sdelay $0x1  }
0x5d1: {  	[tilespmem:v2+s7+$0x0] =	vst.idx.add.f32.msk $0xffff, v1  }
0x5d2: {  	v1 =	vld [tilespmem:s12+$0x1ADF0];
	_ =	sdelay $0x5  }
0x5d3: {  	v2 =	vld [tilespmem:s12+$0x1BD90]  }
0x5d4: {  	v3 =	vld [tilespmem:s12+$0x1CD30]  }
0x5d5: {  	v1 =	vld.idx.msk [tilespmem:v1+s8+$0x0], $0xffff;
	_ =	sdelay $0x4  }
0x5d6: {  	v1 =	vmul.f32 v1, v3;
	_ =	sdelay $0x1  }
0x5d7: {  	[tilespmem:v2+s7+$0x0] =	vst.idx.add.f32.msk $0xffff, v1  }
0x5d8: {  	v1 =	vld [tilespmem:s12+$0x1AE00];
	_ =	sdelay $0x5  }
0x5d9: {  	v2 =	vld [tilespmem:s12+$0x1BDA0]  }
0x5da: {  	v3 =	vld [tilespmem:s12+$0x1CD40]  }
0x5db: {  	v1 =	vld.idx.msk [tilespmem:v1+s8+$0x0], $0xffff;
	_ =	sdelay $0x4  }
0x5dc: {  	v1 =	vmul.f32 v1, v3;
	_ =	sdelay $0x1  }
0x5dd: {  	[tilespmem:v2+s7+$0x0] =	vst.idx.add.f32.msk $0xffff, v1  }
0x5de: {  	v1 =	vld [tilespmem:s12+$0x1AE10];
	_ =	sdelay $0x5  }
0x5df: {  	v2 =	vld [tilespmem:s12+$0x1BDB0]  }
0x5e0: {  	v3 =	vld [tilespmem:s12+$0x1CD50]  }
0x5e1: {  	v1 =	vld.idx.msk [tilespmem:v1+s8+$0x0], $0xffff;
	_ =	sdelay $0x4  }
0x5e2: {  	v1 =	vmul.f32 v1, v3;
	_ =	sdelay $0x1  }
0x5e3: {  	[tilespmem:v2+s7+$0x0] =	vst.idx.add.f32.msk $0xffff, v1  }
0x5e4: {  	v1 =	vld [tilespmem:s12+$0x1AE20];
	_ =	sdelay $0x5  }
0x5e5: {  	v2 =	vld [tilespmem:s12+$0x1BDC0]  }
0x5e6: {  	v3 =	vld [tilespmem:s12+$0x1CD60]  }
0x5e7: {  	v1 =	vld.idx.msk [tilespmem:v1+s8+$0x0], $0xffff;
	_ =	sdelay $0x4  }
0x5e8: {  	v1 =	vmul.f32 v1, v3;
	_ =	sdelay $0x1  }
0x5e9: {  	[tilespmem:v2+s7+$0x0] =	vst.idx.add.f32.msk $0xffff, v1  }
0x5ea: {  	v1 =	vld [tilespmem:s12+$0x1AE30];
	_ =	sdelay $0x5  }
0x5eb: {  	v2 =	vld [tilespmem:s12+$0x1BDD0]  }
0x5ec: {  	v3 =	vld [tilespmem:s12+$0x1CD70]  }
0x5ed: {  	v1 =	vld.idx.msk [tilespmem:v1+s8+$0x0], $0xffff;
	_ =	sdelay $0x4  }
0x5ee: {  	v1 =	vmul.f32 v1, v3;
	_ =	sdelay $0x1  }
0x5ef: {  	[tilespmem:v2+s7+$0x0] =	vst.idx.add.f32.msk $0xffff, v1  }
0x5f0: {  	v1 =	vld [tilespmem:s12+$0x1AE40];
	_ =	sdelay $0x5  }
0x5f1: {  	v2 =	vld [tilespmem:s12+$0x1BDE0]  }
0x5f2: {  	v3 =	vld [tilespmem:s12+$0x1CD80]  }
0x5f3: {  	v1 =	vld.idx.msk [tilespmem:v1+s8+$0x0], $0xffff;
	_ =	sdelay $0x1  }
0x5f4: {  	p0 =	sne.s32 s10, $0x3C00  }
.Ltmp46:
0x5f5: {  	_ = 	snop;
	(pc) =	sbr.rel @p0 .LBB2_95-.Ltmp46, $3  }
0x5f6: {  	_ = 	snop  }
0x5f7: {  	v1 =	vmul.f32 v1, v3;
	_ =	sdelay $0x1  }
0x5f8: {  	s10 =	sadd.s32 $0x280, s10;
	[tilespmem:v2+s7+$0x0] =	vst.idx.add.f32.msk $0xffff, v1  }
0x5f9: {  	s11 =	sadd.s32 $0x1, s11  }
0x5fa: {  	p0 =	sne.s32 s11, $0x64  }
.Ltmp47:
0x5fb: {  	_ = 	snop;
	(pc) =	sbr.rel @p0 .LBB2_94-.Ltmp47, $1  }
0x5fc: {  	_ =	sdelay $0x3  }
0x5fd: {  	s9 =	sadd.s32 $0x1, s9  }
0x5fe: {  	p0 =	sne.s32 s9, s25  }
.Ltmp48:
0x5ff: {  	_ = 	snop;
	(pc) =	sbr.rel @p0 .LBB2_1-.Ltmp48, $4  }
0x600: {  	[hbm4b:s24+s7] =	stream.linear.scatter [tilespmem:s7], [sflag:$0x4], $0x186A0, $0x38;
	[tilespmem:$0x1DC90] =	vst v63  }
0x601: {  	_ =	swait.ge [sflag:s26], $0x186A0  }
0x602: {  	[sflag:s26] =	ssyncset.done $0x0  }
0x603: {  	[sflag:s26] =	ssyncadd.s32 $0xFFFE7960  }
0x604: {  	_ =	sfence.sel $0x180000  }
0x605: {  	[bflag:$0x0] =	sbarrier.arrive $0xFFFF  }
0x606: {  	_ =	strace $0x90000047  }
0x607: {  	s0 =	stileid.u32;
	[bflag:$0x2] =	sbarrier.arrive $0xFFFF  }
0x608: {  	p0 =	sne.s32 s0, $0x0;
	s0 =	rddreg [dreg:$0x8]  }
0x609: {  	s0 =	sadd.s32 @!p0 $0x100000, s0  }
0x60a: {  	[sflag:s0] =	ssyncadd.tile.s32 @!p0 $0x1;
	_ =	shalt  }
.Lfunc_end2:
_tile_overlayer_lowered:
.L_overlay_start_2:
0x60b: {  	(tag) =	ssettag $0x2  }
0x60c: {  	s0 =	rddreg [dreg:$0x0];
	s2 =	stileid.u32  }
0x60d: {  	s1 =	rddreg [dreg:$0x1];
	p0 =	sne.s32 s2, $0x0  }
0x60e: {  	s3 =	rddreg [dreg:$0x2];
	[bflag:$0x3] =	sbarrier.arrive $0xFFFF;
	s2 =	simm.s32 @!p0 $0x1C04  }
0x60f: {  	[timem:s3], [sflag:s2] =	dma.local @!p0 [hbm:s0], s1  }
0x610: {  	s0 =	simm.s32 @!p0 $0x4  }
0x611: {  	_ =	swait.ge @!p0 [sflag:s0], s1  }
0x612: {  	s1 =	ssub.s32 @!p0 $0x0, s1;
	[sflag:s0] =	ssyncset.done @!p0 $0x0  }
0x613: {  	[sflag:s0] =	ssyncadd.s32 @!p0 s1  }
0x614: {  	[bflag:$0x3] =	sbarrier.arrive $0xFFFF  }
0x615: {  	_ =	shalt  }

// kernel: sparse-core-data-format-call.cloned.1.call-start
scs
called_computation_lowered:
.L_overlay_start_0:
0x0: {  	s2 =	sld [smem:$0x3FD9]  }
0x1: {  	s3 =	sld [smem:$0x3FFE];
	_ =	sdelay $0x1  }
0x2: {  	s1 =	srdreg.scid  }
0x3: {  	s0 =	sand.u32 $0x1, s1  }
0x4: {  	s18 =	sshll.u32 s0, $0xA;
	s2 =	sadd.s32 s3, s2  }
0x5: {  	s2 =	sadd.s32 s2, s18  }
0x6: {  	[smem:$0x3FC1] =	sst s2  }
0x7: {  	_ = 	snop  }
0x8: {  	s2 =	sld [smem:$0x3FD0];
	(tm) =	ssettm $0x1  }
0x9: {  	s19 =	sld [smem:$0x3FFB];
	_ =	sdelay $0x3  }
0xa: {  	_ =	strace s19  }
0xb: {  	s3 =	sld [smem:$0x3FFC];
	_ =	sdelay $0x3  }
0xc: {  	_ =	strace s3  }
0xd: {  	s3 =	sld [smem:$0x3FFD];
	_ =	sdelay $0x3  }
0xe: {  	_ =	strace s3  }
0xf: {  	_ =	strace $0x8FFFFFFF  }
0x10: {  	s20 =	sld [smem:$0x3FDB];
	_ =	sdelay $0x1  }
0x11: {  	s4 =	simm.s32 $_scs_section_size  }
0x12: {  	s5 =	simm.s32 $_size__tile_overlayer_lowered;
	s6 =	simm.s32 $_tile_overlayer_lowered  }
0x13: {  	s23 =	simm.s32 $0x1BFF;
	s22 =	sshll.u32 s6, $0x1;
	s3 =	sadd.s32 s4, s20  }
0x14: {  	s7 =	simm.s32 $0x0;
	s21 =	sshll.u32 s5, $0x1;
	s5 =	sadd.s32 s22, s3  }
0x15: {  	[timem:s7], [sflag:s23] =	dma.local [hbm:s5], s21  }
0x16: {  	_ =	swait.ge [sflag:s23], s21  }
0x17: {  	s4 =	ssub.s32 $0x0, s21;
	[sflag:s23] =	ssyncset.done $0x0  }
0x18: {  	[sflag:s23] =	ssyncadd.s32 s4;
	_ =	sdelay $0x1  }
0x19: {  	s24 =	simm.s32 $0x1B8B  }
0x1a: {  	_ =	swait.ge [sflag:s24], $0x1  }
0x1b: {  	[sflag:s24] =	ssyncset.done $0x0  }
0x1c: {  	s26 =	simm.s32 $0x1B8E;
	s25 =	sld [smem:$0x3FFE];
	[sflag:s24] =	ssyncadd.s32 $0xFFFFFFFF  }
0x1d: {  	s27 =	simm.s32 $execute0_lowered;
	[smem:$0x3FD2] =	sst s26  }
0x1e: {  	s5 =	sshll.u32 s27, $0x1;
	_ =	strace $0x80000049;
	[dreg:$0x1] =	wrdreg $0xFFFFFFFF  }
0x1f: {  	s28 =	simm.s32 $_size_execute0_lowered;
	s3 =	sadd.s32 s3, s5;
	[dreg:$0x0] =	wrdreg $0x0  }
0x20: {  	s5 =	sshll.u32 s28, $0x1;
	[dreg:$0x2] =	wrdreg s3  }
0x21: {  	[dreg:$0x3] =	wrdreg s5  }
0x22: {  	[dreg:$0x4] =	wrdreg $0xC0  }
0x23: {  	_ =	task [dreg:s7], $0x5FFFF  }
0x24: {  	[dreg:$0x1] =	wrdreg $0xFFFFFFFF  }
0x25: {  	[dreg:$0x0] =	wrdreg $0x60  }
0x26: {  	[dreg:$0x2] =	wrdreg s25  }
0x27: {  	[dreg:$0x3] =	wrdreg s2  }
0x28: {  	[dreg:$0x4] =	wrdreg $0x9  }
0x29: {  	_ =	task.clear_ibuf [dreg:s7], $0x5FFFF;
	_ =	strace $0x90000049  }
0x2a: {  	s29 =	simm.s32 $0x9;
	_ =	strace $0x8000004B  }
0x2b: {  	_ =	swait.ge [sflag:s29], $0x1  }
0x2c: {  	[sflag:s29] =	ssyncadd.s32 $0xFFFFFFFF  }
0x2d: {  	_ =	strace $0x9000004B  }
0x2e: {  	_ =	sfence  }
0x2f: {  	s30 =	sld [smem:$0x0];
	_ =	sdelay $0x2  }
0x30: {  	s31 =	sshll.u32 s1, $0xD;
	s1 =	sshrl.u32 s1, $0x2  }
0x31: {  	s3 =	sand.u32 $0x4000, s31;
	s1 =	sadd.s32 s1, s30  }
0x32: {  	s0 =	sor.u32 s3, s0;
	s1 =	sshll.u32 s1, $0x11  }
0x33: {  	s0 =	sor.u32 s1, s0  }
0x34: {  	s0 =	sadd.s32 $0x8F2B, s0  }
0x35: {  	[sflag:s0] =	ssyncadd.remote.s32 $0x1  }
0x36: {  	_ =	sfence.sel $0xFFFF  }
0x37: {  	[dreg:$0x0] =	wrdreg $0xFFFFFFFF;
	(pc) =	sbr.abs _section_cstart, $3  }
0x38: {  	[dreg:$0x1] =	wrdreg $0xFFFFFFFF  }
0x39: {  	_ =	task.clear_ibuf [dreg:s7], $0x2FFFF;
	_ =	strace $0x9FFFFFFF  }
0x3a: {  	(tm) =	ssettm $0x7FFFFFFF  }
0x3b: {  	_ =	shalt  }
tec
execute0_lowered:
.L_overlay_start_1:
0x0: {  	(tag) =	ssettag $0x1  }
0x1: {  	s0 =	stileid.u32  }
0x2: {  	s1 =	srdreg.scid;
	s7 =	rddreg [dreg:$0x0];
	s31 =	simm.s32 $0x2  }
0x3: {  	s16 =	simm.s32 $0x0;
	p0 =	por $0x0, $0x0;
	s9 =	simm.s32 $0x800  }
0x4: {  	s15 =	simm.s32 $0x0;
	s10 =	simm.s32 $0x0;
	s11 =	simm.s32 $0x0  }
0x5: {  	s2 =	sshll.u32 s0, $0x7;
	s3 =	sshll.u32 s0, $0x6;
	s4 =	sshll.u32 s1, $0xA  }
0x6: {  	s14 =	simm.s32 $0x0;
	s1 =	sand.u32 $0x80, s2;
	s29 =	sor.u32 s3, s4  }
0x7: {  	s4 =	rddreg [dreg:$0x1];
	s3 =	sand.u32 $0x780, s29;
	s30 =	ssub.s32 $0x100, s1  }
0x8: {  	s5 =	sshrl.u32 s30, $0x7;
	s6 =	ssub.s32 $0x18680, s3;
	s8 =	sshrl.u32 s30, $0x8  }
.Ltmp0:
0x9: {  	s5 =	sand.u32 $0x1, s5;
	s6 =	sshrl.u32 s6, $0xB;
	(pc) =	sbr.rel .LBB1_1-.Ltmp0, $4  }
0xa: {  	s2 =	rddreg [dreg:$0x2];
	s8 =	sadd.s32 s8, s5;
	s6 =	sadd.s32 $0x1, s6  }
0xb: {  	_ =	strace $0x8000004A;
	s5 =	simm.s32 $0x1;
	s6 =	smul.u32 s8, s6  }
0xc: {  	s7 =	sadd.s32 $0x30DC00, s7;
	s13 =	smov.u32 s1;
	[sflag:s5] =	ssyncpa.u1 $0x0  }
0xd: {  	s12 =	smov.u32 s3;
	[sflag:s31] =	ssyncpa.u1 $0x0;
	s8 =	sadd.s32 $0x1, s6  }
.LBB1_4:
0xe: {  	s21 =	sshra.s32 s21, $0x2;
	s22 =	sshll.u32 s10, $0x8  }
0xf: {  	s23 =	sshll.u32 s11, $0x3;
	s24 =	sshll.u32 s10, $0x7;
	s27 =	sand.u32 $0x78, s11  }
0x10: {  	p1 =	sgt.s32 s10, $0x18620;
	s22 =	sand.u32 $0xFFFFF800, s22;
	s23 =	sand.u32 $0xFFFFFC00, s23  }
0x11: {  	s20 =	sadd.s32 s21, s20;
	s26 =	sand.u32 $0x300, s24;
	s28 =	sand.u32 $0x80, s24  }
0x12: {  	v5 =	vld [tilespmem:s18+$0xFFFFFFD0];
	[tilespmem:s19+$0x2040 ss:$0x81] =	vst.msk $0xffff, v4;
	s25 =	sadd.s32 s23, s22;
	s22 =	sor.u32 s27, s28;
	s23 =	smov.u32 s10  }
0x13: {  	v58 =	vld [tilespmem:s18+$0xFFFFFFE0];
	[tilespmem:s19+$0x2850 ss:$0x81] =	vst.msk $0xffff, v3;
	s21 =	sor.u32 s26, s25;
	s23 =	simm.s32 @!p1 $0x18620;
	s25 =	sshra.s32 s10, $0x1F  }
0x14: {  	v59 =	vld [tilespmem:s18+$0xFFFFFFF0];
	[tilespmem:s19+$0x3060 ss:$0x81] =	vst.msk $0xffff, v2;
	p1 =	sgt.s32 s11, $0x80;
	s26 =	sshra.s32 s11, $0x1F;
	s21 =	sshrl.u32 s21, $0x8  }
0x15: {  	v60 =	vld [tilespmem:s18+$0x0];
	[tilespmem:s19+$0x0 ss:$0x81] =	vst.msk $0xffff, v1;
	s30 =	sand.u32 s25, s10;
	s25 =	smov.u32 s11;
	s31 =	sand.u32 s26, s11  }
0x16: {  	v61 =	vld [tilespmem:s18+$0x10];
	[tilespmem:s20+$0x3870 ss:$0x81] =	vst.msk $0xffff, v0;
	s29 =	smulhi.u32 $0x14F8B59, s21;
	s19 =	ssub.s32 s23, s30;
	s25 =	simm.s32 @!p1 $0x80  }
0x17: {  	v62 =	vld [tilespmem:s18+$0x20];
	[tilespmem:s20+$0x810 ss:$0x81] =	vst.msk $0xffff, v5;
	s23 =	ssub.s32 s25, s31;
	s26 =	sadd.s32 $0xFFFE79E0, s19;
	s19 =	ssub.s32 $0x186A0, s19  }
0x18: {  	v63 =	vld [tilespmem:s18+$0xFFFFFFC0];
	[tilespmem:s20+$0x1020 ss:$0x81] =	vst.msk $0xffff, v58;
	s24 =	sshrl.u32 s29, $0x9;
	p1 =	sgt.s32 s26, $0x7F;
	s28 =	sadd.s32 $0xFFFFFF80, s23  }
0x19: {  	[tilespmem:s20+$0x1830 ss:$0x81] =	vst.msk $0xffff, v59;
	s23 =	ssub.s32 $0x100, s23;
	s27 =	smul.u32 $0x186A0, s24;
	p2 =	sgt.s32 s28, $0x7F  }
0x1a: {  	[tilespmem:s20+$0x2040 ss:$0x81] =	vst.msk $0xffff, v60;
	s30 =	sand.u32 $0x7, s11;
	s19 =	simm.s32 @p1 $0x0;
	s23 =	simm.s32 @p2 $0x0  }
0x1b: {  	[tilespmem:s20+$0x2850 ss:$0x81] =	vst.msk $0xffff, v61;
	s29 =	sshrl.u32 s22, $0x3;
	s18 =	ssub.s32 s21, s27;
	s19 =	smul.u32 s23, s19  }
0x1c: {  	[tilespmem:s20+$0x3060 ss:$0x81] =	vst.msk $0xffff, v62;
	s22 =	sshll.u32 s30, $0x12;
	s21 =	sadd.s32 s4, s29;
	s18 =	sshll.u32 s18, $0x5  }
0x1d: {  	[tilespmem:s20+$0x0 ss:$0x81] =	vst.msk $0xffff, v63;
	s31 =	sor.u32 $0x400, s22;
	s19 =	sand.u32 $0x3FFFFFFF, s19;
	s18 =	sadd.s32 s18, s21  }
0x1e: {  	[hbm4b:s18+s31] =	stream.strided.scatter [tilespmem:s17], [sflag:$0x2], s19, s9, s31, $0x20;
	[tilespmem:$0x10100] =	vst v63  }
.LBB1_5:
0x1f: {  	p1 =	slt.u32 s14, $0x2  }
0x20: {  	s18 =	smov.u32 s16;
	p2 =	sgt.s32 @!p1 s16, $0x18620;
	s17 =	sshra.s32 @!p1 s16, $0x1F  }
0x21: {  	p3 =	sgt.s32 @!p1 s15, $0x80;
	s19 =	sshra.s32 @!p1 s15, $0x1F;
	p2 =	por !p2, p1  }
0x22: {  	s16 =	sand.u32 @!p1 s17, s16;
	p3 =	por !p3, p1;
	s17 =	smov.u32 s15  }
0x23: {  	s15 =	sand.u32 @!p1 s19, s15;
	s18 =	simm.s32 @p2 $0x18620;
	s17 =	simm.s32 @p3 $0x80  }
0x24: {  	s16 =	ssub.s32 @!p1 s18, s16;
	s15 =	ssub.s32 @!p1 s17, s15  }
0x25: {  	s19 =	smov.u32 s13;
	s17 =	sadd.s32 @!p1 $0xFFFE79E0, s16;
	s18 =	sadd.s32 @!p1 $0xFFFFFF80, s15  }
0x26: {  	s16 =	ssub.s32 @!p1 $0x186A0, s16;
	p2 =	sgt.s32 @!p1 s17, $0x7F;
	p3 =	sgt.s32 @!p1 s18, $0x7F  }
0x27: {  	s15 =	ssub.s32 @!p1 $0x100, s15;
	p2 =	por !p2, p1;
	p3 =	por !p3, p1  }
0x28: {  	s17 =	sadd.s32 $0x800, s12;
	s16 =	simm.s32 @!p2 $0x0;
	s15 =	simm.s32 @!p3 $0x0  }
0x29: {  	p2 =	sgt.s32 s17, $0x1869F;
	s15 =	smul.u32 @!p1 s15, s16;
	s16 =	sadd.s32 $0x100, s13  }
0x2a: {  	s19 =	smov.u32 @p2 s16  }
0x2b: {  	s17 =	smov.u32 @p2 s3;
	p2 =	sgt.s32 s19, $0xFF  }
0x2c: {  	s19 =	smov.u32 @p2 s1;
	p2 =	sne.s32 s14, s8  }
.Ltmp1:
0x2d: {  	p0 =	por !p0, !p0;
	s18 =	simm.s32 @!p1 $0x2;
	(pc) =	sbr.rel @!p2 .LBB1_6-.Ltmp1, $4  }
0x2e: {  	s16 =	smov.u32 s10;
	s10 =	smov.u32 s12;
	s15 =	sand.u32 @!p1 $0x3FFFFFFF, s15  }
0x2f: {  	s12 =	smov.u32 s17;
	_ =	swait.ge @!p1 [sflag:s18], s15;
	s20 =	ssub.s32 @!p1 $0x0, s15  }
0x30: {  	s15 =	smov.u32 s11;
	s14 =	sadd.s32 $0x1, s14;
	[sflag:s18] =	ssyncset.done @!p1 $0x0  }
0x31: {  	s11 =	smov.u32 s13;
	s13 =	smov.u32 s19;
	[sflag:s18] =	ssyncadd.s32 @!p1 s20  }
.LBB1_1:
0x32: {  	p1 =	sge.u32 s14, s6  }
0x33: {  	s17 =	sshrl.u32 @!p1 s13, $0x3  }
0x34: {  	s18 =	sshll.u32 @!p1 s12, $0x3;
	s17 =	smul.u32 @!p1 $0xC3800, s17  }
0x35: {  	s19 =	sshll.u32 @!p1 s13, $0x7;
	s18 =	sand.u32 @!p1 $0xFFFFFC00, s18  }
0x36: {  	s17 =	sadd.s32 @!p1 s17, s18;
	s18 =	sand.u32 @!p1 $0x380, s19  }
0x37: {  	s19 =	sand.u32 @!p1 $0x7F, s12;
	s17 =	sor.u32 @!p1 s18, s17  }
0x38: {  	s18 =	sor.u32 @!p1 s19, s17  }
0x39: {  	s19 =	smulhi.u32 @!p1 $0xA79C7B17, s18;
	_ =	sdelay $0x1  }
0x3a: {  	s17 =	smulhi.u32 @!p1 $0xA79C7B17, s17;
	s19 =	sshrl.u32 @!p1 s19, $0x10  }
0x3b: {  	s19 =	smul.u32 @!p1 $0x18700, s19  }
0x3c: {  	s31 =	sadd.s32 $0xFFFFFFFF, s14;
	s20 =	sxor.u32 @!p1 $0xFFFFFFFF, s14;
	s17 =	sshrl.u32 @!p1 s17, $0x10  }
0x3d: {  	s20 =	sshll.u32 @!p1 s20, $0xE;
	s17 =	sand.u32 @!p1 $0xFF, s17;
	s18 =	ssub.s32 @!p1 s18, s19  }
0x3e: {  	s17 =	smul.u32 @!p1 $0x30E0, s17;
	s19 =	sshrl.u32 @!p1 s18, $0x3;
	s18 =	sand.u32 @!p1 $0x7, s18  }
0x3f: {  	s20 =	sand.u32 @!p1 $0x4000, s20;
	s19 =	sadd.s32 @!p1 s7, s19;
	s18 =	sshll.u32 @!p1 s18, $0x12  }
0x40: {  	s17 =	sadd.s32 @!p1 s17, s19;
	s18 =	sor.u32 @!p1 $0x400, s18;
	s19 =	simm.s32 @!p1 $0xC3800  }
0x41: {  	[tilespmem:s20], [sflag:$0x1] =	stream.strided.gather @!p1 [hbm4b:s17+s18], $0x4000, s19, s18, $0x38;
	[tilespmem:$0x10100] =	vst v63  }
0x42: {  	p1 =	sge.u32 s31, s6  }
.Ltmp2:
0x43: {  	_ = 	snop;
	(pc) =	sbr.rel @p1 .LBB1_5-.Ltmp2, $1  }
0x44: {  	_ =	sdelay $0x3  }
0x45: {  	s17 =	simm.s32 $0x1  }
0x46: {  	_ =	swait.ge [sflag:s5], $0x4000;
	s17 =	simm.s32 @!p0 $0x0  }
0x47: {  	[sflag:s5] =	ssyncset.done $0x0;
	s18 =	sshll.u32 s17, $0xE  }
0x48: {  	[sflag:s5] =	ssyncadd.s32 $0xFFFFC000;
	s18 =	sor.u32 $0x40, s18  }
0x49: {  	s17 =	smul.u32 $0x10200, s17;
	v0 =	vld [tilespmem:s18+$0x30]  }
0x4a: {  	v1 =	vld [tilespmem:s18+$0xFFFFFFD0]  }
0x4b: {  	s17 =	sshrl.u32 s17, $0x2;
	v5 =	vld [tilespmem:s18+$0xFFFFFFE0]  }
0x4c: {  	v6 =	vld [tilespmem:s18+$0xFFFFFFF0];
	s20 =	sor.u32 $0x8000, s17  }
0x4d: {  	s31 =	sand.u32 $0x1, s14;
	v4 =	vld [tilespmem:s18+$0x0];
	s19 =	sadd.s32 $0x0, s20  }
0x4e: {  	v3 =	vld [tilespmem:s18+$0x10];
	s17 =	smul.u32 $0x10200, s31;
	[tilespmem:s19+$0x3870 ss:$0x81] =	vst.msk $0xffff, v0  }
0x4f: {  	v2 =	vld [tilespmem:s18+$0x20];
	[tilespmem:s19+$0x810 ss:$0x81] =	vst.msk $0xffff, v1  }
0x50: {  	s17 =	sshrl.u32 s17, $0x2;
	v1 =	vld [tilespmem:s18+$0xFFFFFFC0];
	[tilespmem:s19+$0x1020 ss:$0x81] =	vst.msk $0xffff, v5;
	s18 =	sadd.s32 $0x80, s18  }
0x51: {  	s21 =	simm.s32 $0x4;
	s22 =	simm.s32 $0x8;
	s17 =	sor.u32 $0x8000, s17;
	[tilespmem:s19+$0x1830 ss:$0x81] =	vst.msk $0xffff, v6;
	v0 =	vld [tilespmem:s18+$0x30]  }
.LBB1_3:
0x52: {  	p1 =	sne.s32 s22, $0x1FC;
	v5 =	vld [tilespmem:s18+$0xFFFFFFD0];
	[tilespmem:s19+$0x2040 ss:$0x81] =	vst.msk $0xffff, v4  }
0x53: {  	v6 =	vld [tilespmem:s18+$0xFFFFFFE0];
	[tilespmem:s19+$0x2850 ss:$0x81] =	vst.msk $0xffff, v3  }
0x54: {  	s23 =	sshra.s32 s21, $0x2;
	s21 =	smov.u32 s22;
	v7 =	vld [tilespmem:s18+$0xFFFFFFF0];
	[tilespmem:s19+$0x3060 ss:$0x81] =	vst.msk $0xffff, v2  }
.Ltmp3:
0x55: {  	v4 =	vld [tilespmem:s18+$0x0];
	[tilespmem:s19+$0x0 ss:$0x81] =	vst.msk $0xffff, v1;
	s19 =	sadd.s32 s23, s20;
	(pc) =	sbr.rel @p1 .LBB1_3-.Ltmp3, $4  }
0x56: {  	v3 =	vld [tilespmem:s18+$0x10];
	[tilespmem:s19+$0x3870 ss:$0x81] =	vst.msk $0xffff, v0  }
0x57: {  	[tilespmem:s19+$0x810 ss:$0x81] =	vst.msk $0xffff, v5;
	v2 =	vld [tilespmem:s18+$0x20]  }
0x58: {  	v1 =	vld [tilespmem:s18+$0xFFFFFFC0];
	[tilespmem:s19+$0x1020 ss:$0x81] =	vst.msk $0xffff, v6;
	s18 =	sadd.s32 $0x80, s18  }
0x59: {  	s22 =	sadd.s32 $0x4, s22;
	v0 =	vld [tilespmem:s18+$0x30];
	[tilespmem:s19+$0x1830 ss:$0x81] =	vst.msk $0xffff, v7  }
.Ltmp4:
0x5a: {  	_ = 	snop;
	(pc) =	sbr.rel .LBB1_4-.Ltmp4, $1  }
0x5b: {  	_ =	sdelay $0x3  }
.LBB1_6:
0x5c: {  	_ =	sfence.sel $0x180000  }
0x5d: {  	s1 =	simm.s32 $0x1;
	[bflag:$0x0] =	sbarrier.arrive $0xFFFF  }
0x5e: {  	s31 =	simm.s32 $0x2;
	[sflag:s1] =	ssyncpa.u1 $0x1  }
0x5f: {  	[sflag:s31] =	ssyncpa.u1 $0x1  }
0x60: {  	p0 =	sne.s32 s0, $0x0;
	_ =	strace $0x9000004A  }
0x61: {  	s0 =	sadd.s32 @!p0 $0x100000, s2;
	[bflag:$0x2] =	sbarrier.arrive $0xFFFF  }
0x62: {  	[sflag:s0] =	ssyncadd.tile.s32 @!p0 $0x1;
	_ =	shalt  }
.Lfunc_end1:
_tile_overlayer_lowered:
.L_overlay_start_2:
0x63: {  	(tag) =	ssettag $0x2  }
0x64: {  	s0 =	rddreg [dreg:$0x0];
	s2 =	stileid.u32  }
0x65: {  	s1 =	rddreg [dreg:$0x1];
	p0 =	sne.s32 s2, $0x0  }
0x66: {  	s3 =	rddreg [dreg:$0x2];
	[bflag:$0x3] =	sbarrier.arrive $0xFFFF;
	s2 =	simm.s32 @!p0 $0x1C01  }
0x67: {  	[timem:s3], [sflag:s2] =	dma.local @!p0 [hbm:s0], s1  }
0x68: {  	s0 =	simm.s32 @!p0 $0x1  }
0x69: {  	_ =	swait.ge @!p0 [sflag:s0], s1  }
0x6a: {  	s1 =	ssub.s32 @!p0 $0x0, s1;
	[sflag:s0] =	ssyncset.done @!p0 $0x0  }
0x6b: {  	[sflag:s0] =	ssyncadd.s32 @!p0 s1  }
0x6c: {  	[bflag:$0x3] =	sbarrier.arrive $0xFFFF  }
0x6d: {  	_ =	shalt  }

</sc_bundles>
